<compile_context>
chip_gen: v7x
topology: tpu7x:2x2x1
jax: 0.10.2.dev20260603
libtpu: 0.0.44.dev20260713+nightly
codegen_flags: <defaults>
</compile_context>

<pallas_src>
import functools
import jax
import jax.numpy as jnp
from jax import lax
from jax.experimental import pallas as pl
from jax.experimental.pallas import tpu as pltpu
from jax.experimental.pallas import tpu_sc as plsc

D = 64
LANES = 16
NC = 2
NS = 16
NW = NC * NS
GW = 128


def _body(uidx_hbm, qidx_hbm, iidx_hbm, bag_hbm, offs_hbm,
          wu_hbm, wi_hbm, wv_hbm,
          out_u, out_q, out_i,
          qbuf, sbuf, ebuf, idx2d, rowsbuf, qacc,
          bagbuf, widx, wrows, w0row):
    B = uidx_hbm.shape[0]
    NQ = offs_hbm.shape[0]
    L = bag_hbm.shape[0]
    BPW = B // NW
    NCHK = BPW // LANES
    NG = BPW // GW
    CPG = GW // LANES

    wid = lax.axis_index("s") * NC + lax.axis_index("c")
    base = wid * BPW
    lane = lax.iota(jnp.int32, LANES)

    def stage_idx(c, v):
        idx2d[c // CPG, pl.ds((c % CPG) * LANES, LANES)] = v

    for src, tbl, dst in ((uidx_hbm, wu_hbm, out_u), (iidx_hbm, wi_hbm, out_i)):
        pltpu.sync_copy(src.at[pl.ds(base, BPW)], qbuf)
        for c in range(NCHK):
            stage_idx(c, qbuf[pl.ds(c * LANES, LANES)] + 1)
        for k in range(NG):
            pltpu.sync_copy(tbl.at[idx2d.at[k]],
                            rowsbuf.at[pl.ds(k * GW, GW)])
        pltpu.sync_copy(rowsbuf, dst.at[pl.ds(base, BPW)])

    pltpu.sync_copy(qidx_hbm.at[pl.ds(base, BPW)], qbuf)
    for c in range(NCHK):
        stage_idx(c, qbuf[pl.ds(c * LANES, LANES)])
    for k in range(NG):
        pltpu.sync_copy(offs_hbm.at[idx2d.at[k]], sbuf.at[pl.ds(k * GW, GW)])
    for c in range(NCHK):
        stage_idx(c, jnp.minimum(qbuf[pl.ds(c * LANES, LANES)] + 1, NQ - 1))
    for k in range(NG):
        pltpu.sync_copy(offs_hbm.at[idx2d.at[k]], ebuf.at[pl.ds(k * GW, GW)])
    for c in range(NCHK):
        qv = qbuf[pl.ds(c * LANES, LANES)]
        ev = ebuf[pl.ds(c * LANES, LANES)]
        ebuf[pl.ds(c * LANES, LANES)] = jnp.where(qv == NQ - 1, L, ev)

    pltpu.sync_copy(wv_hbm.at[pl.ds(0, 1)], w0row)

    def getscalar(ref, b):
        return ref[pl.ds(b, LANES)][0]

    def per_query(b, _):
        s = getscalar(sbuf, b)
        e = getscalar(ebuf, b)
        cnt = e - s
        nch = (cnt + (LANES - 1)) // LANES

        def chunk(c, acc):
            pos = s + c * LANES
            abase = jnp.minimum((pos // 8) * 8, L - 40)
            off = pos - abase
            pltpu.sync_copy(bag_hbm.at[pl.ds(abase, 40)],
                            bagbuf.at[pl.ds(0, 40)])
            vals = bagbuf[pl.ds(off, LANES)]
            nvalid = jnp.minimum(cnt - c * LANES, LANES)
            widx[...] = jnp.where(lane < nvalid, vals, 0)
            pltpu.sync_copy(wv_hbm.at[widx], wrows)
            for r in range(LANES):
                acc = tuple(acc[j] + wrows[r, pl.ds(j * LANES, LANES)]
                            for j in range(D // LANES))
            return acc

        zero = jnp.zeros((LANES,), jnp.float32)
        acc = lax.fori_loop(0, nch, chunk, (zero,) * (D // LANES))

        ninvf = (nch * LANES - cnt).astype(jnp.float32)
        cnt_v = jnp.full((LANES,), 0, jnp.int32) + jnp.maximum(cnt, 1)
        scale = 1.0 / cnt_v.astype(jnp.float32)
        for j in range(D // LANES):
            mean = (acc[j] - ninvf * w0row[0, pl.ds(j * LANES, LANES)]) * scale
            qacc[b, pl.ds(j * LANES, LANES)] = mean
        return 0

    lax.fori_loop(0, BPW, per_query, 0)
    pltpu.sync_copy(qacc, out_q.at[pl.ds(base, BPW)])


@jax.jit
def kernel(user_indices, query_indices, item_indices, queries_bag,
           queries_bag_offset, W_user, W_item, W_vocab):
    B = user_indices.shape[0]
    BPW = B // NW
    mesh = plsc.VectorSubcoreMesh(core_axis_name="c", subcore_axis_name="s",
                                  num_cores=NC, num_subcores=NS)
    out_t = jax.ShapeDtypeStruct((B, D), jnp.float32)
    fn = pl.kernel(
        _body,
        out_type=(out_t, out_t, out_t),
        mesh=mesh,
        compiler_params=pltpu.CompilerParams(use_tc_tiling_on_sc=False),
        scratch_types=[
            pltpu.VMEM((BPW,), jnp.int32),
            pltpu.VMEM((BPW + LANES,), jnp.int32),
            pltpu.VMEM((BPW + LANES,), jnp.int32),
            pltpu.VMEM((BPW // GW, GW), jnp.int32),
            pltpu.VMEM((BPW, D), jnp.float32),
            pltpu.VMEM((BPW, D), jnp.float32),
            pltpu.VMEM((56,), jnp.int32),
            pltpu.VMEM((LANES,), jnp.int32),
            pltpu.VMEM((LANES, D), jnp.float32),
            pltpu.VMEM((1, D), jnp.float32),
        ],
    )
    return fn(user_indices.astype(jnp.int32),
              query_indices.astype(jnp.int32),
              item_indices.astype(jnp.int32),
              queries_bag.astype(jnp.int32),
              queries_bag_offset.astype(jnp.int32),
              W_user, W_item, W_vocab)

# --- scband reference (transcript-rebuilt; emitter-appended) ---
"""Pipeline reference for scband-embedding-layer-40183714021963 (READ-ONLY COPY).

The authoritative reference and input builder live on the scoring server;
editing this copy changes nothing except your own understanding.
"""

import jax, jax.numpy as jnp
import numpy as np

NUM_USERS = 100000
NUM_ITEMS = 100000
VOCAB = 100000
NUM_QUERIES = 100000
BAG_LEN = 500000
D = 64
B = 16384


def _xavier_uniform(key, n, d):
    bound = float(np.sqrt(6.0 / (n + d)))
    return jax.random.uniform(key, (n, d), minval=-bound, maxval=bound, dtype=jnp.float32)


def setup_inputs(seed: int = 0) -> dict:
    key = jax.random.key(seed)
    ks = jax.random.split(key, 8)
    user_indices = jax.random.randint(ks[0], (B,), 0, NUM_USERS)
    query_indices = jax.random.randint(ks[1], (B,), 0, NUM_QUERIES)
    item_indices = jax.random.randint(ks[2], (B,), 0, NUM_ITEMS)
    queries_bag = jax.random.randint(ks[3], (BAG_LEN,), 0, VOCAB + 1)
    offs = jnp.sort(jax.random.randint(ks[4], (NUM_QUERIES,), 0, BAG_LEN))
    offs = offs.at[0].set(0)  # EmbeddingBag offsets start at 0
    W_user = _xavier_uniform(ks[5], NUM_USERS + 1, D)
    W_item = _xavier_uniform(ks[6], NUM_ITEMS + 1, D)
    W_vocab = _xavier_uniform(ks[7], VOCAB + 1, D)
    return {
        "user_indices": user_indices,
        "query_indices": query_indices,
        "item_indices": item_indices,
        "queries_bag": queries_bag,
        "queries_bag_offset": offs,
        "W_user": W_user,
        "W_item": W_item,
        "W_vocab": W_vocab,
    }


def reference(user_indices, query_indices, item_indices, queries_bag, queries_bag_offset, W_user, W_item, W_vocab):
    # embed_user: nn.Embedding lookup with +1 shift (padding_idx=0 reserved)
    users_embedded = jnp.take(W_user, user_indices + 1, axis=0)
    # embed_item: same pattern
    items_embedded = jnp.take(W_item, item_indices + 1, axis=0)
    # embed_query: EmbeddingBag(mode='mean') over ALL queries, then select query_indices
    L = queries_bag.shape[0]
    seg = jnp.searchsorted(queries_bag_offset, jnp.arange(L), side="right") - 1
    gathered = jnp.take(W_vocab, queries_bag, axis=0)
    sums = jax.ops.segment_sum(gathered, seg, num_segments=NUM_QUERIES)
    counts = jnp.diff(jnp.concatenate([queries_bag_offset, jnp.array([L], dtype=queries_bag_offset.dtype)]))
    means = sums / jnp.maximum(counts, 1)[:, None].astype(sums.dtype)
    queries_embedded = jnp.take(means, query_indices, axis=0)
    # Gs.Query.transform == mean -> no extra transform
    return (users_embedded, queries_embedded, items_embedded)

if __name__ == "__main__":
    import jax
    _d = setup_inputs()
    print(jax.jit(kernel)(*tuple(_d.values())))

</pallas_src>

<mosaic_0001>
#map = affine_map<(d0, d1) -> (0)>
#map1 = affine_map<(d0, d1) -> (0, 0)>
module attributes {stable_mosaic.version = 14 : i64} {
  func.func @_body(%arg0: i32, %arg1: i32, %arg2: memref<16384xi32, #tpu.memory_space<hbm>>, %arg3: memref<16384xi32, #tpu.memory_space<hbm>>, %arg4: memref<16384xi32, #tpu.memory_space<hbm>>, %arg5: memref<500000xi32, #tpu.memory_space<hbm>>, %arg6: memref<100000xi32, #tpu.memory_space<hbm>>, %arg7: memref<100001x64xf32, #tpu.memory_space<hbm>>, %arg8: memref<100001x64xf32, #tpu.memory_space<hbm>>, %arg9: memref<100001x64xf32, #tpu.memory_space<hbm>>, %arg10: memref<16384x64xf32, #tpu.memory_space<hbm>>, %arg11: memref<16384x64xf32, #tpu.memory_space<hbm>>, %arg12: memref<16384x64xf32, #tpu.memory_space<hbm>>, %arg13: memref<512xi32, #tpu.memory_space<vmem>>, %arg14: memref<528xi32, #tpu.memory_space<vmem>>, %arg15: memref<528xi32, #tpu.memory_space<vmem>>, %arg16: memref<4x128xi32, #tpu.memory_space<vmem>>, %arg17: memref<512x64xf32, #tpu.memory_space<vmem>>, %arg18: memref<512x64xf32, #tpu.memory_space<vmem>>, %arg19: memref<56xi32, #tpu.memory_space<vmem>>, %arg20: memref<16xi32, #tpu.memory_space<vmem>>, %arg21: memref<16x64xf32, #tpu.memory_space<vmem>>, %arg22: memref<1x64xf32, #tpu.memory_space<vmem>>) attributes {dimension_semantics = [#tpu.dimension_semantics<core_parallel>, #tpu.dimension_semantics<subcore_parallel>], iteration_bounds = array<i64: 2, 16>, scalar_prefetch = 0 : i64, scratch_operands = 10 : i64, tpu.core_type = #tpu.core_type<sc_vector_subcore>, window_params = [{transform_indices = #map}, {transform_indices = #map}, {transform_indices = #map}, {transform_indices = #map}, {transform_indices = #map}, {transform_indices = #map1}, {transform_indices = #map1}, {transform_indices = #map1}, {transform_indices = #map1}, {transform_indices = #map1}, {transform_indices = #map1}]} {
    %mul3A = arith.constant 2 : i32
    %mul3A_0 = arith.muli %arg1, %mul3A : i32
    %add3A = arith.addi %mul3A_0, %arg0 : i32
    %mul3A_1 = arith.constant 512 : i32
    %mul3A_2 = arith.muli %add3A, %mul3A_1 : i32
    %iota3A = tpu.iota {dimensions = array<i32: 0>} : vector<16xi32>
    "tpu.region"() ({
      %run_scoped3A_2065 = tpu.sem_alloc : memref<!tpu.dma_semaphore, #tpu.memory_space<semaphore_mem>>
      %dma_start3A = tpu.memref_slice %arg2[%mul3A_2] : memref<16384xi32, #tpu.memory_space<hbm>> -> memref<512xi32, #tpu.memory_space<hbm>>
      %dma_start3A_2066 = tpu.memref_slice %arg2[%mul3A_2] : memref<16384xi32, #tpu.memory_space<hbm>> -> memref<512xi32, #tpu.memory_space<hbm>>
      tpu.enqueue_dma source(%dma_start3A_2066 : memref<512xi32, #tpu.memory_space<hbm>>) target(%arg13 : memref<512xi32, #tpu.memory_space<vmem>>) target_semaphore(%run_scoped3A_2065 : memref<!tpu.dma_semaphore, #tpu.memory_space<semaphore_mem>>)
      %dma_wait3A = tpu.memref_slice %arg2[%mul3A_2] : memref<16384xi32, #tpu.memory_space<hbm>> -> memref<512xi32, #tpu.memory_space<hbm>>
      %dma_wait3A_2067 = tpu.memref_slice %arg2[%mul3A_2] : memref<16384xi32, #tpu.memory_space<hbm>> -> memref<512xi32, #tpu.memory_space<hbm>>
      tpu.wait_dma2 semaphore(%run_scoped3A_2065 : memref<!tpu.dma_semaphore, #tpu.memory_space<semaphore_mem>>) src(%dma_wait3A_2067 : memref<512xi32, #tpu.memory_space<hbm>>) dst(%arg13 : memref<512xi32, #tpu.memory_space<vmem>>)
      tpu.yield
    }) : () -> ()
    %get3A = arith.constant 0 : index
    %get3A_3 = tpu.vector_load %arg13[%get3A] {strides = array<i32>} : memref<512xi32, #tpu.memory_space<vmem>>, vector<16xi32>,
    %get3A_4 = vector.shape_cast %get3A_3 : vector<16xi32> to vector<16xi32>
    %add3A_5 = arith.constant 1 : i32
    %add3A_6 = vector.broadcast %add3A_5 : i32 to vector<16xi32>
    %add3A_7 = arith.addi %get3A_4, %add3A_6 : vector<16xi32>
    %swap3A = arith.constant 0 : i32
    %swap3A_8 = arith.index_cast %swap3A : i32 to index
    %swap3A_9 = arith.constant 0 : index
    %swap3A_10 = tpu.vector_load %arg16[%swap3A_8, %swap3A_9] {strides = array<i32>} : memref<4x128xi32, #tpu.memory_space<vmem>>, vector<1x16xi32>,
    %swap3A_11 = vector.shape_cast %swap3A_10 : vector<1x16xi32> to vector<16xi32>
    %swap3A_12 = vector.shape_cast %add3A_7 : vector<16xi32> to vector<1x16xi32>
    tpu.vector_store %arg16[%swap3A_8, %swap3A_9], %swap3A_12 {strides = array<i32>} : memref<4x128xi32, #tpu.memory_space<vmem>>, vector<1x16xi32>,
    %get3A_13 = arith.constant 16 : index
    %get3A_14 = tpu.vector_load %arg13[%get3A_13] {strides = array<i32>} : memref<512xi32, #tpu.memory_space<vmem>>, vector<16xi32>,
    %get3A_15 = vector.shape_cast %get3A_14 : vector<16xi32> to vector<16xi32>
    %add3A_16 = arith.constant 1 : i32
    %add3A_17 = vector.broadcast %add3A_16 : i32 to vector<16xi32>
    %add3A_18 = arith.addi %get3A_15, %add3A_17 : vector<16xi32>
    %swap3A_19 = arith.constant 0 : i32
    %swap3A_20 = arith.index_cast %swap3A_19 : i32 to index
    %swap3A_21 = arith.constant 16 : index
    %swap3A_22 = tpu.vector_load %arg16[%swap3A_20, %swap3A_21] {strides = array<i32>} : memref<4x128xi32, #tpu.memory_space<vmem>>, vector<1x16xi32>,
    %swap3A_23 = vector.shape_cast %swap3A_22 : vector<1x16xi32> to vector<16xi32>
    %swap3A_24 = vector.shape_cast %add3A_18 : vector<16xi32> to vector<1x16xi32>
    tpu.vector_store %arg16[%swap3A_20, %swap3A_21], %swap3A_24 {strides = array<i32>} : memref<4x128xi32, #tpu.memory_space<vmem>>, vector<1x16xi32>,
    %get3A_25 = arith.constant 32 : index
    %get3A_26 = tpu.vector_load %arg13[%get3A_25] {strides = array<i32>} : memref<512xi32, #tpu.memory_space<vmem>>, vector<16xi32>,
    %get3A_27 = vector.shape_cast %get3A_26 : vector<16xi32> to vector<16xi32>
    %add3A_28 = arith.constant 1 : i32
    %add3A_29 = vector.broadcast %add3A_28 : i32 to vector<16xi32>
    %add3A_30 = arith.addi %get3A_27, %add3A_29 : vector<16xi32>
    %swap3A_31 = arith.constant 0 : i32
    %swap3A_32 = arith.index_cast %swap3A_31 : i32 to index
    %swap3A_33 = arith.constant 32 : index
    %swap3A_34 = tpu.vector_load %arg16[%swap3A_32, %swap3A_33] {strides = array<i32>} : memref<4x128xi32, #tpu.memory_space<vmem>>, vector<1x16xi32>,
    %swap3A_35 = vector.shape_cast %swap3A_34 : vector<1x16xi32> to vector<16xi32>
    %swap3A_36 = vector.shape_cast %add3A_30 : vector<16xi32> to vector<1x16xi32>
    tpu.vector_store %arg16[%swap3A_32, %swap3A_33], %swap3A_36 {strides = array<i32>} : memref<4x128xi32, #tpu.memory_space<vmem>>, vector<1x16xi32>,
    %get3A_37 = arith.constant 48 : index
    %get3A_38 = tpu.vector_load %arg13[%get3A_37] {strides = array<i32>} : memref<512xi32, #tpu.memory_space<vmem>>, vector<16xi32>,
    %get3A_39 = vector.shape_cast %get3A_38 : vector<16xi32> to vector<16xi32>
    %add3A_40 = arith.constant 1 : i32
    %add3A_41 = vector.broadcast %add3A_40 : i32 to vector<16xi32>
    %add3A_42 = arith.addi %get3A_39, %add3A_41 : vector<16xi32>
    %swap3A_43 = arith.constant 0 : i32
    %swap3A_44 = arith.index_cast %swap3A_43 : i32 to index
    %swap3A_45 = arith.constant 48 : index
    %swap3A_46 = tpu.vector_load %arg16[%swap3A_44, %swap3A_45] {strides = array<i32>} : memref<4x128xi32, #tpu.memory_space<vmem>>, vector<1x16xi32>,
    %swap3A_47 = vector.shape_cast %swap3A_46 : vector<1x16xi32> to vector<16xi32>
    %swap3A_48 = vector.shape_cast %add3A_42 : vector<16xi32> to vector<1x16xi32>
    tpu.vector_store %arg16[%swap3A_44, %swap3A_45], %swap3A_48 {strides = array<i32>} : memref<4x128xi32, #tpu.memory_space<vmem>>, vector<1x16xi32>,
    %get3A_49 = arith.constant 64 : index
    %get3A_50 = tpu.vector_load %arg13[%get3A_49] {strides = array<i32>} : memref<512xi32, #tpu.memory_space<vmem>>, vector<16xi32>,
    %get3A_51 = vector.shape_cast %get3A_50 : vector<16xi32> to vector<16xi32>
    %add3A_52 = arith.constant 1 : i32
    %add3A_53 = vector.broadcast %add3A_52 : i32 to vector<16xi32>
    %add3A_54 = arith.addi %get3A_51, %add3A_53 : vector<16xi32>
    %swap3A_55 = arith.constant 0 : i32
    %swap3A_56 = arith.index_cast %swap3A_55 : i32 to index
    %swap3A_57 = arith.constant 64 : index
    %swap3A_58 = tpu.vector_load %arg16[%swap3A_56, %swap3A_57] {strides = array<i32>} : memref<4x128xi32, #tpu.memory_space<vmem>>, vector<1x16xi32>,
    %swap3A_59 = vector.shape_cast %swap3A_58 : vector<1x16xi32> to vector<16xi32>
    %swap3A_60 = vector.shape_cast %add3A_54 : vector<16xi32> to vector<1x16xi32>
    tpu.vector_store %arg16[%swap3A_56, %swap3A_57], %swap3A_60 {strides = array<i32>} : memref<4x128xi32, #tpu.memory_space<vmem>>, vector<1x16xi32>,
    %get3A_61 = arith.constant 80 : index
    %get3A_62 = tpu.vector_load %arg13[%get3A_61] {strides = array<i32>} : memref<512xi32, #tpu.memory_space<vmem>>, vector<16xi32>,
    %get3A_63 = vector.shape_cast %get3A_62 : vector<16xi32> to vector<16xi32>
    %add3A_64 = arith.constant 1 : i32
    %add3A_65 = vector.broadcast %add3A_64 : i32 to vector<16xi32>
    %add3A_66 = arith.addi %get3A_63, %add3A_65 : vector<16xi32>
    %swap3A_67 = arith.constant 0 : i32
    %swap3A_68 = arith.index_cast %swap3A_67 : i32 to index
    %swap3A_69 = arith.constant 80 : index
    %swap3A_70 = tpu.vector_load %arg16[%swap3A_68, %swap3A_69] {strides = array<i32>} : memref<4x128xi32, #tpu.memory_space<vmem>>, vector<1x16xi32>,
    %swap3A_71 = vector.shape_cast %swap3A_70 : vector<1x16xi32> to vector<16xi32>
    %swap3A_72 = vector.shape_cast %add3A_66 : vector<16xi32> to vector<1x16xi32>
    tpu.vector_store %arg16[%swap3A_68, %swap3A_69], %swap3A_72 {strides = array<i32>} : memref<4x128xi32, #tpu.memory_space<vmem>>, vector<1x16xi32>,
    %get3A_73 = arith.constant 96 : index
    %get3A_74 = tpu.vector_load %arg13[%get3A_73] {strides = array<i32>} : memref<512xi32, #tpu.memory_space<vmem>>, vector<16xi32>,
    %get3A_75 = vector.shape_cast %get3A_74 : vector<16xi32> to vector<16xi32>
    %add3A_76 = arith.constant 1 : i32
    %add3A_77 = vector.broadcast %add3A_76 : i32 to vector<16xi32>
    %add3A_78 = arith.addi %get3A_75, %add3A_77 : vector<16xi32>
    %swap3A_79 = arith.constant 0 : i32
    %swap3A_80 = arith.index_cast %swap3A_79 : i32 to index
    %swap3A_81 = arith.constant 96 : index
    %swap3A_82 = tpu.vector_load %arg16[%swap3A_80, %swap3A_81] {strides = array<i32>} : memref<4x128xi32, #tpu.memory_space<vmem>>, vector<1x16xi32>,
    %swap3A_83 = vector.shape_cast %swap3A_82 : vector<1x16xi32> to vector<16xi32>
    %swap3A_84 = vector.shape_cast %add3A_78 : vector<16xi32> to vector<1x16xi32>
    tpu.vector_store %arg16[%swap3A_80, %swap3A_81], %swap3A_84 {strides = array<i32>} : memref<4x128xi32, #tpu.memory_space<vmem>>, vector<1x16xi32>,
    %get3A_85 = arith.constant 112 : index
    %get3A_86 = tpu.vector_load %arg13[%get3A_85] {strides = array<i32>} : memref<512xi32, #tpu.memory_space<vmem>>, vector<16xi32>,
    %get3A_87 = vector.shape_cast %get3A_86 : vector<16xi32> to vector<16xi32>
    %add3A_88 = arith.constant 1 : i32
    %add3A_89 = vector.broadcast %add3A_88 : i32 to vector<16xi32>
    %add3A_90 = arith.addi %get3A_87, %add3A_89 : vector<16xi32>
    %swap3A_91 = arith.constant 0 : i32
    %swap3A_92 = arith.index_cast %swap3A_91 : i32 to index
    %swap3A_93 = arith.constant 112 : index
    %swap3A_94 = tpu.vector_load %arg16[%swap3A_92, %swap3A_93] {strides = array<i32>} : memref<4x128xi32, #tpu.memory_space<vmem>>, vector<1x16xi32>,
    %swap3A_95 = vector.shape_cast %swap3A_94 : vector<1x16xi32> to vector<16xi32>
    %swap3A_96 = vector.shape_cast %add3A_90 : vector<16xi32> to vector<1x16xi32>
    tpu.vector_store %arg16[%swap3A_92, %swap3A_93], %swap3A_96 {strides = array<i32>} : memref<4x128xi32, #tpu.memory_space<vmem>>, vector<1x16xi32>,
    %get3A_97 = arith.constant 128 : index
    %get3A_98 = tpu.vector_load %arg13[%get3A_97] {strides = array<i32>} : memref<512xi32, #tpu.memory_space<vmem>>, vector<16xi32>,
    %get3A_99 = vector.shape_cast %get3A_98 : vector<16xi32> to vector<16xi32>
    %add3A_100 = arith.constant 1 : i32
    %add3A_101 = vector.broadcast %add3A_100 : i32 to vector<16xi32>
    %add3A_102 = arith.addi %get3A_99, %add3A_101 : vector<16xi32>
    %swap3A_103 = arith.constant 1 : i32
    %swap3A_104 = arith.index_cast %swap3A_103 : i32 to index
    %swap3A_105 = arith.constant 0 : index
    %swap3A_106 = tpu.vector_load %arg16[%swap3A_104, %swap3A_105] {strides = array<i32>} : memref<4x128xi32, #tpu.memory_space<vmem>>, vector<1x16xi32>,
    %swap3A_107 = vector.shape_cast %swap3A_106 : vector<1x16xi32> to vector<16xi32>
    %swap3A_108 = vector.shape_cast %add3A_102 : vector<16xi32> to vector<1x16xi32>
    tpu.vector_store %arg16[%swap3A_104, %swap3A_105], %swap3A_108 {strides = array<i32>} : memref<4x128xi32, #tpu.memory_space<vmem>>, vector<1x16xi32>,
    %get3A_109 = arith.constant 144 : index
    %get3A_110 = tpu.vector_load %arg13[%get3A_109] {strides = array<i32>} : memref<512xi32, #tpu.memory_space<vmem>>, vector<16xi32>,
    %get3A_111 = vector.shape_cast %get3A_110 : vector<16xi32> to vector<16xi32>
    %add3A_112 = arith.constant 1 : i32
    %add3A_113 = vector.broadcast %add3A_112 : i32 to vector<16xi32>
    %add3A_114 = arith.addi %get3A_111, %add3A_113 : vector<16xi32>
    %swap3A_115 = arith.constant 1 : i32
    %swap3A_116 = arith.index_cast %swap3A_115 : i32 to index
    %swap3A_117 = arith.constant 16 : index
    %swap3A_118 = tpu.vector_load %arg16[%swap3A_116, %swap3A_117] {strides = array<i32>} : memref<4x128xi32, #tpu.memory_space<vmem>>, vector<1x16xi32>,
    %swap3A_119 = vector.shape_cast %swap3A_118 : vector<1x16xi32> to vector<16xi32>
    %swap3A_120 = vector.shape_cast %add3A_114 : vector<16xi32> to vector<1x16xi32>
    tpu.vector_store %arg16[%swap3A_116, %swap3A_117], %swap3A_120 {strides = array<i32>} : memref<4x128xi32, #tpu.memory_space<vmem>>, vector<1x16xi32>,
    %get3A_121 = arith.constant 160 : index
    %get3A_122 = tpu.vector_load %arg13[%get3A_121] {strides = array<i32>} : memref<512xi32, #tpu.memory_space<vmem>>, vector<16xi32>,
    %get3A_123 = vector.shape_cast %get3A_122 : vector<16xi32> to vector<16xi32>
    %add3A_124 = arith.constant 1 : i32
    %add3A_125 = vector.broadcast %add3A_124 : i32 to vector<16xi32>
    %add3A_126 = arith.addi %get3A_123, %add3A_125 : vector<16xi32>
    %swap3A_127 = arith.constant 1 : i32
    %swap3A_128 = arith.index_cast %swap3A_127 : i32 to index
    %swap3A_129 = arith.constant 32 : index
    %swap3A_130 = tpu.vector_load %arg16[%swap3A_128, %swap3A_129] {strides = array<i32>} : memref<4x128xi32, #tpu.memory_space<vmem>>, vector<1x16xi32>,
    %swap3A_131 = vector.shape_cast %swap3A_130 : vector<1x16xi32> to vector<16xi32>
    %swap3A_132 = vector.shape_cast %add3A_126 : vector<16xi32> to vector<1x16xi32>
    tpu.vector_store %arg16[%swap3A_128, %swap3A_129], %swap3A_132 {strides = array<i32>} : memref<4x128xi32, #tpu.memory_space<vmem>>, vector<1x16xi32>,
    %get3A_133 = arith.constant 176 : index
    %get3A_134 = tpu.vector_load %arg13[%get3A_133] {strides = array<i32>} : memref<512xi32, #tpu.memory_space<vmem>>, vector<16xi32>,
    %get3A_135 = vector.shape_cast %get3A_134 : vector<16xi32> to vector<16xi32>
    %add3A_136 = arith.constant 1 : i32
    %add3A_137 = vector.broadcast %add3A_136 : i32 to vector<16xi32>
    %add3A_138 = arith.addi %get3A_135, %add3A_137 : vector<16xi32>
    %swap3A_139 = arith.constant 1 : i32
    %swap3A_140 = arith.index_cast %swap3A_139 : i32 to index
    %swap3A_141 = arith.constant 48 : index
    %swap3A_142 = tpu.vector_load %arg16[%swap3A_140, %swap3A_141] {strides = array<i32>} : memref<4x128xi32, #tpu.memory_space<vmem>>, vector<1x16xi32>,
    %swap3A_143 = vector.shape_cast %swap3A_142 : vector<1x16xi32> to vector<16xi32>
    %swap3A_144 = vector.shape_cast %add3A_138 : vector<16xi32> to vector<1x16xi32>
    tpu.vector_store %arg16[%swap3A_140, %swap3A_141], %swap3A_144 {strides = array<i32>} : memref<4x128xi32, #tpu.memory_space<vmem>>, vector<1x16xi32>,
    %get3A_145 = arith.constant 192 : index
    %get3A_146 = tpu.vector_load %arg13[%get3A_145] {strides = array<i32>} : memref<512xi32, #tpu.memory_space<vmem>>, vector<16xi32>,
    %get3A_147 = vector.shape_cast %get3A_146 : vector<16xi32> to vector<16xi32>
    %add3A_148 = arith.constant 1 : i32
    %add3A_149 = vector.broadcast %add3A_148 : i32 to vector<16xi32>
    %add3A_150 = arith.addi %get3A_147, %add3A_149 : vector<16xi32>
    %swap3A_151 = arith.constant 1 : i32
    %swap3A_152 = arith.index_cast %swap3A_151 : i32 to index
    %swap3A_153 = arith.constant 64 : index
    %swap3A_154 = tpu.vector_load %arg16[%swap3A_152, %swap3A_153] {strides = array<i32>} : memref<4x128xi32, #tpu.memory_space<vmem>>, vector<1x16xi32>,
    %swap3A_155 = vector.shape_cast %swap3A_154 : vector<1x16xi32> to vector<16xi32>
    %swap3A_156 = vector.shape_cast %add3A_150 : vector<16xi32> to vector<1x16xi32>
    tpu.vector_store %arg16[%swap3A_152, %swap3A_153], %swap3A_156 {strides = array<i32>} : memref<4x128xi32, #tpu.memory_space<vmem>>, vector<1x16xi32>,
    %get3A_157 = arith.constant 208 : index
    %get3A_158 = tpu.vector_load %arg13[%get3A_157] {strides = array<i32>} : memref<512xi32, #tpu.memory_space<vmem>>, vector<16xi32>,
    %get3A_159 = vector.shape_cast %get3A_158 : vector<16xi32> to vector<16xi32>
    %add3A_160 = arith.constant 1 : i32
    %add3A_161 = vector.broadcast %add3A_160 : i32 to vector<16xi32>
    %add3A_162 = arith.addi %get3A_159, %add3A_161 : vector<16xi32>
    %swap3A_163 = arith.constant 1 : i32
    %swap3A_164 = arith.index_cast %swap3A_163 : i32 to index
    %swap3A_165 = arith.constant 80 : index
    %swap3A_166 = tpu.vector_load %arg16[%swap3A_164, %swap3A_165] {strides = array<i32>} : memref<4x128xi32, #tpu.memory_space<vmem>>, vector<1x16xi32>,
    %swap3A_167 = vector.shape_cast %swap3A_166 : vector<1x16xi32> to vector<16xi32>
    %swap3A_168 = vector.shape_cast %add3A_162 : vector<16xi32> to vector<1x16xi32>
    tpu.vector_store %arg16[%swap3A_164, %swap3A_165], %swap3A_168 {strides = array<i32>} : memref<4x128xi32, #tpu.memory_space<vmem>>, vector<1x16xi32>,
    %get3A_169 = arith.constant 224 : index
    %get3A_170 = tpu.vector_load %arg13[%get3A_169] {strides = array<i32>} : memref<512xi32, #tpu.memory_space<vmem>>, vector<16xi32>,
    %get3A_171 = vector.shape_cast %get3A_170 : vector<16xi32> to vector<16xi32>
    %add3A_172 = arith.constant 1 : i32
    %add3A_173 = vector.broadcast %add3A_172 : i32 to vector<16xi32>
    %add3A_174 = arith.addi %get3A_171, %add3A_173 : vector<16xi32>
    %swap3A_175 = arith.constant 1 : i32
    %swap3A_176 = arith.index_cast %swap3A_175 : i32 to index
    %swap3A_177 = arith.constant 96 : index
    %swap3A_178 = tpu.vector_load %arg16[%swap3A_176, %swap3A_177] {strides = array<i32>} : memref<4x128xi32, #tpu.memory_space<vmem>>, vector<1x16xi32>,
    %swap3A_179 = vector.shape_cast %swap3A_178 : vector<1x16xi32> to vector<16xi32>
    %swap3A_180 = vector.shape_cast %add3A_174 : vector<16xi32> to vector<1x16xi32>
    tpu.vector_store %arg16[%swap3A_176, %swap3A_177], %swap3A_180 {strides = array<i32>} : memref<4x128xi32, #tpu.memory_space<vmem>>, vector<1x16xi32>,
    %get3A_181 = arith.constant 240 : index
    %get3A_182 = tpu.vector_load %arg13[%get3A_181] {strides = array<i32>} : memref<512xi32, #tpu.memory_space<vmem>>, vector<16xi32>,
    %get3A_183 = vector.shape_cast %get3A_182 : vector<16xi32> to vector<16xi32>
    %add3A_184 = arith.constant 1 : i32
    %add3A_185 = vector.broadcast %add3A_184 : i32 to vector<16xi32>
    %add3A_186 = arith.addi %get3A_183, %add3A_185 : vector<16xi32>
    %swap3A_187 = arith.constant 1 : i32
    %swap3A_188 = arith.index_cast %swap3A_187 : i32 to index
    %swap3A_189 = arith.constant 112 : index
    %swap3A_190 = tpu.vector_load %arg16[%swap3A_188, %swap3A_189] {strides = array<i32>} : memref<4x128xi32, #tpu.memory_space<vmem>>, vector<1x16xi32>,
    %swap3A_191 = vector.shape_cast %swap3A_190 : vector<1x16xi32> to vector<16xi32>
    %swap3A_192 = vector.shape_cast %add3A_186 : vector<16xi32> to vector<1x16xi32>
    tpu.vector_store %arg16[%swap3A_188, %swap3A_189], %swap3A_192 {strides = array<i32>} : memref<4x128xi32, #tpu.memory_space<vmem>>, vector<1x16xi32>,
    %get3A_193 = arith.constant 256 : index
    %get3A_194 = tpu.vector_load %arg13[%get3A_193] {strides = array<i32>} : memref<512xi32, #tpu.memory_space<vmem>>, vector<16xi32>,
    %get3A_195 = vector.shape_cast %get3A_194 : vector<16xi32> to vector<16xi32>
    %add3A_196 = arith.constant 1 : i32
    %add3A_197 = vector.broadcast %add3A_196 : i32 to vector<16xi32>
    %add3A_198 = arith.addi %get3A_195, %add3A_197 : vector<16xi32>
    %swap3A_199 = arith.constant 2 : i32
    %swap3A_200 = arith.index_cast %swap3A_199 : i32 to index
    %swap3A_201 = arith.constant 0 : index
    %swap3A_202 = tpu.vector_load %arg16[%swap3A_200, %swap3A_201] {strides = array<i32>} : memref<4x128xi32, #tpu.memory_space<vmem>>, vector<1x16xi32>,
    %swap3A_203 = vector.shape_cast %swap3A_202 : vector<1x16xi32> to vector<16xi32>
    %swap3A_204 = vector.shape_cast %add3A_198 : vector<16xi32> to vector<1x16xi32>
    tpu.vector_store %arg16[%swap3A_200, %swap3A_201], %swap3A_204 {strides = array<i32>} : memref<4x128xi32, #tpu.memory_space<vmem>>, vector<1x16xi32>,
    %get3A_205 = arith.constant 272 : index
    %get3A_206 = tpu.vector_load %arg13[%get3A_205] {strides = array<i32>} : memref<512xi32, #tpu.memory_space<vmem>>, vector<16xi32>,
    %get3A_207 = vector.shape_cast %get3A_206 : vector<16xi32> to vector<16xi32>
    %add3A_208 = arith.constant 1 : i32
    %add3A_209 = vector.broadcast %add3A_208 : i32 to vector<16xi32>
    %add3A_210 = arith.addi %get3A_207, %add3A_209 : vector<16xi32>
    %swap3A_211 = arith.constant 2 : i32
    %swap3A_212 = arith.index_cast %swap3A_211 : i32 to index
    %swap3A_213 = arith.constant 16 : index
    %swap3A_214 = tpu.vector_load %arg16[%swap3A_212, %swap3A_213] {strides = array<i32>} : memref<4x128xi32, #tpu.memory_space<vmem>>, vector<1x16xi32>,
    %swap3A_215 = vector.shape_cast %swap3A_214 : vector<1x16xi32> to vector<16xi32>
    %swap3A_216 = vector.shape_cast %add3A_210 : vector<16xi32> to vector<1x16xi32>
    tpu.vector_store %arg16[%swap3A_212, %swap3A_213], %swap3A_216 {strides = array<i32>} : memref<4x128xi32, #tpu.memory_space<vmem>>, vector<1x16xi32>,
    %get3A_217 = arith.constant 288 : index
    %get3A_218 = tpu.vector_load %arg13[%get3A_217] {strides = array<i32>} : memref<512xi32, #tpu.memory_space<vmem>>, vector<16xi32>,
    %get3A_219 = vector.shape_cast %get3A_218 : vector<16xi32> to vector<16xi32>
    %add3A_220 = arith.constant 1 : i32
    %add3A_221 = vector.broadcast %add3A_220 : i32 to vector<16xi32>
    %add3A_222 = arith.addi %get3A_219, %add3A_221 : vector<16xi32>
    %swap3A_223 = arith.constant 2 : i32
    %swap3A_224 = arith.index_cast %swap3A_223 : i32 to index
    %swap3A_225 = arith.constant 32 : index
    %swap3A_226 = tpu.vector_load %arg16[%swap3A_224, %swap3A_225] {strides = array<i32>} : memref<4x128xi32, #tpu.memory_space<vmem>>, vector<1x16xi32>,
    %swap3A_227 = vector.shape_cast %swap3A_226 : vector<1x16xi32> to vector<16xi32>
    %swap3A_228 = vector.shape_cast %add3A_222 : vector<16xi32> to vector<1x16xi32>
    tpu.vector_store %arg16[%swap3A_224, %swap3A_225], %swap3A_228 {strides = array<i32>} : memref<4x128xi32, #tpu.memory_space<vmem>>, vector<1x16xi32>,
    %get3A_229 = arith.constant 304 : index
    %get3A_230 = tpu.vector_load %arg13[%get3A_229] {strides = array<i32>} : memref<512xi32, #tpu.memory_space<vmem>>, vector<16xi32>,
    %get3A_231 = vector.shape_cast %get3A_230 : vector<16xi32> to vector<16xi32>
    %add3A_232 = arith.constant 1 : i32
    %add3A_233 = vector.broadcast %add3A_232 : i32 to vector<16xi32>
    %add3A_234 = arith.addi %get3A_231, %add3A_233 : vector<16xi32>
    %swap3A_235 = arith.constant 2 : i32
    %swap3A_236 = arith.index_cast %swap3A_235 : i32 to index
    %swap3A_237 = arith.constant 48 : index
    %swap3A_238 = tpu.vector_load %arg16[%swap3A_236, %swap3A_237] {strides = array<i32>} : memref<4x128xi32, #tpu.memory_space<vmem>>, vector<1x16xi32>,
    %swap3A_239 = vector.shape_cast %swap3A_238 : vector<1x16xi32> to vector<16xi32>
    %swap3A_240 = vector.shape_cast %add3A_234 : vector<16xi32> to vector<1x16xi32>
    tpu.vector_store %arg16[%swap3A_236, %swap3A_237], %swap3A_240 {strides = array<i32>} : memref<4x128xi32, #tpu.memory_space<vmem>>, vector<1x16xi32>,
    %get3A_241 = arith.constant 320 : index
    %get3A_242 = tpu.vector_load %arg13[%get3A_241] {strides = array<i32>} : memref<512xi32, #tpu.memory_space<vmem>>, vector<16xi32>,
    %get3A_243 = vector.shape_cast %get3A_242 : vector<16xi32> to vector<16xi32>
    %add3A_244 = arith.constant 1 : i32
    %add3A_245 = vector.broadcast %add3A_244 : i32 to vector<16xi32>
    %add3A_246 = arith.addi %get3A_243, %add3A_245 : vector<16xi32>
    %swap3A_247 = arith.constant 2 : i32
    %swap3A_248 = arith.index_cast %swap3A_247 : i32 to index
    %swap3A_249 = arith.constant 64 : index
    %swap3A_250 = tpu.vector_load %arg16[%swap3A_248, %swap3A_249] {strides = array<i32>} : memref<4x128xi32, #tpu.memory_space<vmem>>, vector<1x16xi32>,
    %swap3A_251 = vector.shape_cast %swap3A_250 : vector<1x16xi32> to vector<16xi32>
    %swap3A_252 = vector.shape_cast %add3A_246 : vector<16xi32> to vector<1x16xi32>
    tpu.vector_store %arg16[%swap3A_248, %swap3A_249], %swap3A_252 {strides = array<i32>} : memref<4x128xi32, #tpu.memory_space<vmem>>, vector<1x16xi32>,
    %get3A_253 = arith.constant 336 : index
    %get3A_254 = tpu.vector_load %arg13[%get3A_253] {strides = array<i32>} : memref<512xi32, #tpu.memory_space<vmem>>, vector<16xi32>,
    %get3A_255 = vector.shape_cast %get3A_254 : vector<16xi32> to vector<16xi32>
    %add3A_256 = arith.constant 1 : i32
    %add3A_257 = vector.broadcast %add3A_256 : i32 to vector<16xi32>
    %add3A_258 = arith.addi %get3A_255, %add3A_257 : vector<16xi32>
    %swap3A_259 = arith.constant 2 : i32
    %swap3A_260 = arith.index_cast %swap3A_259 : i32 to index
    %swap3A_261 = arith.constant 80 : index
    %swap3A_262 = tpu.vector_load %arg16[%swap3A_260, %swap3A_261] {strides = array<i32>} : memref<4x128xi32, #tpu.memory_space<vmem>>, vector<1x16xi32>,
    %swap3A_263 = vector.shape_cast %swap3A_262 : vector<1x16xi32> to vector<16xi32>
    %swap3A_264 = vector.shape_cast %add3A_258 : vector<16xi32> to vector<1x16xi32>
    tpu.vector_store %arg16[%swap3A_260, %swap3A_261], %swap3A_264 {strides = array<i32>} : memref<4x128xi32, #tpu.memory_space<vmem>>, vector<1x16xi32>,
    %get3A_265 = arith.constant 352 : index
    %get3A_266 = tpu.vector_load %arg13[%get3A_265] {strides = array<i32>} : memref<512xi32, #tpu.memory_space<vmem>>, vector<16xi32>,
    %get3A_267 = vector.shape_cast %get3A_266 : vector<16xi32> to vector<16xi32>
    %add3A_268 = arith.constant 1 : i32
    %add3A_269 = vector.broadcast %add3A_268 : i32 to vector<16xi32>
    %add3A_270 = arith.addi %get3A_267, %add3A_269 : vector<16xi32>
    %swap3A_271 = arith.constant 2 : i32
    %swap3A_272 = arith.index_cast %swap3A_271 : i32 to index
    %swap3A_273 = arith.constant 96 : index
    %swap3A_274 = tpu.vector_load %arg16[%swap3A_272, %swap3A_273] {strides = array<i32>} : memref<4x128xi32, #tpu.memory_space<vmem>>, vector<1x16xi32>,
    %swap3A_275 = vector.shape_cast %swap3A_274 : vector<1x16xi32> to vector<16xi32>
    %swap3A_276 = vector.shape_cast %add3A_270 : vector<16xi32> to vector<1x16xi32>
    tpu.vector_store %arg16[%swap3A_272, %swap3A_273], %swap3A_276 {strides = array<i32>} : memref<4x128xi32, #tpu.memory_space<vmem>>, vector<1x16xi32>,
    %get3A_277 = arith.constant 368 : index
    %get3A_278 = tpu.vector_load %arg13[%get3A_277] {strides = array<i32>} : memref<512xi32, #tpu.memory_space<vmem>>, vector<16xi32>,
    %get3A_279 = vector.shape_cast %get3A_278 : vector<16xi32> to vector<16xi32>
    %add3A_280 = arith.constant 1 : i32
    %add3A_281 = vector.broadcast %add3A_280 : i32 to vector<16xi32>
    %add3A_282 = arith.addi %get3A_279, %add3A_281 : vector<16xi32>
    %swap3A_283 = arith.constant 2 : i32
    %swap3A_284 = arith.index_cast %swap3A_283 : i32 to index
    %swap3A_285 = arith.constant 112 : index
    %swap3A_286 = tpu.vector_load %arg16[%swap3A_284, %swap3A_285] {strides = array<i32>} : memref<4x128xi32, #tpu.memory_space<vmem>>, vector<1x16xi32>,
    %swap3A_287 = vector.shape_cast %swap3A_286 : vector<1x16xi32> to vector<16xi32>
    %swap3A_288 = vector.shape_cast %add3A_282 : vector<16xi32> to vector<1x16xi32>
    tpu.vector_store %arg16[%swap3A_284, %swap3A_285], %swap3A_288 {strides = array<i32>} : memref<4x128xi32, #tpu.memory_space<vmem>>, vector<1x16xi32>,
    %get3A_289 = arith.constant 384 : index
    %get3A_290 = tpu.vector_load %arg13[%get3A_289] {strides = array<i32>} : memref<512xi32, #tpu.memory_space<vmem>>, vector<16xi32>,
    %get3A_291 = vector.shape_cast %get3A_290 : vector<16xi32> to vector<16xi32>
    %add3A_292 = arith.constant 1 : i32
    %add3A_293 = vector.broadcast %add3A_292 : i32 to vector<16xi32>
    %add3A_294 = arith.addi %get3A_291, %add3A_293 : vector<16xi32>
    %swap3A_295 = arith.constant 3 : i32
    %swap3A_296 = arith.index_cast %swap3A_295 : i32 to index
    %swap3A_297 = arith.constant 0 : index
    %swap3A_298 = tpu.vector_load %arg16[%swap3A_296, %swap3A_297] {strides = array<i32>} : memref<4x128xi32, #tpu.memory_space<vmem>>, vector<1x16xi32>,
    %swap3A_299 = vector.shape_cast %swap3A_298 : vector<1x16xi32> to vector<16xi32>
    %swap3A_300 = vector.shape_cast %add3A_294 : vector<16xi32> to vector<1x16xi32>
    tpu.vector_store %arg16[%swap3A_296, %swap3A_297], %swap3A_300 {strides = array<i32>} : memref<4x128xi32, #tpu.memory_space<vmem>>, vector<1x16xi32>,
    %get3A_301 = arith.constant 400 : index
    %get3A_302 = tpu.vector_load %arg13[%get3A_301] {strides = array<i32>} : memref<512xi32, #tpu.memory_space<vmem>>, vector<16xi32>,
    %get3A_303 = vector.shape_cast %get3A_302 : vector<16xi32> to vector<16xi32>
    %add3A_304 = arith.constant 1 : i32
    %add3A_305 = vector.broadcast %add3A_304 : i32 to vector<16xi32>
    %add3A_306 = arith.addi %get3A_303, %add3A_305 : vector<16xi32>
    %swap3A_307 = arith.constant 3 : i32
    %swap3A_308 = arith.index_cast %swap3A_307 : i32 to index
    %swap3A_309 = arith.constant 16 : index
    %swap3A_310 = tpu.vector_load %arg16[%swap3A_308, %swap3A_309] {strides = array<i32>} : memref<4x128xi32, #tpu.memory_space<vmem>>, vector<1x16xi32>,
    %swap3A_311 = vector.shape_cast %swap3A_310 : vector<1x16xi32> to vector<16xi32>
    %swap3A_312 = vector.shape_cast %add3A_306 : vector<16xi32> to vector<1x16xi32>
    tpu.vector_store %arg16[%swap3A_308, %swap3A_309], %swap3A_312 {strides = array<i32>} : memref<4x128xi32, #tpu.memory_space<vmem>>, vector<1x16xi32>,
    %get3A_313 = arith.constant 416 : index
    %get3A_314 = tpu.vector_load %arg13[%get3A_313] {strides = array<i32>} : memref<512xi32, #tpu.memory_space<vmem>>, vector<16xi32>,
    %get3A_315 = vector.shape_cast %get3A_314 : vector<16xi32> to vector<16xi32>
    %add3A_316 = arith.constant 1 : i32
    %add3A_317 = vector.broadcast %add3A_316 : i32 to vector<16xi32>
    %add3A_318 = arith.addi %get3A_315, %add3A_317 : vector<16xi32>
    %swap3A_319 = arith.constant 3 : i32
    %swap3A_320 = arith.index_cast %swap3A_319 : i32 to index
    %swap3A_321 = arith.constant 32 : index
    %swap3A_322 = tpu.vector_load %arg16[%swap3A_320, %swap3A_321] {strides = array<i32>} : memref<4x128xi32, #tpu.memory_space<vmem>>, vector<1x16xi32>,
    %swap3A_323 = vector.shape_cast %swap3A_322 : vector<1x16xi32> to vector<16xi32>
    %swap3A_324 = vector.shape_cast %add3A_318 : vector<16xi32> to vector<1x16xi32>
    tpu.vector_store %arg16[%swap3A_320, %swap3A_321], %swap3A_324 {strides = array<i32>} : memref<4x128xi32, #tpu.memory_space<vmem>>, vector<1x16xi32>,
    %get3A_325 = arith.constant 432 : index
    %get3A_326 = tpu.vector_load %arg13[%get3A_325] {strides = array<i32>} : memref<512xi32, #tpu.memory_space<vmem>>, vector<16xi32>,
    %get3A_327 = vector.shape_cast %get3A_326 : vector<16xi32> to vector<16xi32>
    %add3A_328 = arith.constant 1 : i32
    %add3A_329 = vector.broadcast %add3A_328 : i32 to vector<16xi32>
    %add3A_330 = arith.addi %get3A_327, %add3A_329 : vector<16xi32>
    %swap3A_331 = arith.constant 3 : i32
    %swap3A_332 = arith.index_cast %swap3A_331 : i32 to index
    %swap3A_333 = arith.constant 48 : index
    %swap3A_334 = tpu.vector_load %arg16[%swap3A_332, %swap3A_333] {strides = array<i32>} : memref<4x128xi32, #tpu.memory_space<vmem>>, vector<1x16xi32>,
    %swap3A_335 = vector.shape_cast %swap3A_334 : vector<1x16xi32> to vector<16xi32>
    %swap3A_336 = vector.shape_cast %add3A_330 : vector<16xi32> to vector<1x16xi32>
    tpu.vector_store %arg16[%swap3A_332, %swap3A_333], %swap3A_336 {strides = array<i32>} : memref<4x128xi32, #tpu.memory_space<vmem>>, vector<1x16xi32>,
    %get3A_337 = arith.constant 448 : index
    %get3A_338 = tpu.vector_load %arg13[%get3A_337] {strides = array<i32>} : memref<512xi32, #tpu.memory_space<vmem>>, vector<16xi32>,
    %get3A_339 = vector.shape_cast %get3A_338 : vector<16xi32> to vector<16xi32>
    %add3A_340 = arith.constant 1 : i32
    %add3A_341 = vector.broadcast %add3A_340 : i32 to vector<16xi32>
    %add3A_342 = arith.addi %get3A_339, %add3A_341 : vector<16xi32>
    %swap3A_343 = arith.constant 3 : i32
    %swap3A_344 = arith.index_cast %swap3A_343 : i32 to index
    %swap3A_345 = arith.constant 64 : index
    %swap3A_346 = tpu.vector_load %arg16[%swap3A_344, %swap3A_345] {strides = array<i32>} : memref<4x128xi32, #tpu.memory_space<vmem>>, vector<1x16xi32>,
    %swap3A_347 = vector.shape_cast %swap3A_346 : vector<1x16xi32> to vector<16xi32>
    %swap3A_348 = vector.shape_cast %add3A_342 : vector<16xi32> to vector<1x16xi32>
    tpu.vector_store %arg16[%swap3A_344, %swap3A_345], %swap3A_348 {strides = array<i32>} : memref<4x128xi32, #tpu.memory_space<vmem>>, vector<1x16xi32>,
    %get3A_349 = arith.constant 464 : index
    %get3A_350 = tpu.vector_load %arg13[%get3A_349] {strides = array<i32>} : memref<512xi32, #tpu.memory_space<vmem>>, vector<16xi32>,
    %get3A_351 = vector.shape_cast %get3A_350 : vector<16xi32> to vector<16xi32>
    %add3A_352 = arith.constant 1 : i32
    %add3A_353 = vector.broadcast %add3A_352 : i32 to vector<16xi32>
    %add3A_354 = arith.addi %get3A_351, %add3A_353 : vector<16xi32>
    %swap3A_355 = arith.constant 3 : i32
    %swap3A_356 = arith.index_cast %swap3A_355 : i32 to index
    %swap3A_357 = arith.constant 80 : index
    %swap3A_358 = tpu.vector_load %arg16[%swap3A_356, %swap3A_357] {strides = array<i32>} : memref<4x128xi32, #tpu.memory_space<vmem>>, vector<1x16xi32>,
    %swap3A_359 = vector.shape_cast %swap3A_358 : vector<1x16xi32> to vector<16xi32>
    %swap3A_360 = vector.shape_cast %add3A_354 : vector<16xi32> to vector<1x16xi32>
    tpu.vector_store %arg16[%swap3A_356, %swap3A_357], %swap3A_360 {strides = array<i32>} : memref<4x128xi32, #tpu.memory_space<vmem>>, vector<1x16xi32>,
    %get3A_361 = arith.constant 480 : index
    %get3A_362 = tpu.vector_load %arg13[%get3A_361] {strides = array<i32>} : memref<512xi32, #tpu.memory_space<vmem>>, vector<16xi32>,
    %get3A_363 = vector.shape_cast %get3A_362 : vector<16xi32> to vector<16xi32>
    %add3A_364 = arith.constant 1 : i32
    %add3A_365 = vector.broadcast %add3A_364 : i32 to vector<16xi32>
    %add3A_366 = arith.addi %get3A_363, %add3A_365 : vector<16xi32>
    %swap3A_367 = arith.constant 3 : i32
    %swap3A_368 = arith.index_cast %swap3A_367 : i32 to index
    %swap3A_369 = arith.constant 96 : index
    %swap3A_370 = tpu.vector_load %arg16[%swap3A_368, %swap3A_369] {strides = array<i32>} : memref<4x128xi32, #tpu.memory_space<vmem>>, vector<1x16xi32>,
    %swap3A_371 = vector.shape_cast %swap3A_370 : vector<1x16xi32> to vector<16xi32>
    %swap3A_372 = vector.shape_cast %add3A_366 : vector<16xi32> to vector<1x16xi32>
    tpu.vector_store %arg16[%swap3A_368, %swap3A_369], %swap3A_372 {strides = array<i32>} : memref<4x128xi32, #tpu.memory_space<vmem>>, vector<1x16xi32>,
    %get3A_373 = arith.constant 496 : index
    %get3A_374 = tpu.vector_load %arg13[%get3A_373] {strides = array<i32>} : memref<512xi32, #tpu.memory_space<vmem>>, vector<16xi32>,
    %get3A_375 = vector.shape_cast %get3A_374 : vector<16xi32> to vector<16xi32>
    %add3A_376 = arith.constant 1 : i32
    %add3A_377 = vector.broadcast %add3A_376 : i32 to vector<16xi32>
    %add3A_378 = arith.addi %get3A_375, %add3A_377 : vector<16xi32>
    %swap3A_379 = arith.constant 3 : i32
    %swap3A_380 = arith.index_cast %swap3A_379 : i32 to index
    %swap3A_381 = arith.constant 112 : index
    %swap3A_382 = tpu.vector_load %arg16[%swap3A_380, %swap3A_381] {strides = array<i32>} : memref<4x128xi32, #tpu.memory_space<vmem>>, vector<1x16xi32>,
    %swap3A_383 = vector.shape_cast %swap3A_382 : vector<1x16xi32> to vector<16xi32>
    %swap3A_384 = vector.shape_cast %add3A_378 : vector<16xi32> to vector<1x16xi32>
    tpu.vector_store %arg16[%swap3A_380, %swap3A_381], %swap3A_384 {strides = array<i32>} : memref<4x128xi32, #tpu.memory_space<vmem>>, vector<1x16xi32>,
    %run_scoped3A = arith.constant 0 : i32
    "tpu.region"() ({
      %run_scoped3A_2065 = tpu.sem_alloc : memref<!tpu.dma_semaphore, #tpu.memory_space<semaphore_mem>>
      %dma_start3A = arith.constant 0 : i32
      %dma_start3A_2066 = arith.constant 0 : i32
      %dma_start3A_2067 = tpu.memref_slice %arg17[%dma_start3A, %dma_start3A_2066] : memref<512x64xf32, #tpu.memory_space<vmem>> -> memref<128x64xf32, #tpu.memory_space<vmem>>
      %dma_start3A_2068 = arith.constant 0 : i32
      %dma_start3A_2069 = tpu.memref_slice %arg16[%run_scoped3A, %dma_start3A_2068] : memref<4x128xi32, #tpu.memory_space<vmem>> -> memref<1x128xi32, #tpu.memory_space<vmem>>
      %dma_start3A_2070 = tpu.memref_squeeze %dma_start3A_2069 : memref<1x128xi32, #tpu.memory_space<vmem>> -> memref<128xi32, #tpu.memory_space<vmem>>
      %dma_start3A_2071 = arith.constant 0 : i32
      %dma_start3A_2072 = arith.constant 0 : i32
      %dma_start3A_2073 = tpu.memref_slice %arg7[%dma_start3A_2071, %dma_start3A_2072] : memref<100001x64xf32, #tpu.memory_space<hbm>> -> memref<100001x64xf32, #tpu.memory_space<hbm>>
      tpu.enqueue_indirect_dma source(%dma_start3A_2073 : memref<100001x64xf32, #tpu.memory_space<hbm>>) target(%dma_start3A_2067 : memref<128x64xf32, #tpu.memory_space<vmem>>) offsets(%dma_start3A_2070 : memref<128xi32, #tpu.memory_space<vmem>>) semaphore(%run_scoped3A_2065 : memref<!tpu.dma_semaphore, #tpu.memory_space<semaphore_mem>>)
      %dma_wait3A = arith.constant 0 : i32
      %dma_wait3A_2074 = arith.constant 0 : i32
      %dma_wait3A_2075 = tpu.memref_slice %arg17[%dma_wait3A, %dma_wait3A_2074] : memref<512x64xf32, #tpu.memory_space<vmem>> -> memref<128x64xf32, #tpu.memory_space<vmem>>
      %dma_wait3A_2076 = arith.constant 0 : i32
      %dma_wait3A_2077 = tpu.memref_slice %arg16[%run_scoped3A, %dma_wait3A_2076] : memref<4x128xi32, #tpu.memory_space<vmem>> -> memref<1x128xi32, #tpu.memory_space<vmem>>
      %dma_wait3A_2078 = tpu.memref_squeeze %dma_wait3A_2077 : memref<1x128xi32, #tpu.memory_space<vmem>> -> memref<128xi32, #tpu.memory_space<vmem>>
      %dma_wait3A_2079 = arith.constant 0 : i32
      %dma_wait3A_2080 = arith.constant 0 : i32
      %dma_wait3A_2081 = tpu.memref_slice %arg7[%dma_wait3A_2079, %dma_wait3A_2080] : memref<100001x64xf32, #tpu.memory_space<hbm>> -> memref<100001x64xf32, #tpu.memory_space<hbm>>
      tpu.wait_indirect_dma semaphore(%run_scoped3A_2065 : memref<!tpu.dma_semaphore, #tpu.memory_space<semaphore_mem>>) src(%dma_wait3A_2081 : memref<100001x64xf32, #tpu.memory_space<hbm>>) dst(%dma_wait3A_2075 : memref<128x64xf32, #tpu.memory_space<vmem>>)
      tpu.yield
    }) : () -> ()
    %run_scoped3A_385 = arith.constant 1 : i32
    "tpu.region"() ({
      %run_scoped3A_2065 = tpu.sem_alloc : memref<!tpu.dma_semaphore, #tpu.memory_space<semaphore_mem>>
      %dma_start3A = arith.constant 128 : i32
      %dma_start3A_2066 = arith.constant 0 : i32
      %dma_start3A_2067 = tpu.memref_slice %arg17[%dma_start3A, %dma_start3A_2066] : memref<512x64xf32, #tpu.memory_space<vmem>> -> memref<128x64xf32, #tpu.memory_space<vmem>>
      %dma_start3A_2068 = arith.constant 0 : i32
      %dma_start3A_2069 = tpu.memref_slice %arg16[%run_scoped3A_385, %dma_start3A_2068] : memref<4x128xi32, #tpu.memory_space<vmem>> -> memref<1x128xi32, #tpu.memory_space<vmem>>
      %dma_start3A_2070 = tpu.memref_squeeze %dma_start3A_2069 : memref<1x128xi32, #tpu.memory_space<vmem>> -> memref<128xi32, #tpu.memory_space<vmem>>
      %dma_start3A_2071 = arith.constant 0 : i32
      %dma_start3A_2072 = arith.constant 0 : i32
      %dma_start3A_2073 = tpu.memref_slice %arg7[%dma_start3A_2071, %dma_start3A_2072] : memref<100001x64xf32, #tpu.memory_space<hbm>> -> memref<100001x64xf32, #tpu.memory_space<hbm>>
      tpu.enqueue_indirect_dma source(%dma_start3A_2073 : memref<100001x64xf32, #tpu.memory_space<hbm>>) target(%dma_start3A_2067 : memref<128x64xf32, #tpu.memory_space<vmem>>) offsets(%dma_start3A_2070 : memref<128xi32, #tpu.memory_space<vmem>>) semaphore(%run_scoped3A_2065 : memref<!tpu.dma_semaphore, #tpu.memory_space<semaphore_mem>>)
      %dma_wait3A = arith.constant 128 : i32
      %dma_wait3A_2074 = arith.constant 0 : i32
      %dma_wait3A_2075 = tpu.memref_slice %arg17[%dma_wait3A, %dma_wait3A_2074] : memref<512x64xf32, #tpu.memory_space<vmem>> -> memref<128x64xf32, #tpu.memory_space<vmem>>
      %dma_wait3A_2076 = arith.constant 0 : i32
      %dma_wait3A_2077 = tpu.memref_slice %arg16[%run_scoped3A_385, %dma_wait3A_2076] : memref<4x128xi32, #tpu.memory_space<vmem>> -> memref<1x128xi32, #tpu.memory_space<vmem>>
      %dma_wait3A_2078 = tpu.memref_squeeze %dma_wait3A_2077 : memref<1x128xi32, #tpu.memory_space<vmem>> -> memref<128xi32, #tpu.memory_space<vmem>>
      %dma_wait3A_2079 = arith.constant 0 : i32
      %dma_wait3A_2080 = arith.constant 0 : i32
      %dma_wait3A_2081 = tpu.memref_slice %arg7[%dma_wait3A_2079, %dma_wait3A_2080] : memref<100001x64xf32, #tpu.memory_space<hbm>> -> memref<100001x64xf32, #tpu.memory_space<hbm>>
      tpu.wait_indirect_dma semaphore(%run_scoped3A_2065 : memref<!tpu.dma_semaphore, #tpu.memory_space<semaphore_mem>>) src(%dma_wait3A_2081 : memref<100001x64xf32, #tpu.memory_space<hbm>>) dst(%dma_wait3A_2075 : memref<128x64xf32, #tpu.memory_space<vmem>>)
      tpu.yield
    }) : () -> ()
    %run_scoped3A_386 = arith.constant 2 : i32
    "tpu.region"() ({
      %run_scoped3A_2065 = tpu.sem_alloc : memref<!tpu.dma_semaphore, #tpu.memory_space<semaphore_mem>>
      %dma_start3A = arith.constant 256 : i32
      %dma_start3A_2066 = arith.constant 0 : i32
      %dma_start3A_2067 = tpu.memref_slice %arg17[%dma_start3A, %dma_start3A_2066] : memref<512x64xf32, #tpu.memory_space<vmem>> -> memref<128x64xf32, #tpu.memory_space<vmem>>
      %dma_start3A_2068 = arith.constant 0 : i32
      %dma_start3A_2069 = tpu.memref_slice %arg16[%run_scoped3A_386, %dma_start3A_2068] : memref<4x128xi32, #tpu.memory_space<vmem>> -> memref<1x128xi32, #tpu.memory_space<vmem>>
      %dma_start3A_2070 = tpu.memref_squeeze %dma_start3A_2069 : memref<1x128xi32, #tpu.memory_space<vmem>> -> memref<128xi32, #tpu.memory_space<vmem>>
      %dma_start3A_2071 = arith.constant 0 : i32
      %dma_start3A_2072 = arith.constant 0 : i32
      %dma_start3A_2073 = tpu.memref_slice %arg7[%dma_start3A_2071, %dma_start3A_2072] : memref<100001x64xf32, #tpu.memory_space<hbm>> -> memref<100001x64xf32, #tpu.memory_space<hbm>>
      tpu.enqueue_indirect_dma source(%dma_start3A_2073 : memref<100001x64xf32, #tpu.memory_space<hbm>>) target(%dma_start3A_2067 : memref<128x64xf32, #tpu.memory_space<vmem>>) offsets(%dma_start3A_2070 : memref<128xi32, #tpu.memory_space<vmem>>) semaphore(%run_scoped3A_2065 : memref<!tpu.dma_semaphore, #tpu.memory_space<semaphore_mem>>)
      %dma_wait3A = arith.constant 256 : i32
      %dma_wait3A_2074 = arith.constant 0 : i32
      %dma_wait3A_2075 = tpu.memref_slice %arg17[%dma_wait3A, %dma_wait3A_2074] : memref<512x64xf32, #tpu.memory_space<vmem>> -> memref<128x64xf32, #tpu.memory_space<vmem>>
      %dma_wait3A_2076 = arith.constant 0 : i32
      %dma_wait3A_2077 = tpu.memref_slice %arg16[%run_scoped3A_386, %dma_wait3A_2076] : memref<4x128xi32, #tpu.memory_space<vmem>> -> memref<1x128xi32, #tpu.memory_space<vmem>>
      %dma_wait3A_2078 = tpu.memref_squeeze %dma_wait3A_2077 : memref<1x128xi32, #tpu.memory_space<vmem>> -> memref<128xi32, #tpu.memory_space<vmem>>
      %dma_wait3A_2079 = arith.constant 0 : i32
      %dma_wait3A_2080 = arith.constant 0 : i32
      %dma_wait3A_2081 = tpu.memref_slice %arg7[%dma_wait3A_2079, %dma_wait3A_2080] : memref<100001x64xf32, #tpu.memory_space<hbm>> -> memref<100001x64xf32, #tpu.memory_space<hbm>>
      tpu.wait_indirect_dma semaphore(%run_scoped3A_2065 : memref<!tpu.dma_semaphore, #tpu.memory_space<semaphore_mem>>) src(%dma_wait3A_2081 : memref<100001x64xf32, #tpu.memory_space<hbm>>) dst(%dma_wait3A_2075 : memref<128x64xf32, #tpu.memory_space<vmem>>)
      tpu.yield
    }) : () -> ()
    %run_scoped3A_387 = arith.constant 3 : i32
    "tpu.region"() ({
      %run_scoped3A_2065 = tpu.sem_alloc : memref<!tpu.dma_semaphore, #tpu.memory_space<semaphore_mem>>
      %dma_start3A = arith.constant 384 : i32
      %dma_start3A_2066 = arith.constant 0 : i32
      %dma_start3A_2067 = tpu.memref_slice %arg17[%dma_start3A, %dma_start3A_2066] : memref<512x64xf32, #tpu.memory_space<vmem>> -> memref<128x64xf32, #tpu.memory_space<vmem>>
      %dma_start3A_2068 = arith.constant 0 : i32
      %dma_start3A_2069 = tpu.memref_slice %arg16[%run_scoped3A_387, %dma_start3A_2068] : memref<4x128xi32, #tpu.memory_space<vmem>> -> memref<1x128xi32, #tpu.memory_space<vmem>>
      %dma_start3A_2070 = tpu.memref_squeeze %dma_start3A_2069 : memref<1x128xi32, #tpu.memory_space<vmem>> -> memref<128xi32, #tpu.memory_space<vmem>>
      %dma_start3A_2071 = arith.constant 0 : i32
      %dma_start3A_2072 = arith.constant 0 : i32
      %dma_start3A_2073 = tpu.memref_slice %arg7[%dma_start3A_2071, %dma_start3A_2072] : memref<100001x64xf32, #tpu.memory_space<hbm>> -> memref<100001x64xf32, #tpu.memory_space<hbm>>
      tpu.enqueue_indirect_dma source(%dma_start3A_2073 : memref<100001x64xf32, #tpu.memory_space<hbm>>) target(%dma_start3A_2067 : memref<128x64xf32, #tpu.memory_space<vmem>>) offsets(%dma_start3A_2070 : memref<128xi32, #tpu.memory_space<vmem>>) semaphore(%run_scoped3A_2065 : memref<!tpu.dma_semaphore, #tpu.memory_space<semaphore_mem>>)
      %dma_wait3A = arith.constant 384 : i32
      %dma_wait3A_2074 = arith.constant 0 : i32
      %dma_wait3A_2075 = tpu.memref_slice %arg17[%dma_wait3A, %dma_wait3A_2074] : memref<512x64xf32, #tpu.memory_space<vmem>> -> memref<128x64xf32, #tpu.memory_space<vmem>>
      %dma_wait3A_2076 = arith.constant 0 : i32
      %dma_wait3A_2077 = tpu.memref_slice %arg16[%run_scoped3A_387, %dma_wait3A_2076] : memref<4x128xi32, #tpu.memory_space<vmem>> -> memref<1x128xi32, #tpu.memory_space<vmem>>
      %dma_wait3A_2078 = tpu.memref_squeeze %dma_wait3A_2077 : memref<1x128xi32, #tpu.memory_space<vmem>> -> memref<128xi32, #tpu.memory_space<vmem>>
      %dma_wait3A_2079 = arith.constant 0 : i32
      %dma_wait3A_2080 = arith.constant 0 : i32
      %dma_wait3A_2081 = tpu.memref_slice %arg7[%dma_wait3A_2079, %dma_wait3A_2080] : memref<100001x64xf32, #tpu.memory_space<hbm>> -> memref<100001x64xf32, #tpu.memory_space<hbm>>
      tpu.wait_indirect_dma semaphore(%run_scoped3A_2065 : memref<!tpu.dma_semaphore, #tpu.memory_space<semaphore_mem>>) src(%dma_wait3A_2081 : memref<100001x64xf32, #tpu.memory_space<hbm>>) dst(%dma_wait3A_2075 : memref<128x64xf32, #tpu.memory_space<vmem>>)
      tpu.yield
    }) : () -> ()
    "tpu.region"() ({
      %run_scoped3A_2065 = tpu.sem_alloc : memref<!tpu.dma_semaphore, #tpu.memory_space<semaphore_mem>>
      %dma_start3A = arith.constant 0 : i32
      %dma_start3A_2066 = tpu.memref_slice %arg10[%mul3A_2, %dma_start3A] : memref<16384x64xf32, #tpu.memory_space<hbm>> -> memref<512x64xf32, #tpu.memory_space<hbm>>
      %dma_start3A_2067 = arith.constant 0 : i32
      %dma_start3A_2068 = tpu.memref_slice %arg10[%mul3A_2, %dma_start3A_2067] : memref<16384x64xf32, #tpu.memory_space<hbm>> -> memref<512x64xf32, #tpu.memory_space<hbm>>
      tpu.enqueue_dma source(%arg17 : memref<512x64xf32, #tpu.memory_space<vmem>>) target(%dma_start3A_2068 : memref<512x64xf32, #tpu.memory_space<hbm>>) target_semaphore(%run_scoped3A_2065 : memref<!tpu.dma_semaphore, #tpu.memory_space<semaphore_mem>>)
      %dma_wait3A = arith.constant 0 : i32
      %dma_wait3A_2069 = tpu.memref_slice %arg10[%mul3A_2, %dma_wait3A] : memref<16384x64xf32, #tpu.memory_space<hbm>> -> memref<512x64xf32, #tpu.memory_space<hbm>>
      %dma_wait3A_2070 = arith.constant 0 : i32
      %dma_wait3A_2071 = tpu.memref_slice %arg10[%mul3A_2, %dma_wait3A_2070] : memref<16384x64xf32, #tpu.memory_space<hbm>> -> memref<512x64xf32, #tpu.memory_space<hbm>>
      tpu.wait_dma2 semaphore(%run_scoped3A_2065 : memref<!tpu.dma_semaphore, #tpu.memory_space<semaphore_mem>>) src(%arg17 : memref<512x64xf32, #tpu.memory_space<vmem>>) dst(%dma_wait3A_2071 : memref<512x64xf32, #tpu.memory_space<hbm>>)
      tpu.yield
    }) : () -> ()
    "tpu.region"() ({
      %run_scoped3A_2065 = tpu.sem_alloc : memref<!tpu.dma_semaphore, #tpu.memory_space<semaphore_mem>>
      %dma_start3A = tpu.memref_slice %arg4[%mul3A_2] : memref<16384xi32, #tpu.memory_space<hbm>> -> memref<512xi32, #tpu.memory_space<hbm>>
      %dma_start3A_2066 = tpu.memref_slice %arg4[%mul3A_2] : memref<16384xi32, #tpu.memory_space<hbm>> -> memref<512xi32, #tpu.memory_space<hbm>>
      tpu.enqueue_dma source(%dma_start3A_2066 : memref<512xi32, #tpu.memory_space<hbm>>) target(%arg13 : memref<512xi32, #tpu.memory_space<vmem>>) target_semaphore(%run_scoped3A_2065 : memref<!tpu.dma_semaphore, #tpu.memory_space<semaphore_mem>>)
      %dma_wait3A = tpu.memref_slice %arg4[%mul3A_2] : memref<16384xi32, #tpu.memory_space<hbm>> -> memref<512xi32, #tpu.memory_space<hbm>>
      %dma_wait3A_2067 = tpu.memref_slice %arg4[%mul3A_2] : memref<16384xi32, #tpu.memory_space<hbm>> -> memref<512xi32, #tpu.memory_space<hbm>>
      tpu.wait_dma2 semaphore(%run_scoped3A_2065 : memref<!tpu.dma_semaphore, #tpu.memory_space<semaphore_mem>>) src(%dma_wait3A_2067 : memref<512xi32, #tpu.memory_space<hbm>>) dst(%arg13 : memref<512xi32, #tpu.memory_space<vmem>>)
      tpu.yield
    }) : () -> ()
    %get3A_388 = arith.constant 0 : index
    %get3A_389 = tpu.vector_load %arg13[%get3A_388] {strides = array<i32>} : memref<512xi32, #tpu.memory_space<vmem>>, vector<16xi32>,
    %get3A_390 = vector.shape_cast %get3A_389 : vector<16xi32> to vector<16xi32>
    %add3A_391 = arith.constant 1 : i32
    %add3A_392 = vector.broadcast %add3A_391 : i32 to vector<16xi32>
    %add3A_393 = arith.addi %get3A_390, %add3A_392 : vector<16xi32>
    %swap3A_394 = arith.constant 0 : i32
    %swap3A_395 = arith.index_cast %swap3A_394 : i32 to index
    %swap3A_396 = arith.constant 0 : index
    %swap3A_397 = tpu.vector_load %arg16[%swap3A_395, %swap3A_396] {strides = array<i32>} : memref<4x128xi32, #tpu.memory_space<vmem>>, vector<1x16xi32>,
    %swap3A_398 = vector.shape_cast %swap3A_397 : vector<1x16xi32> to vector<16xi32>
    %swap3A_399 = vector.shape_cast %add3A_393 : vector<16xi32> to vector<1x16xi32>
    tpu.vector_store %arg16[%swap3A_395, %swap3A_396], %swap3A_399 {strides = array<i32>} : memref<4x128xi32, #tpu.memory_space<vmem>>, vector<1x16xi32>,
    %get3A_400 = arith.constant 16 : index
    %get3A_401 = tpu.vector_load %arg13[%get3A_400] {strides = array<i32>} : memref<512xi32, #tpu.memory_space<vmem>>, vector<16xi32>,
    %get3A_402 = vector.shape_cast %get3A_401 : vector<16xi32> to vector<16xi32>
    %add3A_403 = arith.constant 1 : i32
    %add3A_404 = vector.broadcast %add3A_403 : i32 to vector<16xi32>
    %add3A_405 = arith.addi %get3A_402, %add3A_404 : vector<16xi32>
    %swap3A_406 = arith.constant 0 : i32
    %swap3A_407 = arith.index_cast %swap3A_406 : i32 to index
    %swap3A_408 = arith.constant 16 : index
    %swap3A_409 = tpu.vector_load %arg16[%swap3A_407, %swap3A_408] {strides = array<i32>} : memref<4x128xi32, #tpu.memory_space<vmem>>, vector<1x16xi32>,
    %swap3A_410 = vector.shape_cast %swap3A_409 : vector<1x16xi32> to vector<16xi32>
    %swap3A_411 = vector.shape_cast %add3A_405 : vector<16xi32> to vector<1x16xi32>
    tpu.vector_store %arg16[%swap3A_407, %swap3A_408], %swap3A_411 {strides = array<i32>} : memref<4x128xi32, #tpu.memory_space<vmem>>, vector<1x16xi32>,
    %get3A_412 = arith.constant 32 : index
    %get3A_413 = tpu.vector_load %arg13[%get3A_412] {strides = array<i32>} : memref<512xi32, #tpu.memory_space<vmem>>, vector<16xi32>,
    %get3A_414 = vector.shape_cast %get3A_413 : vector<16xi32> to vector<16xi32>
    %add3A_415 = arith.constant 1 : i32
    %add3A_416 = vector.broadcast %add3A_415 : i32 to vector<16xi32>
    %add3A_417 = arith.addi %get3A_414, %add3A_416 : vector<16xi32>
    %swap3A_418 = arith.constant 0 : i32
    %swap3A_419 = arith.index_cast %swap3A_418 : i32 to index
    %swap3A_420 = arith.constant 32 : index
    %swap3A_421 = tpu.vector_load %arg16[%swap3A_419, %swap3A_420] {strides = array<i32>} : memref<4x128xi32, #tpu.memory_space<vmem>>, vector<1x16xi32>,
    %swap3A_422 = vector.shape_cast %swap3A_421 : vector<1x16xi32> to vector<16xi32>
    %swap3A_423 = vector.shape_cast %add3A_417 : vector<16xi32> to vector<1x16xi32>
    tpu.vector_store %arg16[%swap3A_419, %swap3A_420], %swap3A_423 {strides = array<i32>} : memref<4x128xi32, #tpu.memory_space<vmem>>, vector<1x16xi32>,
    %get3A_424 = arith.constant 48 : index
    %get3A_425 = tpu.vector_load %arg13[%get3A_424] {strides = array<i32>} : memref<512xi32, #tpu.memory_space<vmem>>, vector<16xi32>,
    %get3A_426 = vector.shape_cast %get3A_425 : vector<16xi32> to vector<16xi32>
    %add3A_427 = arith.constant 1 : i32
    %add3A_428 = vector.broadcast %add3A_427 : i32 to vector<16xi32>
    %add3A_429 = arith.addi %get3A_426, %add3A_428 : vector<16xi32>
    %swap3A_430 = arith.constant 0 : i32
    %swap3A_431 = arith.index_cast %swap3A_430 : i32 to index
    %swap3A_432 = arith.constant 48 : index
    %swap3A_433 = tpu.vector_load %arg16[%swap3A_431, %swap3A_432] {strides = array<i32>} : memref<4x128xi32, #tpu.memory_space<vmem>>, vector<1x16xi32>,
    %swap3A_434 = vector.shape_cast %swap3A_433 : vector<1x16xi32> to vector<16xi32>
    %swap3A_435 = vector.shape_cast %add3A_429 : vector<16xi32> to vector<1x16xi32>
    tpu.vector_store %arg16[%swap3A_431, %swap3A_432], %swap3A_435 {strides = array<i32>} : memref<4x128xi32, #tpu.memory_space<vmem>>, vector<1x16xi32>,
    %get3A_436 = arith.constant 64 : index
    %get3A_437 = tpu.vector_load %arg13[%get3A_436] {strides = array<i32>} : memref<512xi32, #tpu.memory_space<vmem>>, vector<16xi32>,
    %get3A_438 = vector.shape_cast %get3A_437 : vector<16xi32> to vector<16xi32>
    %add3A_439 = arith.constant 1 : i32
    %add3A_440 = vector.broadcast %add3A_439 : i32 to vector<16xi32>
    %add3A_441 = arith.addi %get3A_438, %add3A_440 : vector<16xi32>
    %swap3A_442 = arith.constant 0 : i32
    %swap3A_443 = arith.index_cast %swap3A_442 : i32 to index
    %swap3A_444 = arith.constant 64 : index
    %swap3A_445 = tpu.vector_load %arg16[%swap3A_443, %swap3A_444] {strides = array<i32>} : memref<4x128xi32, #tpu.memory_space<vmem>>, vector<1x16xi32>,
    %swap3A_446 = vector.shape_cast %swap3A_445 : vector<1x16xi32> to vector<16xi32>
    %swap3A_447 = vector.shape_cast %add3A_441 : vector<16xi32> to vector<1x16xi32>
    tpu.vector_store %arg16[%swap3A_443, %swap3A_444], %swap3A_447 {strides = array<i32>} : memref<4x128xi32, #tpu.memory_space<vmem>>, vector<1x16xi32>,
    %get3A_448 = arith.constant 80 : index
    %get3A_449 = tpu.vector_load %arg13[%get3A_448] {strides = array<i32>} : memref<512xi32, #tpu.memory_space<vmem>>, vector<16xi32>,
    %get3A_450 = vector.shape_cast %get3A_449 : vector<16xi32> to vector<16xi32>
    %add3A_451 = arith.constant 1 : i32
    %add3A_452 = vector.broadcast %add3A_451 : i32 to vector<16xi32>
    %add3A_453 = arith.addi %get3A_450, %add3A_452 : vector<16xi32>
    %swap3A_454 = arith.constant 0 : i32
    %swap3A_455 = arith.index_cast %swap3A_454 : i32 to index
    %swap3A_456 = arith.constant 80 : index
    %swap3A_457 = tpu.vector_load %arg16[%swap3A_455, %swap3A_456] {strides = array<i32>} : memref<4x128xi32, #tpu.memory_space<vmem>>, vector<1x16xi32>,
    %swap3A_458 = vector.shape_cast %swap3A_457 : vector<1x16xi32> to vector<16xi32>
    %swap3A_459 = vector.shape_cast %add3A_453 : vector<16xi32> to vector<1x16xi32>
    tpu.vector_store %arg16[%swap3A_455, %swap3A_456], %swap3A_459 {strides = array<i32>} : memref<4x128xi32, #tpu.memory_space<vmem>>, vector<1x16xi32>,
    %get3A_460 = arith.constant 96 : index
    %get3A_461 = tpu.vector_load %arg13[%get3A_460] {strides = array<i32>} : memref<512xi32, #tpu.memory_space<vmem>>, vector<16xi32>,
    %get3A_462 = vector.shape_cast %get3A_461 : vector<16xi32> to vector<16xi32>
    %add3A_463 = arith.constant 1 : i32
    %add3A_464 = vector.broadcast %add3A_463 : i32 to vector<16xi32>
    %add3A_465 = arith.addi %get3A_462, %add3A_464 : vector<16xi32>
    %swap3A_466 = arith.constant 0 : i32
    %swap3A_467 = arith.index_cast %swap3A_466 : i32 to index
    %swap3A_468 = arith.constant 96 : index
    %swap3A_469 = tpu.vector_load %arg16[%swap3A_467, %swap3A_468] {strides = array<i32>} : memref<4x128xi32, #tpu.memory_space<vmem>>, vector<1x16xi32>,
    %swap3A_470 = vector.shape_cast %swap3A_469 : vector<1x16xi32> to vector<16xi32>
    %swap3A_471 = vector.shape_cast %add3A_465 : vector<16xi32> to vector<1x16xi32>
    tpu.vector_store %arg16[%swap3A_467, %swap3A_468], %swap3A_471 {strides = array<i32>} : memref<4x128xi32, #tpu.memory_space<vmem>>, vector<1x16xi32>,
    %get3A_472 = arith.constant 112 : index
    %get3A_473 = tpu.vector_load %arg13[%get3A_472] {strides = array<i32>} : memref<512xi32, #tpu.memory_space<vmem>>, vector<16xi32>,
    %get3A_474 = vector.shape_cast %get3A_473 : vector<16xi32> to vector<16xi32>
    %add3A_475 = arith.constant 1 : i32
    %add3A_476 = vector.broadcast %add3A_475 : i32 to vector<16xi32>
    %add3A_477 = arith.addi %get3A_474, %add3A_476 : vector<16xi32>
    %swap3A_478 = arith.constant 0 : i32
    %swap3A_479 = arith.index_cast %swap3A_478 : i32 to index
    %swap3A_480 = arith.constant 112 : index
    %swap3A_481 = tpu.vector_load %arg16[%swap3A_479, %swap3A_480] {strides = array<i32>} : memref<4x128xi32, #tpu.memory_space<vmem>>, vector<1x16xi32>,
    %swap3A_482 = vector.shape_cast %swap3A_481 : vector<1x16xi32> to vector<16xi32>
    %swap3A_483 = vector.shape_cast %add3A_477 : vector<16xi32> to vector<1x16xi32>
    tpu.vector_store %arg16[%swap3A_479, %swap3A_480], %swap3A_483 {strides = array<i32>} : memref<4x128xi32, #tpu.memory_space<vmem>>, vector<1x16xi32>,
    %get3A_484 = arith.constant 128 : index
    %get3A_485 = tpu.vector_load %arg13[%get3A_484] {strides = array<i32>} : memref<512xi32, #tpu.memory_space<vmem>>, vector<16xi32>,
    %get3A_486 = vector.shape_cast %get3A_485 : vector<16xi32> to vector<16xi32>
    %add3A_487 = arith.constant 1 : i32
    %add3A_488 = vector.broadcast %add3A_487 : i32 to vector<16xi32>
    %add3A_489 = arith.addi %get3A_486, %add3A_488 : vector<16xi32>
    %swap3A_490 = arith.constant 1 : i32
    %swap3A_491 = arith.index_cast %swap3A_490 : i32 to index
    %swap3A_492 = arith.constant 0 : index
    %swap3A_493 = tpu.vector_load %arg16[%swap3A_491, %swap3A_492] {strides = array<i32>} : memref<4x128xi32, #tpu.memory_space<vmem>>, vector<1x16xi32>,
    %swap3A_494 = vector.shape_cast %swap3A_493 : vector<1x16xi32> to vector<16xi32>
    %swap3A_495 = vector.shape_cast %add3A_489 : vector<16xi32> to vector<1x16xi32>
    tpu.vector_store %arg16[%swap3A_491, %swap3A_492], %swap3A_495 {strides = array<i32>} : memref<4x128xi32, #tpu.memory_space<vmem>>, vector<1x16xi32>,
    %get3A_496 = arith.constant 144 : index
    %get3A_497 = tpu.vector_load %arg13[%get3A_496] {strides = array<i32>} : memref<512xi32, #tpu.memory_space<vmem>>, vector<16xi32>,
    %get3A_498 = vector.shape_cast %get3A_497 : vector<16xi32> to vector<16xi32>
    %add3A_499 = arith.constant 1 : i32
    %add3A_500 = vector.broadcast %add3A_499 : i32 to vector<16xi32>
    %add3A_501 = arith.addi %get3A_498, %add3A_500 : vector<16xi32>
    %swap3A_502 = arith.constant 1 : i32
    %swap3A_503 = arith.index_cast %swap3A_502 : i32 to index
    %swap3A_504 = arith.constant 16 : index
    %swap3A_505 = tpu.vector_load %arg16[%swap3A_503, %swap3A_504] {strides = array<i32>} : memref<4x128xi32, #tpu.memory_space<vmem>>, vector<1x16xi32>,
    %swap3A_506 = vector.shape_cast %swap3A_505 : vector<1x16xi32> to vector<16xi32>
    %swap3A_507 = vector.shape_cast %add3A_501 : vector<16xi32> to vector<1x16xi32>
    tpu.vector_store %arg16[%swap3A_503, %swap3A_504], %swap3A_507 {strides = array<i32>} : memref<4x128xi32, #tpu.memory_space<vmem>>, vector<1x16xi32>,
    %get3A_508 = arith.constant 160 : index
    %get3A_509 = tpu.vector_load %arg13[%get3A_508] {strides = array<i32>} : memref<512xi32, #tpu.memory_space<vmem>>, vector<16xi32>,
    %get3A_510 = vector.shape_cast %get3A_509 : vector<16xi32> to vector<16xi32>
    %add3A_511 = arith.constant 1 : i32
    %add3A_512 = vector.broadcast %add3A_511 : i32 to vector<16xi32>
    %add3A_513 = arith.addi %get3A_510, %add3A_512 : vector<16xi32>
    %swap3A_514 = arith.constant 1 : i32
    %swap3A_515 = arith.index_cast %swap3A_514 : i32 to index
    %swap3A_516 = arith.constant 32 : index
    %swap3A_517 = tpu.vector_load %arg16[%swap3A_515, %swap3A_516] {strides = array<i32>} : memref<4x128xi32, #tpu.memory_space<vmem>>, vector<1x16xi32>,
    %swap3A_518 = vector.shape_cast %swap3A_517 : vector<1x16xi32> to vector<16xi32>
    %swap3A_519 = vector.shape_cast %add3A_513 : vector<16xi32> to vector<1x16xi32>
    tpu.vector_store %arg16[%swap3A_515, %swap3A_516], %swap3A_519 {strides = array<i32>} : memref<4x128xi32, #tpu.memory_space<vmem>>, vector<1x16xi32>,
    %get3A_520 = arith.constant 176 : index
    %get3A_521 = tpu.vector_load %arg13[%get3A_520] {strides = array<i32>} : memref<512xi32, #tpu.memory_space<vmem>>, vector<16xi32>,
    %get3A_522 = vector.shape_cast %get3A_521 : vector<16xi32> to vector<16xi32>
    %add3A_523 = arith.constant 1 : i32
    %add3A_524 = vector.broadcast %add3A_523 : i32 to vector<16xi32>
    %add3A_525 = arith.addi %get3A_522, %add3A_524 : vector<16xi32>
    %swap3A_526 = arith.constant 1 : i32
    %swap3A_527 = arith.index_cast %swap3A_526 : i32 to index
    %swap3A_528 = arith.constant 48 : index
    %swap3A_529 = tpu.vector_load %arg16[%swap3A_527, %swap3A_528] {strides = array<i32>} : memref<4x128xi32, #tpu.memory_space<vmem>>, vector<1x16xi32>,
    %swap3A_530 = vector.shape_cast %swap3A_529 : vector<1x16xi32> to vector<16xi32>
    %swap3A_531 = vector.shape_cast %add3A_525 : vector<16xi32> to vector<1x16xi32>
    tpu.vector_store %arg16[%swap3A_527, %swap3A_528], %swap3A_531 {strides = array<i32>} : memref<4x128xi32, #tpu.memory_space<vmem>>, vector<1x16xi32>,
    %get3A_532 = arith.constant 192 : index
    %get3A_533 = tpu.vector_load %arg13[%get3A_532] {strides = array<i32>} : memref<512xi32, #tpu.memory_space<vmem>>, vector<16xi32>,
    %get3A_534 = vector.shape_cast %get3A_533 : vector<16xi32> to vector<16xi32>
    %add3A_535 = arith.constant 1 : i32
    %add3A_536 = vector.broadcast %add3A_535 : i32 to vector<16xi32>
    %add3A_537 = arith.addi %get3A_534, %add3A_536 : vector<16xi32>
    %swap3A_538 = arith.constant 1 : i32
    %swap3A_539 = arith.index_cast %swap3A_538 : i32 to index
    %swap3A_540 = arith.constant 64 : index
    %swap3A_541 = tpu.vector_load %arg16[%swap3A_539, %swap3A_540] {strides = array<i32>} : memref<4x128xi32, #tpu.memory_space<vmem>>, vector<1x16xi32>,
    %swap3A_542 = vector.shape_cast %swap3A_541 : vector<1x16xi32> to vector<16xi32>
    %swap3A_543 = vector.shape_cast %add3A_537 : vector<16xi32> to vector<1x16xi32>
    tpu.vector_store %arg16[%swap3A_539, %swap3A_540], %swap3A_543 {strides = array<i32>} : memref<4x128xi32, #tpu.memory_space<vmem>>, vector<1x16xi32>,
    %get3A_544 = arith.constant 208 : index
    %get3A_545 = tpu.vector_load %arg13[%get3A_544] {strides = array<i32>} : memref<512xi32, #tpu.memory_space<vmem>>, vector<16xi32>,
    %get3A_546 = vector.shape_cast %get3A_545 : vector<16xi32> to vector<16xi32>
    %add3A_547 = arith.constant 1 : i32
    %add3A_548 = vector.broadcast %add3A_547 : i32 to vector<16xi32>
    %add3A_549 = arith.addi %get3A_546, %add3A_548 : vector<16xi32>
    %swap3A_550 = arith.constant 1 : i32
    %swap3A_551 = arith.index_cast %swap3A_550 : i32 to index
    %swap3A_552 = arith.constant 80 : index
    %swap3A_553 = tpu.vector_load %arg16[%swap3A_551, %swap3A_552] {strides = array<i32>} : memref<4x128xi32, #tpu.memory_space<vmem>>, vector<1x16xi32>,
    %swap3A_554 = vector.shape_cast %swap3A_553 : vector<1x16xi32> to vector<16xi32>
    %swap3A_555 = vector.shape_cast %add3A_549 : vector<16xi32> to vector<1x16xi32>
    tpu.vector_store %arg16[%swap3A_551, %swap3A_552], %swap3A_555 {strides = array<i32>} : memref<4x128xi32, #tpu.memory_space<vmem>>, vector<1x16xi32>,
    %get3A_556 = arith.constant 224 : index
    %get3A_557 = tpu.vector_load %arg13[%get3A_556] {strides = array<i32>} : memref<512xi32, #tpu.memory_space<vmem>>, vector<16xi32>,
    %get3A_558 = vector.shape_cast %get3A_557 : vector<16xi32> to vector<16xi32>
    %add3A_559 = arith.constant 1 : i32
    %add3A_560 = vector.broadcast %add3A_559 : i32 to vector<16xi32>
    %add3A_561 = arith.addi %get3A_558, %add3A_560 : vector<16xi32>
    %swap3A_562 = arith.constant 1 : i32
    %swap3A_563 = arith.index_cast %swap3A_562 : i32 to index
    %swap3A_564 = arith.constant 96 : index
    %swap3A_565 = tpu.vector_load %arg16[%swap3A_563, %swap3A_564] {strides = array<i32>} : memref<4x128xi32, #tpu.memory_space<vmem>>, vector<1x16xi32>,
    %swap3A_566 = vector.shape_cast %swap3A_565 : vector<1x16xi32> to vector<16xi32>
    %swap3A_567 = vector.shape_cast %add3A_561 : vector<16xi32> to vector<1x16xi32>
    tpu.vector_store %arg16[%swap3A_563, %swap3A_564], %swap3A_567 {strides = array<i32>} : memref<4x128xi32, #tpu.memory_space<vmem>>, vector<1x16xi32>,
    %get3A_568 = arith.constant 240 : index
    %get3A_569 = tpu.vector_load %arg13[%get3A_568] {strides = array<i32>} : memref<512xi32, #tpu.memory_space<vmem>>, vector<16xi32>,
    %get3A_570 = vector.shape_cast %get3A_569 : vector<16xi32> to vector<16xi32>
    %add3A_571 = arith.constant 1 : i32
    %add3A_572 = vector.broadcast %add3A_571 : i32 to vector<16xi32>
    %add3A_573 = arith.addi %get3A_570, %add3A_572 : vector<16xi32>
    %swap3A_574 = arith.constant 1 : i32
    %swap3A_575 = arith.index_cast %swap3A_574 : i32 to index
    %swap3A_576 = arith.constant 112 : index
    %swap3A_577 = tpu.vector_load %arg16[%swap3A_575, %swap3A_576] {strides = array<i32>} : memref<4x128xi32, #tpu.memory_space<vmem>>, vector<1x16xi32>,
    %swap3A_578 = vector.shape_cast %swap3A_577 : vector<1x16xi32> to vector<16xi32>
    %swap3A_579 = vector.shape_cast %add3A_573 : vector<16xi32> to vector<1x16xi32>
    tpu.vector_store %arg16[%swap3A_575, %swap3A_576], %swap3A_579 {strides = array<i32>} : memref<4x128xi32, #tpu.memory_space<vmem>>, vector<1x16xi32>,
    %get3A_580 = arith.constant 256 : index
    %get3A_581 = tpu.vector_load %arg13[%get3A_580] {strides = array<i32>} : memref<512xi32, #tpu.memory_space<vmem>>, vector<16xi32>,
    %get3A_582 = vector.shape_cast %get3A_581 : vector<16xi32> to vector<16xi32>
    %add3A_583 = arith.constant 1 : i32
    %add3A_584 = vector.broadcast %add3A_583 : i32 to vector<16xi32>
    %add3A_585 = arith.addi %get3A_582, %add3A_584 : vector<16xi32>
    %swap3A_586 = arith.constant 2 : i32
    %swap3A_587 = arith.index_cast %swap3A_586 : i32 to index
    %swap3A_588 = arith.constant 0 : index
    %swap3A_589 = tpu.vector_load %arg16[%swap3A_587, %swap3A_588] {strides = array<i32>} : memref<4x128xi32, #tpu.memory_space<vmem>>, vector<1x16xi32>,
    %swap3A_590 = vector.shape_cast %swap3A_589 : vector<1x16xi32> to vector<16xi32>
    %swap3A_591 = vector.shape_cast %add3A_585 : vector<16xi32> to vector<1x16xi32>
    tpu.vector_store %arg16[%swap3A_587, %swap3A_588], %swap3A_591 {strides = array<i32>} : memref<4x128xi32, #tpu.memory_space<vmem>>, vector<1x16xi32>,
    %get3A_592 = arith.constant 272 : index
    %get3A_593 = tpu.vector_load %arg13[%get3A_592] {strides = array<i32>} : memref<512xi32, #tpu.memory_space<vmem>>, vector<16xi32>,
    %get3A_594 = vector.shape_cast %get3A_593 : vector<16xi32> to vector<16xi32>
    %add3A_595 = arith.constant 1 : i32
    %add3A_596 = vector.broadcast %add3A_595 : i32 to vector<16xi32>
    %add3A_597 = arith.addi %get3A_594, %add3A_596 : vector<16xi32>
    %swap3A_598 = arith.constant 2 : i32
    %swap3A_599 = arith.index_cast %swap3A_598 : i32 to index
    %swap3A_600 = arith.constant 16 : index
    %swap3A_601 = tpu.vector_load %arg16[%swap3A_599, %swap3A_600] {strides = array<i32>} : memref<4x128xi32, #tpu.memory_space<vmem>>, vector<1x16xi32>,
    %swap3A_602 = vector.shape_cast %swap3A_601 : vector<1x16xi32> to vector<16xi32>
    %swap3A_603 = vector.shape_cast %add3A_597 : vector<16xi32> to vector<1x16xi32>
    tpu.vector_store %arg16[%swap3A_599, %swap3A_600], %swap3A_603 {strides = array<i32>} : memref<4x128xi32, #tpu.memory_space<vmem>>, vector<1x16xi32>,
    %get3A_604 = arith.constant 288 : index
    %get3A_605 = tpu.vector_load %arg13[%get3A_604] {strides = array<i32>} : memref<512xi32, #tpu.memory_space<vmem>>, vector<16xi32>,
    %get3A_606 = vector.shape_cast %get3A_605 : vector<16xi32> to vector<16xi32>
    %add3A_607 = arith.constant 1 : i32
    %add3A_608 = vector.broadcast %add3A_607 : i32 to vector<16xi32>
    %add3A_609 = arith.addi %get3A_606, %add3A_608 : vector<16xi32>
    %swap3A_610 = arith.constant 2 : i32
    %swap3A_611 = arith.index_cast %swap3A_610 : i32 to index
    %swap3A_612 = arith.constant 32 : index
    %swap3A_613 = tpu.vector_load %arg16[%swap3A_611, %swap3A_612] {strides = array<i32>} : memref<4x128xi32, #tpu.memory_space<vmem>>, vector<1x16xi32>,
    %swap3A_614 = vector.shape_cast %swap3A_613 : vector<1x16xi32> to vector<16xi32>
    %swap3A_615 = vector.shape_cast %add3A_609 : vector<16xi32> to vector<1x16xi32>
    tpu.vector_store %arg16[%swap3A_611, %swap3A_612], %swap3A_615 {strides = array<i32>} : memref<4x128xi32, #tpu.memory_space<vmem>>, vector<1x16xi32>,
    %get3A_616 = arith.constant 304 : index
    %get3A_617 = tpu.vector_load %arg13[%get3A_616] {strides = array<i32>} : memref<512xi32, #tpu.memory_space<vmem>>, vector<16xi32>,
    %get3A_618 = vector.shape_cast %get3A_617 : vector<16xi32> to vector<16xi32>
    %add3A_619 = arith.constant 1 : i32
    %add3A_620 = vector.broadcast %add3A_619 : i32 to vector<16xi32>
    %add3A_621 = arith.addi %get3A_618, %add3A_620 : vector<16xi32>
    %swap3A_622 = arith.constant 2 : i32
    %swap3A_623 = arith.index_cast %swap3A_622 : i32 to index
    %swap3A_624 = arith.constant 48 : index
    %swap3A_625 = tpu.vector_load %arg16[%swap3A_623, %swap3A_624] {strides = array<i32>} : memref<4x128xi32, #tpu.memory_space<vmem>>, vector<1x16xi32>,
    %swap3A_626 = vector.shape_cast %swap3A_625 : vector<1x16xi32> to vector<16xi32>
    %swap3A_627 = vector.shape_cast %add3A_621 : vector<16xi32> to vector<1x16xi32>
    tpu.vector_store %arg16[%swap3A_623, %swap3A_624], %swap3A_627 {strides = array<i32>} : memref<4x128xi32, #tpu.memory_space<vmem>>, vector<1x16xi32>,
    %get3A_628 = arith.constant 320 : index
    %get3A_629 = tpu.vector_load %arg13[%get3A_628] {strides = array<i32>} : memref<512xi32, #tpu.memory_space<vmem>>, vector<16xi32>,
    %get3A_630 = vector.shape_cast %get3A_629 : vector<16xi32> to vector<16xi32>
    %add3A_631 = arith.constant 1 : i32
    %add3A_632 = vector.broadcast %add3A_631 : i32 to vector<16xi32>
    %add3A_633 = arith.addi %get3A_630, %add3A_632 : vector<16xi32>
    %swap3A_634 = arith.constant 2 : i32
    %swap3A_635 = arith.index_cast %swap3A_634 : i32 to index
    %swap3A_636 = arith.constant 64 : index
    %swap3A_637 = tpu.vector_load %arg16[%swap3A_635, %swap3A_636] {strides = array<i32>} : memref<4x128xi32, #tpu.memory_space<vmem>>, vector<1x16xi32>,
    %swap3A_638 = vector.shape_cast %swap3A_637 : vector<1x16xi32> to vector<16xi32>
    %swap3A_639 = vector.shape_cast %add3A_633 : vector<16xi32> to vector<1x16xi32>
    tpu.vector_store %arg16[%swap3A_635, %swap3A_636], %swap3A_639 {strides = array<i32>} : memref<4x128xi32, #tpu.memory_space<vmem>>, vector<1x16xi32>,
    %get3A_640 = arith.constant 336 : index
    %get3A_641 = tpu.vector_load %arg13[%get3A_640] {strides = array<i32>} : memref<512xi32, #tpu.memory_space<vmem>>, vector<16xi32>,
    %get3A_642 = vector.shape_cast %get3A_641 : vector<16xi32> to vector<16xi32>
    %add3A_643 = arith.constant 1 : i32
    %add3A_644 = vector.broadcast %add3A_643 : i32 to vector<16xi32>
    %add3A_645 = arith.addi %get3A_642, %add3A_644 : vector<16xi32>
    %swap3A_646 = arith.constant 2 : i32
    %swap3A_647 = arith.index_cast %swap3A_646 : i32 to index
    %swap3A_648 = arith.constant 80 : index
    %swap3A_649 = tpu.vector_load %arg16[%swap3A_647, %swap3A_648] {strides = array<i32>} : memref<4x128xi32, #tpu.memory_space<vmem>>, vector<1x16xi32>,
    %swap3A_650 = vector.shape_cast %swap3A_649 : vector<1x16xi32> to vector<16xi32>
    %swap3A_651 = vector.shape_cast %add3A_645 : vector<16xi32> to vector<1x16xi32>
    tpu.vector_store %arg16[%swap3A_647, %swap3A_648], %swap3A_651 {strides = array<i32>} : memref<4x128xi32, #tpu.memory_space<vmem>>, vector<1x16xi32>,
    %get3A_652 = arith.constant 352 : index
    %get3A_653 = tpu.vector_load %arg13[%get3A_652] {strides = array<i32>} : memref<512xi32, #tpu.memory_space<vmem>>, vector<16xi32>,
    %get3A_654 = vector.shape_cast %get3A_653 : vector<16xi32> to vector<16xi32>
    %add3A_655 = arith.constant 1 : i32
    %add3A_656 = vector.broadcast %add3A_655 : i32 to vector<16xi32>
    %add3A_657 = arith.addi %get3A_654, %add3A_656 : vector<16xi32>
    %swap3A_658 = arith.constant 2 : i32
    %swap3A_659 = arith.index_cast %swap3A_658 : i32 to index
    %swap3A_660 = arith.constant 96 : index
    %swap3A_661 = tpu.vector_load %arg16[%swap3A_659, %swap3A_660] {strides = array<i32>} : memref<4x128xi32, #tpu.memory_space<vmem>>, vector<1x16xi32>,
    %swap3A_662 = vector.shape_cast %swap3A_661 : vector<1x16xi32> to vector<16xi32>
    %swap3A_663 = vector.shape_cast %add3A_657 : vector<16xi32> to vector<1x16xi32>
    tpu.vector_store %arg16[%swap3A_659, %swap3A_660], %swap3A_663 {strides = array<i32>} : memref<4x128xi32, #tpu.memory_space<vmem>>, vector<1x16xi32>,
    %get3A_664 = arith.constant 368 : index
    %get3A_665 = tpu.vector_load %arg13[%get3A_664] {strides = array<i32>} : memref<512xi32, #tpu.memory_space<vmem>>, vector<16xi32>,
    %get3A_666 = vector.shape_cast %get3A_665 : vector<16xi32> to vector<16xi32>
    %add3A_667 = arith.constant 1 : i32
    %add3A_668 = vector.broadcast %add3A_667 : i32 to vector<16xi32>
    %add3A_669 = arith.addi %get3A_666, %add3A_668 : vector<16xi32>
    %swap3A_670 = arith.constant 2 : i32
    %swap3A_671 = arith.index_cast %swap3A_670 : i32 to index
    %swap3A_672 = arith.constant 112 : index
    %swap3A_673 = tpu.vector_load %arg16[%swap3A_671, %swap3A_672] {strides = array<i32>} : memref<4x128xi32, #tpu.memory_space<vmem>>, vector<1x16xi32>,
    %swap3A_674 = vector.shape_cast %swap3A_673 : vector<1x16xi32> to vector<16xi32>
    %swap3A_675 = vector.shape_cast %add3A_669 : vector<16xi32> to vector<1x16xi32>
    tpu.vector_store %arg16[%swap3A_671, %swap3A_672], %swap3A_675 {strides = array<i32>} : memref<4x128xi32, #tpu.memory_space<vmem>>, vector<1x16xi32>,
    %get3A_676 = arith.constant 384 : index
    %get3A_677 = tpu.vector_load %arg13[%get3A_676] {strides = array<i32>} : memref<512xi32, #tpu.memory_space<vmem>>, vector<16xi32>,
    %get3A_678 = vector.shape_cast %get3A_677 : vector<16xi32> to vector<16xi32>
    %add3A_679 = arith.constant 1 : i32
    %add3A_680 = vector.broadcast %add3A_679 : i32 to vector<16xi32>
    %add3A_681 = arith.addi %get3A_678, %add3A_680 : vector<16xi32>
    %swap3A_682 = arith.constant 3 : i32
    %swap3A_683 = arith.index_cast %swap3A_682 : i32 to index
    %swap3A_684 = arith.constant 0 : index
    %swap3A_685 = tpu.vector_load %arg16[%swap3A_683, %swap3A_684] {strides = array<i32>} : memref<4x128xi32, #tpu.memory_space<vmem>>, vector<1x16xi32>,
    %swap3A_686 = vector.shape_cast %swap3A_685 : vector<1x16xi32> to vector<16xi32>
    %swap3A_687 = vector.shape_cast %add3A_681 : vector<16xi32> to vector<1x16xi32>
    tpu.vector_store %arg16[%swap3A_683, %swap3A_684], %swap3A_687 {strides = array<i32>} : memref<4x128xi32, #tpu.memory_space<vmem>>, vector<1x16xi32>,
    %get3A_688 = arith.constant 400 : index
    %get3A_689 = tpu.vector_load %arg13[%get3A_688] {strides = array<i32>} : memref<512xi32, #tpu.memory_space<vmem>>, vector<16xi32>,
    %get3A_690 = vector.shape_cast %get3A_689 : vector<16xi32> to vector<16xi32>
    %add3A_691 = arith.constant 1 : i32
    %add3A_692 = vector.broadcast %add3A_691 : i32 to vector<16xi32>
    %add3A_693 = arith.addi %get3A_690, %add3A_692 : vector<16xi32>
    %swap3A_694 = arith.constant 3 : i32
    %swap3A_695 = arith.index_cast %swap3A_694 : i32 to index
    %swap3A_696 = arith.constant 16 : index
    %swap3A_697 = tpu.vector_load %arg16[%swap3A_695, %swap3A_696] {strides = array<i32>} : memref<4x128xi32, #tpu.memory_space<vmem>>, vector<1x16xi32>,
    %swap3A_698 = vector.shape_cast %swap3A_697 : vector<1x16xi32> to vector<16xi32>
    %swap3A_699 = vector.shape_cast %add3A_693 : vector<16xi32> to vector<1x16xi32>
    tpu.vector_store %arg16[%swap3A_695, %swap3A_696], %swap3A_699 {strides = array<i32>} : memref<4x128xi32, #tpu.memory_space<vmem>>, vector<1x16xi32>,
    %get3A_700 = arith.constant 416 : index
    %get3A_701 = tpu.vector_load %arg13[%get3A_700] {strides = array<i32>} : memref<512xi32, #tpu.memory_space<vmem>>, vector<16xi32>,
    %get3A_702 = vector.shape_cast %get3A_701 : vector<16xi32> to vector<16xi32>
    %add3A_703 = arith.constant 1 : i32
    %add3A_704 = vector.broadcast %add3A_703 : i32 to vector<16xi32>
    %add3A_705 = arith.addi %get3A_702, %add3A_704 : vector<16xi32>
    %swap3A_706 = arith.constant 3 : i32
    %swap3A_707 = arith.index_cast %swap3A_706 : i32 to index
    %swap3A_708 = arith.constant 32 : index
    %swap3A_709 = tpu.vector_load %arg16[%swap3A_707, %swap3A_708] {strides = array<i32>} : memref<4x128xi32, #tpu.memory_space<vmem>>, vector<1x16xi32>,
    %swap3A_710 = vector.shape_cast %swap3A_709 : vector<1x16xi32> to vector<16xi32>
    %swap3A_711 = vector.shape_cast %add3A_705 : vector<16xi32> to vector<1x16xi32>
    tpu.vector_store %arg16[%swap3A_707, %swap3A_708], %swap3A_711 {strides = array<i32>} : memref<4x128xi32, #tpu.memory_space<vmem>>, vector<1x16xi32>,
    %get3A_712 = arith.constant 432 : index
    %get3A_713 = tpu.vector_load %arg13[%get3A_712] {strides = array<i32>} : memref<512xi32, #tpu.memory_space<vmem>>, vector<16xi32>,
    %get3A_714 = vector.shape_cast %get3A_713 : vector<16xi32> to vector<16xi32>
    %add3A_715 = arith.constant 1 : i32
    %add3A_716 = vector.broadcast %add3A_715 : i32 to vector<16xi32>
    %add3A_717 = arith.addi %get3A_714, %add3A_716 : vector<16xi32>
    %swap3A_718 = arith.constant 3 : i32
    %swap3A_719 = arith.index_cast %swap3A_718 : i32 to index
    %swap3A_720 = arith.constant 48 : index
    %swap3A_721 = tpu.vector_load %arg16[%swap3A_719, %swap3A_720] {strides = array<i32>} : memref<4x128xi32, #tpu.memory_space<vmem>>, vector<1x16xi32>,
    %swap3A_722 = vector.shape_cast %swap3A_721 : vector<1x16xi32> to vector<16xi32>
    %swap3A_723 = vector.shape_cast %add3A_717 : vector<16xi32> to vector<1x16xi32>
    tpu.vector_store %arg16[%swap3A_719, %swap3A_720], %swap3A_723 {strides = array<i32>} : memref<4x128xi32, #tpu.memory_space<vmem>>, vector<1x16xi32>,
    %get3A_724 = arith.constant 448 : index
    %get3A_725 = tpu.vector_load %arg13[%get3A_724] {strides = array<i32>} : memref<512xi32, #tpu.memory_space<vmem>>, vector<16xi32>,
    %get3A_726 = vector.shape_cast %get3A_725 : vector<16xi32> to vector<16xi32>
    %add3A_727 = arith.constant 1 : i32
    %add3A_728 = vector.broadcast %add3A_727 : i32 to vector<16xi32>
    %add3A_729 = arith.addi %get3A_726, %add3A_728 : vector<16xi32>
    %swap3A_730 = arith.constant 3 : i32
    %swap3A_731 = arith.index_cast %swap3A_730 : i32 to index
    %swap3A_732 = arith.constant 64 : index
    %swap3A_733 = tpu.vector_load %arg16[%swap3A_731, %swap3A_732] {strides = array<i32>} : memref<4x128xi32, #tpu.memory_space<vmem>>, vector<1x16xi32>,
    %swap3A_734 = vector.shape_cast %swap3A_733 : vector<1x16xi32> to vector<16xi32>
    %swap3A_735 = vector.shape_cast %add3A_729 : vector<16xi32> to vector<1x16xi32>
    tpu.vector_store %arg16[%swap3A_731, %swap3A_732], %swap3A_735 {strides = array<i32>} : memref<4x128xi32, #tpu.memory_space<vmem>>, vector<1x16xi32>,
    %get3A_736 = arith.constant 464 : index
    %get3A_737 = tpu.vector_load %arg13[%get3A_736] {strides = array<i32>} : memref<512xi32, #tpu.memory_space<vmem>>, vector<16xi32>,
    %get3A_738 = vector.shape_cast %get3A_737 : vector<16xi32> to vector<16xi32>
    %add3A_739 = arith.constant 1 : i32
    %add3A_740 = vector.broadcast %add3A_739 : i32 to vector<16xi32>
    %add3A_741 = arith.addi %get3A_738, %add3A_740 : vector<16xi32>
    %swap3A_742 = arith.constant 3 : i32
    %swap3A_743 = arith.index_cast %swap3A_742 : i32 to index
    %swap3A_744 = arith.constant 80 : index
    %swap3A_745 = tpu.vector_load %arg16[%swap3A_743, %swap3A_744] {strides = array<i32>} : memref<4x128xi32, #tpu.memory_space<vmem>>, vector<1x16xi32>,
    %swap3A_746 = vector.shape_cast %swap3A_745 : vector<1x16xi32> to vector<16xi32>
    %swap3A_747 = vector.shape_cast %add3A_741 : vector<16xi32> to vector<1x16xi32>
    tpu.vector_store %arg16[%swap3A_743, %swap3A_744], %swap3A_747 {strides = array<i32>} : memref<4x128xi32, #tpu.memory_space<vmem>>, vector<1x16xi32>,
    %get3A_748 = arith.constant 480 : index
    %get3A_749 = tpu.vector_load %arg13[%get3A_748] {strides = array<i32>} : memref<512xi32, #tpu.memory_space<vmem>>, vector<16xi32>,
    %get3A_750 = vector.shape_cast %get3A_749 : vector<16xi32> to vector<16xi32>
    %add3A_751 = arith.constant 1 : i32
    %add3A_752 = vector.broadcast %add3A_751 : i32 to vector<16xi32>
    %add3A_753 = arith.addi %get3A_750, %add3A_752 : vector<16xi32>
    %swap3A_754 = arith.constant 3 : i32
    %swap3A_755 = arith.index_cast %swap3A_754 : i32 to index
    %swap3A_756 = arith.constant 96 : index
    %swap3A_757 = tpu.vector_load %arg16[%swap3A_755, %swap3A_756] {strides = array<i32>} : memref<4x128xi32, #tpu.memory_space<vmem>>, vector<1x16xi32>,
    %swap3A_758 = vector.shape_cast %swap3A_757 : vector<1x16xi32> to vector<16xi32>
    %swap3A_759 = vector.shape_cast %add3A_753 : vector<16xi32> to vector<1x16xi32>
    tpu.vector_store %arg16[%swap3A_755, %swap3A_756], %swap3A_759 {strides = array<i32>} : memref<4x128xi32, #tpu.memory_space<vmem>>, vector<1x16xi32>,
    %get3A_760 = arith.constant 496 : index
    %get3A_761 = tpu.vector_load %arg13[%get3A_760] {strides = array<i32>} : memref<512xi32, #tpu.memory_space<vmem>>, vector<16xi32>,
    %get3A_762 = vector.shape_cast %get3A_761 : vector<16xi32> to vector<16xi32>
    %add3A_763 = arith.constant 1 : i32
    %add3A_764 = vector.broadcast %add3A_763 : i32 to vector<16xi32>
    %add3A_765 = arith.addi %get3A_762, %add3A_764 : vector<16xi32>
    %swap3A_766 = arith.constant 3 : i32
    %swap3A_767 = arith.index_cast %swap3A_766 : i32 to index
    %swap3A_768 = arith.constant 112 : index
    %swap3A_769 = tpu.vector_load %arg16[%swap3A_767, %swap3A_768] {strides = array<i32>} : memref<4x128xi32, #tpu.memory_space<vmem>>, vector<1x16xi32>,
    %swap3A_770 = vector.shape_cast %swap3A_769 : vector<1x16xi32> to vector<16xi32>
    %swap3A_771 = vector.shape_cast %add3A_765 : vector<16xi32> to vector<1x16xi32>
    tpu.vector_store %arg16[%swap3A_767, %swap3A_768], %swap3A_771 {strides = array<i32>} : memref<4x128xi32, #tpu.memory_space<vmem>>, vector<1x16xi32>,
    %run_scoped3A_772 = arith.constant 0 : i32
    "tpu.region"() ({
      %run_scoped3A_2065 = tpu.sem_alloc : memref<!tpu.dma_semaphore, #tpu.memory_space<semaphore_mem>>
      %dma_start3A = arith.constant 0 : i32
      %dma_start3A_2066 = arith.constant 0 : i32
      %dma_start3A_2067 = tpu.memref_slice %arg17[%dma_start3A, %dma_start3A_2066] : memref<512x64xf32, #tpu.memory_space<vmem>> -> memref<128x64xf32, #tpu.memory_space<vmem>>
      %dma_start3A_2068 = arith.constant 0 : i32
      %dma_start3A_2069 = tpu.memref_slice %arg16[%run_scoped3A_772, %dma_start3A_2068] : memref<4x128xi32, #tpu.memory_space<vmem>> -> memref<1x128xi32, #tpu.memory_space<vmem>>
      %dma_start3A_2070 = tpu.memref_squeeze %dma_start3A_2069 : memref<1x128xi32, #tpu.memory_space<vmem>> -> memref<128xi32, #tpu.memory_space<vmem>>
      %dma_start3A_2071 = arith.constant 0 : i32
      %dma_start3A_2072 = arith.constant 0 : i32
      %dma_start3A_2073 = tpu.memref_slice %arg8[%dma_start3A_2071, %dma_start3A_2072] : memref<100001x64xf32, #tpu.memory_space<hbm>> -> memref<100001x64xf32, #tpu.memory_space<hbm>>
      tpu.enqueue_indirect_dma source(%dma_start3A_2073 : memref<100001x64xf32, #tpu.memory_space<hbm>>) target(%dma_start3A_2067 : memref<128x64xf32, #tpu.memory_space<vmem>>) offsets(%dma_start3A_2070 : memref<128xi32, #tpu.memory_space<vmem>>) semaphore(%run_scoped3A_2065 : memref<!tpu.dma_semaphore, #tpu.memory_space<semaphore_mem>>)
      %dma_wait3A = arith.constant 0 : i32
      %dma_wait3A_2074 = arith.constant 0 : i32
      %dma_wait3A_2075 = tpu.memref_slice %arg17[%dma_wait3A, %dma_wait3A_2074] : memref<512x64xf32, #tpu.memory_space<vmem>> -> memref<128x64xf32, #tpu.memory_space<vmem>>
      %dma_wait3A_2076 = arith.constant 0 : i32
      %dma_wait3A_2077 = tpu.memref_slice %arg16[%run_scoped3A_772, %dma_wait3A_2076] : memref<4x128xi32, #tpu.memory_space<vmem>> -> memref<1x128xi32, #tpu.memory_space<vmem>>
      %dma_wait3A_2078 = tpu.memref_squeeze %dma_wait3A_2077 : memref<1x128xi32, #tpu.memory_space<vmem>> -> memref<128xi32, #tpu.memory_space<vmem>>
      %dma_wait3A_2079 = arith.constant 0 : i32
      %dma_wait3A_2080 = arith.constant 0 : i32
      %dma_wait3A_2081 = tpu.memref_slice %arg8[%dma_wait3A_2079, %dma_wait3A_2080] : memref<100001x64xf32, #tpu.memory_space<hbm>> -> memref<100001x64xf32, #tpu.memory_space<hbm>>
      tpu.wait_indirect_dma semaphore(%run_scoped3A_2065 : memref<!tpu.dma_semaphore, #tpu.memory_space<semaphore_mem>>) src(%dma_wait3A_2081 : memref<100001x64xf32, #tpu.memory_space<hbm>>) dst(%dma_wait3A_2075 : memref<128x64xf32, #tpu.memory_space<vmem>>)
      tpu.yield
    }) : () -> ()
    %run_scoped3A_773 = arith.constant 1 : i32
    "tpu.region"() ({
      %run_scoped3A_2065 = tpu.sem_alloc : memref<!tpu.dma_semaphore, #tpu.memory_space<semaphore_mem>>
      %dma_start3A = arith.constant 128 : i32
      %dma_start3A_2066 = arith.constant 0 : i32
      %dma_start3A_2067 = tpu.memref_slice %arg17[%dma_start3A, %dma_start3A_2066] : memref<512x64xf32, #tpu.memory_space<vmem>> -> memref<128x64xf32, #tpu.memory_space<vmem>>
      %dma_start3A_2068 = arith.constant 0 : i32
      %dma_start3A_2069 = tpu.memref_slice %arg16[%run_scoped3A_773, %dma_start3A_2068] : memref<4x128xi32, #tpu.memory_space<vmem>> -> memref<1x128xi32, #tpu.memory_space<vmem>>
      %dma_start3A_2070 = tpu.memref_squeeze %dma_start3A_2069 : memref<1x128xi32, #tpu.memory_space<vmem>> -> memref<128xi32, #tpu.memory_space<vmem>>
      %dma_start3A_2071 = arith.constant 0 : i32
      %dma_start3A_2072 = arith.constant 0 : i32
      %dma_start3A_2073 = tpu.memref_slice %arg8[%dma_start3A_2071, %dma_start3A_2072] : memref<100001x64xf32, #tpu.memory_space<hbm>> -> memref<100001x64xf32, #tpu.memory_space<hbm>>
      tpu.enqueue_indirect_dma source(%dma_start3A_2073 : memref<100001x64xf32, #tpu.memory_space<hbm>>) target(%dma_start3A_2067 : memref<128x64xf32, #tpu.memory_space<vmem>>) offsets(%dma_start3A_2070 : memref<128xi32, #tpu.memory_space<vmem>>) semaphore(%run_scoped3A_2065 : memref<!tpu.dma_semaphore, #tpu.memory_space<semaphore_mem>>)
      %dma_wait3A = arith.constant 128 : i32
      %dma_wait3A_2074 = arith.constant 0 : i32
      %dma_wait3A_2075 = tpu.memref_slice %arg17[%dma_wait3A, %dma_wait3A_2074] : memref<512x64xf32, #tpu.memory_space<vmem>> -> memref<128x64xf32, #tpu.memory_space<vmem>>
      %dma_wait3A_2076 = arith.constant 0 : i32
      %dma_wait3A_2077 = tpu.memref_slice %arg16[%run_scoped3A_773, %dma_wait3A_2076] : memref<4x128xi32, #tpu.memory_space<vmem>> -> memref<1x128xi32, #tpu.memory_space<vmem>>
      %dma_wait3A_2078 = tpu.memref_squeeze %dma_wait3A_2077 : memref<1x128xi32, #tpu.memory_space<vmem>> -> memref<128xi32, #tpu.memory_space<vmem>>
      %dma_wait3A_2079 = arith.constant 0 : i32
      %dma_wait3A_2080 = arith.constant 0 : i32
      %dma_wait3A_2081 = tpu.memref_slice %arg8[%dma_wait3A_2079, %dma_wait3A_2080] : memref<100001x64xf32, #tpu.memory_space<hbm>> -> memref<100001x64xf32, #tpu.memory_space<hbm>>
      tpu.wait_indirect_dma semaphore(%run_scoped3A_2065 : memref<!tpu.dma_semaphore, #tpu.memory_space<semaphore_mem>>) src(%dma_wait3A_2081 : memref<100001x64xf32, #tpu.memory_space<hbm>>) dst(%dma_wait3A_2075 : memref<128x64xf32, #tpu.memory_space<vmem>>)
      tpu.yield
    }) : () -> ()
    %run_scoped3A_774 = arith.constant 2 : i32
    "tpu.region"() ({
      %run_scoped3A_2065 = tpu.sem_alloc : memref<!tpu.dma_semaphore, #tpu.memory_space<semaphore_mem>>
      %dma_start3A = arith.constant 256 : i32
      %dma_start3A_2066 = arith.constant 0 : i32
      %dma_start3A_2067 = tpu.memref_slice %arg17[%dma_start3A, %dma_start3A_2066] : memref<512x64xf32, #tpu.memory_space<vmem>> -> memref<128x64xf32, #tpu.memory_space<vmem>>
      %dma_start3A_2068 = arith.constant 0 : i32
      %dma_start3A_2069 = tpu.memref_slice %arg16[%run_scoped3A_774, %dma_start3A_2068] : memref<4x128xi32, #tpu.memory_space<vmem>> -> memref<1x128xi32, #tpu.memory_space<vmem>>
      %dma_start3A_2070 = tpu.memref_squeeze %dma_start3A_2069 : memref<1x128xi32, #tpu.memory_space<vmem>> -> memref<128xi32, #tpu.memory_space<vmem>>
      %dma_start3A_2071 = arith.constant 0 : i32
      %dma_start3A_2072 = arith.constant 0 : i32
      %dma_start3A_2073 = tpu.memref_slice %arg8[%dma_start3A_2071, %dma_start3A_2072] : memref<100001x64xf32, #tpu.memory_space<hbm>> -> memref<100001x64xf32, #tpu.memory_space<hbm>>
      tpu.enqueue_indirect_dma source(%dma_start3A_2073 : memref<100001x64xf32, #tpu.memory_space<hbm>>) target(%dma_start3A_2067 : memref<128x64xf32, #tpu.memory_space<vmem>>) offsets(%dma_start3A_2070 : memref<128xi32, #tpu.memory_space<vmem>>) semaphore(%run_scoped3A_2065 : memref<!tpu.dma_semaphore, #tpu.memory_space<semaphore_mem>>)
      %dma_wait3A = arith.constant 256 : i32
      %dma_wait3A_2074 = arith.constant 0 : i32
      %dma_wait3A_2075 = tpu.memref_slice %arg17[%dma_wait3A, %dma_wait3A_2074] : memref<512x64xf32, #tpu.memory_space<vmem>> -> memref<128x64xf32, #tpu.memory_space<vmem>>
      %dma_wait3A_2076 = arith.constant 0 : i32
      %dma_wait3A_2077 = tpu.memref_slice %arg16[%run_scoped3A_774, %dma_wait3A_2076] : memref<4x128xi32, #tpu.memory_space<vmem>> -> memref<1x128xi32, #tpu.memory_space<vmem>>
      %dma_wait3A_2078 = tpu.memref_squeeze %dma_wait3A_2077 : memref<1x128xi32, #tpu.memory_space<vmem>> -> memref<128xi32, #tpu.memory_space<vmem>>
      %dma_wait3A_2079 = arith.constant 0 : i32
      %dma_wait3A_2080 = arith.constant 0 : i32
      %dma_wait3A_2081 = tpu.memref_slice %arg8[%dma_wait3A_2079, %dma_wait3A_2080] : memref<100001x64xf32, #tpu.memory_space<hbm>> -> memref<100001x64xf32, #tpu.memory_space<hbm>>
      tpu.wait_indirect_dma semaphore(%run_scoped3A_2065 : memref<!tpu.dma_semaphore, #tpu.memory_space<semaphore_mem>>) src(%dma_wait3A_2081 : memref<100001x64xf32, #tpu.memory_space<hbm>>) dst(%dma_wait3A_2075 : memref<128x64xf32, #tpu.memory_space<vmem>>)
      tpu.yield
    }) : () -> ()
    %run_scoped3A_775 = arith.constant 3 : i32
    "tpu.region"() ({
      %run_scoped3A_2065 = tpu.sem_alloc : memref<!tpu.dma_semaphore, #tpu.memory_space<semaphore_mem>>
      %dma_start3A = arith.constant 384 : i32
      %dma_start3A_2066 = arith.constant 0 : i32
      %dma_start3A_2067 = tpu.memref_slice %arg17[%dma_start3A, %dma_start3A_2066] : memref<512x64xf32, #tpu.memory_space<vmem>> -> memref<128x64xf32, #tpu.memory_space<vmem>>
      %dma_start3A_2068 = arith.constant 0 : i32
      %dma_start3A_2069 = tpu.memref_slice %arg16[%run_scoped3A_775, %dma_start3A_2068] : memref<4x128xi32, #tpu.memory_space<vmem>> -> memref<1x128xi32, #tpu.memory_space<vmem>>
      %dma_start3A_2070 = tpu.memref_squeeze %dma_start3A_2069 : memref<1x128xi32, #tpu.memory_space<vmem>> -> memref<128xi32, #tpu.memory_space<vmem>>
      %dma_start3A_2071 = arith.constant 0 : i32
      %dma_start3A_2072 = arith.constant 0 : i32
      %dma_start3A_2073 = tpu.memref_slice %arg8[%dma_start3A_2071, %dma_start3A_2072] : memref<100001x64xf32, #tpu.memory_space<hbm>> -> memref<100001x64xf32, #tpu.memory_space<hbm>>
      tpu.enqueue_indirect_dma source(%dma_start3A_2073 : memref<100001x64xf32, #tpu.memory_space<hbm>>) target(%dma_start3A_2067 : memref<128x64xf32, #tpu.memory_space<vmem>>) offsets(%dma_start3A_2070 : memref<128xi32, #tpu.memory_space<vmem>>) semaphore(%run_scoped3A_2065 : memref<!tpu.dma_semaphore, #tpu.memory_space<semaphore_mem>>)
      %dma_wait3A = arith.constant 384 : i32
      %dma_wait3A_2074 = arith.constant 0 : i32
      %dma_wait3A_2075 = tpu.memref_slice %arg17[%dma_wait3A, %dma_wait3A_2074] : memref<512x64xf32, #tpu.memory_space<vmem>> -> memref<128x64xf32, #tpu.memory_space<vmem>>
      %dma_wait3A_2076 = arith.constant 0 : i32
      %dma_wait3A_2077 = tpu.memref_slice %arg16[%run_scoped3A_775, %dma_wait3A_2076] : memref<4x128xi32, #tpu.memory_space<vmem>> -> memref<1x128xi32, #tpu.memory_space<vmem>>
      %dma_wait3A_2078 = tpu.memref_squeeze %dma_wait3A_2077 : memref<1x128xi32, #tpu.memory_space<vmem>> -> memref<128xi32, #tpu.memory_space<vmem>>
      %dma_wait3A_2079 = arith.constant 0 : i32
      %dma_wait3A_2080 = arith.constant 0 : i32
      %dma_wait3A_2081 = tpu.memref_slice %arg8[%dma_wait3A_2079, %dma_wait3A_2080] : memref<100001x64xf32, #tpu.memory_space<hbm>> -> memref<100001x64xf32, #tpu.memory_space<hbm>>
      tpu.wait_indirect_dma semaphore(%run_scoped3A_2065 : memref<!tpu.dma_semaphore, #tpu.memory_space<semaphore_mem>>) src(%dma_wait3A_2081 : memref<100001x64xf32, #tpu.memory_space<hbm>>) dst(%dma_wait3A_2075 : memref<128x64xf32, #tpu.memory_space<vmem>>)
      tpu.yield
    }) : () -> ()
    "tpu.region"() ({
      %run_scoped3A_2065 = tpu.sem_alloc : memref<!tpu.dma_semaphore, #tpu.memory_space<semaphore_mem>>
      %dma_start3A = arith.constant 0 : i32
      %dma_start3A_2066 = tpu.memref_slice %arg12[%mul3A_2, %dma_start3A] : memref<16384x64xf32, #tpu.memory_space<hbm>> -> memref<512x64xf32, #tpu.memory_space<hbm>>
      %dma_start3A_2067 = arith.constant 0 : i32
      %dma_start3A_2068 = tpu.memref_slice %arg12[%mul3A_2, %dma_start3A_2067] : memref<16384x64xf32, #tpu.memory_space<hbm>> -> memref<512x64xf32, #tpu.memory_space<hbm>>
      tpu.enqueue_dma source(%arg17 : memref<512x64xf32, #tpu.memory_space<vmem>>) target(%dma_start3A_2068 : memref<512x64xf32, #tpu.memory_space<hbm>>) target_semaphore(%run_scoped3A_2065 : memref<!tpu.dma_semaphore, #tpu.memory_space<semaphore_mem>>)
      %dma_wait3A = arith.constant 0 : i32
      %dma_wait3A_2069 = tpu.memref_slice %arg12[%mul3A_2, %dma_wait3A] : memref<16384x64xf32, #tpu.memory_space<hbm>> -> memref<512x64xf32, #tpu.memory_space<hbm>>
      %dma_wait3A_2070 = arith.constant 0 : i32
      %dma_wait3A_2071 = tpu.memref_slice %arg12[%mul3A_2, %dma_wait3A_2070] : memref<16384x64xf32, #tpu.memory_space<hbm>> -> memref<512x64xf32, #tpu.memory_space<hbm>>
      tpu.wait_dma2 semaphore(%run_scoped3A_2065 : memref<!tpu.dma_semaphore, #tpu.memory_space<semaphore_mem>>) src(%arg17 : memref<512x64xf32, #tpu.memory_space<vmem>>) dst(%dma_wait3A_2071 : memref<512x64xf32, #tpu.memory_space<hbm>>)
      tpu.yield
    }) : () -> ()
    "tpu.region"() ({
      %run_scoped3A_2065 = tpu.sem_alloc : memref<!tpu.dma_semaphore, #tpu.memory_space<semaphore_mem>>
      %dma_start3A = tpu.memref_slice %arg3[%mul3A_2] : memref<16384xi32, #tpu.memory_space<hbm>> -> memref<512xi32, #tpu.memory_space<hbm>>
      %dma_start3A_2066 = tpu.memref_slice %arg3[%mul3A_2] : memref<16384xi32, #tpu.memory_space<hbm>> -> memref<512xi32, #tpu.memory_space<hbm>>
      tpu.enqueue_dma source(%dma_start3A_2066 : memref<512xi32, #tpu.memory_space<hbm>>) target(%arg13 : memref<512xi32, #tpu.memory_space<vmem>>) target_semaphore(%run_scoped3A_2065 : memref<!tpu.dma_semaphore, #tpu.memory_space<semaphore_mem>>)
      %dma_wait3A = tpu.memref_slice %arg3[%mul3A_2] : memref<16384xi32, #tpu.memory_space<hbm>> -> memref<512xi32, #tpu.memory_space<hbm>>
      %dma_wait3A_2067 = tpu.memref_slice %arg3[%mul3A_2] : memref<16384xi32, #tpu.memory_space<hbm>> -> memref<512xi32, #tpu.memory_space<hbm>>
      tpu.wait_dma2 semaphore(%run_scoped3A_2065 : memref<!tpu.dma_semaphore, #tpu.memory_space<semaphore_mem>>) src(%dma_wait3A_2067 : memref<512xi32, #tpu.memory_space<hbm>>) dst(%arg13 : memref<512xi32, #tpu.memory_space<vmem>>)
      tpu.yield
    }) : () -> ()
    %get3A_776 = arith.constant 0 : index
    %get3A_777 = tpu.vector_load %arg13[%get3A_776] {strides = array<i32>} : memref<512xi32, #tpu.memory_space<vmem>>, vector<16xi32>,
    %get3A_778 = vector.shape_cast %get3A_777 : vector<16xi32> to vector<16xi32>
    %swap3A_779 = arith.constant 0 : i32
    %swap3A_780 = arith.index_cast %swap3A_779 : i32 to index
    %swap3A_781 = arith.constant 0 : index
    %swap3A_782 = tpu.vector_load %arg16[%swap3A_780, %swap3A_781] {strides = array<i32>} : memref<4x128xi32, #tpu.memory_space<vmem>>, vector<1x16xi32>,
    %swap3A_783 = vector.shape_cast %swap3A_782 : vector<1x16xi32> to vector<16xi32>
    %swap3A_784 = vector.shape_cast %get3A_778 : vector<16xi32> to vector<1x16xi32>
    tpu.vector_store %arg16[%swap3A_780, %swap3A_781], %swap3A_784 {strides = array<i32>} : memref<4x128xi32, #tpu.memory_space<vmem>>, vector<1x16xi32>,
    %get3A_785 = arith.constant 16 : index
    %get3A_786 = tpu.vector_load %arg13[%get3A_785] {strides = array<i32>} : memref<512xi32, #tpu.memory_space<vmem>>, vector<16xi32>,
    %get3A_787 = vector.shape_cast %get3A_786 : vector<16xi32> to vector<16xi32>
    %swap3A_788 = arith.constant 0 : i32
    %swap3A_789 = arith.index_cast %swap3A_788 : i32 to index
    %swap3A_790 = arith.constant 16 : index
    %swap3A_791 = tpu.vector_load %arg16[%swap3A_789, %swap3A_790] {strides = array<i32>} : memref<4x128xi32, #tpu.memory_space<vmem>>, vector<1x16xi32>,
    %swap3A_792 = vector.shape_cast %swap3A_791 : vector<1x16xi32> to vector<16xi32>
    %swap3A_793 = vector.shape_cast %get3A_787 : vector<16xi32> to vector<1x16xi32>
    tpu.vector_store %arg16[%swap3A_789, %swap3A_790], %swap3A_793 {strides = array<i32>} : memref<4x128xi32, #tpu.memory_space<vmem>>, vector<1x16xi32>,
    %get3A_794 = arith.constant 32 : index
    %get3A_795 = tpu.vector_load %arg13[%get3A_794] {strides = array<i32>} : memref<512xi32, #tpu.memory_space<vmem>>, vector<16xi32>,
    %get3A_796 = vector.shape_cast %get3A_795 : vector<16xi32> to vector<16xi32>
    %swap3A_797 = arith.constant 0 : i32
    %swap3A_798 = arith.index_cast %swap3A_797 : i32 to index
    %swap3A_799 = arith.constant 32 : index
    %swap3A_800 = tpu.vector_load %arg16[%swap3A_798, %swap3A_799] {strides = array<i32>} : memref<4x128xi32, #tpu.memory_space<vmem>>, vector<1x16xi32>,
    %swap3A_801 = vector.shape_cast %swap3A_800 : vector<1x16xi32> to vector<16xi32>
    %swap3A_802 = vector.shape_cast %get3A_796 : vector<16xi32> to vector<1x16xi32>
    tpu.vector_store %arg16[%swap3A_798, %swap3A_799], %swap3A_802 {strides = array<i32>} : memref<4x128xi32, #tpu.memory_space<vmem>>, vector<1x16xi32>,
    %get3A_803 = arith.constant 48 : index
    %get3A_804 = tpu.vector_load %arg13[%get3A_803] {strides = array<i32>} : memref<512xi32, #tpu.memory_space<vmem>>, vector<16xi32>,
    %get3A_805 = vector.shape_cast %get3A_804 : vector<16xi32> to vector<16xi32>
    %swap3A_806 = arith.constant 0 : i32
    %swap3A_807 = arith.index_cast %swap3A_806 : i32 to index
    %swap3A_808 = arith.constant 48 : index
    %swap3A_809 = tpu.vector_load %arg16[%swap3A_807, %swap3A_808] {strides = array<i32>} : memref<4x128xi32, #tpu.memory_space<vmem>>, vector<1x16xi32>,
    %swap3A_810 = vector.shape_cast %swap3A_809 : vector<1x16xi32> to vector<16xi32>
    %swap3A_811 = vector.shape_cast %get3A_805 : vector<16xi32> to vector<1x16xi32>
    tpu.vector_store %arg16[%swap3A_807, %swap3A_808], %swap3A_811 {strides = array<i32>} : memref<4x128xi32, #tpu.memory_space<vmem>>, vector<1x16xi32>,
    %get3A_812 = arith.constant 64 : index
    %get3A_813 = tpu.vector_load %arg13[%get3A_812] {strides = array<i32>} : memref<512xi32, #tpu.memory_space<vmem>>, vector<16xi32>,
    %get3A_814 = vector.shape_cast %get3A_813 : vector<16xi32> to vector<16xi32>
    %swap3A_815 = arith.constant 0 : i32
    %swap3A_816 = arith.index_cast %swap3A_815 : i32 to index
    %swap3A_817 = arith.constant 64 : index
    %swap3A_818 = tpu.vector_load %arg16[%swap3A_816, %swap3A_817] {strides = array<i32>} : memref<4x128xi32, #tpu.memory_space<vmem>>, vector<1x16xi32>,
    %swap3A_819 = vector.shape_cast %swap3A_818 : vector<1x16xi32> to vector<16xi32>
    %swap3A_820 = vector.shape_cast %get3A_814 : vector<16xi32> to vector<1x16xi32>
    tpu.vector_store %arg16[%swap3A_816, %swap3A_817], %swap3A_820 {strides = array<i32>} : memref<4x128xi32, #tpu.memory_space<vmem>>, vector<1x16xi32>,
    %get3A_821 = arith.constant 80 : index
    %get3A_822 = tpu.vector_load %arg13[%get3A_821] {strides = array<i32>} : memref<512xi32, #tpu.memory_space<vmem>>, vector<16xi32>,
    %get3A_823 = vector.shape_cast %get3A_822 : vector<16xi32> to vector<16xi32>
    %swap3A_824 = arith.constant 0 : i32
    %swap3A_825 = arith.index_cast %swap3A_824 : i32 to index
    %swap3A_826 = arith.constant 80 : index
    %swap3A_827 = tpu.vector_load %arg16[%swap3A_825, %swap3A_826] {strides = array<i32>} : memref<4x128xi32, #tpu.memory_space<vmem>>, vector<1x16xi32>,
    %swap3A_828 = vector.shape_cast %swap3A_827 : vector<1x16xi32> to vector<16xi32>
    %swap3A_829 = vector.shape_cast %get3A_823 : vector<16xi32> to vector<1x16xi32>
    tpu.vector_store %arg16[%swap3A_825, %swap3A_826], %swap3A_829 {strides = array<i32>} : memref<4x128xi32, #tpu.memory_space<vmem>>, vector<1x16xi32>,
    %get3A_830 = arith.constant 96 : index
    %get3A_831 = tpu.vector_load %arg13[%get3A_830] {strides = array<i32>} : memref<512xi32, #tpu.memory_space<vmem>>, vector<16xi32>,
    %get3A_832 = vector.shape_cast %get3A_831 : vector<16xi32> to vector<16xi32>
    %swap3A_833 = arith.constant 0 : i32
    %swap3A_834 = arith.index_cast %swap3A_833 : i32 to index
    %swap3A_835 = arith.constant 96 : index
    %swap3A_836 = tpu.vector_load %arg16[%swap3A_834, %swap3A_835] {strides = array<i32>} : memref<4x128xi32, #tpu.memory_space<vmem>>, vector<1x16xi32>,
    %swap3A_837 = vector.shape_cast %swap3A_836 : vector<1x16xi32> to vector<16xi32>
    %swap3A_838 = vector.shape_cast %get3A_832 : vector<16xi32> to vector<1x16xi32>
    tpu.vector_store %arg16[%swap3A_834, %swap3A_835], %swap3A_838 {strides = array<i32>} : memref<4x128xi32, #tpu.memory_space<vmem>>, vector<1x16xi32>,
    %get3A_839 = arith.constant 112 : index
    %get3A_840 = tpu.vector_load %arg13[%get3A_839] {strides = array<i32>} : memref<512xi32, #tpu.memory_space<vmem>>, vector<16xi32>,
    %get3A_841 = vector.shape_cast %get3A_840 : vector<16xi32> to vector<16xi32>
    %swap3A_842 = arith.constant 0 : i32
    %swap3A_843 = arith.index_cast %swap3A_842 : i32 to index
    %swap3A_844 = arith.constant 112 : index
    %swap3A_845 = tpu.vector_load %arg16[%swap3A_843, %swap3A_844] {strides = array<i32>} : memref<4x128xi32, #tpu.memory_space<vmem>>, vector<1x16xi32>,
    %swap3A_846 = vector.shape_cast %swap3A_845 : vector<1x16xi32> to vector<16xi32>
    %swap3A_847 = vector.shape_cast %get3A_841 : vector<16xi32> to vector<1x16xi32>
    tpu.vector_store %arg16[%swap3A_843, %swap3A_844], %swap3A_847 {strides = array<i32>} : memref<4x128xi32, #tpu.memory_space<vmem>>, vector<1x16xi32>,
    %get3A_848 = arith.constant 128 : index
    %get3A_849 = tpu.vector_load %arg13[%get3A_848] {strides = array<i32>} : memref<512xi32, #tpu.memory_space<vmem>>, vector<16xi32>,
    %get3A_850 = vector.shape_cast %get3A_849 : vector<16xi32> to vector<16xi32>
    %swap3A_851 = arith.constant 1 : i32
    %swap3A_852 = arith.index_cast %swap3A_851 : i32 to index
    %swap3A_853 = arith.constant 0 : index
    %swap3A_854 = tpu.vector_load %arg16[%swap3A_852, %swap3A_853] {strides = array<i32>} : memref<4x128xi32, #tpu.memory_space<vmem>>, vector<1x16xi32>,
    %swap3A_855 = vector.shape_cast %swap3A_854 : vector<1x16xi32> to vector<16xi32>
    %swap3A_856 = vector.shape_cast %get3A_850 : vector<16xi32> to vector<1x16xi32>
    tpu.vector_store %arg16[%swap3A_852, %swap3A_853], %swap3A_856 {strides = array<i32>} : memref<4x128xi32, #tpu.memory_space<vmem>>, vector<1x16xi32>,
    %get3A_857 = arith.constant 144 : index
    %get3A_858 = tpu.vector_load %arg13[%get3A_857] {strides = array<i32>} : memref<512xi32, #tpu.memory_space<vmem>>, vector<16xi32>,
    %get3A_859 = vector.shape_cast %get3A_858 : vector<16xi32> to vector<16xi32>
    %swap3A_860 = arith.constant 1 : i32
    %swap3A_861 = arith.index_cast %swap3A_860 : i32 to index
    %swap3A_862 = arith.constant 16 : index
    %swap3A_863 = tpu.vector_load %arg16[%swap3A_861, %swap3A_862] {strides = array<i32>} : memref<4x128xi32, #tpu.memory_space<vmem>>, vector<1x16xi32>,
    %swap3A_864 = vector.shape_cast %swap3A_863 : vector<1x16xi32> to vector<16xi32>
    %swap3A_865 = vector.shape_cast %get3A_859 : vector<16xi32> to vector<1x16xi32>
    tpu.vector_store %arg16[%swap3A_861, %swap3A_862], %swap3A_865 {strides = array<i32>} : memref<4x128xi32, #tpu.memory_space<vmem>>, vector<1x16xi32>,
    %get3A_866 = arith.constant 160 : index
    %get3A_867 = tpu.vector_load %arg13[%get3A_866] {strides = array<i32>} : memref<512xi32, #tpu.memory_space<vmem>>, vector<16xi32>,
    %get3A_868 = vector.shape_cast %get3A_867 : vector<16xi32> to vector<16xi32>
    %swap3A_869 = arith.constant 1 : i32
    %swap3A_870 = arith.index_cast %swap3A_869 : i32 to index
    %swap3A_871 = arith.constant 32 : index
    %swap3A_872 = tpu.vector_load %arg16[%swap3A_870, %swap3A_871] {strides = array<i32>} : memref<4x128xi32, #tpu.memory_space<vmem>>, vector<1x16xi32>,
    %swap3A_873 = vector.shape_cast %swap3A_872 : vector<1x16xi32> to vector<16xi32>
    %swap3A_874 = vector.shape_cast %get3A_868 : vector<16xi32> to vector<1x16xi32>
    tpu.vector_store %arg16[%swap3A_870, %swap3A_871], %swap3A_874 {strides = array<i32>} : memref<4x128xi32, #tpu.memory_space<vmem>>, vector<1x16xi32>,
    %get3A_875 = arith.constant 176 : index
    %get3A_876 = tpu.vector_load %arg13[%get3A_875] {strides = array<i32>} : memref<512xi32, #tpu.memory_space<vmem>>, vector<16xi32>,
    %get3A_877 = vector.shape_cast %get3A_876 : vector<16xi32> to vector<16xi32>
    %swap3A_878 = arith.constant 1 : i32
    %swap3A_879 = arith.index_cast %swap3A_878 : i32 to index
    %swap3A_880 = arith.constant 48 : index
    %swap3A_881 = tpu.vector_load %arg16[%swap3A_879, %swap3A_880] {strides = array<i32>} : memref<4x128xi32, #tpu.memory_space<vmem>>, vector<1x16xi32>,
    %swap3A_882 = vector.shape_cast %swap3A_881 : vector<1x16xi32> to vector<16xi32>
    %swap3A_883 = vector.shape_cast %get3A_877 : vector<16xi32> to vector<1x16xi32>
    tpu.vector_store %arg16[%swap3A_879, %swap3A_880], %swap3A_883 {strides = array<i32>} : memref<4x128xi32, #tpu.memory_space<vmem>>, vector<1x16xi32>,
    %get3A_884 = arith.constant 192 : index
    %get3A_885 = tpu.vector_load %arg13[%get3A_884] {strides = array<i32>} : memref<512xi32, #tpu.memory_space<vmem>>, vector<16xi32>,
    %get3A_886 = vector.shape_cast %get3A_885 : vector<16xi32> to vector<16xi32>
    %swap3A_887 = arith.constant 1 : i32
    %swap3A_888 = arith.index_cast %swap3A_887 : i32 to index
    %swap3A_889 = arith.constant 64 : index
    %swap3A_890 = tpu.vector_load %arg16[%swap3A_888, %swap3A_889] {strides = array<i32>} : memref<4x128xi32, #tpu.memory_space<vmem>>, vector<1x16xi32>,
    %swap3A_891 = vector.shape_cast %swap3A_890 : vector<1x16xi32> to vector<16xi32>
    %swap3A_892 = vector.shape_cast %get3A_886 : vector<16xi32> to vector<1x16xi32>
    tpu.vector_store %arg16[%swap3A_888, %swap3A_889], %swap3A_892 {strides = array<i32>} : memref<4x128xi32, #tpu.memory_space<vmem>>, vector<1x16xi32>,
    %get3A_893 = arith.constant 208 : index
    %get3A_894 = tpu.vector_load %arg13[%get3A_893] {strides = array<i32>} : memref<512xi32, #tpu.memory_space<vmem>>, vector<16xi32>,
    %get3A_895 = vector.shape_cast %get3A_894 : vector<16xi32> to vector<16xi32>
    %swap3A_896 = arith.constant 1 : i32
    %swap3A_897 = arith.index_cast %swap3A_896 : i32 to index
    %swap3A_898 = arith.constant 80 : index
    %swap3A_899 = tpu.vector_load %arg16[%swap3A_897, %swap3A_898] {strides = array<i32>} : memref<4x128xi32, #tpu.memory_space<vmem>>, vector<1x16xi32>,
    %swap3A_900 = vector.shape_cast %swap3A_899 : vector<1x16xi32> to vector<16xi32>
    %swap3A_901 = vector.shape_cast %get3A_895 : vector<16xi32> to vector<1x16xi32>
    tpu.vector_store %arg16[%swap3A_897, %swap3A_898], %swap3A_901 {strides = array<i32>} : memref<4x128xi32, #tpu.memory_space<vmem>>, vector<1x16xi32>,
    %get3A_902 = arith.constant 224 : index
    %get3A_903 = tpu.vector_load %arg13[%get3A_902] {strides = array<i32>} : memref<512xi32, #tpu.memory_space<vmem>>, vector<16xi32>,
    %get3A_904 = vector.shape_cast %get3A_903 : vector<16xi32> to vector<16xi32>
    %swap3A_905 = arith.constant 1 : i32
    %swap3A_906 = arith.index_cast %swap3A_905 : i32 to index
    %swap3A_907 = arith.constant 96 : index
    %swap3A_908 = tpu.vector_load %arg16[%swap3A_906, %swap3A_907] {strides = array<i32>} : memref<4x128xi32, #tpu.memory_space<vmem>>, vector<1x16xi32>,
    %swap3A_909 = vector.shape_cast %swap3A_908 : vector<1x16xi32> to vector<16xi32>
    %swap3A_910 = vector.shape_cast %get3A_904 : vector<16xi32> to vector<1x16xi32>
    tpu.vector_store %arg16[%swap3A_906, %swap3A_907], %swap3A_910 {strides = array<i32>} : memref<4x128xi32, #tpu.memory_space<vmem>>, vector<1x16xi32>,
    %get3A_911 = arith.constant 240 : index
    %get3A_912 = tpu.vector_load %arg13[%get3A_911] {strides = array<i32>} : memref<512xi32, #tpu.memory_space<vmem>>, vector<16xi32>,
    %get3A_913 = vector.shape_cast %get3A_912 : vector<16xi32> to vector<16xi32>
    %swap3A_914 = arith.constant 1 : i32
    %swap3A_915 = arith.index_cast %swap3A_914 : i32 to index
    %swap3A_916 = arith.constant 112 : index
    %swap3A_917 = tpu.vector_load %arg16[%swap3A_915, %swap3A_916] {strides = array<i32>} : memref<4x128xi32, #tpu.memory_space<vmem>>, vector<1x16xi32>,
    %swap3A_918 = vector.shape_cast %swap3A_917 : vector<1x16xi32> to vector<16xi32>
    %swap3A_919 = vector.shape_cast %get3A_913 : vector<16xi32> to vector<1x16xi32>
    tpu.vector_store %arg16[%swap3A_915, %swap3A_916], %swap3A_919 {strides = array<i32>} : memref<4x128xi32, #tpu.memory_space<vmem>>, vector<1x16xi32>,
    %get3A_920 = arith.constant 256 : index
    %get3A_921 = tpu.vector_load %arg13[%get3A_920] {strides = array<i32>} : memref<512xi32, #tpu.memory_space<vmem>>, vector<16xi32>,
    %get3A_922 = vector.shape_cast %get3A_921 : vector<16xi32> to vector<16xi32>
    %swap3A_923 = arith.constant 2 : i32
    %swap3A_924 = arith.index_cast %swap3A_923 : i32 to index
    %swap3A_925 = arith.constant 0 : index
    %swap3A_926 = tpu.vector_load %arg16[%swap3A_924, %swap3A_925] {strides = array<i32>} : memref<4x128xi32, #tpu.memory_space<vmem>>, vector<1x16xi32>,
    %swap3A_927 = vector.shape_cast %swap3A_926 : vector<1x16xi32> to vector<16xi32>
    %swap3A_928 = vector.shape_cast %get3A_922 : vector<16xi32> to vector<1x16xi32>
    tpu.vector_store %arg16[%swap3A_924, %swap3A_925], %swap3A_928 {strides = array<i32>} : memref<4x128xi32, #tpu.memory_space<vmem>>, vector<1x16xi32>,
    %get3A_929 = arith.constant 272 : index
    %get3A_930 = tpu.vector_load %arg13[%get3A_929] {strides = array<i32>} : memref<512xi32, #tpu.memory_space<vmem>>, vector<16xi32>,
    %get3A_931 = vector.shape_cast %get3A_930 : vector<16xi32> to vector<16xi32>
    %swap3A_932 = arith.constant 2 : i32
    %swap3A_933 = arith.index_cast %swap3A_932 : i32 to index
    %swap3A_934 = arith.constant 16 : index
    %swap3A_935 = tpu.vector_load %arg16[%swap3A_933, %swap3A_934] {strides = array<i32>} : memref<4x128xi32, #tpu.memory_space<vmem>>, vector<1x16xi32>,
    %swap3A_936 = vector.shape_cast %swap3A_935 : vector<1x16xi32> to vector<16xi32>
    %swap3A_937 = vector.shape_cast %get3A_931 : vector<16xi32> to vector<1x16xi32>
    tpu.vector_store %arg16[%swap3A_933, %swap3A_934], %swap3A_937 {strides = array<i32>} : memref<4x128xi32, #tpu.memory_space<vmem>>, vector<1x16xi32>,
    %get3A_938 = arith.constant 288 : index
    %get3A_939 = tpu.vector_load %arg13[%get3A_938] {strides = array<i32>} : memref<512xi32, #tpu.memory_space<vmem>>, vector<16xi32>,
    %get3A_940 = vector.shape_cast %get3A_939 : vector<16xi32> to vector<16xi32>
    %swap3A_941 = arith.constant 2 : i32
    %swap3A_942 = arith.index_cast %swap3A_941 : i32 to index
    %swap3A_943 = arith.constant 32 : index
    %swap3A_944 = tpu.vector_load %arg16[%swap3A_942, %swap3A_943] {strides = array<i32>} : memref<4x128xi32, #tpu.memory_space<vmem>>, vector<1x16xi32>,
    %swap3A_945 = vector.shape_cast %swap3A_944 : vector<1x16xi32> to vector<16xi32>
    %swap3A_946 = vector.shape_cast %get3A_940 : vector<16xi32> to vector<1x16xi32>
    tpu.vector_store %arg16[%swap3A_942, %swap3A_943], %swap3A_946 {strides = array<i32>} : memref<4x128xi32, #tpu.memory_space<vmem>>, vector<1x16xi32>,
    %get3A_947 = arith.constant 304 : index
    %get3A_948 = tpu.vector_load %arg13[%get3A_947] {strides = array<i32>} : memref<512xi32, #tpu.memory_space<vmem>>, vector<16xi32>,
    %get3A_949 = vector.shape_cast %get3A_948 : vector<16xi32> to vector<16xi32>
    %swap3A_950 = arith.constant 2 : i32
    %swap3A_951 = arith.index_cast %swap3A_950 : i32 to index
    %swap3A_952 = arith.constant 48 : index
    %swap3A_953 = tpu.vector_load %arg16[%swap3A_951, %swap3A_952] {strides = array<i32>} : memref<4x128xi32, #tpu.memory_space<vmem>>, vector<1x16xi32>,
    %swap3A_954 = vector.shape_cast %swap3A_953 : vector<1x16xi32> to vector<16xi32>
    %swap3A_955 = vector.shape_cast %get3A_949 : vector<16xi32> to vector<1x16xi32>
    tpu.vector_store %arg16[%swap3A_951, %swap3A_952], %swap3A_955 {strides = array<i32>} : memref<4x128xi32, #tpu.memory_space<vmem>>, vector<1x16xi32>,
    %get3A_956 = arith.constant 320 : index
    %get3A_957 = tpu.vector_load %arg13[%get3A_956] {strides = array<i32>} : memref<512xi32, #tpu.memory_space<vmem>>, vector<16xi32>,
    %get3A_958 = vector.shape_cast %get3A_957 : vector<16xi32> to vector<16xi32>
    %swap3A_959 = arith.constant 2 : i32
    %swap3A_960 = arith.index_cast %swap3A_959 : i32 to index
    %swap3A_961 = arith.constant 64 : index
    %swap3A_962 = tpu.vector_load %arg16[%swap3A_960, %swap3A_961] {strides = array<i32>} : memref<4x128xi32, #tpu.memory_space<vmem>>, vector<1x16xi32>,
    %swap3A_963 = vector.shape_cast %swap3A_962 : vector<1x16xi32> to vector<16xi32>
    %swap3A_964 = vector.shape_cast %get3A_958 : vector<16xi32> to vector<1x16xi32>
    tpu.vector_store %arg16[%swap3A_960, %swap3A_961], %swap3A_964 {strides = array<i32>} : memref<4x128xi32, #tpu.memory_space<vmem>>, vector<1x16xi32>,
    %get3A_965 = arith.constant 336 : index
    %get3A_966 = tpu.vector_load %arg13[%get3A_965] {strides = array<i32>} : memref<512xi32, #tpu.memory_space<vmem>>, vector<16xi32>,
    %get3A_967 = vector.shape_cast %get3A_966 : vector<16xi32> to vector<16xi32>
    %swap3A_968 = arith.constant 2 : i32
    %swap3A_969 = arith.index_cast %swap3A_968 : i32 to index
    %swap3A_970 = arith.constant 80 : index
    %swap3A_971 = tpu.vector_load %arg16[%swap3A_969, %swap3A_970] {strides = array<i32>} : memref<4x128xi32, #tpu.memory_space<vmem>>, vector<1x16xi32>,
    %swap3A_972 = vector.shape_cast %swap3A_971 : vector<1x16xi32> to vector<16xi32>
    %swap3A_973 = vector.shape_cast %get3A_967 : vector<16xi32> to vector<1x16xi32>
    tpu.vector_store %arg16[%swap3A_969, %swap3A_970], %swap3A_973 {strides = array<i32>} : memref<4x128xi32, #tpu.memory_space<vmem>>, vector<1x16xi32>,
    %get3A_974 = arith.constant 352 : index
    %get3A_975 = tpu.vector_load %arg13[%get3A_974] {strides = array<i32>} : memref<512xi32, #tpu.memory_space<vmem>>, vector<16xi32>,
    %get3A_976 = vector.shape_cast %get3A_975 : vector<16xi32> to vector<16xi32>
    %swap3A_977 = arith.constant 2 : i32
    %swap3A_978 = arith.index_cast %swap3A_977 : i32 to index
    %swap3A_979 = arith.constant 96 : index
    %swap3A_980 = tpu.vector_load %arg16[%swap3A_978, %swap3A_979] {strides = array<i32>} : memref<4x128xi32, #tpu.memory_space<vmem>>, vector<1x16xi32>,
    %swap3A_981 = vector.shape_cast %swap3A_980 : vector<1x16xi32> to vector<16xi32>
    %swap3A_982 = vector.shape_cast %get3A_976 : vector<16xi32> to vector<1x16xi32>
    tpu.vector_store %arg16[%swap3A_978, %swap3A_979], %swap3A_982 {strides = array<i32>} : memref<4x128xi32, #tpu.memory_space<vmem>>, vector<1x16xi32>,
    %get3A_983 = arith.constant 368 : index
    %get3A_984 = tpu.vector_load %arg13[%get3A_983] {strides = array<i32>} : memref<512xi32, #tpu.memory_space<vmem>>, vector<16xi32>,
    %get3A_985 = vector.shape_cast %get3A_984 : vector<16xi32> to vector<16xi32>
    %swap3A_986 = arith.constant 2 : i32
    %swap3A_987 = arith.index_cast %swap3A_986 : i32 to index
    %swap3A_988 = arith.constant 112 : index
    %swap3A_989 = tpu.vector_load %arg16[%swap3A_987, %swap3A_988] {strides = array<i32>} : memref<4x128xi32, #tpu.memory_space<vmem>>, vector<1x16xi32>,
    %swap3A_990 = vector.shape_cast %swap3A_989 : vector<1x16xi32> to vector<16xi32>
    %swap3A_991 = vector.shape_cast %get3A_985 : vector<16xi32> to vector<1x16xi32>
    tpu.vector_store %arg16[%swap3A_987, %swap3A_988], %swap3A_991 {strides = array<i32>} : memref<4x128xi32, #tpu.memory_space<vmem>>, vector<1x16xi32>,
    %get3A_992 = arith.constant 384 : index
    %get3A_993 = tpu.vector_load %arg13[%get3A_992] {strides = array<i32>} : memref<512xi32, #tpu.memory_space<vmem>>, vector<16xi32>,
    %get3A_994 = vector.shape_cast %get3A_993 : vector<16xi32> to vector<16xi32>
    %swap3A_995 = arith.constant 3 : i32
    %swap3A_996 = arith.index_cast %swap3A_995 : i32 to index
    %swap3A_997 = arith.constant 0 : index
    %swap3A_998 = tpu.vector_load %arg16[%swap3A_996, %swap3A_997] {strides = array<i32>} : memref<4x128xi32, #tpu.memory_space<vmem>>, vector<1x16xi32>,
    %swap3A_999 = vector.shape_cast %swap3A_998 : vector<1x16xi32> to vector<16xi32>
    %swap3A_1000 = vector.shape_cast %get3A_994 : vector<16xi32> to vector<1x16xi32>
    tpu.vector_store %arg16[%swap3A_996, %swap3A_997], %swap3A_1000 {strides = array<i32>} : memref<4x128xi32, #tpu.memory_space<vmem>>, vector<1x16xi32>,
    %get3A_1001 = arith.constant 400 : index
    %get3A_1002 = tpu.vector_load %arg13[%get3A_1001] {strides = array<i32>} : memref<512xi32, #tpu.memory_space<vmem>>, vector<16xi32>,
    %get3A_1003 = vector.shape_cast %get3A_1002 : vector<16xi32> to vector<16xi32>
    %swap3A_1004 = arith.constant 3 : i32
    %swap3A_1005 = arith.index_cast %swap3A_1004 : i32 to index
    %swap3A_1006 = arith.constant 16 : index
    %swap3A_1007 = tpu.vector_load %arg16[%swap3A_1005, %swap3A_1006] {strides = array<i32>} : memref<4x128xi32, #tpu.memory_space<vmem>>, vector<1x16xi32>,
    %swap3A_1008 = vector.shape_cast %swap3A_1007 : vector<1x16xi32> to vector<16xi32>
    %swap3A_1009 = vector.shape_cast %get3A_1003 : vector<16xi32> to vector<1x16xi32>
    tpu.vector_store %arg16[%swap3A_1005, %swap3A_1006], %swap3A_1009 {strides = array<i32>} : memref<4x128xi32, #tpu.memory_space<vmem>>, vector<1x16xi32>,
    %get3A_1010 = arith.constant 416 : index
    %get3A_1011 = tpu.vector_load %arg13[%get3A_1010] {strides = array<i32>} : memref<512xi32, #tpu.memory_space<vmem>>, vector<16xi32>,
    %get3A_1012 = vector.shape_cast %get3A_1011 : vector<16xi32> to vector<16xi32>
    %swap3A_1013 = arith.constant 3 : i32
    %swap3A_1014 = arith.index_cast %swap3A_1013 : i32 to index
    %swap3A_1015 = arith.constant 32 : index
    %swap3A_1016 = tpu.vector_load %arg16[%swap3A_1014, %swap3A_1015] {strides = array<i32>} : memref<4x128xi32, #tpu.memory_space<vmem>>, vector<1x16xi32>,
    %swap3A_1017 = vector.shape_cast %swap3A_1016 : vector<1x16xi32> to vector<16xi32>
    %swap3A_1018 = vector.shape_cast %get3A_1012 : vector<16xi32> to vector<1x16xi32>
    tpu.vector_store %arg16[%swap3A_1014, %swap3A_1015], %swap3A_1018 {strides = array<i32>} : memref<4x128xi32, #tpu.memory_space<vmem>>, vector<1x16xi32>,
    %get3A_1019 = arith.constant 432 : index
    %get3A_1020 = tpu.vector_load %arg13[%get3A_1019] {strides = array<i32>} : memref<512xi32, #tpu.memory_space<vmem>>, vector<16xi32>,
    %get3A_1021 = vector.shape_cast %get3A_1020 : vector<16xi32> to vector<16xi32>
    %swap3A_1022 = arith.constant 3 : i32
    %swap3A_1023 = arith.index_cast %swap3A_1022 : i32 to index
    %swap3A_1024 = arith.constant 48 : index
    %swap3A_1025 = tpu.vector_load %arg16[%swap3A_1023, %swap3A_1024] {strides = array<i32>} : memref<4x128xi32, #tpu.memory_space<vmem>>, vector<1x16xi32>,
    %swap3A_1026 = vector.shape_cast %swap3A_1025 : vector<1x16xi32> to vector<16xi32>
    %swap3A_1027 = vector.shape_cast %get3A_1021 : vector<16xi32> to vector<1x16xi32>
    tpu.vector_store %arg16[%swap3A_1023, %swap3A_1024], %swap3A_1027 {strides = array<i32>} : memref<4x128xi32, #tpu.memory_space<vmem>>, vector<1x16xi32>,
    %get3A_1028 = arith.constant 448 : index
    %get3A_1029 = tpu.vector_load %arg13[%get3A_1028] {strides = array<i32>} : memref<512xi32, #tpu.memory_space<vmem>>, vector<16xi32>,
    %get3A_1030 = vector.shape_cast %get3A_1029 : vector<16xi32> to vector<16xi32>
    %swap3A_1031 = arith.constant 3 : i32
    %swap3A_1032 = arith.index_cast %swap3A_1031 : i32 to index
    %swap3A_1033 = arith.constant 64 : index
    %swap3A_1034 = tpu.vector_load %arg16[%swap3A_1032, %swap3A_1033] {strides = array<i32>} : memref<4x128xi32, #tpu.memory_space<vmem>>, vector<1x16xi32>,
    %swap3A_1035 = vector.shape_cast %swap3A_1034 : vector<1x16xi32> to vector<16xi32>
    %swap3A_1036 = vector.shape_cast %get3A_1030 : vector<16xi32> to vector<1x16xi32>
    tpu.vector_store %arg16[%swap3A_1032, %swap3A_1033], %swap3A_1036 {strides = array<i32>} : memref<4x128xi32, #tpu.memory_space<vmem>>, vector<1x16xi32>,
    %get3A_1037 = arith.constant 464 : index
    %get3A_1038 = tpu.vector_load %arg13[%get3A_1037] {strides = array<i32>} : memref<512xi32, #tpu.memory_space<vmem>>, vector<16xi32>,
    %get3A_1039 = vector.shape_cast %get3A_1038 : vector<16xi32> to vector<16xi32>
    %swap3A_1040 = arith.constant 3 : i32
    %swap3A_1041 = arith.index_cast %swap3A_1040 : i32 to index
    %swap3A_1042 = arith.constant 80 : index
    %swap3A_1043 = tpu.vector_load %arg16[%swap3A_1041, %swap3A_1042] {strides = array<i32>} : memref<4x128xi32, #tpu.memory_space<vmem>>, vector<1x16xi32>,
    %swap3A_1044 = vector.shape_cast %swap3A_1043 : vector<1x16xi32> to vector<16xi32>
    %swap3A_1045 = vector.shape_cast %get3A_1039 : vector<16xi32> to vector<1x16xi32>
    tpu.vector_store %arg16[%swap3A_1041, %swap3A_1042], %swap3A_1045 {strides = array<i32>} : memref<4x128xi32, #tpu.memory_space<vmem>>, vector<1x16xi32>,
    %get3A_1046 = arith.constant 480 : index
    %get3A_1047 = tpu.vector_load %arg13[%get3A_1046] {strides = array<i32>} : memref<512xi32, #tpu.memory_space<vmem>>, vector<16xi32>,
    %get3A_1048 = vector.shape_cast %get3A_1047 : vector<16xi32> to vector<16xi32>
    %swap3A_1049 = arith.constant 3 : i32
    %swap3A_1050 = arith.index_cast %swap3A_1049 : i32 to index
    %swap3A_1051 = arith.constant 96 : index
    %swap3A_1052 = tpu.vector_load %arg16[%swap3A_1050, %swap3A_1051] {strides = array<i32>} : memref<4x128xi32, #tpu.memory_space<vmem>>, vector<1x16xi32>,
    %swap3A_1053 = vector.shape_cast %swap3A_1052 : vector<1x16xi32> to vector<16xi32>
    %swap3A_1054 = vector.shape_cast %get3A_1048 : vector<16xi32> to vector<1x16xi32>
    tpu.vector_store %arg16[%swap3A_1050, %swap3A_1051], %swap3A_1054 {strides = array<i32>} : memref<4x128xi32, #tpu.memory_space<vmem>>, vector<1x16xi32>,
    %get3A_1055 = arith.constant 496 : index
    %get3A_1056 = tpu.vector_load %arg13[%get3A_1055] {strides = array<i32>} : memref<512xi32, #tpu.memory_space<vmem>>, vector<16xi32>,
    %get3A_1057 = vector.shape_cast %get3A_1056 : vector<16xi32> to vector<16xi32>
    %swap3A_1058 = arith.constant 3 : i32
    %swap3A_1059 = arith.index_cast %swap3A_1058 : i32 to index
    %swap3A_1060 = arith.constant 112 : index
    %swap3A_1061 = tpu.vector_load %arg16[%swap3A_1059, %swap3A_1060] {strides = array<i32>} : memref<4x128xi32, #tpu.memory_space<vmem>>, vector<1x16xi32>,
    %swap3A_1062 = vector.shape_cast %swap3A_1061 : vector<1x16xi32> to vector<16xi32>
    %swap3A_1063 = vector.shape_cast %get3A_1057 : vector<16xi32> to vector<1x16xi32>
    tpu.vector_store %arg16[%swap3A_1059, %swap3A_1060], %swap3A_1063 {strides = array<i32>} : memref<4x128xi32, #tpu.memory_space<vmem>>, vector<1x16xi32>,
    %run_scoped3A_1064 = arith.constant 0 : i32
    "tpu.region"() ({
      %run_scoped3A_2065 = tpu.sem_alloc : memref<!tpu.dma_semaphore, #tpu.memory_space<semaphore_mem>>
      %dma_start3A = arith.constant 0 : i32
      %dma_start3A_2066 = tpu.memref_slice %arg14[%dma_start3A] : memref<528xi32, #tpu.memory_space<vmem>> -> memref<128xi32, #tpu.memory_space<vmem>>
      %dma_start3A_2067 = arith.constant 0 : i32
      %dma_start3A_2068 = tpu.memref_slice %arg16[%run_scoped3A_1064, %dma_start3A_2067] : memref<4x128xi32, #tpu.memory_space<vmem>> -> memref<1x128xi32, #tpu.memory_space<vmem>>
      %dma_start3A_2069 = tpu.memref_squeeze %dma_start3A_2068 : memref<1x128xi32, #tpu.memory_space<vmem>> -> memref<128xi32, #tpu.memory_space<vmem>>
      %dma_start3A_2070 = arith.constant 0 : i32
      %dma_start3A_2071 = tpu.memref_slice %arg6[%dma_start3A_2070] : memref<100000xi32, #tpu.memory_space<hbm>> -> memref<100000xi32, #tpu.memory_space<hbm>>
      tpu.enqueue_indirect_dma source(%dma_start3A_2071 : memref<100000xi32, #tpu.memory_space<hbm>>) target(%dma_start3A_2066 : memref<128xi32, #tpu.memory_space<vmem>>) offsets(%dma_start3A_2069 : memref<128xi32, #tpu.memory_space<vmem>>) semaphore(%run_scoped3A_2065 : memref<!tpu.dma_semaphore, #tpu.memory_space<semaphore_mem>>)
      %dma_wait3A = arith.constant 0 : i32
      %dma_wait3A_2072 = tpu.memref_slice %arg14[%dma_wait3A] : memref<528xi32, #tpu.memory_space<vmem>> -> memref<128xi32, #tpu.memory_space<vmem>>
      %dma_wait3A_2073 = arith.constant 0 : i32
      %dma_wait3A_2074 = tpu.memref_slice %arg16[%run_scoped3A_1064, %dma_wait3A_2073] : memref<4x128xi32, #tpu.memory_space<vmem>> -> memref<1x128xi32, #tpu.memory_space<vmem>>
      %dma_wait3A_2075 = tpu.memref_squeeze %dma_wait3A_2074 : memref<1x128xi32, #tpu.memory_space<vmem>> -> memref<128xi32, #tpu.memory_space<vmem>>
      %dma_wait3A_2076 = arith.constant 0 : i32
      %dma_wait3A_2077 = tpu.memref_slice %arg6[%dma_wait3A_2076] : memref<100000xi32, #tpu.memory_space<hbm>> -> memref<100000xi32, #tpu.memory_space<hbm>>
      tpu.wait_indirect_dma semaphore(%run_scoped3A_2065 : memref<!tpu.dma_semaphore, #tpu.memory_space<semaphore_mem>>) src(%dma_wait3A_2077 : memref<100000xi32, #tpu.memory_space<hbm>>) dst(%dma_wait3A_2072 : memref<128xi32, #tpu.memory_space<vmem>>)
      tpu.yield
    }) : () -> ()
    %run_scoped3A_1065 = arith.constant 1 : i32
    "tpu.region"() ({
      %run_scoped3A_2065 = tpu.sem_alloc : memref<!tpu.dma_semaphore, #tpu.memory_space<semaphore_mem>>
      %dma_start3A = arith.constant 128 : i32
      %dma_start3A_2066 = tpu.memref_slice %arg14[%dma_start3A] : memref<528xi32, #tpu.memory_space<vmem>> -> memref<128xi32, #tpu.memory_space<vmem>>
      %dma_start3A_2067 = arith.constant 0 : i32
      %dma_start3A_2068 = tpu.memref_slice %arg16[%run_scoped3A_1065, %dma_start3A_2067] : memref<4x128xi32, #tpu.memory_space<vmem>> -> memref<1x128xi32, #tpu.memory_space<vmem>>
      %dma_start3A_2069 = tpu.memref_squeeze %dma_start3A_2068 : memref<1x128xi32, #tpu.memory_space<vmem>> -> memref<128xi32, #tpu.memory_space<vmem>>
      %dma_start3A_2070 = arith.constant 0 : i32
      %dma_start3A_2071 = tpu.memref_slice %arg6[%dma_start3A_2070] : memref<100000xi32, #tpu.memory_space<hbm>> -> memref<100000xi32, #tpu.memory_space<hbm>>
      tpu.enqueue_indirect_dma source(%dma_start3A_2071 : memref<100000xi32, #tpu.memory_space<hbm>>) target(%dma_start3A_2066 : memref<128xi32, #tpu.memory_space<vmem>>) offsets(%dma_start3A_2069 : memref<128xi32, #tpu.memory_space<vmem>>) semaphore(%run_scoped3A_2065 : memref<!tpu.dma_semaphore, #tpu.memory_space<semaphore_mem>>)
      %dma_wait3A = arith.constant 128 : i32
      %dma_wait3A_2072 = tpu.memref_slice %arg14[%dma_wait3A] : memref<528xi32, #tpu.memory_space<vmem>> -> memref<128xi32, #tpu.memory_space<vmem>>
      %dma_wait3A_2073 = arith.constant 0 : i32
      %dma_wait3A_2074 = tpu.memref_slice %arg16[%run_scoped3A_1065, %dma_wait3A_2073] : memref<4x128xi32, #tpu.memory_space<vmem>> -> memref<1x128xi32, #tpu.memory_space<vmem>>
      %dma_wait3A_2075 = tpu.memref_squeeze %dma_wait3A_2074 : memref<1x128xi32, #tpu.memory_space<vmem>> -> memref<128xi32, #tpu.memory_space<vmem>>
      %dma_wait3A_2076 = arith.constant 0 : i32
      %dma_wait3A_2077 = tpu.memref_slice %arg6[%dma_wait3A_2076] : memref<100000xi32, #tpu.memory_space<hbm>> -> memref<100000xi32, #tpu.memory_space<hbm>>
      tpu.wait_indirect_dma semaphore(%run_scoped3A_2065 : memref<!tpu.dma_semaphore, #tpu.memory_space<semaphore_mem>>) src(%dma_wait3A_2077 : memref<100000xi32, #tpu.memory_space<hbm>>) dst(%dma_wait3A_2072 : memref<128xi32, #tpu.memory_space<vmem>>)
      tpu.yield
    }) : () -> ()
    %run_scoped3A_1066 = arith.constant 2 : i32
    "tpu.region"() ({
      %run_scoped3A_2065 = tpu.sem_alloc : memref<!tpu.dma_semaphore, #tpu.memory_space<semaphore_mem>>
      %dma_start3A = arith.constant 256 : i32
      %dma_start3A_2066 = tpu.memref_slice %arg14[%dma_start3A] : memref<528xi32, #tpu.memory_space<vmem>> -> memref<128xi32, #tpu.memory_space<vmem>>
      %dma_start3A_2067 = arith.constant 0 : i32
      %dma_start3A_2068 = tpu.memref_slice %arg16[%run_scoped3A_1066, %dma_start3A_2067] : memref<4x128xi32, #tpu.memory_space<vmem>> -> memref<1x128xi32, #tpu.memory_space<vmem>>
      %dma_start3A_2069 = tpu.memref_squeeze %dma_start3A_2068 : memref<1x128xi32, #tpu.memory_space<vmem>> -> memref<128xi32, #tpu.memory_space<vmem>>
      %dma_start3A_2070 = arith.constant 0 : i32
      %dma_start3A_2071 = tpu.memref_slice %arg6[%dma_start3A_2070] : memref<100000xi32, #tpu.memory_space<hbm>> -> memref<100000xi32, #tpu.memory_space<hbm>>
      tpu.enqueue_indirect_dma source(%dma_start3A_2071 : memref<100000xi32, #tpu.memory_space<hbm>>) target(%dma_start3A_2066 : memref<128xi32, #tpu.memory_space<vmem>>) offsets(%dma_start3A_2069 : memref<128xi32, #tpu.memory_space<vmem>>) semaphore(%run_scoped3A_2065 : memref<!tpu.dma_semaphore, #tpu.memory_space<semaphore_mem>>)
      %dma_wait3A = arith.constant 256 : i32
      %dma_wait3A_2072 = tpu.memref_slice %arg14[%dma_wait3A] : memref<528xi32, #tpu.memory_space<vmem>> -> memref<128xi32, #tpu.memory_space<vmem>>
      %dma_wait3A_2073 = arith.constant 0 : i32
      %dma_wait3A_2074 = tpu.memref_slice %arg16[%run_scoped3A_1066, %dma_wait3A_2073] : memref<4x128xi32, #tpu.memory_space<vmem>> -> memref<1x128xi32, #tpu.memory_space<vmem>>
      %dma_wait3A_2075 = tpu.memref_squeeze %dma_wait3A_2074 : memref<1x128xi32, #tpu.memory_space<vmem>> -> memref<128xi32, #tpu.memory_space<vmem>>
      %dma_wait3A_2076 = arith.constant 0 : i32
      %dma_wait3A_2077 = tpu.memref_slice %arg6[%dma_wait3A_2076] : memref<100000xi32, #tpu.memory_space<hbm>> -> memref<100000xi32, #tpu.memory_space<hbm>>
      tpu.wait_indirect_dma semaphore(%run_scoped3A_2065 : memref<!tpu.dma_semaphore, #tpu.memory_space<semaphore_mem>>) src(%dma_wait3A_2077 : memref<100000xi32, #tpu.memory_space<hbm>>) dst(%dma_wait3A_2072 : memref<128xi32, #tpu.memory_space<vmem>>)
      tpu.yield
    }) : () -> ()
    %run_scoped3A_1067 = arith.constant 3 : i32
    "tpu.region"() ({
      %run_scoped3A_2065 = tpu.sem_alloc : memref<!tpu.dma_semaphore, #tpu.memory_space<semaphore_mem>>
      %dma_start3A = arith.constant 384 : i32
      %dma_start3A_2066 = tpu.memref_slice %arg14[%dma_start3A] : memref<528xi32, #tpu.memory_space<vmem>> -> memref<128xi32, #tpu.memory_space<vmem>>
      %dma_start3A_2067 = arith.constant 0 : i32
      %dma_start3A_2068 = tpu.memref_slice %arg16[%run_scoped3A_1067, %dma_start3A_2067] : memref<4x128xi32, #tpu.memory_space<vmem>> -> memref<1x128xi32, #tpu.memory_space<vmem>>
      %dma_start3A_2069 = tpu.memref_squeeze %dma_start3A_2068 : memref<1x128xi32, #tpu.memory_space<vmem>> -> memref<128xi32, #tpu.memory_space<vmem>>
      %dma_start3A_2070 = arith.constant 0 : i32
      %dma_start3A_2071 = tpu.memref_slice %arg6[%dma_start3A_2070] : memref<100000xi32, #tpu.memory_space<hbm>> -> memref<100000xi32, #tpu.memory_space<hbm>>
      tpu.enqueue_indirect_dma source(%dma_start3A_2071 : memref<100000xi32, #tpu.memory_space<hbm>>) target(%dma_start3A_2066 : memref<128xi32, #tpu.memory_space<vmem>>) offsets(%dma_start3A_2069 : memref<128xi32, #tpu.memory_space<vmem>>) semaphore(%run_scoped3A_2065 : memref<!tpu.dma_semaphore, #tpu.memory_space<semaphore_mem>>)
      %dma_wait3A = arith.constant 384 : i32
      %dma_wait3A_2072 = tpu.memref_slice %arg14[%dma_wait3A] : memref<528xi32, #tpu.memory_space<vmem>> -> memref<128xi32, #tpu.memory_space<vmem>>
      %dma_wait3A_2073 = arith.constant 0 : i32
      %dma_wait3A_2074 = tpu.memref_slice %arg16[%run_scoped3A_1067, %dma_wait3A_2073] : memref<4x128xi32, #tpu.memory_space<vmem>> -> memref<1x128xi32, #tpu.memory_space<vmem>>
      %dma_wait3A_2075 = tpu.memref_squeeze %dma_wait3A_2074 : memref<1x128xi32, #tpu.memory_space<vmem>> -> memref<128xi32, #tpu.memory_space<vmem>>
      %dma_wait3A_2076 = arith.constant 0 : i32
      %dma_wait3A_2077 = tpu.memref_slice %arg6[%dma_wait3A_2076] : memref<100000xi32, #tpu.memory_space<hbm>> -> memref<100000xi32, #tpu.memory_space<hbm>>
      tpu.wait_indirect_dma semaphore(%run_scoped3A_2065 : memref<!tpu.dma_semaphore, #tpu.memory_space<semaphore_mem>>) src(%dma_wait3A_2077 : memref<100000xi32, #tpu.memory_space<hbm>>) dst(%dma_wait3A_2072 : memref<128xi32, #tpu.memory_space<vmem>>)
      tpu.yield
    }) : () -> ()
    %get3A_1068 = arith.constant 0 : index
    %get3A_1069 = tpu.vector_load %arg13[%get3A_1068] {strides = array<i32>} : memref<512xi32, #tpu.memory_space<vmem>>, vector<16xi32>,
    %get3A_1070 = vector.shape_cast %get3A_1069 : vector<16xi32> to vector<16xi32>
    %add3A_1071 = arith.constant 1 : i32
    %add3A_1072 = vector.broadcast %add3A_1071 : i32 to vector<16xi32>
    %add3A_1073 = arith.addi %get3A_1070, %add3A_1072 : vector<16xi32>
    %min3A = arith.constant 99999 : i32
    %min3A_1074 = vector.broadcast %min3A : i32 to vector<16xi32>
    %min3A_1075 = arith.minsi %add3A_1073, %min3A_1074 : vector<16xi32>
    %swap3A_1076 = arith.constant 0 : i32
    %swap3A_1077 = arith.index_cast %swap3A_1076 : i32 to index
    %swap3A_1078 = arith.constant 0 : index
    %swap3A_1079 = tpu.vector_load %arg16[%swap3A_1077, %swap3A_1078] {strides = array<i32>} : memref<4x128xi32, #tpu.memory_space<vmem>>, vector<1x16xi32>,
    %swap3A_1080 = vector.shape_cast %swap3A_1079 : vector<1x16xi32> to vector<16xi32>
    %swap3A_1081 = vector.shape_cast %min3A_1075 : vector<16xi32> to vector<1x16xi32>
    tpu.vector_store %arg16[%swap3A_1077, %swap3A_1078], %swap3A_1081 {strides = array<i32>} : memref<4x128xi32, #tpu.memory_space<vmem>>, vector<1x16xi32>,
    %get3A_1082 = arith.constant 16 : index
    %get3A_1083 = tpu.vector_load %arg13[%get3A_1082] {strides = array<i32>} : memref<512xi32, #tpu.memory_space<vmem>>, vector<16xi32>,
    %get3A_1084 = vector.shape_cast %get3A_1083 : vector<16xi32> to vector<16xi32>
    %add3A_1085 = arith.constant 1 : i32
    %add3A_1086 = vector.broadcast %add3A_1085 : i32 to vector<16xi32>
    %add3A_1087 = arith.addi %get3A_1084, %add3A_1086 : vector<16xi32>
    %min3A_1088 = arith.constant 99999 : i32
    %min3A_1089 = vector.broadcast %min3A_1088 : i32 to vector<16xi32>
    %min3A_1090 = arith.minsi %add3A_1087, %min3A_1089 : vector<16xi32>
    %swap3A_1091 = arith.constant 0 : i32
    %swap3A_1092 = arith.index_cast %swap3A_1091 : i32 to index
    %swap3A_1093 = arith.constant 16 : index
    %swap3A_1094 = tpu.vector_load %arg16[%swap3A_1092, %swap3A_1093] {strides = array<i32>} : memref<4x128xi32, #tpu.memory_space<vmem>>, vector<1x16xi32>,
    %swap3A_1095 = vector.shape_cast %swap3A_1094 : vector<1x16xi32> to vector<16xi32>
    %swap3A_1096 = vector.shape_cast %min3A_1090 : vector<16xi32> to vector<1x16xi32>
    tpu.vector_store %arg16[%swap3A_1092, %swap3A_1093], %swap3A_1096 {strides = array<i32>} : memref<4x128xi32, #tpu.memory_space<vmem>>, vector<1x16xi32>,
    %get3A_1097 = arith.constant 32 : index
    %get3A_1098 = tpu.vector_load %arg13[%get3A_1097] {strides = array<i32>} : memref<512xi32, #tpu.memory_space<vmem>>, vector<16xi32>,
    %get3A_1099 = vector.shape_cast %get3A_1098 : vector<16xi32> to vector<16xi32>
    %add3A_1100 = arith.constant 1 : i32
    %add3A_1101 = vector.broadcast %add3A_1100 : i32 to vector<16xi32>
    %add3A_1102 = arith.addi %get3A_1099, %add3A_1101 : vector<16xi32>
    %min3A_1103 = arith.constant 99999 : i32
    %min3A_1104 = vector.broadcast %min3A_1103 : i32 to vector<16xi32>
    %min3A_1105 = arith.minsi %add3A_1102, %min3A_1104 : vector<16xi32>
    %swap3A_1106 = arith.constant 0 : i32
    %swap3A_1107 = arith.index_cast %swap3A_1106 : i32 to index
    %swap3A_1108 = arith.constant 32 : index
    %swap3A_1109 = tpu.vector_load %arg16[%swap3A_1107, %swap3A_1108] {strides = array<i32>} : memref<4x128xi32, #tpu.memory_space<vmem>>, vector<1x16xi32>,
    %swap3A_1110 = vector.shape_cast %swap3A_1109 : vector<1x16xi32> to vector<16xi32>
    %swap3A_1111 = vector.shape_cast %min3A_1105 : vector<16xi32> to vector<1x16xi32>
    tpu.vector_store %arg16[%swap3A_1107, %swap3A_1108], %swap3A_1111 {strides = array<i32>} : memref<4x128xi32, #tpu.memory_space<vmem>>, vector<1x16xi32>,
    %get3A_1112 = arith.constant 48 : index
    %get3A_1113 = tpu.vector_load %arg13[%get3A_1112] {strides = array<i32>} : memref<512xi32, #tpu.memory_space<vmem>>, vector<16xi32>,
    %get3A_1114 = vector.shape_cast %get3A_1113 : vector<16xi32> to vector<16xi32>
    %add3A_1115 = arith.constant 1 : i32
    %add3A_1116 = vector.broadcast %add3A_1115 : i32 to vector<16xi32>
    %add3A_1117 = arith.addi %get3A_1114, %add3A_1116 : vector<16xi32>
    %min3A_1118 = arith.constant 99999 : i32
    %min3A_1119 = vector.broadcast %min3A_1118 : i32 to vector<16xi32>
    %min3A_1120 = arith.minsi %add3A_1117, %min3A_1119 : vector<16xi32>
    %swap3A_1121 = arith.constant 0 : i32
    %swap3A_1122 = arith.index_cast %swap3A_1121 : i32 to index
    %swap3A_1123 = arith.constant 48 : index
    %swap3A_1124 = tpu.vector_load %arg16[%swap3A_1122, %swap3A_1123] {strides = array<i32>} : memref<4x128xi32, #tpu.memory_space<vmem>>, vector<1x16xi32>,
    %swap3A_1125 = vector.shape_cast %swap3A_1124 : vector<1x16xi32> to vector<16xi32>
    %swap3A_1126 = vector.shape_cast %min3A_1120 : vector<16xi32> to vector<1x16xi32>
    tpu.vector_store %arg16[%swap3A_1122, %swap3A_1123], %swap3A_1126 {strides = array<i32>} : memref<4x128xi32, #tpu.memory_space<vmem>>, vector<1x16xi32>,
    %get3A_1127 = arith.constant 64 : index
    %get3A_1128 = tpu.vector_load %arg13[%get3A_1127] {strides = array<i32>} : memref<512xi32, #tpu.memory_space<vmem>>, vector<16xi32>,
    %get3A_1129 = vector.shape_cast %get3A_1128 : vector<16xi32> to vector<16xi32>
    %add3A_1130 = arith.constant 1 : i32
    %add3A_1131 = vector.broadcast %add3A_1130 : i32 to vector<16xi32>
    %add3A_1132 = arith.addi %get3A_1129, %add3A_1131 : vector<16xi32>
    %min3A_1133 = arith.constant 99999 : i32
    %min3A_1134 = vector.broadcast %min3A_1133 : i32 to vector<16xi32>
    %min3A_1135 = arith.minsi %add3A_1132, %min3A_1134 : vector<16xi32>
    %swap3A_1136 = arith.constant 0 : i32
    %swap3A_1137 = arith.index_cast %swap3A_1136 : i32 to index
    %swap3A_1138 = arith.constant 64 : index
    %swap3A_1139 = tpu.vector_load %arg16[%swap3A_1137, %swap3A_1138] {strides = array<i32>} : memref<4x128xi32, #tpu.memory_space<vmem>>, vector<1x16xi32>,
    %swap3A_1140 = vector.shape_cast %swap3A_1139 : vector<1x16xi32> to vector<16xi32>
    %swap3A_1141 = vector.shape_cast %min3A_1135 : vector<16xi32> to vector<1x16xi32>
    tpu.vector_store %arg16[%swap3A_1137, %swap3A_1138], %swap3A_1141 {strides = array<i32>} : memref<4x128xi32, #tpu.memory_space<vmem>>, vector<1x16xi32>,
    %get3A_1142 = arith.constant 80 : index
    %get3A_1143 = tpu.vector_load %arg13[%get3A_1142] {strides = array<i32>} : memref<512xi32, #tpu.memory_space<vmem>>, vector<16xi32>,
    %get3A_1144 = vector.shape_cast %get3A_1143 : vector<16xi32> to vector<16xi32>
    %add3A_1145 = arith.constant 1 : i32
    %add3A_1146 = vector.broadcast %add3A_1145 : i32 to vector<16xi32>
    %add3A_1147 = arith.addi %get3A_1144, %add3A_1146 : vector<16xi32>
    %min3A_1148 = arith.constant 99999 : i32
    %min3A_1149 = vector.broadcast %min3A_1148 : i32 to vector<16xi32>
    %min3A_1150 = arith.minsi %add3A_1147, %min3A_1149 : vector<16xi32>
    %swap3A_1151 = arith.constant 0 : i32
    %swap3A_1152 = arith.index_cast %swap3A_1151 : i32 to index
    %swap3A_1153 = arith.constant 80 : index
    %swap3A_1154 = tpu.vector_load %arg16[%swap3A_1152, %swap3A_1153] {strides = array<i32>} : memref<4x128xi32, #tpu.memory_space<vmem>>, vector<1x16xi32>,
    %swap3A_1155 = vector.shape_cast %swap3A_1154 : vector<1x16xi32> to vector<16xi32>
    %swap3A_1156 = vector.shape_cast %min3A_1150 : vector<16xi32> to vector<1x16xi32>
    tpu.vector_store %arg16[%swap3A_1152, %swap3A_1153], %swap3A_1156 {strides = array<i32>} : memref<4x128xi32, #tpu.memory_space<vmem>>, vector<1x16xi32>,
    %get3A_1157 = arith.constant 96 : index
    %get3A_1158 = tpu.vector_load %arg13[%get3A_1157] {strides = array<i32>} : memref<512xi32, #tpu.memory_space<vmem>>, vector<16xi32>,
    %get3A_1159 = vector.shape_cast %get3A_1158 : vector<16xi32> to vector<16xi32>
    %add3A_1160 = arith.constant 1 : i32
    %add3A_1161 = vector.broadcast %add3A_1160 : i32 to vector<16xi32>
    %add3A_1162 = arith.addi %get3A_1159, %add3A_1161 : vector<16xi32>
    %min3A_1163 = arith.constant 99999 : i32
    %min3A_1164 = vector.broadcast %min3A_1163 : i32 to vector<16xi32>
    %min3A_1165 = arith.minsi %add3A_1162, %min3A_1164 : vector<16xi32>
    %swap3A_1166 = arith.constant 0 : i32
    %swap3A_1167 = arith.index_cast %swap3A_1166 : i32 to index
    %swap3A_1168 = arith.constant 96 : index
    %swap3A_1169 = tpu.vector_load %arg16[%swap3A_1167, %swap3A_1168] {strides = array<i32>} : memref<4x128xi32, #tpu.memory_space<vmem>>, vector<1x16xi32>,
    %swap3A_1170 = vector.shape_cast %swap3A_1169 : vector<1x16xi32> to vector<16xi32>
    %swap3A_1171 = vector.shape_cast %min3A_1165 : vector<16xi32> to vector<1x16xi32>
    tpu.vector_store %arg16[%swap3A_1167, %swap3A_1168], %swap3A_1171 {strides = array<i32>} : memref<4x128xi32, #tpu.memory_space<vmem>>, vector<1x16xi32>,
    %get3A_1172 = arith.constant 112 : index
    %get3A_1173 = tpu.vector_load %arg13[%get3A_1172] {strides = array<i32>} : memref<512xi32, #tpu.memory_space<vmem>>, vector<16xi32>,
    %get3A_1174 = vector.shape_cast %get3A_1173 : vector<16xi32> to vector<16xi32>
    %add3A_1175 = arith.constant 1 : i32
    %add3A_1176 = vector.broadcast %add3A_1175 : i32 to vector<16xi32>
    %add3A_1177 = arith.addi %get3A_1174, %add3A_1176 : vector<16xi32>
    %min3A_1178 = arith.constant 99999 : i32
    %min3A_1179 = vector.broadcast %min3A_1178 : i32 to vector<16xi32>
    %min3A_1180 = arith.minsi %add3A_1177, %min3A_1179 : vector<16xi32>
    %swap3A_1181 = arith.constant 0 : i32
    %swap3A_1182 = arith.index_cast %swap3A_1181 : i32 to index
    %swap3A_1183 = arith.constant 112 : index
    %swap3A_1184 = tpu.vector_load %arg16[%swap3A_1182, %swap3A_1183] {strides = array<i32>} : memref<4x128xi32, #tpu.memory_space<vmem>>, vector<1x16xi32>,
    %swap3A_1185 = vector.shape_cast %swap3A_1184 : vector<1x16xi32> to vector<16xi32>
    %swap3A_1186 = vector.shape_cast %min3A_1180 : vector<16xi32> to vector<1x16xi32>
    tpu.vector_store %arg16[%swap3A_1182, %swap3A_1183], %swap3A_1186 {strides = array<i32>} : memref<4x128xi32, #tpu.memory_space<vmem>>, vector<1x16xi32>,
    %get3A_1187 = arith.constant 128 : index
    %get3A_1188 = tpu.vector_load %arg13[%get3A_1187] {strides = array<i32>} : memref<512xi32, #tpu.memory_space<vmem>>, vector<16xi32>,
    %get3A_1189 = vector.shape_cast %get3A_1188 : vector<16xi32> to vector<16xi32>
    %add3A_1190 = arith.constant 1 : i32
    %add3A_1191 = vector.broadcast %add3A_1190 : i32 to vector<16xi32>
    %add3A_1192 = arith.addi %get3A_1189, %add3A_1191 : vector<16xi32>
    %min3A_1193 = arith.constant 99999 : i32
    %min3A_1194 = vector.broadcast %min3A_1193 : i32 to vector<16xi32>
    %min3A_1195 = arith.minsi %add3A_1192, %min3A_1194 : vector<16xi32>
    %swap3A_1196 = arith.constant 1 : i32
    %swap3A_1197 = arith.index_cast %swap3A_1196 : i32 to index
    %swap3A_1198 = arith.constant 0 : index
    %swap3A_1199 = tpu.vector_load %arg16[%swap3A_1197, %swap3A_1198] {strides = array<i32>} : memref<4x128xi32, #tpu.memory_space<vmem>>, vector<1x16xi32>,
    %swap3A_1200 = vector.shape_cast %swap3A_1199 : vector<1x16xi32> to vector<16xi32>
    %swap3A_1201 = vector.shape_cast %min3A_1195 : vector<16xi32> to vector<1x16xi32>
    tpu.vector_store %arg16[%swap3A_1197, %swap3A_1198], %swap3A_1201 {strides = array<i32>} : memref<4x128xi32, #tpu.memory_space<vmem>>, vector<1x16xi32>,
    %get3A_1202 = arith.constant 144 : index
    %get3A_1203 = tpu.vector_load %arg13[%get3A_1202] {strides = array<i32>} : memref<512xi32, #tpu.memory_space<vmem>>, vector<16xi32>,
    %get3A_1204 = vector.shape_cast %get3A_1203 : vector<16xi32> to vector<16xi32>
    %add3A_1205 = arith.constant 1 : i32
    %add3A_1206 = vector.broadcast %add3A_1205 : i32 to vector<16xi32>
    %add3A_1207 = arith.addi %get3A_1204, %add3A_1206 : vector<16xi32>
    %min3A_1208 = arith.constant 99999 : i32
    %min3A_1209 = vector.broadcast %min3A_1208 : i32 to vector<16xi32>
    %min3A_1210 = arith.minsi %add3A_1207, %min3A_1209 : vector<16xi32>
    %swap3A_1211 = arith.constant 1 : i32
    %swap3A_1212 = arith.index_cast %swap3A_1211 : i32 to index
    %swap3A_1213 = arith.constant 16 : index
    %swap3A_1214 = tpu.vector_load %arg16[%swap3A_1212, %swap3A_1213] {strides = array<i32>} : memref<4x128xi32, #tpu.memory_space<vmem>>, vector<1x16xi32>,
    %swap3A_1215 = vector.shape_cast %swap3A_1214 : vector<1x16xi32> to vector<16xi32>
    %swap3A_1216 = vector.shape_cast %min3A_1210 : vector<16xi32> to vector<1x16xi32>
    tpu.vector_store %arg16[%swap3A_1212, %swap3A_1213], %swap3A_1216 {strides = array<i32>} : memref<4x128xi32, #tpu.memory_space<vmem>>, vector<1x16xi32>,
    %get3A_1217 = arith.constant 160 : index
    %get3A_1218 = tpu.vector_load %arg13[%get3A_1217] {strides = array<i32>} : memref<512xi32, #tpu.memory_space<vmem>>, vector<16xi32>,
    %get3A_1219 = vector.shape_cast %get3A_1218 : vector<16xi32> to vector<16xi32>
    %add3A_1220 = arith.constant 1 : i32
    %add3A_1221 = vector.broadcast %add3A_1220 : i32 to vector<16xi32>
    %add3A_1222 = arith.addi %get3A_1219, %add3A_1221 : vector<16xi32>
    %min3A_1223 = arith.constant 99999 : i32
    %min3A_1224 = vector.broadcast %min3A_1223 : i32 to vector<16xi32>
    %min3A_1225 = arith.minsi %add3A_1222, %min3A_1224 : vector<16xi32>
    %swap3A_1226 = arith.constant 1 : i32
    %swap3A_1227 = arith.index_cast %swap3A_1226 : i32 to index
    %swap3A_1228 = arith.constant 32 : index
    %swap3A_1229 = tpu.vector_load %arg16[%swap3A_1227, %swap3A_1228] {strides = array<i32>} : memref<4x128xi32, #tpu.memory_space<vmem>>, vector<1x16xi32>,
    %swap3A_1230 = vector.shape_cast %swap3A_1229 : vector<1x16xi32> to vector<16xi32>
    %swap3A_1231 = vector.shape_cast %min3A_1225 : vector<16xi32> to vector<1x16xi32>
    tpu.vector_store %arg16[%swap3A_1227, %swap3A_1228], %swap3A_1231 {strides = array<i32>} : memref<4x128xi32, #tpu.memory_space<vmem>>, vector<1x16xi32>,
    %get3A_1232 = arith.constant 176 : index
    %get3A_1233 = tpu.vector_load %arg13[%get3A_1232] {strides = array<i32>} : memref<512xi32, #tpu.memory_space<vmem>>, vector<16xi32>,
    %get3A_1234 = vector.shape_cast %get3A_1233 : vector<16xi32> to vector<16xi32>
    %add3A_1235 = arith.constant 1 : i32
    %add3A_1236 = vector.broadcast %add3A_1235 : i32 to vector<16xi32>
    %add3A_1237 = arith.addi %get3A_1234, %add3A_1236 : vector<16xi32>
    %min3A_1238 = arith.constant 99999 : i32
    %min3A_1239 = vector.broadcast %min3A_1238 : i32 to vector<16xi32>
    %min3A_1240 = arith.minsi %add3A_1237, %min3A_1239 : vector<16xi32>
    %swap3A_1241 = arith.constant 1 : i32
    %swap3A_1242 = arith.index_cast %swap3A_1241 : i32 to index
    %swap3A_1243 = arith.constant 48 : index
    %swap3A_1244 = tpu.vector_load %arg16[%swap3A_1242, %swap3A_1243] {strides = array<i32>} : memref<4x128xi32, #tpu.memory_space<vmem>>, vector<1x16xi32>,
    %swap3A_1245 = vector.shape_cast %swap3A_1244 : vector<1x16xi32> to vector<16xi32>
    %swap3A_1246 = vector.shape_cast %min3A_1240 : vector<16xi32> to vector<1x16xi32>
    tpu.vector_store %arg16[%swap3A_1242, %swap3A_1243], %swap3A_1246 {strides = array<i32>} : memref<4x128xi32, #tpu.memory_space<vmem>>, vector<1x16xi32>,
    %get3A_1247 = arith.constant 192 : index
    %get3A_1248 = tpu.vector_load %arg13[%get3A_1247] {strides = array<i32>} : memref<512xi32, #tpu.memory_space<vmem>>, vector<16xi32>,
    %get3A_1249 = vector.shape_cast %get3A_1248 : vector<16xi32> to vector<16xi32>
    %add3A_1250 = arith.constant 1 : i32
    %add3A_1251 = vector.broadcast %add3A_1250 : i32 to vector<16xi32>
    %add3A_1252 = arith.addi %get3A_1249, %add3A_1251 : vector<16xi32>
    %min3A_1253 = arith.constant 99999 : i32
    %min3A_1254 = vector.broadcast %min3A_1253 : i32 to vector<16xi32>
    %min3A_1255 = arith.minsi %add3A_1252, %min3A_1254 : vector<16xi32>
    %swap3A_1256 = arith.constant 1 : i32
    %swap3A_1257 = arith.index_cast %swap3A_1256 : i32 to index
    %swap3A_1258 = arith.constant 64 : index
    %swap3A_1259 = tpu.vector_load %arg16[%swap3A_1257, %swap3A_1258] {strides = array<i32>} : memref<4x128xi32, #tpu.memory_space<vmem>>, vector<1x16xi32>,
    %swap3A_1260 = vector.shape_cast %swap3A_1259 : vector<1x16xi32> to vector<16xi32>
    %swap3A_1261 = vector.shape_cast %min3A_1255 : vector<16xi32> to vector<1x16xi32>
    tpu.vector_store %arg16[%swap3A_1257, %swap3A_1258], %swap3A_1261 {strides = array<i32>} : memref<4x128xi32, #tpu.memory_space<vmem>>, vector<1x16xi32>,
    %get3A_1262 = arith.constant 208 : index
    %get3A_1263 = tpu.vector_load %arg13[%get3A_1262] {strides = array<i32>} : memref<512xi32, #tpu.memory_space<vmem>>, vector<16xi32>,
    %get3A_1264 = vector.shape_cast %get3A_1263 : vector<16xi32> to vector<16xi32>
    %add3A_1265 = arith.constant 1 : i32
    %add3A_1266 = vector.broadcast %add3A_1265 : i32 to vector<16xi32>
    %add3A_1267 = arith.addi %get3A_1264, %add3A_1266 : vector<16xi32>
    %min3A_1268 = arith.constant 99999 : i32
    %min3A_1269 = vector.broadcast %min3A_1268 : i32 to vector<16xi32>
    %min3A_1270 = arith.minsi %add3A_1267, %min3A_1269 : vector<16xi32>
    %swap3A_1271 = arith.constant 1 : i32
    %swap3A_1272 = arith.index_cast %swap3A_1271 : i32 to index
    %swap3A_1273 = arith.constant 80 : index
    %swap3A_1274 = tpu.vector_load %arg16[%swap3A_1272, %swap3A_1273] {strides = array<i32>} : memref<4x128xi32, #tpu.memory_space<vmem>>, vector<1x16xi32>,
    %swap3A_1275 = vector.shape_cast %swap3A_1274 : vector<1x16xi32> to vector<16xi32>
    %swap3A_1276 = vector.shape_cast %min3A_1270 : vector<16xi32> to vector<1x16xi32>
    tpu.vector_store %arg16[%swap3A_1272, %swap3A_1273], %swap3A_1276 {strides = array<i32>} : memref<4x128xi32, #tpu.memory_space<vmem>>, vector<1x16xi32>,
    %get3A_1277 = arith.constant 224 : index
    %get3A_1278 = tpu.vector_load %arg13[%get3A_1277] {strides = array<i32>} : memref<512xi32, #tpu.memory_space<vmem>>, vector<16xi32>,
    %get3A_1279 = vector.shape_cast %get3A_1278 : vector<16xi32> to vector<16xi32>
    %add3A_1280 = arith.constant 1 : i32
    %add3A_1281 = vector.broadcast %add3A_1280 : i32 to vector<16xi32>
    %add3A_1282 = arith.addi %get3A_1279, %add3A_1281 : vector<16xi32>
    %min3A_1283 = arith.constant 99999 : i32
    %min3A_1284 = vector.broadcast %min3A_1283 : i32 to vector<16xi32>
    %min3A_1285 = arith.minsi %add3A_1282, %min3A_1284 : vector<16xi32>
    %swap3A_1286 = arith.constant 1 : i32
    %swap3A_1287 = arith.index_cast %swap3A_1286 : i32 to index
    %swap3A_1288 = arith.constant 96 : index
    %swap3A_1289 = tpu.vector_load %arg16[%swap3A_1287, %swap3A_1288] {strides = array<i32>} : memref<4x128xi32, #tpu.memory_space<vmem>>, vector<1x16xi32>,
    %swap3A_1290 = vector.shape_cast %swap3A_1289 : vector<1x16xi32> to vector<16xi32>
    %swap3A_1291 = vector.shape_cast %min3A_1285 : vector<16xi32> to vector<1x16xi32>
    tpu.vector_store %arg16[%swap3A_1287, %swap3A_1288], %swap3A_1291 {strides = array<i32>} : memref<4x128xi32, #tpu.memory_space<vmem>>, vector<1x16xi32>,
    %get3A_1292 = arith.constant 240 : index
    %get3A_1293 = tpu.vector_load %arg13[%get3A_1292] {strides = array<i32>} : memref<512xi32, #tpu.memory_space<vmem>>, vector<16xi32>,
    %get3A_1294 = vector.shape_cast %get3A_1293 : vector<16xi32> to vector<16xi32>
    %add3A_1295 = arith.constant 1 : i32
    %add3A_1296 = vector.broadcast %add3A_1295 : i32 to vector<16xi32>
    %add3A_1297 = arith.addi %get3A_1294, %add3A_1296 : vector<16xi32>
    %min3A_1298 = arith.constant 99999 : i32
    %min3A_1299 = vector.broadcast %min3A_1298 : i32 to vector<16xi32>
    %min3A_1300 = arith.minsi %add3A_1297, %min3A_1299 : vector<16xi32>
    %swap3A_1301 = arith.constant 1 : i32
    %swap3A_1302 = arith.index_cast %swap3A_1301 : i32 to index
    %swap3A_1303 = arith.constant 112 : index
    %swap3A_1304 = tpu.vector_load %arg16[%swap3A_1302, %swap3A_1303] {strides = array<i32>} : memref<4x128xi32, #tpu.memory_space<vmem>>, vector<1x16xi32>,
    %swap3A_1305 = vector.shape_cast %swap3A_1304 : vector<1x16xi32> to vector<16xi32>
    %swap3A_1306 = vector.shape_cast %min3A_1300 : vector<16xi32> to vector<1x16xi32>
    tpu.vector_store %arg16[%swap3A_1302, %swap3A_1303], %swap3A_1306 {strides = array<i32>} : memref<4x128xi32, #tpu.memory_space<vmem>>, vector<1x16xi32>,
    %get3A_1307 = arith.constant 256 : index
    %get3A_1308 = tpu.vector_load %arg13[%get3A_1307] {strides = array<i32>} : memref<512xi32, #tpu.memory_space<vmem>>, vector<16xi32>,
    %get3A_1309 = vector.shape_cast %get3A_1308 : vector<16xi32> to vector<16xi32>
    %add3A_1310 = arith.constant 1 : i32
    %add3A_1311 = vector.broadcast %add3A_1310 : i32 to vector<16xi32>
    %add3A_1312 = arith.addi %get3A_1309, %add3A_1311 : vector<16xi32>
    %min3A_1313 = arith.constant 99999 : i32
    %min3A_1314 = vector.broadcast %min3A_1313 : i32 to vector<16xi32>
    %min3A_1315 = arith.minsi %add3A_1312, %min3A_1314 : vector<16xi32>
    %swap3A_1316 = arith.constant 2 : i32
    %swap3A_1317 = arith.index_cast %swap3A_1316 : i32 to index
    %swap3A_1318 = arith.constant 0 : index
    %swap3A_1319 = tpu.vector_load %arg16[%swap3A_1317, %swap3A_1318] {strides = array<i32>} : memref<4x128xi32, #tpu.memory_space<vmem>>, vector<1x16xi32>,
    %swap3A_1320 = vector.shape_cast %swap3A_1319 : vector<1x16xi32> to vector<16xi32>
    %swap3A_1321 = vector.shape_cast %min3A_1315 : vector<16xi32> to vector<1x16xi32>
    tpu.vector_store %arg16[%swap3A_1317, %swap3A_1318], %swap3A_1321 {strides = array<i32>} : memref<4x128xi32, #tpu.memory_space<vmem>>, vector<1x16xi32>,
    %get3A_1322 = arith.constant 272 : index
    %get3A_1323 = tpu.vector_load %arg13[%get3A_1322] {strides = array<i32>} : memref<512xi32, #tpu.memory_space<vmem>>, vector<16xi32>,
    %get3A_1324 = vector.shape_cast %get3A_1323 : vector<16xi32> to vector<16xi32>
    %add3A_1325 = arith.constant 1 : i32
    %add3A_1326 = vector.broadcast %add3A_1325 : i32 to vector<16xi32>
    %add3A_1327 = arith.addi %get3A_1324, %add3A_1326 : vector<16xi32>
    %min3A_1328 = arith.constant 99999 : i32
    %min3A_1329 = vector.broadcast %min3A_1328 : i32 to vector<16xi32>
    %min3A_1330 = arith.minsi %add3A_1327, %min3A_1329 : vector<16xi32>
    %swap3A_1331 = arith.constant 2 : i32
    %swap3A_1332 = arith.index_cast %swap3A_1331 : i32 to index
    %swap3A_1333 = arith.constant 16 : index
    %swap3A_1334 = tpu.vector_load %arg16[%swap3A_1332, %swap3A_1333] {strides = array<i32>} : memref<4x128xi32, #tpu.memory_space<vmem>>, vector<1x16xi32>,
    %swap3A_1335 = vector.shape_cast %swap3A_1334 : vector<1x16xi32> to vector<16xi32>
    %swap3A_1336 = vector.shape_cast %min3A_1330 : vector<16xi32> to vector<1x16xi32>
    tpu.vector_store %arg16[%swap3A_1332, %swap3A_1333], %swap3A_1336 {strides = array<i32>} : memref<4x128xi32, #tpu.memory_space<vmem>>, vector<1x16xi32>,
    %get3A_1337 = arith.constant 288 : index
    %get3A_1338 = tpu.vector_load %arg13[%get3A_1337] {strides = array<i32>} : memref<512xi32, #tpu.memory_space<vmem>>, vector<16xi32>,
    %get3A_1339 = vector.shape_cast %get3A_1338 : vector<16xi32> to vector<16xi32>
    %add3A_1340 = arith.constant 1 : i32
    %add3A_1341 = vector.broadcast %add3A_1340 : i32 to vector<16xi32>
    %add3A_1342 = arith.addi %get3A_1339, %add3A_1341 : vector<16xi32>
    %min3A_1343 = arith.constant 99999 : i32
    %min3A_1344 = vector.broadcast %min3A_1343 : i32 to vector<16xi32>
    %min3A_1345 = arith.minsi %add3A_1342, %min3A_1344 : vector<16xi32>
    %swap3A_1346 = arith.constant 2 : i32
    %swap3A_1347 = arith.index_cast %swap3A_1346 : i32 to index
    %swap3A_1348 = arith.constant 32 : index
    %swap3A_1349 = tpu.vector_load %arg16[%swap3A_1347, %swap3A_1348] {strides = array<i32>} : memref<4x128xi32, #tpu.memory_space<vmem>>, vector<1x16xi32>,
    %swap3A_1350 = vector.shape_cast %swap3A_1349 : vector<1x16xi32> to vector<16xi32>
    %swap3A_1351 = vector.shape_cast %min3A_1345 : vector<16xi32> to vector<1x16xi32>
    tpu.vector_store %arg16[%swap3A_1347, %swap3A_1348], %swap3A_1351 {strides = array<i32>} : memref<4x128xi32, #tpu.memory_space<vmem>>, vector<1x16xi32>,
    %get3A_1352 = arith.constant 304 : index
    %get3A_1353 = tpu.vector_load %arg13[%get3A_1352] {strides = array<i32>} : memref<512xi32, #tpu.memory_space<vmem>>, vector<16xi32>,
    %get3A_1354 = vector.shape_cast %get3A_1353 : vector<16xi32> to vector<16xi32>
    %add3A_1355 = arith.constant 1 : i32
    %add3A_1356 = vector.broadcast %add3A_1355 : i32 to vector<16xi32>
    %add3A_1357 = arith.addi %get3A_1354, %add3A_1356 : vector<16xi32>
    %min3A_1358 = arith.constant 99999 : i32
    %min3A_1359 = vector.broadcast %min3A_1358 : i32 to vector<16xi32>
    %min3A_1360 = arith.minsi %add3A_1357, %min3A_1359 : vector<16xi32>
    %swap3A_1361 = arith.constant 2 : i32
    %swap3A_1362 = arith.index_cast %swap3A_1361 : i32 to index
    %swap3A_1363 = arith.constant 48 : index
    %swap3A_1364 = tpu.vector_load %arg16[%swap3A_1362, %swap3A_1363] {strides = array<i32>} : memref<4x128xi32, #tpu.memory_space<vmem>>, vector<1x16xi32>,
    %swap3A_1365 = vector.shape_cast %swap3A_1364 : vector<1x16xi32> to vector<16xi32>
    %swap3A_1366 = vector.shape_cast %min3A_1360 : vector<16xi32> to vector<1x16xi32>
    tpu.vector_store %arg16[%swap3A_1362, %swap3A_1363], %swap3A_1366 {strides = array<i32>} : memref<4x128xi32, #tpu.memory_space<vmem>>, vector<1x16xi32>,
    %get3A_1367 = arith.constant 320 : index
    %get3A_1368 = tpu.vector_load %arg13[%get3A_1367] {strides = array<i32>} : memref<512xi32, #tpu.memory_space<vmem>>, vector<16xi32>,
    %get3A_1369 = vector.shape_cast %get3A_1368 : vector<16xi32> to vector<16xi32>
    %add3A_1370 = arith.constant 1 : i32
    %add3A_1371 = vector.broadcast %add3A_1370 : i32 to vector<16xi32>
    %add3A_1372 = arith.addi %get3A_1369, %add3A_1371 : vector<16xi32>
    %min3A_1373 = arith.constant 99999 : i32
    %min3A_1374 = vector.broadcast %min3A_1373 : i32 to vector<16xi32>
    %min3A_1375 = arith.minsi %add3A_1372, %min3A_1374 : vector<16xi32>
    %swap3A_1376 = arith.constant 2 : i32
    %swap3A_1377 = arith.index_cast %swap3A_1376 : i32 to index
    %swap3A_1378 = arith.constant 64 : index
    %swap3A_1379 = tpu.vector_load %arg16[%swap3A_1377, %swap3A_1378] {strides = array<i32>} : memref<4x128xi32, #tpu.memory_space<vmem>>, vector<1x16xi32>,
    %swap3A_1380 = vector.shape_cast %swap3A_1379 : vector<1x16xi32> to vector<16xi32>
    %swap3A_1381 = vector.shape_cast %min3A_1375 : vector<16xi32> to vector<1x16xi32>
    tpu.vector_store %arg16[%swap3A_1377, %swap3A_1378], %swap3A_1381 {strides = array<i32>} : memref<4x128xi32, #tpu.memory_space<vmem>>, vector<1x16xi32>,
    %get3A_1382 = arith.constant 336 : index
    %get3A_1383 = tpu.vector_load %arg13[%get3A_1382] {strides = array<i32>} : memref<512xi32, #tpu.memory_space<vmem>>, vector<16xi32>,
    %get3A_1384 = vector.shape_cast %get3A_1383 : vector<16xi32> to vector<16xi32>
    %add3A_1385 = arith.constant 1 : i32
    %add3A_1386 = vector.broadcast %add3A_1385 : i32 to vector<16xi32>
    %add3A_1387 = arith.addi %get3A_1384, %add3A_1386 : vector<16xi32>
    %min3A_1388 = arith.constant 99999 : i32
    %min3A_1389 = vector.broadcast %min3A_1388 : i32 to vector<16xi32>
    %min3A_1390 = arith.minsi %add3A_1387, %min3A_1389 : vector<16xi32>
    %swap3A_1391 = arith.constant 2 : i32
    %swap3A_1392 = arith.index_cast %swap3A_1391 : i32 to index
    %swap3A_1393 = arith.constant 80 : index
    %swap3A_1394 = tpu.vector_load %arg16[%swap3A_1392, %swap3A_1393] {strides = array<i32>} : memref<4x128xi32, #tpu.memory_space<vmem>>, vector<1x16xi32>,
    %swap3A_1395 = vector.shape_cast %swap3A_1394 : vector<1x16xi32> to vector<16xi32>
    %swap3A_1396 = vector.shape_cast %min3A_1390 : vector<16xi32> to vector<1x16xi32>
    tpu.vector_store %arg16[%swap3A_1392, %swap3A_1393], %swap3A_1396 {strides = array<i32>} : memref<4x128xi32, #tpu.memory_space<vmem>>, vector<1x16xi32>,
    %get3A_1397 = arith.constant 352 : index
    %get3A_1398 = tpu.vector_load %arg13[%get3A_1397] {strides = array<i32>} : memref<512xi32, #tpu.memory_space<vmem>>, vector<16xi32>,
    %get3A_1399 = vector.shape_cast %get3A_1398 : vector<16xi32> to vector<16xi32>
    %add3A_1400 = arith.constant 1 : i32
    %add3A_1401 = vector.broadcast %add3A_1400 : i32 to vector<16xi32>
    %add3A_1402 = arith.addi %get3A_1399, %add3A_1401 : vector<16xi32>
    %min3A_1403 = arith.constant 99999 : i32
    %min3A_1404 = vector.broadcast %min3A_1403 : i32 to vector<16xi32>
    %min3A_1405 = arith.minsi %add3A_1402, %min3A_1404 : vector<16xi32>
    %swap3A_1406 = arith.constant 2 : i32
    %swap3A_1407 = arith.index_cast %swap3A_1406 : i32 to index
    %swap3A_1408 = arith.constant 96 : index
    %swap3A_1409 = tpu.vector_load %arg16[%swap3A_1407, %swap3A_1408] {strides = array<i32>} : memref<4x128xi32, #tpu.memory_space<vmem>>, vector<1x16xi32>,
    %swap3A_1410 = vector.shape_cast %swap3A_1409 : vector<1x16xi32> to vector<16xi32>
    %swap3A_1411 = vector.shape_cast %min3A_1405 : vector<16xi32> to vector<1x16xi32>
    tpu.vector_store %arg16[%swap3A_1407, %swap3A_1408], %swap3A_1411 {strides = array<i32>} : memref<4x128xi32, #tpu.memory_space<vmem>>, vector<1x16xi32>,
    %get3A_1412 = arith.constant 368 : index
    %get3A_1413 = tpu.vector_load %arg13[%get3A_1412] {strides = array<i32>} : memref<512xi32, #tpu.memory_space<vmem>>, vector<16xi32>,
    %get3A_1414 = vector.shape_cast %get3A_1413 : vector<16xi32> to vector<16xi32>
    %add3A_1415 = arith.constant 1 : i32
    %add3A_1416 = vector.broadcast %add3A_1415 : i32 to vector<16xi32>
    %add3A_1417 = arith.addi %get3A_1414, %add3A_1416 : vector<16xi32>
    %min3A_1418 = arith.constant 99999 : i32
    %min3A_1419 = vector.broadcast %min3A_1418 : i32 to vector<16xi32>
    %min3A_1420 = arith.minsi %add3A_1417, %min3A_1419 : vector<16xi32>
    %swap3A_1421 = arith.constant 2 : i32
    %swap3A_1422 = arith.index_cast %swap3A_1421 : i32 to index
    %swap3A_1423 = arith.constant 112 : index
    %swap3A_1424 = tpu.vector_load %arg16[%swap3A_1422, %swap3A_1423] {strides = array<i32>} : memref<4x128xi32, #tpu.memory_space<vmem>>, vector<1x16xi32>,
    %swap3A_1425 = vector.shape_cast %swap3A_1424 : vector<1x16xi32> to vector<16xi32>
    %swap3A_1426 = vector.shape_cast %min3A_1420 : vector<16xi32> to vector<1x16xi32>
    tpu.vector_store %arg16[%swap3A_1422, %swap3A_1423], %swap3A_1426 {strides = array<i32>} : memref<4x128xi32, #tpu.memory_space<vmem>>, vector<1x16xi32>,
    %get3A_1427 = arith.constant 384 : index
    %get3A_1428 = tpu.vector_load %arg13[%get3A_1427] {strides = array<i32>} : memref<512xi32, #tpu.memory_space<vmem>>, vector<16xi32>,
    %get3A_1429 = vector.shape_cast %get3A_1428 : vector<16xi32> to vector<16xi32>
    %add3A_1430 = arith.constant 1 : i32
    %add3A_1431 = vector.broadcast %add3A_1430 : i32 to vector<16xi32>
    %add3A_1432 = arith.addi %get3A_1429, %add3A_1431 : vector<16xi32>
    %min3A_1433 = arith.constant 99999 : i32
    %min3A_1434 = vector.broadcast %min3A_1433 : i32 to vector<16xi32>
    %min3A_1435 = arith.minsi %add3A_1432, %min3A_1434 : vector<16xi32>
    %swap3A_1436 = arith.constant 3 : i32
    %swap3A_1437 = arith.index_cast %swap3A_1436 : i32 to index
    %swap3A_1438 = arith.constant 0 : index
    %swap3A_1439 = tpu.vector_load %arg16[%swap3A_1437, %swap3A_1438] {strides = array<i32>} : memref<4x128xi32, #tpu.memory_space<vmem>>, vector<1x16xi32>,
    %swap3A_1440 = vector.shape_cast %swap3A_1439 : vector<1x16xi32> to vector<16xi32>
    %swap3A_1441 = vector.shape_cast %min3A_1435 : vector<16xi32> to vector<1x16xi32>
    tpu.vector_store %arg16[%swap3A_1437, %swap3A_1438], %swap3A_1441 {strides = array<i32>} : memref<4x128xi32, #tpu.memory_space<vmem>>, vector<1x16xi32>,
    %get3A_1442 = arith.constant 400 : index
    %get3A_1443 = tpu.vector_load %arg13[%get3A_1442] {strides = array<i32>} : memref<512xi32, #tpu.memory_space<vmem>>, vector<16xi32>,
    %get3A_1444 = vector.shape_cast %get3A_1443 : vector<16xi32> to vector<16xi32>
    %add3A_1445 = arith.constant 1 : i32
    %add3A_1446 = vector.broadcast %add3A_1445 : i32 to vector<16xi32>
    %add3A_1447 = arith.addi %get3A_1444, %add3A_1446 : vector<16xi32>
    %min3A_1448 = arith.constant 99999 : i32
    %min3A_1449 = vector.broadcast %min3A_1448 : i32 to vector<16xi32>
    %min3A_1450 = arith.minsi %add3A_1447, %min3A_1449 : vector<16xi32>
    %swap3A_1451 = arith.constant 3 : i32
    %swap3A_1452 = arith.index_cast %swap3A_1451 : i32 to index
    %swap3A_1453 = arith.constant 16 : index
    %swap3A_1454 = tpu.vector_load %arg16[%swap3A_1452, %swap3A_1453] {strides = array<i32>} : memref<4x128xi32, #tpu.memory_space<vmem>>, vector<1x16xi32>,
    %swap3A_1455 = vector.shape_cast %swap3A_1454 : vector<1x16xi32> to vector<16xi32>
    %swap3A_1456 = vector.shape_cast %min3A_1450 : vector<16xi32> to vector<1x16xi32>
    tpu.vector_store %arg16[%swap3A_1452, %swap3A_1453], %swap3A_1456 {strides = array<i32>} : memref<4x128xi32, #tpu.memory_space<vmem>>, vector<1x16xi32>,
    %get3A_1457 = arith.constant 416 : index
    %get3A_1458 = tpu.vector_load %arg13[%get3A_1457] {strides = array<i32>} : memref<512xi32, #tpu.memory_space<vmem>>, vector<16xi32>,
    %get3A_1459 = vector.shape_cast %get3A_1458 : vector<16xi32> to vector<16xi32>
    %add3A_1460 = arith.constant 1 : i32
    %add3A_1461 = vector.broadcast %add3A_1460 : i32 to vector<16xi32>
    %add3A_1462 = arith.addi %get3A_1459, %add3A_1461 : vector<16xi32>
    %min3A_1463 = arith.constant 99999 : i32
    %min3A_1464 = vector.broadcast %min3A_1463 : i32 to vector<16xi32>
    %min3A_1465 = arith.minsi %add3A_1462, %min3A_1464 : vector<16xi32>
    %swap3A_1466 = arith.constant 3 : i32
    %swap3A_1467 = arith.index_cast %swap3A_1466 : i32 to index
    %swap3A_1468 = arith.constant 32 : index
    %swap3A_1469 = tpu.vector_load %arg16[%swap3A_1467, %swap3A_1468] {strides = array<i32>} : memref<4x128xi32, #tpu.memory_space<vmem>>, vector<1x16xi32>,
    %swap3A_1470 = vector.shape_cast %swap3A_1469 : vector<1x16xi32> to vector<16xi32>
    %swap3A_1471 = vector.shape_cast %min3A_1465 : vector<16xi32> to vector<1x16xi32>
    tpu.vector_store %arg16[%swap3A_1467, %swap3A_1468], %swap3A_1471 {strides = array<i32>} : memref<4x128xi32, #tpu.memory_space<vmem>>, vector<1x16xi32>,
    %get3A_1472 = arith.constant 432 : index
    %get3A_1473 = tpu.vector_load %arg13[%get3A_1472] {strides = array<i32>} : memref<512xi32, #tpu.memory_space<vmem>>, vector<16xi32>,
    %get3A_1474 = vector.shape_cast %get3A_1473 : vector<16xi32> to vector<16xi32>
    %add3A_1475 = arith.constant 1 : i32
    %add3A_1476 = vector.broadcast %add3A_1475 : i32 to vector<16xi32>
    %add3A_1477 = arith.addi %get3A_1474, %add3A_1476 : vector<16xi32>
    %min3A_1478 = arith.constant 99999 : i32
    %min3A_1479 = vector.broadcast %min3A_1478 : i32 to vector<16xi32>
    %min3A_1480 = arith.minsi %add3A_1477, %min3A_1479 : vector<16xi32>
    %swap3A_1481 = arith.constant 3 : i32
    %swap3A_1482 = arith.index_cast %swap3A_1481 : i32 to index
    %swap3A_1483 = arith.constant 48 : index
    %swap3A_1484 = tpu.vector_load %arg16[%swap3A_1482, %swap3A_1483] {strides = array<i32>} : memref<4x128xi32, #tpu.memory_space<vmem>>, vector<1x16xi32>,
    %swap3A_1485 = vector.shape_cast %swap3A_1484 : vector<1x16xi32> to vector<16xi32>
    %swap3A_1486 = vector.shape_cast %min3A_1480 : vector<16xi32> to vector<1x16xi32>
    tpu.vector_store %arg16[%swap3A_1482, %swap3A_1483], %swap3A_1486 {strides = array<i32>} : memref<4x128xi32, #tpu.memory_space<vmem>>, vector<1x16xi32>,
    %get3A_1487 = arith.constant 448 : index
    %get3A_1488 = tpu.vector_load %arg13[%get3A_1487] {strides = array<i32>} : memref<512xi32, #tpu.memory_space<vmem>>, vector<16xi32>,
    %get3A_1489 = vector.shape_cast %get3A_1488 : vector<16xi32> to vector<16xi32>
    %add3A_1490 = arith.constant 1 : i32
    %add3A_1491 = vector.broadcast %add3A_1490 : i32 to vector<16xi32>
    %add3A_1492 = arith.addi %get3A_1489, %add3A_1491 : vector<16xi32>
    %min3A_1493 = arith.constant 99999 : i32
    %min3A_1494 = vector.broadcast %min3A_1493 : i32 to vector<16xi32>
    %min3A_1495 = arith.minsi %add3A_1492, %min3A_1494 : vector<16xi32>
    %swap3A_1496 = arith.constant 3 : i32
    %swap3A_1497 = arith.index_cast %swap3A_1496 : i32 to index
    %swap3A_1498 = arith.constant 64 : index
    %swap3A_1499 = tpu.vector_load %arg16[%swap3A_1497, %swap3A_1498] {strides = array<i32>} : memref<4x128xi32, #tpu.memory_space<vmem>>, vector<1x16xi32>,
    %swap3A_1500 = vector.shape_cast %swap3A_1499 : vector<1x16xi32> to vector<16xi32>
    %swap3A_1501 = vector.shape_cast %min3A_1495 : vector<16xi32> to vector<1x16xi32>
    tpu.vector_store %arg16[%swap3A_1497, %swap3A_1498], %swap3A_1501 {strides = array<i32>} : memref<4x128xi32, #tpu.memory_space<vmem>>, vector<1x16xi32>,
    %get3A_1502 = arith.constant 464 : index
    %get3A_1503 = tpu.vector_load %arg13[%get3A_1502] {strides = array<i32>} : memref<512xi32, #tpu.memory_space<vmem>>, vector<16xi32>,
    %get3A_1504 = vector.shape_cast %get3A_1503 : vector<16xi32> to vector<16xi32>
    %add3A_1505 = arith.constant 1 : i32
    %add3A_1506 = vector.broadcast %add3A_1505 : i32 to vector<16xi32>
    %add3A_1507 = arith.addi %get3A_1504, %add3A_1506 : vector<16xi32>
    %min3A_1508 = arith.constant 99999 : i32
    %min3A_1509 = vector.broadcast %min3A_1508 : i32 to vector<16xi32>
    %min3A_1510 = arith.minsi %add3A_1507, %min3A_1509 : vector<16xi32>
    %swap3A_1511 = arith.constant 3 : i32
    %swap3A_1512 = arith.index_cast %swap3A_1511 : i32 to index
    %swap3A_1513 = arith.constant 80 : index
    %swap3A_1514 = tpu.vector_load %arg16[%swap3A_1512, %swap3A_1513] {strides = array<i32>} : memref<4x128xi32, #tpu.memory_space<vmem>>, vector<1x16xi32>,
    %swap3A_1515 = vector.shape_cast %swap3A_1514 : vector<1x16xi32> to vector<16xi32>
    %swap3A_1516 = vector.shape_cast %min3A_1510 : vector<16xi32> to vector<1x16xi32>
    tpu.vector_store %arg16[%swap3A_1512, %swap3A_1513], %swap3A_1516 {strides = array<i32>} : memref<4x128xi32, #tpu.memory_space<vmem>>, vector<1x16xi32>,
    %get3A_1517 = arith.constant 480 : index
    %get3A_1518 = tpu.vector_load %arg13[%get3A_1517] {strides = array<i32>} : memref<512xi32, #tpu.memory_space<vmem>>, vector<16xi32>,
    %get3A_1519 = vector.shape_cast %get3A_1518 : vector<16xi32> to vector<16xi32>
    %add3A_1520 = arith.constant 1 : i32
    %add3A_1521 = vector.broadcast %add3A_1520 : i32 to vector<16xi32>
    %add3A_1522 = arith.addi %get3A_1519, %add3A_1521 : vector<16xi32>
    %min3A_1523 = arith.constant 99999 : i32
    %min3A_1524 = vector.broadcast %min3A_1523 : i32 to vector<16xi32>
    %min3A_1525 = arith.minsi %add3A_1522, %min3A_1524 : vector<16xi32>
    %swap3A_1526 = arith.constant 3 : i32
    %swap3A_1527 = arith.index_cast %swap3A_1526 : i32 to index
    %swap3A_1528 = arith.constant 96 : index
    %swap3A_1529 = tpu.vector_load %arg16[%swap3A_1527, %swap3A_1528] {strides = array<i32>} : memref<4x128xi32, #tpu.memory_space<vmem>>, vector<1x16xi32>,
    %swap3A_1530 = vector.shape_cast %swap3A_1529 : vector<1x16xi32> to vector<16xi32>
    %swap3A_1531 = vector.shape_cast %min3A_1525 : vector<16xi32> to vector<1x16xi32>
    tpu.vector_store %arg16[%swap3A_1527, %swap3A_1528], %swap3A_1531 {strides = array<i32>} : memref<4x128xi32, #tpu.memory_space<vmem>>, vector<1x16xi32>,
    %get3A_1532 = arith.constant 496 : index
    %get3A_1533 = tpu.vector_load %arg13[%get3A_1532] {strides = array<i32>} : memref<512xi32, #tpu.memory_space<vmem>>, vector<16xi32>,
    %get3A_1534 = vector.shape_cast %get3A_1533 : vector<16xi32> to vector<16xi32>
    %add3A_1535 = arith.constant 1 : i32
    %add3A_1536 = vector.broadcast %add3A_1535 : i32 to vector<16xi32>
    %add3A_1537 = arith.addi %get3A_1534, %add3A_1536 : vector<16xi32>
    %min3A_1538 = arith.constant 99999 : i32
    %min3A_1539 = vector.broadcast %min3A_1538 : i32 to vector<16xi32>
    %min3A_1540 = arith.minsi %add3A_1537, %min3A_1539 : vector<16xi32>
    %swap3A_1541 = arith.constant 3 : i32
    %swap3A_1542 = arith.index_cast %swap3A_1541 : i32 to index
    %swap3A_1543 = arith.constant 112 : index
    %swap3A_1544 = tpu.vector_load %arg16[%swap3A_1542, %swap3A_1543] {strides = array<i32>} : memref<4x128xi32, #tpu.memory_space<vmem>>, vector<1x16xi32>,
    %swap3A_1545 = vector.shape_cast %swap3A_1544 : vector<1x16xi32> to vector<16xi32>
    %swap3A_1546 = vector.shape_cast %min3A_1540 : vector<16xi32> to vector<1x16xi32>
    tpu.vector_store %arg16[%swap3A_1542, %swap3A_1543], %swap3A_1546 {strides = array<i32>} : memref<4x128xi32, #tpu.memory_space<vmem>>, vector<1x16xi32>,
    %run_scoped3A_1547 = arith.constant 0 : i32
    "tpu.region"() ({
      %run_scoped3A_2065 = tpu.sem_alloc : memref<!tpu.dma_semaphore, #tpu.memory_space<semaphore_mem>>
      %dma_start3A = arith.constant 0 : i32
      %dma_start3A_2066 = tpu.memref_slice %arg15[%dma_start3A] : memref<528xi32, #tpu.memory_space<vmem>> -> memref<128xi32, #tpu.memory_space<vmem>>
      %dma_start3A_2067 = arith.constant 0 : i32
      %dma_start3A_2068 = tpu.memref_slice %arg16[%run_scoped3A_1547, %dma_start3A_2067] : memref<4x128xi32, #tpu.memory_space<vmem>> -> memref<1x128xi32, #tpu.memory_space<vmem>>
      %dma_start3A_2069 = tpu.memref_squeeze %dma_start3A_2068 : memref<1x128xi32, #tpu.memory_space<vmem>> -> memref<128xi32, #tpu.memory_space<vmem>>
      %dma_start3A_2070 = arith.constant 0 : i32
      %dma_start3A_2071 = tpu.memref_slice %arg6[%dma_start3A_2070] : memref<100000xi32, #tpu.memory_space<hbm>> -> memref<100000xi32, #tpu.memory_space<hbm>>
      tpu.enqueue_indirect_dma source(%dma_start3A_2071 : memref<100000xi32, #tpu.memory_space<hbm>>) target(%dma_start3A_2066 : memref<128xi32, #tpu.memory_space<vmem>>) offsets(%dma_start3A_2069 : memref<128xi32, #tpu.memory_space<vmem>>) semaphore(%run_scoped3A_2065 : memref<!tpu.dma_semaphore, #tpu.memory_space<semaphore_mem>>)
      %dma_wait3A = arith.constant 0 : i32
      %dma_wait3A_2072 = tpu.memref_slice %arg15[%dma_wait3A] : memref<528xi32, #tpu.memory_space<vmem>> -> memref<128xi32, #tpu.memory_space<vmem>>
      %dma_wait3A_2073 = arith.constant 0 : i32
      %dma_wait3A_2074 = tpu.memref_slice %arg16[%run_scoped3A_1547, %dma_wait3A_2073] : memref<4x128xi32, #tpu.memory_space<vmem>> -> memref<1x128xi32, #tpu.memory_space<vmem>>
      %dma_wait3A_2075 = tpu.memref_squeeze %dma_wait3A_2074 : memref<1x128xi32, #tpu.memory_space<vmem>> -> memref<128xi32, #tpu.memory_space<vmem>>
      %dma_wait3A_2076 = arith.constant 0 : i32
      %dma_wait3A_2077 = tpu.memref_slice %arg6[%dma_wait3A_2076] : memref<100000xi32, #tpu.memory_space<hbm>> -> memref<100000xi32, #tpu.memory_space<hbm>>
      tpu.wait_indirect_dma semaphore(%run_scoped3A_2065 : memref<!tpu.dma_semaphore, #tpu.memory_space<semaphore_mem>>) src(%dma_wait3A_2077 : memref<100000xi32, #tpu.memory_space<hbm>>) dst(%dma_wait3A_2072 : memref<128xi32, #tpu.memory_space<vmem>>)
      tpu.yield
    }) : () -> ()
    %run_scoped3A_1548 = arith.constant 1 : i32
    "tpu.region"() ({
      %run_scoped3A_2065 = tpu.sem_alloc : memref<!tpu.dma_semaphore, #tpu.memory_space<semaphore_mem>>
      %dma_start3A = arith.constant 128 : i32
      %dma_start3A_2066 = tpu.memref_slice %arg15[%dma_start3A] : memref<528xi32, #tpu.memory_space<vmem>> -> memref<128xi32, #tpu.memory_space<vmem>>
      %dma_start3A_2067 = arith.constant 0 : i32
      %dma_start3A_2068 = tpu.memref_slice %arg16[%run_scoped3A_1548, %dma_start3A_2067] : memref<4x128xi32, #tpu.memory_space<vmem>> -> memref<1x128xi32, #tpu.memory_space<vmem>>
      %dma_start3A_2069 = tpu.memref_squeeze %dma_start3A_2068 : memref<1x128xi32, #tpu.memory_space<vmem>> -> memref<128xi32, #tpu.memory_space<vmem>>
      %dma_start3A_2070 = arith.constant 0 : i32
      %dma_start3A_2071 = tpu.memref_slice %arg6[%dma_start3A_2070] : memref<100000xi32, #tpu.memory_space<hbm>> -> memref<100000xi32, #tpu.memory_space<hbm>>
      tpu.enqueue_indirect_dma source(%dma_start3A_2071 : memref<100000xi32, #tpu.memory_space<hbm>>) target(%dma_start3A_2066 : memref<128xi32, #tpu.memory_space<vmem>>) offsets(%dma_start3A_2069 : memref<128xi32, #tpu.memory_space<vmem>>) semaphore(%run_scoped3A_2065 : memref<!tpu.dma_semaphore, #tpu.memory_space<semaphore_mem>>)
      %dma_wait3A = arith.constant 128 : i32
      %dma_wait3A_2072 = tpu.memref_slice %arg15[%dma_wait3A] : memref<528xi32, #tpu.memory_space<vmem>> -> memref<128xi32, #tpu.memory_space<vmem>>
      %dma_wait3A_2073 = arith.constant 0 : i32
      %dma_wait3A_2074 = tpu.memref_slice %arg16[%run_scoped3A_1548, %dma_wait3A_2073] : memref<4x128xi32, #tpu.memory_space<vmem>> -> memref<1x128xi32, #tpu.memory_space<vmem>>
      %dma_wait3A_2075 = tpu.memref_squeeze %dma_wait3A_2074 : memref<1x128xi32, #tpu.memory_space<vmem>> -> memref<128xi32, #tpu.memory_space<vmem>>
      %dma_wait3A_2076 = arith.constant 0 : i32
      %dma_wait3A_2077 = tpu.memref_slice %arg6[%dma_wait3A_2076] : memref<100000xi32, #tpu.memory_space<hbm>> -> memref<100000xi32, #tpu.memory_space<hbm>>
      tpu.wait_indirect_dma semaphore(%run_scoped3A_2065 : memref<!tpu.dma_semaphore, #tpu.memory_space<semaphore_mem>>) src(%dma_wait3A_2077 : memref<100000xi32, #tpu.memory_space<hbm>>) dst(%dma_wait3A_2072 : memref<128xi32, #tpu.memory_space<vmem>>)
      tpu.yield
    }) : () -> ()
    %run_scoped3A_1549 = arith.constant 2 : i32
    "tpu.region"() ({
      %run_scoped3A_2065 = tpu.sem_alloc : memref<!tpu.dma_semaphore, #tpu.memory_space<semaphore_mem>>
      %dma_start3A = arith.constant 256 : i32
      %dma_start3A_2066 = tpu.memref_slice %arg15[%dma_start3A] : memref<528xi32, #tpu.memory_space<vmem>> -> memref<128xi32, #tpu.memory_space<vmem>>
      %dma_start3A_2067 = arith.constant 0 : i32
      %dma_start3A_2068 = tpu.memref_slice %arg16[%run_scoped3A_1549, %dma_start3A_2067] : memref<4x128xi32, #tpu.memory_space<vmem>> -> memref<1x128xi32, #tpu.memory_space<vmem>>
      %dma_start3A_2069 = tpu.memref_squeeze %dma_start3A_2068 : memref<1x128xi32, #tpu.memory_space<vmem>> -> memref<128xi32, #tpu.memory_space<vmem>>
      %dma_start3A_2070 = arith.constant 0 : i32
      %dma_start3A_2071 = tpu.memref_slice %arg6[%dma_start3A_2070] : memref<100000xi32, #tpu.memory_space<hbm>> -> memref<100000xi32, #tpu.memory_space<hbm>>
      tpu.enqueue_indirect_dma source(%dma_start3A_2071 : memref<100000xi32, #tpu.memory_space<hbm>>) target(%dma_start3A_2066 : memref<128xi32, #tpu.memory_space<vmem>>) offsets(%dma_start3A_2069 : memref<128xi32, #tpu.memory_space<vmem>>) semaphore(%run_scoped3A_2065 : memref<!tpu.dma_semaphore, #tpu.memory_space<semaphore_mem>>)
      %dma_wait3A = arith.constant 256 : i32
      %dma_wait3A_2072 = tpu.memref_slice %arg15[%dma_wait3A] : memref<528xi32, #tpu.memory_space<vmem>> -> memref<128xi32, #tpu.memory_space<vmem>>
      %dma_wait3A_2073 = arith.constant 0 : i32
      %dma_wait3A_2074 = tpu.memref_slice %arg16[%run_scoped3A_1549, %dma_wait3A_2073] : memref<4x128xi32, #tpu.memory_space<vmem>> -> memref<1x128xi32, #tpu.memory_space<vmem>>
      %dma_wait3A_2075 = tpu.memref_squeeze %dma_wait3A_2074 : memref<1x128xi32, #tpu.memory_space<vmem>> -> memref<128xi32, #tpu.memory_space<vmem>>
      %dma_wait3A_2076 = arith.constant 0 : i32
      %dma_wait3A_2077 = tpu.memref_slice %arg6[%dma_wait3A_2076] : memref<100000xi32, #tpu.memory_space<hbm>> -> memref<100000xi32, #tpu.memory_space<hbm>>
      tpu.wait_indirect_dma semaphore(%run_scoped3A_2065 : memref<!tpu.dma_semaphore, #tpu.memory_space<semaphore_mem>>) src(%dma_wait3A_2077 : memref<100000xi32, #tpu.memory_space<hbm>>) dst(%dma_wait3A_2072 : memref<128xi32, #tpu.memory_space<vmem>>)
      tpu.yield
    }) : () -> ()
    %run_scoped3A_1550 = arith.constant 3 : i32
    "tpu.region"() ({
      %run_scoped3A_2065 = tpu.sem_alloc : memref<!tpu.dma_semaphore, #tpu.memory_space<semaphore_mem>>
      %dma_start3A = arith.constant 384 : i32
      %dma_start3A_2066 = tpu.memref_slice %arg15[%dma_start3A] : memref<528xi32, #tpu.memory_space<vmem>> -> memref<128xi32, #tpu.memory_space<vmem>>
      %dma_start3A_2067 = arith.constant 0 : i32
      %dma_start3A_2068 = tpu.memref_slice %arg16[%run_scoped3A_1550, %dma_start3A_2067] : memref<4x128xi32, #tpu.memory_space<vmem>> -> memref<1x128xi32, #tpu.memory_space<vmem>>
      %dma_start3A_2069 = tpu.memref_squeeze %dma_start3A_2068 : memref<1x128xi32, #tpu.memory_space<vmem>> -> memref<128xi32, #tpu.memory_space<vmem>>
      %dma_start3A_2070 = arith.constant 0 : i32
      %dma_start3A_2071 = tpu.memref_slice %arg6[%dma_start3A_2070] : memref<100000xi32, #tpu.memory_space<hbm>> -> memref<100000xi32, #tpu.memory_space<hbm>>
      tpu.enqueue_indirect_dma source(%dma_start3A_2071 : memref<100000xi32, #tpu.memory_space<hbm>>) target(%dma_start3A_2066 : memref<128xi32, #tpu.memory_space<vmem>>) offsets(%dma_start3A_2069 : memref<128xi32, #tpu.memory_space<vmem>>) semaphore(%run_scoped3A_2065 : memref<!tpu.dma_semaphore, #tpu.memory_space<semaphore_mem>>)
      %dma_wait3A = arith.constant 384 : i32
      %dma_wait3A_2072 = tpu.memref_slice %arg15[%dma_wait3A] : memref<528xi32, #tpu.memory_space<vmem>> -> memref<128xi32, #tpu.memory_space<vmem>>
      %dma_wait3A_2073 = arith.constant 0 : i32
      %dma_wait3A_2074 = tpu.memref_slice %arg16[%run_scoped3A_1550, %dma_wait3A_2073] : memref<4x128xi32, #tpu.memory_space<vmem>> -> memref<1x128xi32, #tpu.memory_space<vmem>>
      %dma_wait3A_2075 = tpu.memref_squeeze %dma_wait3A_2074 : memref<1x128xi32, #tpu.memory_space<vmem>> -> memref<128xi32, #tpu.memory_space<vmem>>
      %dma_wait3A_2076 = arith.constant 0 : i32
      %dma_wait3A_2077 = tpu.memref_slice %arg6[%dma_wait3A_2076] : memref<100000xi32, #tpu.memory_space<hbm>> -> memref<100000xi32, #tpu.memory_space<hbm>>
      tpu.wait_indirect_dma semaphore(%run_scoped3A_2065 : memref<!tpu.dma_semaphore, #tpu.memory_space<semaphore_mem>>) src(%dma_wait3A_2077 : memref<100000xi32, #tpu.memory_space<hbm>>) dst(%dma_wait3A_2072 : memref<128xi32, #tpu.memory_space<vmem>>)
      tpu.yield
    }) : () -> ()
    %get3A_1551 = arith.constant 0 : index
    %get3A_1552 = tpu.vector_load %arg13[%get3A_1551] {strides = array<i32>} : memref<512xi32, #tpu.memory_space<vmem>>, vector<16xi32>,
    %get3A_1553 = vector.shape_cast %get3A_1552 : vector<16xi32> to vector<16xi32>
    %get3A_1554 = arith.constant 0 : index
    %get3A_1555 = tpu.vector_load %arg15[%get3A_1554] {strides = array<i32>} : memref<528xi32, #tpu.memory_space<vmem>>, vector<16xi32>,
    %get3A_1556 = vector.shape_cast %get3A_1555 : vector<16xi32> to vector<16xi32>
    %eq3A = arith.constant 99999 : i32
    %eq3A_1557 = vector.broadcast %eq3A : i32 to vector<16xi32>
    %eq3A_1558 = arith.cmpi eq, %get3A_1553, %eq3A_1557 : vector<16xi32>
    %jit3A = arith.constant 500000 : i32
    %broadcast_in_dim3A = vector.broadcast %jit3A : i32 to vector<16xi32>
    %select_n3A = arith.select %eq3A_1558, %broadcast_in_dim3A, %get3A_1556 : vector<16xi1>, vector<16xi32>
    %swap3A_1559 = arith.constant 0 : index
    %swap3A_1560 = tpu.vector_load %arg15[%swap3A_1559] {strides = array<i32>} : memref<528xi32, #tpu.memory_space<vmem>>, vector<16xi32>,
    %swap3A_1561 = vector.shape_cast %swap3A_1560 : vector<16xi32> to vector<16xi32>
    %swap3A_1562 = vector.shape_cast %select_n3A : vector<16xi32> to vector<16xi32>
    tpu.vector_store %arg15[%swap3A_1559], %swap3A_1562 {strides = array<i32>} : memref<528xi32, #tpu.memory_space<vmem>>, vector<16xi32>,
    %get3A_1563 = arith.constant 16 : index
    %get3A_1564 = tpu.vector_load %arg13[%get3A_1563] {strides = array<i32>} : memref<512xi32, #tpu.memory_space<vmem>>, vector<16xi32>,
    %get3A_1565 = vector.shape_cast %get3A_1564 : vector<16xi32> to vector<16xi32>
    %get3A_1566 = arith.constant 16 : index
    %get3A_1567 = tpu.vector_load %arg15[%get3A_1566] {strides = array<i32>} : memref<528xi32, #tpu.memory_space<vmem>>, vector<16xi32>,
    %get3A_1568 = vector.shape_cast %get3A_1567 : vector<16xi32> to vector<16xi32>
    %eq3A_1569 = arith.constant 99999 : i32
    %eq3A_1570 = vector.broadcast %eq3A_1569 : i32 to vector<16xi32>
    %eq3A_1571 = arith.cmpi eq, %get3A_1565, %eq3A_1570 : vector<16xi32>
    %jit3A_1572 = arith.constant 500000 : i32
    %broadcast_in_dim3A_1573 = vector.broadcast %jit3A_1572 : i32 to vector<16xi32>
    %select_n3A_1574 = arith.select %eq3A_1571, %broadcast_in_dim3A_1573, %get3A_1568 : vector<16xi1>, vector<16xi32>
    %swap3A_1575 = arith.constant 16 : index
    %swap3A_1576 = tpu.vector_load %arg15[%swap3A_1575] {strides = array<i32>} : memref<528xi32, #tpu.memory_space<vmem>>, vector<16xi32>,
    %swap3A_1577 = vector.shape_cast %swap3A_1576 : vector<16xi32> to vector<16xi32>
    %swap3A_1578 = vector.shape_cast %select_n3A_1574 : vector<16xi32> to vector<16xi32>
    tpu.vector_store %arg15[%swap3A_1575], %swap3A_1578 {strides = array<i32>} : memref<528xi32, #tpu.memory_space<vmem>>, vector<16xi32>,
    %get3A_1579 = arith.constant 32 : index
    %get3A_1580 = tpu.vector_load %arg13[%get3A_1579] {strides = array<i32>} : memref<512xi32, #tpu.memory_space<vmem>>, vector<16xi32>,
    %get3A_1581 = vector.shape_cast %get3A_1580 : vector<16xi32> to vector<16xi32>
    %get3A_1582 = arith.constant 32 : index
    %get3A_1583 = tpu.vector_load %arg15[%get3A_1582] {strides = array<i32>} : memref<528xi32, #tpu.memory_space<vmem>>, vector<16xi32>,
    %get3A_1584 = vector.shape_cast %get3A_1583 : vector<16xi32> to vector<16xi32>
    %eq3A_1585 = arith.constant 99999 : i32
    %eq3A_1586 = vector.broadcast %eq3A_1585 : i32 to vector<16xi32>
    %eq3A_1587 = arith.cmpi eq, %get3A_1581, %eq3A_1586 : vector<16xi32>
    %jit3A_1588 = arith.constant 500000 : i32
    %broadcast_in_dim3A_1589 = vector.broadcast %jit3A_1588 : i32 to vector<16xi32>
    %select_n3A_1590 = arith.select %eq3A_1587, %broadcast_in_dim3A_1589, %get3A_1584 : vector<16xi1>, vector<16xi32>
    %swap3A_1591 = arith.constant 32 : index
    %swap3A_1592 = tpu.vector_load %arg15[%swap3A_1591] {strides = array<i32>} : memref<528xi32, #tpu.memory_space<vmem>>, vector<16xi32>,
    %swap3A_1593 = vector.shape_cast %swap3A_1592 : vector<16xi32> to vector<16xi32>
    %swap3A_1594 = vector.shape_cast %select_n3A_1590 : vector<16xi32> to vector<16xi32>
    tpu.vector_store %arg15[%swap3A_1591], %swap3A_1594 {strides = array<i32>} : memref<528xi32, #tpu.memory_space<vmem>>, vector<16xi32>,
    %get3A_1595 = arith.constant 48 : index
    %get3A_1596 = tpu.vector_load %arg13[%get3A_1595] {strides = array<i32>} : memref<512xi32, #tpu.memory_space<vmem>>, vector<16xi32>,
    %get3A_1597 = vector.shape_cast %get3A_1596 : vector<16xi32> to vector<16xi32>
    %get3A_1598 = arith.constant 48 : index
    %get3A_1599 = tpu.vector_load %arg15[%get3A_1598] {strides = array<i32>} : memref<528xi32, #tpu.memory_space<vmem>>, vector<16xi32>,
    %get3A_1600 = vector.shape_cast %get3A_1599 : vector<16xi32> to vector<16xi32>
    %eq3A_1601 = arith.constant 99999 : i32
    %eq3A_1602 = vector.broadcast %eq3A_1601 : i32 to vector<16xi32>
    %eq3A_1603 = arith.cmpi eq, %get3A_1597, %eq3A_1602 : vector<16xi32>
    %jit3A_1604 = arith.constant 500000 : i32
    %broadcast_in_dim3A_1605 = vector.broadcast %jit3A_1604 : i32 to vector<16xi32>
    %select_n3A_1606 = arith.select %eq3A_1603, %broadcast_in_dim3A_1605, %get3A_1600 : vector<16xi1>, vector<16xi32>
    %swap3A_1607 = arith.constant 48 : index
    %swap3A_1608 = tpu.vector_load %arg15[%swap3A_1607] {strides = array<i32>} : memref<528xi32, #tpu.memory_space<vmem>>, vector<16xi32>,
    %swap3A_1609 = vector.shape_cast %swap3A_1608 : vector<16xi32> to vector<16xi32>
    %swap3A_1610 = vector.shape_cast %select_n3A_1606 : vector<16xi32> to vector<16xi32>
    tpu.vector_store %arg15[%swap3A_1607], %swap3A_1610 {strides = array<i32>} : memref<528xi32, #tpu.memory_space<vmem>>, vector<16xi32>,
    %get3A_1611 = arith.constant 64 : index
    %get3A_1612 = tpu.vector_load %arg13[%get3A_1611] {strides = array<i32>} : memref<512xi32, #tpu.memory_space<vmem>>, vector<16xi32>,
    %get3A_1613 = vector.shape_cast %get3A_1612 : vector<16xi32> to vector<16xi32>
    %get3A_1614 = arith.constant 64 : index
    %get3A_1615 = tpu.vector_load %arg15[%get3A_1614] {strides = array<i32>} : memref<528xi32, #tpu.memory_space<vmem>>, vector<16xi32>,
    %get3A_1616 = vector.shape_cast %get3A_1615 : vector<16xi32> to vector<16xi32>
    %eq3A_1617 = arith.constant 99999 : i32
    %eq3A_1618 = vector.broadcast %eq3A_1617 : i32 to vector<16xi32>
    %eq3A_1619 = arith.cmpi eq, %get3A_1613, %eq3A_1618 : vector<16xi32>
    %jit3A_1620 = arith.constant 500000 : i32
    %broadcast_in_dim3A_1621 = vector.broadcast %jit3A_1620 : i32 to vector<16xi32>
    %select_n3A_1622 = arith.select %eq3A_1619, %broadcast_in_dim3A_1621, %get3A_1616 : vector<16xi1>, vector<16xi32>
    %swap3A_1623 = arith.constant 64 : index
    %swap3A_1624 = tpu.vector_load %arg15[%swap3A_1623] {strides = array<i32>} : memref<528xi32, #tpu.memory_space<vmem>>, vector<16xi32>,
    %swap3A_1625 = vector.shape_cast %swap3A_1624 : vector<16xi32> to vector<16xi32>
    %swap3A_1626 = vector.shape_cast %select_n3A_1622 : vector<16xi32> to vector<16xi32>
    tpu.vector_store %arg15[%swap3A_1623], %swap3A_1626 {strides = array<i32>} : memref<528xi32, #tpu.memory_space<vmem>>, vector<16xi32>,
    %get3A_1627 = arith.constant 80 : index
    %get3A_1628 = tpu.vector_load %arg13[%get3A_1627] {strides = array<i32>} : memref<512xi32, #tpu.memory_space<vmem>>, vector<16xi32>,
    %get3A_1629 = vector.shape_cast %get3A_1628 : vector<16xi32> to vector<16xi32>
    %get3A_1630 = arith.constant 80 : index
    %get3A_1631 = tpu.vector_load %arg15[%get3A_1630] {strides = array<i32>} : memref<528xi32, #tpu.memory_space<vmem>>, vector<16xi32>,
    %get3A_1632 = vector.shape_cast %get3A_1631 : vector<16xi32> to vector<16xi32>
    %eq3A_1633 = arith.constant 99999 : i32
    %eq3A_1634 = vector.broadcast %eq3A_1633 : i32 to vector<16xi32>
    %eq3A_1635 = arith.cmpi eq, %get3A_1629, %eq3A_1634 : vector<16xi32>
    %jit3A_1636 = arith.constant 500000 : i32
    %broadcast_in_dim3A_1637 = vector.broadcast %jit3A_1636 : i32 to vector<16xi32>
    %select_n3A_1638 = arith.select %eq3A_1635, %broadcast_in_dim3A_1637, %get3A_1632 : vector<16xi1>, vector<16xi32>
    %swap3A_1639 = arith.constant 80 : index
    %swap3A_1640 = tpu.vector_load %arg15[%swap3A_1639] {strides = array<i32>} : memref<528xi32, #tpu.memory_space<vmem>>, vector<16xi32>,
    %swap3A_1641 = vector.shape_cast %swap3A_1640 : vector<16xi32> to vector<16xi32>
    %swap3A_1642 = vector.shape_cast %select_n3A_1638 : vector<16xi32> to vector<16xi32>
    tpu.vector_store %arg15[%swap3A_1639], %swap3A_1642 {strides = array<i32>} : memref<528xi32, #tpu.memory_space<vmem>>, vector<16xi32>,
    %get3A_1643 = arith.constant 96 : index
    %get3A_1644 = tpu.vector_load %arg13[%get3A_1643] {strides = array<i32>} : memref<512xi32, #tpu.memory_space<vmem>>, vector<16xi32>,
    %get3A_1645 = vector.shape_cast %get3A_1644 : vector<16xi32> to vector<16xi32>
    %get3A_1646 = arith.constant 96 : index
    %get3A_1647 = tpu.vector_load %arg15[%get3A_1646] {strides = array<i32>} : memref<528xi32, #tpu.memory_space<vmem>>, vector<16xi32>,
    %get3A_1648 = vector.shape_cast %get3A_1647 : vector<16xi32> to vector<16xi32>
    %eq3A_1649 = arith.constant 99999 : i32
    %eq3A_1650 = vector.broadcast %eq3A_1649 : i32 to vector<16xi32>
    %eq3A_1651 = arith.cmpi eq, %get3A_1645, %eq3A_1650 : vector<16xi32>
    %jit3A_1652 = arith.constant 500000 : i32
    %broadcast_in_dim3A_1653 = vector.broadcast %jit3A_1652 : i32 to vector<16xi32>
    %select_n3A_1654 = arith.select %eq3A_1651, %broadcast_in_dim3A_1653, %get3A_1648 : vector<16xi1>, vector<16xi32>
    %swap3A_1655 = arith.constant 96 : index
    %swap3A_1656 = tpu.vector_load %arg15[%swap3A_1655] {strides = array<i32>} : memref<528xi32, #tpu.memory_space<vmem>>, vector<16xi32>,
    %swap3A_1657 = vector.shape_cast %swap3A_1656 : vector<16xi32> to vector<16xi32>
    %swap3A_1658 = vector.shape_cast %select_n3A_1654 : vector<16xi32> to vector<16xi32>
    tpu.vector_store %arg15[%swap3A_1655], %swap3A_1658 {strides = array<i32>} : memref<528xi32, #tpu.memory_space<vmem>>, vector<16xi32>,
    %get3A_1659 = arith.constant 112 : index
    %get3A_1660 = tpu.vector_load %arg13[%get3A_1659] {strides = array<i32>} : memref<512xi32, #tpu.memory_space<vmem>>, vector<16xi32>,
    %get3A_1661 = vector.shape_cast %get3A_1660 : vector<16xi32> to vector<16xi32>
    %get3A_1662 = arith.constant 112 : index
    %get3A_1663 = tpu.vector_load %arg15[%get3A_1662] {strides = array<i32>} : memref<528xi32, #tpu.memory_space<vmem>>, vector<16xi32>,
    %get3A_1664 = vector.shape_cast %get3A_1663 : vector<16xi32> to vector<16xi32>
    %eq3A_1665 = arith.constant 99999 : i32
    %eq3A_1666 = vector.broadcast %eq3A_1665 : i32 to vector<16xi32>
    %eq3A_1667 = arith.cmpi eq, %get3A_1661, %eq3A_1666 : vector<16xi32>
    %jit3A_1668 = arith.constant 500000 : i32
    %broadcast_in_dim3A_1669 = vector.broadcast %jit3A_1668 : i32 to vector<16xi32>
    %select_n3A_1670 = arith.select %eq3A_1667, %broadcast_in_dim3A_1669, %get3A_1664 : vector<16xi1>, vector<16xi32>
    %swap3A_1671 = arith.constant 112 : index
    %swap3A_1672 = tpu.vector_load %arg15[%swap3A_1671] {strides = array<i32>} : memref<528xi32, #tpu.memory_space<vmem>>, vector<16xi32>,
    %swap3A_1673 = vector.shape_cast %swap3A_1672 : vector<16xi32> to vector<16xi32>
    %swap3A_1674 = vector.shape_cast %select_n3A_1670 : vector<16xi32> to vector<16xi32>
    tpu.vector_store %arg15[%swap3A_1671], %swap3A_1674 {strides = array<i32>} : memref<528xi32, #tpu.memory_space<vmem>>, vector<16xi32>,
    %get3A_1675 = arith.constant 128 : index
    %get3A_1676 = tpu.vector_load %arg13[%get3A_1675] {strides = array<i32>} : memref<512xi32, #tpu.memory_space<vmem>>, vector<16xi32>,
    %get3A_1677 = vector.shape_cast %get3A_1676 : vector<16xi32> to vector<16xi32>
    %get3A_1678 = arith.constant 128 : index
    %get3A_1679 = tpu.vector_load %arg15[%get3A_1678] {strides = array<i32>} : memref<528xi32, #tpu.memory_space<vmem>>, vector<16xi32>,
    %get3A_1680 = vector.shape_cast %get3A_1679 : vector<16xi32> to vector<16xi32>
    %eq3A_1681 = arith.constant 99999 : i32
    %eq3A_1682 = vector.broadcast %eq3A_1681 : i32 to vector<16xi32>
    %eq3A_1683 = arith.cmpi eq, %get3A_1677, %eq3A_1682 : vector<16xi32>
    %jit3A_1684 = arith.constant 500000 : i32
    %broadcast_in_dim3A_1685 = vector.broadcast %jit3A_1684 : i32 to vector<16xi32>
    %select_n3A_1686 = arith.select %eq3A_1683, %broadcast_in_dim3A_1685, %get3A_1680 : vector<16xi1>, vector<16xi32>
    %swap3A_1687 = arith.constant 128 : index
    %swap3A_1688 = tpu.vector_load %arg15[%swap3A_1687] {strides = array<i32>} : memref<528xi32, #tpu.memory_space<vmem>>, vector<16xi32>,
    %swap3A_1689 = vector.shape_cast %swap3A_1688 : vector<16xi32> to vector<16xi32>
    %swap3A_1690 = vector.shape_cast %select_n3A_1686 : vector<16xi32> to vector<16xi32>
    tpu.vector_store %arg15[%swap3A_1687], %swap3A_1690 {strides = array<i32>} : memref<528xi32, #tpu.memory_space<vmem>>, vector<16xi32>,
    %get3A_1691 = arith.constant 144 : index
    %get3A_1692 = tpu.vector_load %arg13[%get3A_1691] {strides = array<i32>} : memref<512xi32, #tpu.memory_space<vmem>>, vector<16xi32>,
    %get3A_1693 = vector.shape_cast %get3A_1692 : vector<16xi32> to vector<16xi32>
    %get3A_1694 = arith.constant 144 : index
    %get3A_1695 = tpu.vector_load %arg15[%get3A_1694] {strides = array<i32>} : memref<528xi32, #tpu.memory_space<vmem>>, vector<16xi32>,
    %get3A_1696 = vector.shape_cast %get3A_1695 : vector<16xi32> to vector<16xi32>
    %eq3A_1697 = arith.constant 99999 : i32
    %eq3A_1698 = vector.broadcast %eq3A_1697 : i32 to vector<16xi32>
    %eq3A_1699 = arith.cmpi eq, %get3A_1693, %eq3A_1698 : vector<16xi32>
    %jit3A_1700 = arith.constant 500000 : i32
    %broadcast_in_dim3A_1701 = vector.broadcast %jit3A_1700 : i32 to vector<16xi32>
    %select_n3A_1702 = arith.select %eq3A_1699, %broadcast_in_dim3A_1701, %get3A_1696 : vector<16xi1>, vector<16xi32>
    %swap3A_1703 = arith.constant 144 : index
    %swap3A_1704 = tpu.vector_load %arg15[%swap3A_1703] {strides = array<i32>} : memref<528xi32, #tpu.memory_space<vmem>>, vector<16xi32>,
    %swap3A_1705 = vector.shape_cast %swap3A_1704 : vector<16xi32> to vector<16xi32>
    %swap3A_1706 = vector.shape_cast %select_n3A_1702 : vector<16xi32> to vector<16xi32>
    tpu.vector_store %arg15[%swap3A_1703], %swap3A_1706 {strides = array<i32>} : memref<528xi32, #tpu.memory_space<vmem>>, vector<16xi32>,
    %get3A_1707 = arith.constant 160 : index
    %get3A_1708 = tpu.vector_load %arg13[%get3A_1707] {strides = array<i32>} : memref<512xi32, #tpu.memory_space<vmem>>, vector<16xi32>,
    %get3A_1709 = vector.shape_cast %get3A_1708 : vector<16xi32> to vector<16xi32>
    %get3A_1710 = arith.constant 160 : index
    %get3A_1711 = tpu.vector_load %arg15[%get3A_1710] {strides = array<i32>} : memref<528xi32, #tpu.memory_space<vmem>>, vector<16xi32>,
    %get3A_1712 = vector.shape_cast %get3A_1711 : vector<16xi32> to vector<16xi32>
    %eq3A_1713 = arith.constant 99999 : i32
    %eq3A_1714 = vector.broadcast %eq3A_1713 : i32 to vector<16xi32>
    %eq3A_1715 = arith.cmpi eq, %get3A_1709, %eq3A_1714 : vector<16xi32>
    %jit3A_1716 = arith.constant 500000 : i32
    %broadcast_in_dim3A_1717 = vector.broadcast %jit3A_1716 : i32 to vector<16xi32>
    %select_n3A_1718 = arith.select %eq3A_1715, %broadcast_in_dim3A_1717, %get3A_1712 : vector<16xi1>, vector<16xi32>
    %swap3A_1719 = arith.constant 160 : index
    %swap3A_1720 = tpu.vector_load %arg15[%swap3A_1719] {strides = array<i32>} : memref<528xi32, #tpu.memory_space<vmem>>, vector<16xi32>,
    %swap3A_1721 = vector.shape_cast %swap3A_1720 : vector<16xi32> to vector<16xi32>
    %swap3A_1722 = vector.shape_cast %select_n3A_1718 : vector<16xi32> to vector<16xi32>
    tpu.vector_store %arg15[%swap3A_1719], %swap3A_1722 {strides = array<i32>} : memref<528xi32, #tpu.memory_space<vmem>>, vector<16xi32>,
    %get3A_1723 = arith.constant 176 : index
    %get3A_1724 = tpu.vector_load %arg13[%get3A_1723] {strides = array<i32>} : memref<512xi32, #tpu.memory_space<vmem>>, vector<16xi32>,
    %get3A_1725 = vector.shape_cast %get3A_1724 : vector<16xi32> to vector<16xi32>
    %get3A_1726 = arith.constant 176 : index
    %get3A_1727 = tpu.vector_load %arg15[%get3A_1726] {strides = array<i32>} : memref<528xi32, #tpu.memory_space<vmem>>, vector<16xi32>,
    %get3A_1728 = vector.shape_cast %get3A_1727 : vector<16xi32> to vector<16xi32>
    %eq3A_1729 = arith.constant 99999 : i32
    %eq3A_1730 = vector.broadcast %eq3A_1729 : i32 to vector<16xi32>
    %eq3A_1731 = arith.cmpi eq, %get3A_1725, %eq3A_1730 : vector<16xi32>
    %jit3A_1732 = arith.constant 500000 : i32
    %broadcast_in_dim3A_1733 = vector.broadcast %jit3A_1732 : i32 to vector<16xi32>
    %select_n3A_1734 = arith.select %eq3A_1731, %broadcast_in_dim3A_1733, %get3A_1728 : vector<16xi1>, vector<16xi32>
    %swap3A_1735 = arith.constant 176 : index
    %swap3A_1736 = tpu.vector_load %arg15[%swap3A_1735] {strides = array<i32>} : memref<528xi32, #tpu.memory_space<vmem>>, vector<16xi32>,
    %swap3A_1737 = vector.shape_cast %swap3A_1736 : vector<16xi32> to vector<16xi32>
    %swap3A_1738 = vector.shape_cast %select_n3A_1734 : vector<16xi32> to vector<16xi32>
    tpu.vector_store %arg15[%swap3A_1735], %swap3A_1738 {strides = array<i32>} : memref<528xi32, #tpu.memory_space<vmem>>, vector<16xi32>,
    %get3A_1739 = arith.constant 192 : index
    %get3A_1740 = tpu.vector_load %arg13[%get3A_1739] {strides = array<i32>} : memref<512xi32, #tpu.memory_space<vmem>>, vector<16xi32>,
    %get3A_1741 = vector.shape_cast %get3A_1740 : vector<16xi32> to vector<16xi32>
    %get3A_1742 = arith.constant 192 : index
    %get3A_1743 = tpu.vector_load %arg15[%get3A_1742] {strides = array<i32>} : memref<528xi32, #tpu.memory_space<vmem>>, vector<16xi32>,
    %get3A_1744 = vector.shape_cast %get3A_1743 : vector<16xi32> to vector<16xi32>
    %eq3A_1745 = arith.constant 99999 : i32
    %eq3A_1746 = vector.broadcast %eq3A_1745 : i32 to vector<16xi32>
    %eq3A_1747 = arith.cmpi eq, %get3A_1741, %eq3A_1746 : vector<16xi32>
    %jit3A_1748 = arith.constant 500000 : i32
    %broadcast_in_dim3A_1749 = vector.broadcast %jit3A_1748 : i32 to vector<16xi32>
    %select_n3A_1750 = arith.select %eq3A_1747, %broadcast_in_dim3A_1749, %get3A_1744 : vector<16xi1>, vector<16xi32>
    %swap3A_1751 = arith.constant 192 : index
    %swap3A_1752 = tpu.vector_load %arg15[%swap3A_1751] {strides = array<i32>} : memref<528xi32, #tpu.memory_space<vmem>>, vector<16xi32>,
    %swap3A_1753 = vector.shape_cast %swap3A_1752 : vector<16xi32> to vector<16xi32>
    %swap3A_1754 = vector.shape_cast %select_n3A_1750 : vector<16xi32> to vector<16xi32>
    tpu.vector_store %arg15[%swap3A_1751], %swap3A_1754 {strides = array<i32>} : memref<528xi32, #tpu.memory_space<vmem>>, vector<16xi32>,
    %get3A_1755 = arith.constant 208 : index
    %get3A_1756 = tpu.vector_load %arg13[%get3A_1755] {strides = array<i32>} : memref<512xi32, #tpu.memory_space<vmem>>, vector<16xi32>,
    %get3A_1757 = vector.shape_cast %get3A_1756 : vector<16xi32> to vector<16xi32>
    %get3A_1758 = arith.constant 208 : index
    %get3A_1759 = tpu.vector_load %arg15[%get3A_1758] {strides = array<i32>} : memref<528xi32, #tpu.memory_space<vmem>>, vector<16xi32>,
    %get3A_1760 = vector.shape_cast %get3A_1759 : vector<16xi32> to vector<16xi32>
    %eq3A_1761 = arith.constant 99999 : i32
    %eq3A_1762 = vector.broadcast %eq3A_1761 : i32 to vector<16xi32>
    %eq3A_1763 = arith.cmpi eq, %get3A_1757, %eq3A_1762 : vector<16xi32>
    %jit3A_1764 = arith.constant 500000 : i32
    %broadcast_in_dim3A_1765 = vector.broadcast %jit3A_1764 : i32 to vector<16xi32>
    %select_n3A_1766 = arith.select %eq3A_1763, %broadcast_in_dim3A_1765, %get3A_1760 : vector<16xi1>, vector<16xi32>
    %swap3A_1767 = arith.constant 208 : index
    %swap3A_1768 = tpu.vector_load %arg15[%swap3A_1767] {strides = array<i32>} : memref<528xi32, #tpu.memory_space<vmem>>, vector<16xi32>,
    %swap3A_1769 = vector.shape_cast %swap3A_1768 : vector<16xi32> to vector<16xi32>
    %swap3A_1770 = vector.shape_cast %select_n3A_1766 : vector<16xi32> to vector<16xi32>
    tpu.vector_store %arg15[%swap3A_1767], %swap3A_1770 {strides = array<i32>} : memref<528xi32, #tpu.memory_space<vmem>>, vector<16xi32>,
    %get3A_1771 = arith.constant 224 : index
    %get3A_1772 = tpu.vector_load %arg13[%get3A_1771] {strides = array<i32>} : memref<512xi32, #tpu.memory_space<vmem>>, vector<16xi32>,
    %get3A_1773 = vector.shape_cast %get3A_1772 : vector<16xi32> to vector<16xi32>
    %get3A_1774 = arith.constant 224 : index
    %get3A_1775 = tpu.vector_load %arg15[%get3A_1774] {strides = array<i32>} : memref<528xi32, #tpu.memory_space<vmem>>, vector<16xi32>,
    %get3A_1776 = vector.shape_cast %get3A_1775 : vector<16xi32> to vector<16xi32>
    %eq3A_1777 = arith.constant 99999 : i32
    %eq3A_1778 = vector.broadcast %eq3A_1777 : i32 to vector<16xi32>
    %eq3A_1779 = arith.cmpi eq, %get3A_1773, %eq3A_1778 : vector<16xi32>
    %jit3A_1780 = arith.constant 500000 : i32
    %broadcast_in_dim3A_1781 = vector.broadcast %jit3A_1780 : i32 to vector<16xi32>
    %select_n3A_1782 = arith.select %eq3A_1779, %broadcast_in_dim3A_1781, %get3A_1776 : vector<16xi1>, vector<16xi32>
    %swap3A_1783 = arith.constant 224 : index
    %swap3A_1784 = tpu.vector_load %arg15[%swap3A_1783] {strides = array<i32>} : memref<528xi32, #tpu.memory_space<vmem>>, vector<16xi32>,
    %swap3A_1785 = vector.shape_cast %swap3A_1784 : vector<16xi32> to vector<16xi32>
    %swap3A_1786 = vector.shape_cast %select_n3A_1782 : vector<16xi32> to vector<16xi32>
    tpu.vector_store %arg15[%swap3A_1783], %swap3A_1786 {strides = array<i32>} : memref<528xi32, #tpu.memory_space<vmem>>, vector<16xi32>,
    %get3A_1787 = arith.constant 240 : index
    %get3A_1788 = tpu.vector_load %arg13[%get3A_1787] {strides = array<i32>} : memref<512xi32, #tpu.memory_space<vmem>>, vector<16xi32>,
    %get3A_1789 = vector.shape_cast %get3A_1788 : vector<16xi32> to vector<16xi32>
    %get3A_1790 = arith.constant 240 : index
    %get3A_1791 = tpu.vector_load %arg15[%get3A_1790] {strides = array<i32>} : memref<528xi32, #tpu.memory_space<vmem>>, vector<16xi32>,
    %get3A_1792 = vector.shape_cast %get3A_1791 : vector<16xi32> to vector<16xi32>
    %eq3A_1793 = arith.constant 99999 : i32
    %eq3A_1794 = vector.broadcast %eq3A_1793 : i32 to vector<16xi32>
    %eq3A_1795 = arith.cmpi eq, %get3A_1789, %eq3A_1794 : vector<16xi32>
    %jit3A_1796 = arith.constant 500000 : i32
    %broadcast_in_dim3A_1797 = vector.broadcast %jit3A_1796 : i32 to vector<16xi32>
    %select_n3A_1798 = arith.select %eq3A_1795, %broadcast_in_dim3A_1797, %get3A_1792 : vector<16xi1>, vector<16xi32>
    %swap3A_1799 = arith.constant 240 : index
    %swap3A_1800 = tpu.vector_load %arg15[%swap3A_1799] {strides = array<i32>} : memref<528xi32, #tpu.memory_space<vmem>>, vector<16xi32>,
    %swap3A_1801 = vector.shape_cast %swap3A_1800 : vector<16xi32> to vector<16xi32>
    %swap3A_1802 = vector.shape_cast %select_n3A_1798 : vector<16xi32> to vector<16xi32>
    tpu.vector_store %arg15[%swap3A_1799], %swap3A_1802 {strides = array<i32>} : memref<528xi32, #tpu.memory_space<vmem>>, vector<16xi32>,
    %get3A_1803 = arith.constant 256 : index
    %get3A_1804 = tpu.vector_load %arg13[%get3A_1803] {strides = array<i32>} : memref<512xi32, #tpu.memory_space<vmem>>, vector<16xi32>,
    %get3A_1805 = vector.shape_cast %get3A_1804 : vector<16xi32> to vector<16xi32>
    %get3A_1806 = arith.constant 256 : index
    %get3A_1807 = tpu.vector_load %arg15[%get3A_1806] {strides = array<i32>} : memref<528xi32, #tpu.memory_space<vmem>>, vector<16xi32>,
    %get3A_1808 = vector.shape_cast %get3A_1807 : vector<16xi32> to vector<16xi32>
    %eq3A_1809 = arith.constant 99999 : i32
    %eq3A_1810 = vector.broadcast %eq3A_1809 : i32 to vector<16xi32>
    %eq3A_1811 = arith.cmpi eq, %get3A_1805, %eq3A_1810 : vector<16xi32>
    %jit3A_1812 = arith.constant 500000 : i32
    %broadcast_in_dim3A_1813 = vector.broadcast %jit3A_1812 : i32 to vector<16xi32>
    %select_n3A_1814 = arith.select %eq3A_1811, %broadcast_in_dim3A_1813, %get3A_1808 : vector<16xi1>, vector<16xi32>
    %swap3A_1815 = arith.constant 256 : index
    %swap3A_1816 = tpu.vector_load %arg15[%swap3A_1815] {strides = array<i32>} : memref<528xi32, #tpu.memory_space<vmem>>, vector<16xi32>,
    %swap3A_1817 = vector.shape_cast %swap3A_1816 : vector<16xi32> to vector<16xi32>
    %swap3A_1818 = vector.shape_cast %select_n3A_1814 : vector<16xi32> to vector<16xi32>
    tpu.vector_store %arg15[%swap3A_1815], %swap3A_1818 {strides = array<i32>} : memref<528xi32, #tpu.memory_space<vmem>>, vector<16xi32>,
    %get3A_1819 = arith.constant 272 : index
    %get3A_1820 = tpu.vector_load %arg13[%get3A_1819] {strides = array<i32>} : memref<512xi32, #tpu.memory_space<vmem>>, vector<16xi32>,
    %get3A_1821 = vector.shape_cast %get3A_1820 : vector<16xi32> to vector<16xi32>
    %get3A_1822 = arith.constant 272 : index
    %get3A_1823 = tpu.vector_load %arg15[%get3A_1822] {strides = array<i32>} : memref<528xi32, #tpu.memory_space<vmem>>, vector<16xi32>,
    %get3A_1824 = vector.shape_cast %get3A_1823 : vector<16xi32> to vector<16xi32>
    %eq3A_1825 = arith.constant 99999 : i32
    %eq3A_1826 = vector.broadcast %eq3A_1825 : i32 to vector<16xi32>
    %eq3A_1827 = arith.cmpi eq, %get3A_1821, %eq3A_1826 : vector<16xi32>
    %jit3A_1828 = arith.constant 500000 : i32
    %broadcast_in_dim3A_1829 = vector.broadcast %jit3A_1828 : i32 to vector<16xi32>
    %select_n3A_1830 = arith.select %eq3A_1827, %broadcast_in_dim3A_1829, %get3A_1824 : vector<16xi1>, vector<16xi32>
    %swap3A_1831 = arith.constant 272 : index
    %swap3A_1832 = tpu.vector_load %arg15[%swap3A_1831] {strides = array<i32>} : memref<528xi32, #tpu.memory_space<vmem>>, vector<16xi32>,
    %swap3A_1833 = vector.shape_cast %swap3A_1832 : vector<16xi32> to vector<16xi32>
    %swap3A_1834 = vector.shape_cast %select_n3A_1830 : vector<16xi32> to vector<16xi32>
    tpu.vector_store %arg15[%swap3A_1831], %swap3A_1834 {strides = array<i32>} : memref<528xi32, #tpu.memory_space<vmem>>, vector<16xi32>,
    %get3A_1835 = arith.constant 288 : index
    %get3A_1836 = tpu.vector_load %arg13[%get3A_1835] {strides = array<i32>} : memref<512xi32, #tpu.memory_space<vmem>>, vector<16xi32>,
    %get3A_1837 = vector.shape_cast %get3A_1836 : vector<16xi32> to vector<16xi32>
    %get3A_1838 = arith.constant 288 : index
    %get3A_1839 = tpu.vector_load %arg15[%get3A_1838] {strides = array<i32>} : memref<528xi32, #tpu.memory_space<vmem>>, vector<16xi32>,
    %get3A_1840 = vector.shape_cast %get3A_1839 : vector<16xi32> to vector<16xi32>
    %eq3A_1841 = arith.constant 99999 : i32
    %eq3A_1842 = vector.broadcast %eq3A_1841 : i32 to vector<16xi32>
    %eq3A_1843 = arith.cmpi eq, %get3A_1837, %eq3A_1842 : vector<16xi32>
    %jit3A_1844 = arith.constant 500000 : i32
    %broadcast_in_dim3A_1845 = vector.broadcast %jit3A_1844 : i32 to vector<16xi32>
    %select_n3A_1846 = arith.select %eq3A_1843, %broadcast_in_dim3A_1845, %get3A_1840 : vector<16xi1>, vector<16xi32>
    %swap3A_1847 = arith.constant 288 : index
    %swap3A_1848 = tpu.vector_load %arg15[%swap3A_1847] {strides = array<i32>} : memref<528xi32, #tpu.memory_space<vmem>>, vector<16xi32>,
    %swap3A_1849 = vector.shape_cast %swap3A_1848 : vector<16xi32> to vector<16xi32>
    %swap3A_1850 = vector.shape_cast %select_n3A_1846 : vector<16xi32> to vector<16xi32>
    tpu.vector_store %arg15[%swap3A_1847], %swap3A_1850 {strides = array<i32>} : memref<528xi32, #tpu.memory_space<vmem>>, vector<16xi32>,
    %get3A_1851 = arith.constant 304 : index
    %get3A_1852 = tpu.vector_load %arg13[%get3A_1851] {strides = array<i32>} : memref<512xi32, #tpu.memory_space<vmem>>, vector<16xi32>,
    %get3A_1853 = vector.shape_cast %get3A_1852 : vector<16xi32> to vector<16xi32>
    %get3A_1854 = arith.constant 304 : index
    %get3A_1855 = tpu.vector_load %arg15[%get3A_1854] {strides = array<i32>} : memref<528xi32, #tpu.memory_space<vmem>>, vector<16xi32>,
    %get3A_1856 = vector.shape_cast %get3A_1855 : vector<16xi32> to vector<16xi32>
    %eq3A_1857 = arith.constant 99999 : i32
    %eq3A_1858 = vector.broadcast %eq3A_1857 : i32 to vector<16xi32>
    %eq3A_1859 = arith.cmpi eq, %get3A_1853, %eq3A_1858 : vector<16xi32>
    %jit3A_1860 = arith.constant 500000 : i32
    %broadcast_in_dim3A_1861 = vector.broadcast %jit3A_1860 : i32 to vector<16xi32>
    %select_n3A_1862 = arith.select %eq3A_1859, %broadcast_in_dim3A_1861, %get3A_1856 : vector<16xi1>, vector<16xi32>
    %swap3A_1863 = arith.constant 304 : index
    %swap3A_1864 = tpu.vector_load %arg15[%swap3A_1863] {strides = array<i32>} : memref<528xi32, #tpu.memory_space<vmem>>, vector<16xi32>,
    %swap3A_1865 = vector.shape_cast %swap3A_1864 : vector<16xi32> to vector<16xi32>
    %swap3A_1866 = vector.shape_cast %select_n3A_1862 : vector<16xi32> to vector<16xi32>
    tpu.vector_store %arg15[%swap3A_1863], %swap3A_1866 {strides = array<i32>} : memref<528xi32, #tpu.memory_space<vmem>>, vector<16xi32>,
    %get3A_1867 = arith.constant 320 : index
    %get3A_1868 = tpu.vector_load %arg13[%get3A_1867] {strides = array<i32>} : memref<512xi32, #tpu.memory_space<vmem>>, vector<16xi32>,
    %get3A_1869 = vector.shape_cast %get3A_1868 : vector<16xi32> to vector<16xi32>
    %get3A_1870 = arith.constant 320 : index
    %get3A_1871 = tpu.vector_load %arg15[%get3A_1870] {strides = array<i32>} : memref<528xi32, #tpu.memory_space<vmem>>, vector<16xi32>,
    %get3A_1872 = vector.shape_cast %get3A_1871 : vector<16xi32> to vector<16xi32>
    %eq3A_1873 = arith.constant 99999 : i32
    %eq3A_1874 = vector.broadcast %eq3A_1873 : i32 to vector<16xi32>
    %eq3A_1875 = arith.cmpi eq, %get3A_1869, %eq3A_1874 : vector<16xi32>
    %jit3A_1876 = arith.constant 500000 : i32
    %broadcast_in_dim3A_1877 = vector.broadcast %jit3A_1876 : i32 to vector<16xi32>
    %select_n3A_1878 = arith.select %eq3A_1875, %broadcast_in_dim3A_1877, %get3A_1872 : vector<16xi1>, vector<16xi32>
    %swap3A_1879 = arith.constant 320 : index
    %swap3A_1880 = tpu.vector_load %arg15[%swap3A_1879] {strides = array<i32>} : memref<528xi32, #tpu.memory_space<vmem>>, vector<16xi32>,
    %swap3A_1881 = vector.shape_cast %swap3A_1880 : vector<16xi32> to vector<16xi32>
    %swap3A_1882 = vector.shape_cast %select_n3A_1878 : vector<16xi32> to vector<16xi32>
    tpu.vector_store %arg15[%swap3A_1879], %swap3A_1882 {strides = array<i32>} : memref<528xi32, #tpu.memory_space<vmem>>, vector<16xi32>,
    %get3A_1883 = arith.constant 336 : index
    %get3A_1884 = tpu.vector_load %arg13[%get3A_1883] {strides = array<i32>} : memref<512xi32, #tpu.memory_space<vmem>>, vector<16xi32>,
    %get3A_1885 = vector.shape_cast %get3A_1884 : vector<16xi32> to vector<16xi32>
    %get3A_1886 = arith.constant 336 : index
    %get3A_1887 = tpu.vector_load %arg15[%get3A_1886] {strides = array<i32>} : memref<528xi32, #tpu.memory_space<vmem>>, vector<16xi32>,
    %get3A_1888 = vector.shape_cast %get3A_1887 : vector<16xi32> to vector<16xi32>
    %eq3A_1889 = arith.constant 99999 : i32
    %eq3A_1890 = vector.broadcast %eq3A_1889 : i32 to vector<16xi32>
    %eq3A_1891 = arith.cmpi eq, %get3A_1885, %eq3A_1890 : vector<16xi32>
    %jit3A_1892 = arith.constant 500000 : i32
    %broadcast_in_dim3A_1893 = vector.broadcast %jit3A_1892 : i32 to vector<16xi32>
    %select_n3A_1894 = arith.select %eq3A_1891, %broadcast_in_dim3A_1893, %get3A_1888 : vector<16xi1>, vector<16xi32>
    %swap3A_1895 = arith.constant 336 : index
    %swap3A_1896 = tpu.vector_load %arg15[%swap3A_1895] {strides = array<i32>} : memref<528xi32, #tpu.memory_space<vmem>>, vector<16xi32>,
    %swap3A_1897 = vector.shape_cast %swap3A_1896 : vector<16xi32> to vector<16xi32>
    %swap3A_1898 = vector.shape_cast %select_n3A_1894 : vector<16xi32> to vector<16xi32>
    tpu.vector_store %arg15[%swap3A_1895], %swap3A_1898 {strides = array<i32>} : memref<528xi32, #tpu.memory_space<vmem>>, vector<16xi32>,
    %get3A_1899 = arith.constant 352 : index
    %get3A_1900 = tpu.vector_load %arg13[%get3A_1899] {strides = array<i32>} : memref<512xi32, #tpu.memory_space<vmem>>, vector<16xi32>,
    %get3A_1901 = vector.shape_cast %get3A_1900 : vector<16xi32> to vector<16xi32>
    %get3A_1902 = arith.constant 352 : index
    %get3A_1903 = tpu.vector_load %arg15[%get3A_1902] {strides = array<i32>} : memref<528xi32, #tpu.memory_space<vmem>>, vector<16xi32>,
    %get3A_1904 = vector.shape_cast %get3A_1903 : vector<16xi32> to vector<16xi32>
    %eq3A_1905 = arith.constant 99999 : i32
    %eq3A_1906 = vector.broadcast %eq3A_1905 : i32 to vector<16xi32>
    %eq3A_1907 = arith.cmpi eq, %get3A_1901, %eq3A_1906 : vector<16xi32>
    %jit3A_1908 = arith.constant 500000 : i32
    %broadcast_in_dim3A_1909 = vector.broadcast %jit3A_1908 : i32 to vector<16xi32>
    %select_n3A_1910 = arith.select %eq3A_1907, %broadcast_in_dim3A_1909, %get3A_1904 : vector<16xi1>, vector<16xi32>
    %swap3A_1911 = arith.constant 352 : index
    %swap3A_1912 = tpu.vector_load %arg15[%swap3A_1911] {strides = array<i32>} : memref<528xi32, #tpu.memory_space<vmem>>, vector<16xi32>,
    %swap3A_1913 = vector.shape_cast %swap3A_1912 : vector<16xi32> to vector<16xi32>
    %swap3A_1914 = vector.shape_cast %select_n3A_1910 : vector<16xi32> to vector<16xi32>
    tpu.vector_store %arg15[%swap3A_1911], %swap3A_1914 {strides = array<i32>} : memref<528xi32, #tpu.memory_space<vmem>>, vector<16xi32>,
    %get3A_1915 = arith.constant 368 : index
    %get3A_1916 = tpu.vector_load %arg13[%get3A_1915] {strides = array<i32>} : memref<512xi32, #tpu.memory_space<vmem>>, vector<16xi32>,
    %get3A_1917 = vector.shape_cast %get3A_1916 : vector<16xi32> to vector<16xi32>
    %get3A_1918 = arith.constant 368 : index
    %get3A_1919 = tpu.vector_load %arg15[%get3A_1918] {strides = array<i32>} : memref<528xi32, #tpu.memory_space<vmem>>, vector<16xi32>,
    %get3A_1920 = vector.shape_cast %get3A_1919 : vector<16xi32> to vector<16xi32>
    %eq3A_1921 = arith.constant 99999 : i32
    %eq3A_1922 = vector.broadcast %eq3A_1921 : i32 to vector<16xi32>
    %eq3A_1923 = arith.cmpi eq, %get3A_1917, %eq3A_1922 : vector<16xi32>
    %jit3A_1924 = arith.constant 500000 : i32
    %broadcast_in_dim3A_1925 = vector.broadcast %jit3A_1924 : i32 to vector<16xi32>
    %select_n3A_1926 = arith.select %eq3A_1923, %broadcast_in_dim3A_1925, %get3A_1920 : vector<16xi1>, vector<16xi32>
    %swap3A_1927 = arith.constant 368 : index
    %swap3A_1928 = tpu.vector_load %arg15[%swap3A_1927] {strides = array<i32>} : memref<528xi32, #tpu.memory_space<vmem>>, vector<16xi32>,
    %swap3A_1929 = vector.shape_cast %swap3A_1928 : vector<16xi32> to vector<16xi32>
    %swap3A_1930 = vector.shape_cast %select_n3A_1926 : vector<16xi32> to vector<16xi32>
    tpu.vector_store %arg15[%swap3A_1927], %swap3A_1930 {strides = array<i32>} : memref<528xi32, #tpu.memory_space<vmem>>, vector<16xi32>,
    %get3A_1931 = arith.constant 384 : index
    %get3A_1932 = tpu.vector_load %arg13[%get3A_1931] {strides = array<i32>} : memref<512xi32, #tpu.memory_space<vmem>>, vector<16xi32>,
    %get3A_1933 = vector.shape_cast %get3A_1932 : vector<16xi32> to vector<16xi32>
    %get3A_1934 = arith.constant 384 : index
    %get3A_1935 = tpu.vector_load %arg15[%get3A_1934] {strides = array<i32>} : memref<528xi32, #tpu.memory_space<vmem>>, vector<16xi32>,
    %get3A_1936 = vector.shape_cast %get3A_1935 : vector<16xi32> to vector<16xi32>
    %eq3A_1937 = arith.constant 99999 : i32
    %eq3A_1938 = vector.broadcast %eq3A_1937 : i32 to vector<16xi32>
    %eq3A_1939 = arith.cmpi eq, %get3A_1933, %eq3A_1938 : vector<16xi32>
    %jit3A_1940 = arith.constant 500000 : i32
    %broadcast_in_dim3A_1941 = vector.broadcast %jit3A_1940 : i32 to vector<16xi32>
    %select_n3A_1942 = arith.select %eq3A_1939, %broadcast_in_dim3A_1941, %get3A_1936 : vector<16xi1>, vector<16xi32>
    %swap3A_1943 = arith.constant 384 : index
    %swap3A_1944 = tpu.vector_load %arg15[%swap3A_1943] {strides = array<i32>} : memref<528xi32, #tpu.memory_space<vmem>>, vector<16xi32>,
    %swap3A_1945 = vector.shape_cast %swap3A_1944 : vector<16xi32> to vector<16xi32>
    %swap3A_1946 = vector.shape_cast %select_n3A_1942 : vector<16xi32> to vector<16xi32>
    tpu.vector_store %arg15[%swap3A_1943], %swap3A_1946 {strides = array<i32>} : memref<528xi32, #tpu.memory_space<vmem>>, vector<16xi32>,
    %get3A_1947 = arith.constant 400 : index
    %get3A_1948 = tpu.vector_load %arg13[%get3A_1947] {strides = array<i32>} : memref<512xi32, #tpu.memory_space<vmem>>, vector<16xi32>,
    %get3A_1949 = vector.shape_cast %get3A_1948 : vector<16xi32> to vector<16xi32>
    %get3A_1950 = arith.constant 400 : index
    %get3A_1951 = tpu.vector_load %arg15[%get3A_1950] {strides = array<i32>} : memref<528xi32, #tpu.memory_space<vmem>>, vector<16xi32>,
    %get3A_1952 = vector.shape_cast %get3A_1951 : vector<16xi32> to vector<16xi32>
    %eq3A_1953 = arith.constant 99999 : i32
    %eq3A_1954 = vector.broadcast %eq3A_1953 : i32 to vector<16xi32>
    %eq3A_1955 = arith.cmpi eq, %get3A_1949, %eq3A_1954 : vector<16xi32>
    %jit3A_1956 = arith.constant 500000 : i32
    %broadcast_in_dim3A_1957 = vector.broadcast %jit3A_1956 : i32 to vector<16xi32>
    %select_n3A_1958 = arith.select %eq3A_1955, %broadcast_in_dim3A_1957, %get3A_1952 : vector<16xi1>, vector<16xi32>
    %swap3A_1959 = arith.constant 400 : index
    %swap3A_1960 = tpu.vector_load %arg15[%swap3A_1959] {strides = array<i32>} : memref<528xi32, #tpu.memory_space<vmem>>, vector<16xi32>,
    %swap3A_1961 = vector.shape_cast %swap3A_1960 : vector<16xi32> to vector<16xi32>
    %swap3A_1962 = vector.shape_cast %select_n3A_1958 : vector<16xi32> to vector<16xi32>
    tpu.vector_store %arg15[%swap3A_1959], %swap3A_1962 {strides = array<i32>} : memref<528xi32, #tpu.memory_space<vmem>>, vector<16xi32>,
    %get3A_1963 = arith.constant 416 : index
    %get3A_1964 = tpu.vector_load %arg13[%get3A_1963] {strides = array<i32>} : memref<512xi32, #tpu.memory_space<vmem>>, vector<16xi32>,
    %get3A_1965 = vector.shape_cast %get3A_1964 : vector<16xi32> to vector<16xi32>
    %get3A_1966 = arith.constant 416 : index
    %get3A_1967 = tpu.vector_load %arg15[%get3A_1966] {strides = array<i32>} : memref<528xi32, #tpu.memory_space<vmem>>, vector<16xi32>,
    %get3A_1968 = vector.shape_cast %get3A_1967 : vector<16xi32> to vector<16xi32>
    %eq3A_1969 = arith.constant 99999 : i32
    %eq3A_1970 = vector.broadcast %eq3A_1969 : i32 to vector<16xi32>
    %eq3A_1971 = arith.cmpi eq, %get3A_1965, %eq3A_1970 : vector<16xi32>
    %jit3A_1972 = arith.constant 500000 : i32
    %broadcast_in_dim3A_1973 = vector.broadcast %jit3A_1972 : i32 to vector<16xi32>
    %select_n3A_1974 = arith.select %eq3A_1971, %broadcast_in_dim3A_1973, %get3A_1968 : vector<16xi1>, vector<16xi32>
    %swap3A_1975 = arith.constant 416 : index
    %swap3A_1976 = tpu.vector_load %arg15[%swap3A_1975] {strides = array<i32>} : memref<528xi32, #tpu.memory_space<vmem>>, vector<16xi32>,
    %swap3A_1977 = vector.shape_cast %swap3A_1976 : vector<16xi32> to vector<16xi32>
    %swap3A_1978 = vector.shape_cast %select_n3A_1974 : vector<16xi32> to vector<16xi32>
    tpu.vector_store %arg15[%swap3A_1975], %swap3A_1978 {strides = array<i32>} : memref<528xi32, #tpu.memory_space<vmem>>, vector<16xi32>,
    %get3A_1979 = arith.constant 432 : index
    %get3A_1980 = tpu.vector_load %arg13[%get3A_1979] {strides = array<i32>} : memref<512xi32, #tpu.memory_space<vmem>>, vector<16xi32>,
    %get3A_1981 = vector.shape_cast %get3A_1980 : vector<16xi32> to vector<16xi32>
    %get3A_1982 = arith.constant 432 : index
    %get3A_1983 = tpu.vector_load %arg15[%get3A_1982] {strides = array<i32>} : memref<528xi32, #tpu.memory_space<vmem>>, vector<16xi32>,
    %get3A_1984 = vector.shape_cast %get3A_1983 : vector<16xi32> to vector<16xi32>
    %eq3A_1985 = arith.constant 99999 : i32
    %eq3A_1986 = vector.broadcast %eq3A_1985 : i32 to vector<16xi32>
    %eq3A_1987 = arith.cmpi eq, %get3A_1981, %eq3A_1986 : vector<16xi32>
    %jit3A_1988 = arith.constant 500000 : i32
    %broadcast_in_dim3A_1989 = vector.broadcast %jit3A_1988 : i32 to vector<16xi32>
    %select_n3A_1990 = arith.select %eq3A_1987, %broadcast_in_dim3A_1989, %get3A_1984 : vector<16xi1>, vector<16xi32>
    %swap3A_1991 = arith.constant 432 : index
    %swap3A_1992 = tpu.vector_load %arg15[%swap3A_1991] {strides = array<i32>} : memref<528xi32, #tpu.memory_space<vmem>>, vector<16xi32>,
    %swap3A_1993 = vector.shape_cast %swap3A_1992 : vector<16xi32> to vector<16xi32>
    %swap3A_1994 = vector.shape_cast %select_n3A_1990 : vector<16xi32> to vector<16xi32>
    tpu.vector_store %arg15[%swap3A_1991], %swap3A_1994 {strides = array<i32>} : memref<528xi32, #tpu.memory_space<vmem>>, vector<16xi32>,
    %get3A_1995 = arith.constant 448 : index
    %get3A_1996 = tpu.vector_load %arg13[%get3A_1995] {strides = array<i32>} : memref<512xi32, #tpu.memory_space<vmem>>, vector<16xi32>,
    %get3A_1997 = vector.shape_cast %get3A_1996 : vector<16xi32> to vector<16xi32>
    %get3A_1998 = arith.constant 448 : index
    %get3A_1999 = tpu.vector_load %arg15[%get3A_1998] {strides = array<i32>} : memref<528xi32, #tpu.memory_space<vmem>>, vector<16xi32>,
    %get3A_2000 = vector.shape_cast %get3A_1999 : vector<16xi32> to vector<16xi32>
    %eq3A_2001 = arith.constant 99999 : i32
    %eq3A_2002 = vector.broadcast %eq3A_2001 : i32 to vector<16xi32>
    %eq3A_2003 = arith.cmpi eq, %get3A_1997, %eq3A_2002 : vector<16xi32>
    %jit3A_2004 = arith.constant 500000 : i32
    %broadcast_in_dim3A_2005 = vector.broadcast %jit3A_2004 : i32 to vector<16xi32>
    %select_n3A_2006 = arith.select %eq3A_2003, %broadcast_in_dim3A_2005, %get3A_2000 : vector<16xi1>, vector<16xi32>
    %swap3A_2007 = arith.constant 448 : index
    %swap3A_2008 = tpu.vector_load %arg15[%swap3A_2007] {strides = array<i32>} : memref<528xi32, #tpu.memory_space<vmem>>, vector<16xi32>,
    %swap3A_2009 = vector.shape_cast %swap3A_2008 : vector<16xi32> to vector<16xi32>
    %swap3A_2010 = vector.shape_cast %select_n3A_2006 : vector<16xi32> to vector<16xi32>
    tpu.vector_store %arg15[%swap3A_2007], %swap3A_2010 {strides = array<i32>} : memref<528xi32, #tpu.memory_space<vmem>>, vector<16xi32>,
    %get3A_2011 = arith.constant 464 : index
    %get3A_2012 = tpu.vector_load %arg13[%get3A_2011] {strides = array<i32>} : memref<512xi32, #tpu.memory_space<vmem>>, vector<16xi32>,
    %get3A_2013 = vector.shape_cast %get3A_2012 : vector<16xi32> to vector<16xi32>
    %get3A_2014 = arith.constant 464 : index
    %get3A_2015 = tpu.vector_load %arg15[%get3A_2014] {strides = array<i32>} : memref<528xi32, #tpu.memory_space<vmem>>, vector<16xi32>,
    %get3A_2016 = vector.shape_cast %get3A_2015 : vector<16xi32> to vector<16xi32>
    %eq3A_2017 = arith.constant 99999 : i32
    %eq3A_2018 = vector.broadcast %eq3A_2017 : i32 to vector<16xi32>
    %eq3A_2019 = arith.cmpi eq, %get3A_2013, %eq3A_2018 : vector<16xi32>
    %jit3A_2020 = arith.constant 500000 : i32
    %broadcast_in_dim3A_2021 = vector.broadcast %jit3A_2020 : i32 to vector<16xi32>
    %select_n3A_2022 = arith.select %eq3A_2019, %broadcast_in_dim3A_2021, %get3A_2016 : vector<16xi1>, vector<16xi32>
    %swap3A_2023 = arith.constant 464 : index
    %swap3A_2024 = tpu.vector_load %arg15[%swap3A_2023] {strides = array<i32>} : memref<528xi32, #tpu.memory_space<vmem>>, vector<16xi32>,
    %swap3A_2025 = vector.shape_cast %swap3A_2024 : vector<16xi32> to vector<16xi32>
    %swap3A_2026 = vector.shape_cast %select_n3A_2022 : vector<16xi32> to vector<16xi32>
    tpu.vector_store %arg15[%swap3A_2023], %swap3A_2026 {strides = array<i32>} : memref<528xi32, #tpu.memory_space<vmem>>, vector<16xi32>,
    %get3A_2027 = arith.constant 480 : index
    %get3A_2028 = tpu.vector_load %arg13[%get3A_2027] {strides = array<i32>} : memref<512xi32, #tpu.memory_space<vmem>>, vector<16xi32>,
    %get3A_2029 = vector.shape_cast %get3A_2028 : vector<16xi32> to vector<16xi32>
    %get3A_2030 = arith.constant 480 : index
    %get3A_2031 = tpu.vector_load %arg15[%get3A_2030] {strides = array<i32>} : memref<528xi32, #tpu.memory_space<vmem>>, vector<16xi32>,
    %get3A_2032 = vector.shape_cast %get3A_2031 : vector<16xi32> to vector<16xi32>
    %eq3A_2033 = arith.constant 99999 : i32
    %eq3A_2034 = vector.broadcast %eq3A_2033 : i32 to vector<16xi32>
    %eq3A_2035 = arith.cmpi eq, %get3A_2029, %eq3A_2034 : vector<16xi32>
    %jit3A_2036 = arith.constant 500000 : i32
    %broadcast_in_dim3A_2037 = vector.broadcast %jit3A_2036 : i32 to vector<16xi32>
    %select_n3A_2038 = arith.select %eq3A_2035, %broadcast_in_dim3A_2037, %get3A_2032 : vector<16xi1>, vector<16xi32>
    %swap3A_2039 = arith.constant 480 : index
    %swap3A_2040 = tpu.vector_load %arg15[%swap3A_2039] {strides = array<i32>} : memref<528xi32, #tpu.memory_space<vmem>>, vector<16xi32>,
    %swap3A_2041 = vector.shape_cast %swap3A_2040 : vector<16xi32> to vector<16xi32>
    %swap3A_2042 = vector.shape_cast %select_n3A_2038 : vector<16xi32> to vector<16xi32>
    tpu.vector_store %arg15[%swap3A_2039], %swap3A_2042 {strides = array<i32>} : memref<528xi32, #tpu.memory_space<vmem>>, vector<16xi32>,
    %get3A_2043 = arith.constant 496 : index
    %get3A_2044 = tpu.vector_load %arg13[%get3A_2043] {strides = array<i32>} : memref<512xi32, #tpu.memory_space<vmem>>, vector<16xi32>,
    %get3A_2045 = vector.shape_cast %get3A_2044 : vector<16xi32> to vector<16xi32>
    %get3A_2046 = arith.constant 496 : index
    %get3A_2047 = tpu.vector_load %arg15[%get3A_2046] {strides = array<i32>} : memref<528xi32, #tpu.memory_space<vmem>>, vector<16xi32>,
    %get3A_2048 = vector.shape_cast %get3A_2047 : vector<16xi32> to vector<16xi32>
    %eq3A_2049 = arith.constant 99999 : i32
    %eq3A_2050 = vector.broadcast %eq3A_2049 : i32 to vector<16xi32>
    %eq3A_2051 = arith.cmpi eq, %get3A_2045, %eq3A_2050 : vector<16xi32>
    %jit3A_2052 = arith.constant 500000 : i32
    %broadcast_in_dim3A_2053 = vector.broadcast %jit3A_2052 : i32 to vector<16xi32>
    %select_n3A_2054 = arith.select %eq3A_2051, %broadcast_in_dim3A_2053, %get3A_2048 : vector<16xi1>, vector<16xi32>
    %swap3A_2055 = arith.constant 496 : index
    %swap3A_2056 = tpu.vector_load %arg15[%swap3A_2055] {strides = array<i32>} : memref<528xi32, #tpu.memory_space<vmem>>, vector<16xi32>,
    %swap3A_2057 = vector.shape_cast %swap3A_2056 : vector<16xi32> to vector<16xi32>
    %swap3A_2058 = vector.shape_cast %select_n3A_2054 : vector<16xi32> to vector<16xi32>
    tpu.vector_store %arg15[%swap3A_2055], %swap3A_2058 {strides = array<i32>} : memref<528xi32, #tpu.memory_space<vmem>>, vector<16xi32>,
    "tpu.region"() ({
      %run_scoped3A_2065 = tpu.sem_alloc : memref<!tpu.dma_semaphore, #tpu.memory_space<semaphore_mem>>
      %dma_start3A = arith.constant 0 : i32
      %dma_start3A_2066 = arith.constant 0 : i32
      %dma_start3A_2067 = tpu.memref_slice %arg9[%dma_start3A, %dma_start3A_2066] : memref<100001x64xf32, #tpu.memory_space<hbm>> -> memref<1x64xf32, #tpu.memory_space<hbm>>
      %dma_start3A_2068 = arith.constant 0 : i32
      %dma_start3A_2069 = arith.constant 0 : i32
      %dma_start3A_2070 = tpu.memref_slice %arg9[%dma_start3A_2068, %dma_start3A_2069] : memref<100001x64xf32, #tpu.memory_space<hbm>> -> memref<1x64xf32, #tpu.memory_space<hbm>>
      tpu.enqueue_dma source(%dma_start3A_2070 : memref<1x64xf32, #tpu.memory_space<hbm>>) target(%arg22 : memref<1x64xf32, #tpu.memory_space<vmem>>) target_semaphore(%run_scoped3A_2065 : memref<!tpu.dma_semaphore, #tpu.memory_space<semaphore_mem>>)
      %dma_wait3A = arith.constant 0 : i32
      %dma_wait3A_2071 = arith.constant 0 : i32
      %dma_wait3A_2072 = tpu.memref_slice %arg9[%dma_wait3A, %dma_wait3A_2071] : memref<100001x64xf32, #tpu.memory_space<hbm>> -> memref<1x64xf32, #tpu.memory_space<hbm>>
      %dma_wait3A_2073 = arith.constant 0 : i32
      %dma_wait3A_2074 = arith.constant 0 : i32
      %dma_wait3A_2075 = tpu.memref_slice %arg9[%dma_wait3A_2073, %dma_wait3A_2074] : memref<100001x64xf32, #tpu.memory_space<hbm>> -> memref<1x64xf32, #tpu.memory_space<hbm>>
      tpu.wait_dma2 semaphore(%run_scoped3A_2065 : memref<!tpu.dma_semaphore, #tpu.memory_space<semaphore_mem>>) src(%dma_wait3A_2075 : memref<1x64xf32, #tpu.memory_space<hbm>>) dst(%arg22 : memref<1x64xf32, #tpu.memory_space<vmem>>)
      tpu.yield
    }) : () -> ()
    %scan3A = arith.constant 0 : i32
    %scan3A_2059 = arith.constant 0 : i32
    %scan3A_2060 = arith.constant 512 : i32
    %scan3A_2061 = arith.addi %scan3A_2059, %scan3A_2060 : i32
    %scan3A_2062 = arith.constant 1 : i32
    %scan3A_2063 = scf.for %scan3A_2065 = %scan3A_2059 to %scan3A_2061 step %scan3A_2062 iter_args(%scan3A_2066 = %scan3A) -> (i32)  : i32 {
      %get3A_2067 = arith.index_cast %scan3A_2065 : i32 to index
      %get3A_2068 = tpu.vector_load %arg14[%get3A_2067] {strides = array<i32>} : memref<528xi32, #tpu.memory_space<vmem>>, vector<16xi32>,
      %get3A_2069 = vector.shape_cast %get3A_2068 : vector<16xi32> to vector<16xi32>
      %slice3A = vector.extract_strided_slice %get3A_2069 {offsets = [0], sizes = [1], strides = [1]} : vector<16xi32> to vector<1xi32>
      %squeeze3A = vector.extract %slice3A[0] : i32 from vector<1xi32>
      %get3A_2070 = arith.index_cast %scan3A_2065 : i32 to index
      %get3A_2071 = tpu.vector_load %arg15[%get3A_2070] {strides = array<i32>} : memref<528xi32, #tpu.memory_space<vmem>>, vector<16xi32>,
      %get3A_2072 = vector.shape_cast %get3A_2071 : vector<16xi32> to vector<16xi32>
      %slice3A_2073 = vector.extract_strided_slice %get3A_2072 {offsets = [0], sizes = [1], strides = [1]} : vector<16xi32> to vector<1xi32>
      %squeeze3A_2074 = vector.extract %slice3A_2073[0] : i32 from vector<1xi32>
      %sub3A = arith.subi %squeeze3A_2074, %squeeze3A : i32
      %add3A_2075 = arith.constant 15 : i32
      %add3A_2076 = arith.addi %sub3A, %add3A_2075 : i32
      %jit3A_2077 = arith.constant 16 : i32
      %div3A = arith.divsi %add3A_2076, %jit3A_2077 : i32
      %sign3A = arith.constant 0 : i32
      %sign3A_2078 = arith.cmpi sgt, %add3A_2076, %sign3A : i32
      %sign3A_2079 = arith.extui %sign3A_2078 : i1 to i32
      %sign3A_2080 = arith.constant 0 : i32
      %sign3A_2081 = arith.cmpi slt, %add3A_2076, %sign3A_2080 : i32
      %sign3A_2082 = arith.extui %sign3A_2081 : i1 to i32
      %sign3A_2083 = arith.subi %sign3A_2079, %sign3A_2082 : i32
      %sign3A_2084 = arith.constant 0 : i32
      %sign3A_2085 = arith.cmpi sgt, %jit3A_2077, %sign3A_2084 : i32
      %sign3A_2086 = arith.extui %sign3A_2085 : i1 to i32
      %sign3A_2087 = arith.constant 0 : i32
      %sign3A_2088 = arith.cmpi slt, %jit3A_2077, %sign3A_2087 : i32
      %sign3A_2089 = arith.extui %sign3A_2088 : i1 to i32
      %sign3A_2090 = arith.subi %sign3A_2086, %sign3A_2089 : i32
      %ne3A = arith.cmpi ne, %sign3A_2083, %sign3A_2090 : i32
      %rem3A = arith.remsi %add3A_2076, %jit3A_2077 : i32
      %ne3A_2091 = arith.constant 0 : i32
      %ne3A_2092 = arith.cmpi ne, %rem3A, %ne3A_2091 : i32
      %and3A = arith.andi %ne3A, %ne3A_2092 : i1
      %sub3A_2093 = arith.constant 1 : i32
      %sub3A_2094 = arith.subi %div3A, %sub3A_2093 : i32
      %select_n3A_2095 = arith.select %and3A, %sub3A_2094, %div3A : i32
      %broadcast_in_dim3A_2096 = arith.constant 0.000000e+00 : f32
      %broadcast_in_dim3A_2097 = vector.broadcast %broadcast_in_dim3A_2096 : f32 to vector<16xf32>
      %while3A = arith.constant 0 : i32
      %while3A_2098 = arith.subi %select_n3A_2095, %while3A : i32
      %while3A_2099 = arith.addi %while3A, %while3A_2098 : i32
      %while3A_2100 = arith.constant 1 : i32
      %while3A_2101 = arith.divsi %while3A_2098, %while3A_2100 : i32
      %while3A_2102 = arith.muli %while3A_2101, %while3A_2100 : i32
      %while3A_2103 = arith.addi %while3A, %while3A_2102 : i32
      %while3A_2104 = arith.constant 1 : i32
      %while3A_2105:4 = scf.for %while3A_2177 = %while3A to %while3A_2103 step %while3A_2104 iter_args(%while3A_2178 = %broadcast_in_dim3A_2097, %while3A_2179 = %broadcast_in_dim3A_2097, %while3A_2180 = %broadcast_in_dim3A_2097, %while3A_2181 = %broadcast_in_dim3A_2097) -> (vector<16xf32>, vector<16xf32>, vector<16xf32>, vector<16xf32>)  : i32 {
        %mul3A_2182 = arith.constant 16 : i32
        %mul3A_2183 = arith.muli %while3A_2177, %mul3A_2182 : i32
        %add3A_2184 = arith.addi %squeeze3A, %mul3A_2183 : i32
        %jit3A_2185 = arith.constant 8 : i32
        %div3A_2186 = arith.divsi %add3A_2184, %jit3A_2185 : i32
        %sign3A_2187 = arith.constant 0 : i32
        %sign3A_2188 = arith.cmpi sgt, %add3A_2184, %sign3A_2187 : i32
        %sign3A_2189 = arith.extui %sign3A_2188 : i1 to i32
        %sign3A_2190 = arith.constant 0 : i32
        %sign3A_2191 = arith.cmpi slt, %add3A_2184, %sign3A_2190 : i32
        %sign3A_2192 = arith.extui %sign3A_2191 : i1 to i32
        %sign3A_2193 = arith.subi %sign3A_2189, %sign3A_2192 : i32
        %sign3A_2194 = arith.constant 0 : i32
        %sign3A_2195 = arith.cmpi sgt, %jit3A_2185, %sign3A_2194 : i32
        %sign3A_2196 = arith.extui %sign3A_2195 : i1 to i32
        %sign3A_2197 = arith.constant 0 : i32
        %sign3A_2198 = arith.cmpi slt, %jit3A_2185, %sign3A_2197 : i32
        %sign3A_2199 = arith.extui %sign3A_2198 : i1 to i32
        %sign3A_2200 = arith.subi %sign3A_2196, %sign3A_2199 : i32
        %ne3A_2201 = arith.cmpi ne, %sign3A_2193, %sign3A_2200 : i32
        %rem3A_2202 = arith.remsi %add3A_2184, %jit3A_2185 : i32
        %ne3A_2203 = arith.constant 0 : i32
        %ne3A_2204 = arith.cmpi ne, %rem3A_2202, %ne3A_2203 : i32
        %and3A_2205 = arith.andi %ne3A_2201, %ne3A_2204 : i1
        %sub3A_2206 = arith.constant 1 : i32
        %sub3A_2207 = arith.subi %div3A_2186, %sub3A_2206 : i32
        %select_n3A_2208 = arith.select %and3A_2205, %sub3A_2207, %div3A_2186 : i32
        %mul3A_2209 = arith.constant 8 : i32
        %mul3A_2210 = arith.muli %select_n3A_2208, %mul3A_2209 : i32
        %min3A_2211 = arith.constant 499960 : i32
        %min3A_2212 = arith.minsi %mul3A_2210, %min3A_2211 : i32
        %sub3A_2213 = arith.subi %add3A_2184, %min3A_2212 : i32
        "tpu.region"() ({
          %run_scoped3A_2614 = tpu.sem_alloc : memref<!tpu.dma_semaphore, #tpu.memory_space<semaphore_mem>>
          %dma_start3A = arith.constant 0 : i32
          %dma_start3A_2615 = tpu.memref_slice %arg19[%dma_start3A] : memref<56xi32, #tpu.memory_space<vmem>> -> memref<40xi32, #tpu.memory_space<vmem>>
          %dma_start3A_2616 = tpu.memref_slice %arg5[%min3A_2212] : memref<500000xi32, #tpu.memory_space<hbm>> -> memref<40xi32, #tpu.memory_space<hbm>>
          %dma_start3A_2617 = arith.constant 0 : i32
          %dma_start3A_2618 = tpu.memref_slice %arg19[%dma_start3A_2617] : memref<56xi32, #tpu.memory_space<vmem>> -> memref<40xi32, #tpu.memory_space<vmem>>
          %dma_start3A_2619 = tpu.memref_slice %arg5[%min3A_2212] : memref<500000xi32, #tpu.memory_space<hbm>> -> memref<40xi32, #tpu.memory_space<hbm>>
          tpu.enqueue_dma source(%dma_start3A_2619 : memref<40xi32, #tpu.memory_space<hbm>>) target(%dma_start3A_2618 : memref<40xi32, #tpu.memory_space<vmem>>) target_semaphore(%run_scoped3A_2614 : memref<!tpu.dma_semaphore, #tpu.memory_space<semaphore_mem>>)
          %dma_wait3A = arith.constant 0 : i32
          %dma_wait3A_2620 = tpu.memref_slice %arg19[%dma_wait3A] : memref<56xi32, #tpu.memory_space<vmem>> -> memref<40xi32, #tpu.memory_space<vmem>>
          %dma_wait3A_2621 = tpu.memref_slice %arg5[%min3A_2212] : memref<500000xi32, #tpu.memory_space<hbm>> -> memref<40xi32, #tpu.memory_space<hbm>>
          %dma_wait3A_2622 = arith.constant 0 : i32
          %dma_wait3A_2623 = tpu.memref_slice %arg19[%dma_wait3A_2622] : memref<56xi32, #tpu.memory_space<vmem>> -> memref<40xi32, #tpu.memory_space<vmem>>
          %dma_wait3A_2624 = tpu.memref_slice %arg5[%min3A_2212] : memref<500000xi32, #tpu.memory_space<hbm>> -> memref<40xi32, #tpu.memory_space<hbm>>
          tpu.wait_dma2 semaphore(%run_scoped3A_2614 : memref<!tpu.dma_semaphore, #tpu.memory_space<semaphore_mem>>) src(%dma_wait3A_2624 : memref<40xi32, #tpu.memory_space<hbm>>) dst(%dma_wait3A_2623 : memref<40xi32, #tpu.memory_space<vmem>>)
          tpu.yield
        }) : () -> ()
        %get3A_2214 = arith.index_cast %sub3A_2213 : i32 to index
        %get3A_2215 = tpu.vector_load %arg19[%get3A_2214] {strides = array<i32>} : memref<56xi32, #tpu.memory_space<vmem>>, vector<16xi32>,
        %get3A_2216 = vector.shape_cast %get3A_2215 : vector<16xi32> to vector<16xi32>
        %mul3A_2217 = arith.constant 16 : i32
        %mul3A_2218 = arith.muli %while3A_2177, %mul3A_2217 : i32
        %sub3A_2219 = arith.subi %sub3A, %mul3A_2218 : i32
        %min3A_2220 = arith.constant 16 : i32
        %min3A_2221 = arith.minsi %sub3A_2219, %min3A_2220 : i32
        %lt3A = vector.broadcast %min3A_2221 : i32 to vector<16xi32>
        %lt3A_2222 = arith.cmpi slt, %iota3A, %lt3A : vector<16xi32>
        %jit3A_2223 = arith.constant 0 : i32
        %broadcast_in_dim3A_2224 = vector.broadcast %jit3A_2223 : i32 to vector<16xi32>
        %select_n3A_2225 = arith.select %lt3A_2222, %get3A_2216, %broadcast_in_dim3A_2224 : vector<16xi1>, vector<16xi32>
        %swap3A_2226 = arith.constant 0 : index
        %swap3A_2227 = tpu.vector_load %arg20[%swap3A_2226] {strides = array<i32>} : memref<16xi32, #tpu.memory_space<vmem>>, vector<16xi32>,
        %swap3A_2228 = vector.shape_cast %swap3A_2227 : vector<16xi32> to vector<16xi32>
        %swap3A_2229 = vector.shape_cast %select_n3A_2225 : vector<16xi32> to vector<16xi32>
        tpu.vector_store %arg20[%swap3A_2226], %swap3A_2229 {strides = array<i32>} : memref<16xi32, #tpu.memory_space<vmem>>, vector<16xi32>,
        "tpu.region"() ({
          %run_scoped3A_2614 = tpu.sem_alloc : memref<!tpu.dma_semaphore, #tpu.memory_space<semaphore_mem>>
          %dma_start3A = arith.constant 0 : i32
          %dma_start3A_2615 = arith.constant 0 : i32
          %dma_start3A_2616 = tpu.memref_slice %arg9[%dma_start3A, %dma_start3A_2615] : memref<100001x64xf32, #tpu.memory_space<hbm>> -> memref<100001x64xf32, #tpu.memory_space<hbm>>
          tpu.enqueue_indirect_dma source(%dma_start3A_2616 : memref<100001x64xf32, #tpu.memory_space<hbm>>) target(%arg21 : memref<16x64xf32, #tpu.memory_space<vmem>>) offsets(%arg20 : memref<16xi32, #tpu.memory_space<vmem>>) semaphore(%run_scoped3A_2614 : memref<!tpu.dma_semaphore, #tpu.memory_space<semaphore_mem>>)
          %dma_wait3A = arith.constant 0 : i32
          %dma_wait3A_2617 = arith.constant 0 : i32
          %dma_wait3A_2618 = tpu.memref_slice %arg9[%dma_wait3A, %dma_wait3A_2617] : memref<100001x64xf32, #tpu.memory_space<hbm>> -> memref<100001x64xf32, #tpu.memory_space<hbm>>
          tpu.wait_indirect_dma semaphore(%run_scoped3A_2614 : memref<!tpu.dma_semaphore, #tpu.memory_space<semaphore_mem>>) src(%dma_wait3A_2618 : memref<100001x64xf32, #tpu.memory_space<hbm>>) dst(%arg21 : memref<16x64xf32, #tpu.memory_space<vmem>>)
          tpu.yield
        }) : () -> ()
        %get3A_2230 = arith.constant 0 : i32
        %get3A_2231 = arith.index_cast %get3A_2230 : i32 to index
        %get3A_2232 = arith.constant 0 : index
        %get3A_2233 = tpu.vector_load %arg21[%get3A_2231, %get3A_2232] {strides = array<i32>} : memref<16x64xf32, #tpu.memory_space<vmem>>, vector<1x16xf32>,
        %get3A_2234 = vector.shape_cast %get3A_2233 : vector<1x16xf32> to vector<16xf32>
        %add3A_2235 = arith.addf %while3A_2178, %get3A_2234 : vector<16xf32>
        %get3A_2236 = arith.constant 0 : i32
        %get3A_2237 = arith.index_cast %get3A_2236 : i32 to index
        %get3A_2238 = arith.constant 16 : index
        %get3A_2239 = tpu.vector_load %arg21[%get3A_2237, %get3A_2238] {strides = array<i32>} : memref<16x64xf32, #tpu.memory_space<vmem>>, vector<1x16xf32>,
        %get3A_2240 = vector.shape_cast %get3A_2239 : vector<1x16xf32> to vector<16xf32>
        %add3A_2241 = arith.addf %while3A_2179, %get3A_2240 : vector<16xf32>
        %get3A_2242 = arith.constant 0 : i32
        %get3A_2243 = arith.index_cast %get3A_2242 : i32 to index
        %get3A_2244 = arith.constant 32 : index
        %get3A_2245 = tpu.vector_load %arg21[%get3A_2243, %get3A_2244] {strides = array<i32>} : memref<16x64xf32, #tpu.memory_space<vmem>>, vector<1x16xf32>,
        %get3A_2246 = vector.shape_cast %get3A_2245 : vector<1x16xf32> to vector<16xf32>
        %add3A_2247 = arith.addf %while3A_2180, %get3A_2246 : vector<16xf32>
        %get3A_2248 = arith.constant 0 : i32
        %get3A_2249 = arith.index_cast %get3A_2248 : i32 to index
        %get3A_2250 = arith.constant 48 : index
        %get3A_2251 = tpu.vector_load %arg21[%get3A_2249, %get3A_2250] {strides = array<i32>} : memref<16x64xf32, #tpu.memory_space<vmem>>, vector<1x16xf32>,
        %get3A_2252 = vector.shape_cast %get3A_2251 : vector<1x16xf32> to vector<16xf32>
        %add3A_2253 = arith.addf %while3A_2181, %get3A_2252 : vector<16xf32>
        %get3A_2254 = arith.constant 1 : i32
        %get3A_2255 = arith.index_cast %get3A_2254 : i32 to index
        %get3A_2256 = arith.constant 0 : index
        %get3A_2257 = tpu.vector_load %arg21[%get3A_2255, %get3A_2256] {strides = array<i32>} : memref<16x64xf32, #tpu.memory_space<vmem>>, vector<1x16xf32>,
        %get3A_2258 = vector.shape_cast %get3A_2257 : vector<1x16xf32> to vector<16xf32>
        %add3A_2259 = arith.addf %add3A_2235, %get3A_2258 : vector<16xf32>
        %get3A_2260 = arith.constant 1 : i32
        %get3A_2261 = arith.index_cast %get3A_2260 : i32 to index
        %get3A_2262 = arith.constant 16 : index
        %get3A_2263 = tpu.vector_load %arg21[%get3A_2261, %get3A_2262] {strides = array<i32>} : memref<16x64xf32, #tpu.memory_space<vmem>>, vector<1x16xf32>,
        %get3A_2264 = vector.shape_cast %get3A_2263 : vector<1x16xf32> to vector<16xf32>
        %add3A_2265 = arith.addf %add3A_2241, %get3A_2264 : vector<16xf32>
        %get3A_2266 = arith.constant 1 : i32
        %get3A_2267 = arith.index_cast %get3A_2266 : i32 to index
        %get3A_2268 = arith.constant 32 : index
        %get3A_2269 = tpu.vector_load %arg21[%get3A_2267, %get3A_2268] {strides = array<i32>} : memref<16x64xf32, #tpu.memory_space<vmem>>, vector<1x16xf32>,
        %get3A_2270 = vector.shape_cast %get3A_2269 : vector<1x16xf32> to vector<16xf32>
        %add3A_2271 = arith.addf %add3A_2247, %get3A_2270 : vector<16xf32>
        %get3A_2272 = arith.constant 1 : i32
        %get3A_2273 = arith.index_cast %get3A_2272 : i32 to index
        %get3A_2274 = arith.constant 48 : index
        %get3A_2275 = tpu.vector_load %arg21[%get3A_2273, %get3A_2274] {strides = array<i32>} : memref<16x64xf32, #tpu.memory_space<vmem>>, vector<1x16xf32>,
        %get3A_2276 = vector.shape_cast %get3A_2275 : vector<1x16xf32> to vector<16xf32>
        %add3A_2277 = arith.addf %add3A_2253, %get3A_2276 : vector<16xf32>
        %get3A_2278 = arith.constant 2 : i32
        %get3A_2279 = arith.index_cast %get3A_2278 : i32 to index
        %get3A_2280 = arith.constant 0 : index
        %get3A_2281 = tpu.vector_load %arg21[%get3A_2279, %get3A_2280] {strides = array<i32>} : memref<16x64xf32, #tpu.memory_space<vmem>>, vector<1x16xf32>,
        %get3A_2282 = vector.shape_cast %get3A_2281 : vector<1x16xf32> to vector<16xf32>
        %add3A_2283 = arith.addf %add3A_2259, %get3A_2282 : vector<16xf32>
        %get3A_2284 = arith.constant 2 : i32
        %get3A_2285 = arith.index_cast %get3A_2284 : i32 to index
        %get3A_2286 = arith.constant 16 : index
        %get3A_2287 = tpu.vector_load %arg21[%get3A_2285, %get3A_2286] {strides = array<i32>} : memref<16x64xf32, #tpu.memory_space<vmem>>, vector<1x16xf32>,
        %get3A_2288 = vector.shape_cast %get3A_2287 : vector<1x16xf32> to vector<16xf32>
        %add3A_2289 = arith.addf %add3A_2265, %get3A_2288 : vector<16xf32>
        %get3A_2290 = arith.constant 2 : i32
        %get3A_2291 = arith.index_cast %get3A_2290 : i32 to index
        %get3A_2292 = arith.constant 32 : index
        %get3A_2293 = tpu.vector_load %arg21[%get3A_2291, %get3A_2292] {strides = array<i32>} : memref<16x64xf32, #tpu.memory_space<vmem>>, vector<1x16xf32>,
        %get3A_2294 = vector.shape_cast %get3A_2293 : vector<1x16xf32> to vector<16xf32>
        %add3A_2295 = arith.addf %add3A_2271, %get3A_2294 : vector<16xf32>
        %get3A_2296 = arith.constant 2 : i32
        %get3A_2297 = arith.index_cast %get3A_2296 : i32 to index
        %get3A_2298 = arith.constant 48 : index
        %get3A_2299 = tpu.vector_load %arg21[%get3A_2297, %get3A_2298] {strides = array<i32>} : memref<16x64xf32, #tpu.memory_space<vmem>>, vector<1x16xf32>,
        %get3A_2300 = vector.shape_cast %get3A_2299 : vector<1x16xf32> to vector<16xf32>
        %add3A_2301 = arith.addf %add3A_2277, %get3A_2300 : vector<16xf32>
        %get3A_2302 = arith.constant 3 : i32
        %get3A_2303 = arith.index_cast %get3A_2302 : i32 to index
        %get3A_2304 = arith.constant 0 : index
        %get3A_2305 = tpu.vector_load %arg21[%get3A_2303, %get3A_2304] {strides = array<i32>} : memref<16x64xf32, #tpu.memory_space<vmem>>, vector<1x16xf32>,
        %get3A_2306 = vector.shape_cast %get3A_2305 : vector<1x16xf32> to vector<16xf32>
        %add3A_2307 = arith.addf %add3A_2283, %get3A_2306 : vector<16xf32>
        %get3A_2308 = arith.constant 3 : i32
        %get3A_2309 = arith.index_cast %get3A_2308 : i32 to index
        %get3A_2310 = arith.constant 16 : index
        %get3A_2311 = tpu.vector_load %arg21[%get3A_2309, %get3A_2310] {strides = array<i32>} : memref<16x64xf32, #tpu.memory_space<vmem>>, vector<1x16xf32>,
        %get3A_2312 = vector.shape_cast %get3A_2311 : vector<1x16xf32> to vector<16xf32>
        %add3A_2313 = arith.addf %add3A_2289, %get3A_2312 : vector<16xf32>
        %get3A_2314 = arith.constant 3 : i32
        %get3A_2315 = arith.index_cast %get3A_2314 : i32 to index
        %get3A_2316 = arith.constant 32 : index
        %get3A_2317 = tpu.vector_load %arg21[%get3A_2315, %get3A_2316] {strides = array<i32>} : memref<16x64xf32, #tpu.memory_space<vmem>>, vector<1x16xf32>,
        %get3A_2318 = vector.shape_cast %get3A_2317 : vector<1x16xf32> to vector<16xf32>
        %add3A_2319 = arith.addf %add3A_2295, %get3A_2318 : vector<16xf32>
        %get3A_2320 = arith.constant 3 : i32
        %get3A_2321 = arith.index_cast %get3A_2320 : i32 to index
        %get3A_2322 = arith.constant 48 : index
        %get3A_2323 = tpu.vector_load %arg21[%get3A_2321, %get3A_2322] {strides = array<i32>} : memref<16x64xf32, #tpu.memory_space<vmem>>, vector<1x16xf32>,
        %get3A_2324 = vector.shape_cast %get3A_2323 : vector<1x16xf32> to vector<16xf32>
        %add3A_2325 = arith.addf %add3A_2301, %get3A_2324 : vector<16xf32>
        %get3A_2326 = arith.constant 4 : i32
        %get3A_2327 = arith.index_cast %get3A_2326 : i32 to index
        %get3A_2328 = arith.constant 0 : index
        %get3A_2329 = tpu.vector_load %arg21[%get3A_2327, %get3A_2328] {strides = array<i32>} : memref<16x64xf32, #tpu.memory_space<vmem>>, vector<1x16xf32>,
        %get3A_2330 = vector.shape_cast %get3A_2329 : vector<1x16xf32> to vector<16xf32>
        %add3A_2331 = arith.addf %add3A_2307, %get3A_2330 : vector<16xf32>
        %get3A_2332 = arith.constant 4 : i32
        %get3A_2333 = arith.index_cast %get3A_2332 : i32 to index
        %get3A_2334 = arith.constant 16 : index
        %get3A_2335 = tpu.vector_load %arg21[%get3A_2333, %get3A_2334] {strides = array<i32>} : memref<16x64xf32, #tpu.memory_space<vmem>>, vector<1x16xf32>,
        %get3A_2336 = vector.shape_cast %get3A_2335 : vector<1x16xf32> to vector<16xf32>
        %add3A_2337 = arith.addf %add3A_2313, %get3A_2336 : vector<16xf32>
        %get3A_2338 = arith.constant 4 : i32
        %get3A_2339 = arith.index_cast %get3A_2338 : i32 to index
        %get3A_2340 = arith.constant 32 : index
        %get3A_2341 = tpu.vector_load %arg21[%get3A_2339, %get3A_2340] {strides = array<i32>} : memref<16x64xf32, #tpu.memory_space<vmem>>, vector<1x16xf32>,
        %get3A_2342 = vector.shape_cast %get3A_2341 : vector<1x16xf32> to vector<16xf32>
        %add3A_2343 = arith.addf %add3A_2319, %get3A_2342 : vector<16xf32>
        %get3A_2344 = arith.constant 4 : i32
        %get3A_2345 = arith.index_cast %get3A_2344 : i32 to index
        %get3A_2346 = arith.constant 48 : index
        %get3A_2347 = tpu.vector_load %arg21[%get3A_2345, %get3A_2346] {strides = array<i32>} : memref<16x64xf32, #tpu.memory_space<vmem>>, vector<1x16xf32>,
        %get3A_2348 = vector.shape_cast %get3A_2347 : vector<1x16xf32> to vector<16xf32>
        %add3A_2349 = arith.addf %add3A_2325, %get3A_2348 : vector<16xf32>
        %get3A_2350 = arith.constant 5 : i32
        %get3A_2351 = arith.index_cast %get3A_2350 : i32 to index
        %get3A_2352 = arith.constant 0 : index
        %get3A_2353 = tpu.vector_load %arg21[%get3A_2351, %get3A_2352] {strides = array<i32>} : memref<16x64xf32, #tpu.memory_space<vmem>>, vector<1x16xf32>,
        %get3A_2354 = vector.shape_cast %get3A_2353 : vector<1x16xf32> to vector<16xf32>
        %add3A_2355 = arith.addf %add3A_2331, %get3A_2354 : vector<16xf32>
        %get3A_2356 = arith.constant 5 : i32
        %get3A_2357 = arith.index_cast %get3A_2356 : i32 to index
        %get3A_2358 = arith.constant 16 : index
        %get3A_2359 = tpu.vector_load %arg21[%get3A_2357, %get3A_2358] {strides = array<i32>} : memref<16x64xf32, #tpu.memory_space<vmem>>, vector<1x16xf32>,
        %get3A_2360 = vector.shape_cast %get3A_2359 : vector<1x16xf32> to vector<16xf32>
        %add3A_2361 = arith.addf %add3A_2337, %get3A_2360 : vector<16xf32>
        %get3A_2362 = arith.constant 5 : i32
        %get3A_2363 = arith.index_cast %get3A_2362 : i32 to index
        %get3A_2364 = arith.constant 32 : index
        %get3A_2365 = tpu.vector_load %arg21[%get3A_2363, %get3A_2364] {strides = array<i32>} : memref<16x64xf32, #tpu.memory_space<vmem>>, vector<1x16xf32>,
        %get3A_2366 = vector.shape_cast %get3A_2365 : vector<1x16xf32> to vector<16xf32>
        %add3A_2367 = arith.addf %add3A_2343, %get3A_2366 : vector<16xf32>
        %get3A_2368 = arith.constant 5 : i32
        %get3A_2369 = arith.index_cast %get3A_2368 : i32 to index
        %get3A_2370 = arith.constant 48 : index
        %get3A_2371 = tpu.vector_load %arg21[%get3A_2369, %get3A_2370] {strides = array<i32>} : memref<16x64xf32, #tpu.memory_space<vmem>>, vector<1x16xf32>,
        %get3A_2372 = vector.shape_cast %get3A_2371 : vector<1x16xf32> to vector<16xf32>
        %add3A_2373 = arith.addf %add3A_2349, %get3A_2372 : vector<16xf32>
        %get3A_2374 = arith.constant 6 : i32
        %get3A_2375 = arith.index_cast %get3A_2374 : i32 to index
        %get3A_2376 = arith.constant 0 : index
        %get3A_2377 = tpu.vector_load %arg21[%get3A_2375, %get3A_2376] {strides = array<i32>} : memref<16x64xf32, #tpu.memory_space<vmem>>, vector<1x16xf32>,
        %get3A_2378 = vector.shape_cast %get3A_2377 : vector<1x16xf32> to vector<16xf32>
        %add3A_2379 = arith.addf %add3A_2355, %get3A_2378 : vector<16xf32>
        %get3A_2380 = arith.constant 6 : i32
        %get3A_2381 = arith.index_cast %get3A_2380 : i32 to index
        %get3A_2382 = arith.constant 16 : index
        %get3A_2383 = tpu.vector_load %arg21[%get3A_2381, %get3A_2382] {strides = array<i32>} : memref<16x64xf32, #tpu.memory_space<vmem>>, vector<1x16xf32>,
        %get3A_2384 = vector.shape_cast %get3A_2383 : vector<1x16xf32> to vector<16xf32>
        %add3A_2385 = arith.addf %add3A_2361, %get3A_2384 : vector<16xf32>
        %get3A_2386 = arith.constant 6 : i32
        %get3A_2387 = arith.index_cast %get3A_2386 : i32 to index
        %get3A_2388 = arith.constant 32 : index
        %get3A_2389 = tpu.vector_load %arg21[%get3A_2387, %get3A_2388] {strides = array<i32>} : memref<16x64xf32, #tpu.memory_space<vmem>>, vector<1x16xf32>,
        %get3A_2390 = vector.shape_cast %get3A_2389 : vector<1x16xf32> to vector<16xf32>
        %add3A_2391 = arith.addf %add3A_2367, %get3A_2390 : vector<16xf32>
        %get3A_2392 = arith.constant 6 : i32
        %get3A_2393 = arith.index_cast %get3A_2392 : i32 to index
        %get3A_2394 = arith.constant 48 : index
        %get3A_2395 = tpu.vector_load %arg21[%get3A_2393, %get3A_2394] {strides = array<i32>} : memref<16x64xf32, #tpu.memory_space<vmem>>, vector<1x16xf32>,
        %get3A_2396 = vector.shape_cast %get3A_2395 : vector<1x16xf32> to vector<16xf32>
        %add3A_2397 = arith.addf %add3A_2373, %get3A_2396 : vector<16xf32>
        %get3A_2398 = arith.constant 7 : i32
        %get3A_2399 = arith.index_cast %get3A_2398 : i32 to index
        %get3A_2400 = arith.constant 0 : index
        %get3A_2401 = tpu.vector_load %arg21[%get3A_2399, %get3A_2400] {strides = array<i32>} : memref<16x64xf32, #tpu.memory_space<vmem>>, vector<1x16xf32>,
        %get3A_2402 = vector.shape_cast %get3A_2401 : vector<1x16xf32> to vector<16xf32>
        %add3A_2403 = arith.addf %add3A_2379, %get3A_2402 : vector<16xf32>
        %get3A_2404 = arith.constant 7 : i32
        %get3A_2405 = arith.index_cast %get3A_2404 : i32 to index
        %get3A_2406 = arith.constant 16 : index
        %get3A_2407 = tpu.vector_load %arg21[%get3A_2405, %get3A_2406] {strides = array<i32>} : memref<16x64xf32, #tpu.memory_space<vmem>>, vector<1x16xf32>,
        %get3A_2408 = vector.shape_cast %get3A_2407 : vector<1x16xf32> to vector<16xf32>
        %add3A_2409 = arith.addf %add3A_2385, %get3A_2408 : vector<16xf32>
        %get3A_2410 = arith.constant 7 : i32
        %get3A_2411 = arith.index_cast %get3A_2410 : i32 to index
        %get3A_2412 = arith.constant 32 : index
        %get3A_2413 = tpu.vector_load %arg21[%get3A_2411, %get3A_2412] {strides = array<i32>} : memref<16x64xf32, #tpu.memory_space<vmem>>, vector<1x16xf32>,
        %get3A_2414 = vector.shape_cast %get3A_2413 : vector<1x16xf32> to vector<16xf32>
        %add3A_2415 = arith.addf %add3A_2391, %get3A_2414 : vector<16xf32>
        %get3A_2416 = arith.constant 7 : i32
        %get3A_2417 = arith.index_cast %get3A_2416 : i32 to index
        %get3A_2418 = arith.constant 48 : index
        %get3A_2419 = tpu.vector_load %arg21[%get3A_2417, %get3A_2418] {strides = array<i32>} : memref<16x64xf32, #tpu.memory_space<vmem>>, vector<1x16xf32>,
        %get3A_2420 = vector.shape_cast %get3A_2419 : vector<1x16xf32> to vector<16xf32>
        %add3A_2421 = arith.addf %add3A_2397, %get3A_2420 : vector<16xf32>
        %get3A_2422 = arith.constant 8 : i32
        %get3A_2423 = arith.index_cast %get3A_2422 : i32 to index
        %get3A_2424 = arith.constant 0 : index
        %get3A_2425 = tpu.vector_load %arg21[%get3A_2423, %get3A_2424] {strides = array<i32>} : memref<16x64xf32, #tpu.memory_space<vmem>>, vector<1x16xf32>,
        %get3A_2426 = vector.shape_cast %get3A_2425 : vector<1x16xf32> to vector<16xf32>
        %add3A_2427 = arith.addf %add3A_2403, %get3A_2426 : vector<16xf32>
        %get3A_2428 = arith.constant 8 : i32
        %get3A_2429 = arith.index_cast %get3A_2428 : i32 to index
        %get3A_2430 = arith.constant 16 : index
        %get3A_2431 = tpu.vector_load %arg21[%get3A_2429, %get3A_2430] {strides = array<i32>} : memref<16x64xf32, #tpu.memory_space<vmem>>, vector<1x16xf32>,
        %get3A_2432 = vector.shape_cast %get3A_2431 : vector<1x16xf32> to vector<16xf32>
        %add3A_2433 = arith.addf %add3A_2409, %get3A_2432 : vector<16xf32>
        %get3A_2434 = arith.constant 8 : i32
        %get3A_2435 = arith.index_cast %get3A_2434 : i32 to index
        %get3A_2436 = arith.constant 32 : index
        %get3A_2437 = tpu.vector_load %arg21[%get3A_2435, %get3A_2436] {strides = array<i32>} : memref<16x64xf32, #tpu.memory_space<vmem>>, vector<1x16xf32>,
        %get3A_2438 = vector.shape_cast %get3A_2437 : vector<1x16xf32> to vector<16xf32>
        %add3A_2439 = arith.addf %add3A_2415, %get3A_2438 : vector<16xf32>
        %get3A_2440 = arith.constant 8 : i32
        %get3A_2441 = arith.index_cast %get3A_2440 : i32 to index
        %get3A_2442 = arith.constant 48 : index
        %get3A_2443 = tpu.vector_load %arg21[%get3A_2441, %get3A_2442] {strides = array<i32>} : memref<16x64xf32, #tpu.memory_space<vmem>>, vector<1x16xf32>,
        %get3A_2444 = vector.shape_cast %get3A_2443 : vector<1x16xf32> to vector<16xf32>
        %add3A_2445 = arith.addf %add3A_2421, %get3A_2444 : vector<16xf32>
        %get3A_2446 = arith.constant 9 : i32
        %get3A_2447 = arith.index_cast %get3A_2446 : i32 to index
        %get3A_2448 = arith.constant 0 : index
        %get3A_2449 = tpu.vector_load %arg21[%get3A_2447, %get3A_2448] {strides = array<i32>} : memref<16x64xf32, #tpu.memory_space<vmem>>, vector<1x16xf32>,
        %get3A_2450 = vector.shape_cast %get3A_2449 : vector<1x16xf32> to vector<16xf32>
        %add3A_2451 = arith.addf %add3A_2427, %get3A_2450 : vector<16xf32>
        %get3A_2452 = arith.constant 9 : i32
        %get3A_2453 = arith.index_cast %get3A_2452 : i32 to index
        %get3A_2454 = arith.constant 16 : index
        %get3A_2455 = tpu.vector_load %arg21[%get3A_2453, %get3A_2454] {strides = array<i32>} : memref<16x64xf32, #tpu.memory_space<vmem>>, vector<1x16xf32>,
        %get3A_2456 = vector.shape_cast %get3A_2455 : vector<1x16xf32> to vector<16xf32>
        %add3A_2457 = arith.addf %add3A_2433, %get3A_2456 : vector<16xf32>
        %get3A_2458 = arith.constant 9 : i32
        %get3A_2459 = arith.index_cast %get3A_2458 : i32 to index
        %get3A_2460 = arith.constant 32 : index
        %get3A_2461 = tpu.vector_load %arg21[%get3A_2459, %get3A_2460] {strides = array<i32>} : memref<16x64xf32, #tpu.memory_space<vmem>>, vector<1x16xf32>,
        %get3A_2462 = vector.shape_cast %get3A_2461 : vector<1x16xf32> to vector<16xf32>
        %add3A_2463 = arith.addf %add3A_2439, %get3A_2462 : vector<16xf32>
        %get3A_2464 = arith.constant 9 : i32
        %get3A_2465 = arith.index_cast %get3A_2464 : i32 to index
        %get3A_2466 = arith.constant 48 : index
        %get3A_2467 = tpu.vector_load %arg21[%get3A_2465, %get3A_2466] {strides = array<i32>} : memref<16x64xf32, #tpu.memory_space<vmem>>, vector<1x16xf32>,
        %get3A_2468 = vector.shape_cast %get3A_2467 : vector<1x16xf32> to vector<16xf32>
        %add3A_2469 = arith.addf %add3A_2445, %get3A_2468 : vector<16xf32>
        %get3A_2470 = arith.constant 10 : i32
        %get3A_2471 = arith.index_cast %get3A_2470 : i32 to index
        %get3A_2472 = arith.constant 0 : index
        %get3A_2473 = tpu.vector_load %arg21[%get3A_2471, %get3A_2472] {strides = array<i32>} : memref<16x64xf32, #tpu.memory_space<vmem>>, vector<1x16xf32>,
        %get3A_2474 = vector.shape_cast %get3A_2473 : vector<1x16xf32> to vector<16xf32>
        %add3A_2475 = arith.addf %add3A_2451, %get3A_2474 : vector<16xf32>
        %get3A_2476 = arith.constant 10 : i32
        %get3A_2477 = arith.index_cast %get3A_2476 : i32 to index
        %get3A_2478 = arith.constant 16 : index
        %get3A_2479 = tpu.vector_load %arg21[%get3A_2477, %get3A_2478] {strides = array<i32>} : memref<16x64xf32, #tpu.memory_space<vmem>>, vector<1x16xf32>,
        %get3A_2480 = vector.shape_cast %get3A_2479 : vector<1x16xf32> to vector<16xf32>
        %add3A_2481 = arith.addf %add3A_2457, %get3A_2480 : vector<16xf32>
        %get3A_2482 = arith.constant 10 : i32
        %get3A_2483 = arith.index_cast %get3A_2482 : i32 to index
        %get3A_2484 = arith.constant 32 : index
        %get3A_2485 = tpu.vector_load %arg21[%get3A_2483, %get3A_2484] {strides = array<i32>} : memref<16x64xf32, #tpu.memory_space<vmem>>, vector<1x16xf32>,
        %get3A_2486 = vector.shape_cast %get3A_2485 : vector<1x16xf32> to vector<16xf32>
        %add3A_2487 = arith.addf %add3A_2463, %get3A_2486 : vector<16xf32>
        %get3A_2488 = arith.constant 10 : i32
        %get3A_2489 = arith.index_cast %get3A_2488 : i32 to index
        %get3A_2490 = arith.constant 48 : index
        %get3A_2491 = tpu.vector_load %arg21[%get3A_2489, %get3A_2490] {strides = array<i32>} : memref<16x64xf32, #tpu.memory_space<vmem>>, vector<1x16xf32>,
        %get3A_2492 = vector.shape_cast %get3A_2491 : vector<1x16xf32> to vector<16xf32>
        %add3A_2493 = arith.addf %add3A_2469, %get3A_2492 : vector<16xf32>
        %get3A_2494 = arith.constant 11 : i32
        %get3A_2495 = arith.index_cast %get3A_2494 : i32 to index
        %get3A_2496 = arith.constant 0 : index
        %get3A_2497 = tpu.vector_load %arg21[%get3A_2495, %get3A_2496] {strides = array<i32>} : memref<16x64xf32, #tpu.memory_space<vmem>>, vector<1x16xf32>,
        %get3A_2498 = vector.shape_cast %get3A_2497 : vector<1x16xf32> to vector<16xf32>
        %add3A_2499 = arith.addf %add3A_2475, %get3A_2498 : vector<16xf32>
        %get3A_2500 = arith.constant 11 : i32
        %get3A_2501 = arith.index_cast %get3A_2500 : i32 to index
        %get3A_2502 = arith.constant 16 : index
        %get3A_2503 = tpu.vector_load %arg21[%get3A_2501, %get3A_2502] {strides = array<i32>} : memref<16x64xf32, #tpu.memory_space<vmem>>, vector<1x16xf32>,
        %get3A_2504 = vector.shape_cast %get3A_2503 : vector<1x16xf32> to vector<16xf32>
        %add3A_2505 = arith.addf %add3A_2481, %get3A_2504 : vector<16xf32>
        %get3A_2506 = arith.constant 11 : i32
        %get3A_2507 = arith.index_cast %get3A_2506 : i32 to index
        %get3A_2508 = arith.constant 32 : index
        %get3A_2509 = tpu.vector_load %arg21[%get3A_2507, %get3A_2508] {strides = array<i32>} : memref<16x64xf32, #tpu.memory_space<vmem>>, vector<1x16xf32>,
        %get3A_2510 = vector.shape_cast %get3A_2509 : vector<1x16xf32> to vector<16xf32>
        %add3A_2511 = arith.addf %add3A_2487, %get3A_2510 : vector<16xf32>
        %get3A_2512 = arith.constant 11 : i32
        %get3A_2513 = arith.index_cast %get3A_2512 : i32 to index
        %get3A_2514 = arith.constant 48 : index
        %get3A_2515 = tpu.vector_load %arg21[%get3A_2513, %get3A_2514] {strides = array<i32>} : memref<16x64xf32, #tpu.memory_space<vmem>>, vector<1x16xf32>,
        %get3A_2516 = vector.shape_cast %get3A_2515 : vector<1x16xf32> to vector<16xf32>
        %add3A_2517 = arith.addf %add3A_2493, %get3A_2516 : vector<16xf32>
        %get3A_2518 = arith.constant 12 : i32
        %get3A_2519 = arith.index_cast %get3A_2518 : i32 to index
        %get3A_2520 = arith.constant 0 : index
        %get3A_2521 = tpu.vector_load %arg21[%get3A_2519, %get3A_2520] {strides = array<i32>} : memref<16x64xf32, #tpu.memory_space<vmem>>, vector<1x16xf32>,
        %get3A_2522 = vector.shape_cast %get3A_2521 : vector<1x16xf32> to vector<16xf32>
        %add3A_2523 = arith.addf %add3A_2499, %get3A_2522 : vector<16xf32>
        %get3A_2524 = arith.constant 12 : i32
        %get3A_2525 = arith.index_cast %get3A_2524 : i32 to index
        %get3A_2526 = arith.constant 16 : index
        %get3A_2527 = tpu.vector_load %arg21[%get3A_2525, %get3A_2526] {strides = array<i32>} : memref<16x64xf32, #tpu.memory_space<vmem>>, vector<1x16xf32>,
        %get3A_2528 = vector.shape_cast %get3A_2527 : vector<1x16xf32> to vector<16xf32>
        %add3A_2529 = arith.addf %add3A_2505, %get3A_2528 : vector<16xf32>
        %get3A_2530 = arith.constant 12 : i32
        %get3A_2531 = arith.index_cast %get3A_2530 : i32 to index
        %get3A_2532 = arith.constant 32 : index
        %get3A_2533 = tpu.vector_load %arg21[%get3A_2531, %get3A_2532] {strides = array<i32>} : memref<16x64xf32, #tpu.memory_space<vmem>>, vector<1x16xf32>,
        %get3A_2534 = vector.shape_cast %get3A_2533 : vector<1x16xf32> to vector<16xf32>
        %add3A_2535 = arith.addf %add3A_2511, %get3A_2534 : vector<16xf32>
        %get3A_2536 = arith.constant 12 : i32
        %get3A_2537 = arith.index_cast %get3A_2536 : i32 to index
        %get3A_2538 = arith.constant 48 : index
        %get3A_2539 = tpu.vector_load %arg21[%get3A_2537, %get3A_2538] {strides = array<i32>} : memref<16x64xf32, #tpu.memory_space<vmem>>, vector<1x16xf32>,
        %get3A_2540 = vector.shape_cast %get3A_2539 : vector<1x16xf32> to vector<16xf32>
        %add3A_2541 = arith.addf %add3A_2517, %get3A_2540 : vector<16xf32>
        %get3A_2542 = arith.constant 13 : i32
        %get3A_2543 = arith.index_cast %get3A_2542 : i32 to index
        %get3A_2544 = arith.constant 0 : index
        %get3A_2545 = tpu.vector_load %arg21[%get3A_2543, %get3A_2544] {strides = array<i32>} : memref<16x64xf32, #tpu.memory_space<vmem>>, vector<1x16xf32>,
        %get3A_2546 = vector.shape_cast %get3A_2545 : vector<1x16xf32> to vector<16xf32>
        %add3A_2547 = arith.addf %add3A_2523, %get3A_2546 : vector<16xf32>
        %get3A_2548 = arith.constant 13 : i32
        %get3A_2549 = arith.index_cast %get3A_2548 : i32 to index
        %get3A_2550 = arith.constant 16 : index
        %get3A_2551 = tpu.vector_load %arg21[%get3A_2549, %get3A_2550] {strides = array<i32>} : memref<16x64xf32, #tpu.memory_space<vmem>>, vector<1x16xf32>,
        %get3A_2552 = vector.shape_cast %get3A_2551 : vector<1x16xf32> to vector<16xf32>
        %add3A_2553 = arith.addf %add3A_2529, %get3A_2552 : vector<16xf32>
        %get3A_2554 = arith.constant 13 : i32
        %get3A_2555 = arith.index_cast %get3A_2554 : i32 to index
        %get3A_2556 = arith.constant 32 : index
        %get3A_2557 = tpu.vector_load %arg21[%get3A_2555, %get3A_2556] {strides = array<i32>} : memref<16x64xf32, #tpu.memory_space<vmem>>, vector<1x16xf32>,
        %get3A_2558 = vector.shape_cast %get3A_2557 : vector<1x16xf32> to vector<16xf32>
        %add3A_2559 = arith.addf %add3A_2535, %get3A_2558 : vector<16xf32>
        %get3A_2560 = arith.constant 13 : i32
        %get3A_2561 = arith.index_cast %get3A_2560 : i32 to index
        %get3A_2562 = arith.constant 48 : index
        %get3A_2563 = tpu.vector_load %arg21[%get3A_2561, %get3A_2562] {strides = array<i32>} : memref<16x64xf32, #tpu.memory_space<vmem>>, vector<1x16xf32>,
        %get3A_2564 = vector.shape_cast %get3A_2563 : vector<1x16xf32> to vector<16xf32>
        %add3A_2565 = arith.addf %add3A_2541, %get3A_2564 : vector<16xf32>
        %get3A_2566 = arith.constant 14 : i32
        %get3A_2567 = arith.index_cast %get3A_2566 : i32 to index
        %get3A_2568 = arith.constant 0 : index
        %get3A_2569 = tpu.vector_load %arg21[%get3A_2567, %get3A_2568] {strides = array<i32>} : memref<16x64xf32, #tpu.memory_space<vmem>>, vector<1x16xf32>,
        %get3A_2570 = vector.shape_cast %get3A_2569 : vector<1x16xf32> to vector<16xf32>
        %add3A_2571 = arith.addf %add3A_2547, %get3A_2570 : vector<16xf32>
        %get3A_2572 = arith.constant 14 : i32
        %get3A_2573 = arith.index_cast %get3A_2572 : i32 to index
        %get3A_2574 = arith.constant 16 : index
        %get3A_2575 = tpu.vector_load %arg21[%get3A_2573, %get3A_2574] {strides = array<i32>} : memref<16x64xf32, #tpu.memory_space<vmem>>, vector<1x16xf32>,
        %get3A_2576 = vector.shape_cast %get3A_2575 : vector<1x16xf32> to vector<16xf32>
        %add3A_2577 = arith.addf %add3A_2553, %get3A_2576 : vector<16xf32>
        %get3A_2578 = arith.constant 14 : i32
        %get3A_2579 = arith.index_cast %get3A_2578 : i32 to index
        %get3A_2580 = arith.constant 32 : index
        %get3A_2581 = tpu.vector_load %arg21[%get3A_2579, %get3A_2580] {strides = array<i32>} : memref<16x64xf32, #tpu.memory_space<vmem>>, vector<1x16xf32>,
        %get3A_2582 = vector.shape_cast %get3A_2581 : vector<1x16xf32> to vector<16xf32>
        %add3A_2583 = arith.addf %add3A_2559, %get3A_2582 : vector<16xf32>
        %get3A_2584 = arith.constant 14 : i32
        %get3A_2585 = arith.index_cast %get3A_2584 : i32 to index
        %get3A_2586 = arith.constant 48 : index
        %get3A_2587 = tpu.vector_load %arg21[%get3A_2585, %get3A_2586] {strides = array<i32>} : memref<16x64xf32, #tpu.memory_space<vmem>>, vector<1x16xf32>,
        %get3A_2588 = vector.shape_cast %get3A_2587 : vector<1x16xf32> to vector<16xf32>
        %add3A_2589 = arith.addf %add3A_2565, %get3A_2588 : vector<16xf32>
        %get3A_2590 = arith.constant 15 : i32
        %get3A_2591 = arith.index_cast %get3A_2590 : i32 to index
        %get3A_2592 = arith.constant 0 : index
        %get3A_2593 = tpu.vector_load %arg21[%get3A_2591, %get3A_2592] {strides = array<i32>} : memref<16x64xf32, #tpu.memory_space<vmem>>, vector<1x16xf32>,
        %get3A_2594 = vector.shape_cast %get3A_2593 : vector<1x16xf32> to vector<16xf32>
        %add3A_2595 = arith.addf %add3A_2571, %get3A_2594 : vector<16xf32>
        %get3A_2596 = arith.constant 15 : i32
        %get3A_2597 = arith.index_cast %get3A_2596 : i32 to index
        %get3A_2598 = arith.constant 16 : index
        %get3A_2599 = tpu.vector_load %arg21[%get3A_2597, %get3A_2598] {strides = array<i32>} : memref<16x64xf32, #tpu.memory_space<vmem>>, vector<1x16xf32>,
        %get3A_2600 = vector.shape_cast %get3A_2599 : vector<1x16xf32> to vector<16xf32>
        %add3A_2601 = arith.addf %add3A_2577, %get3A_2600 : vector<16xf32>
        %get3A_2602 = arith.constant 15 : i32
        %get3A_2603 = arith.index_cast %get3A_2602 : i32 to index
        %get3A_2604 = arith.constant 32 : index
        %get3A_2605 = tpu.vector_load %arg21[%get3A_2603, %get3A_2604] {strides = array<i32>} : memref<16x64xf32, #tpu.memory_space<vmem>>, vector<1x16xf32>,
        %get3A_2606 = vector.shape_cast %get3A_2605 : vector<1x16xf32> to vector<16xf32>
        %add3A_2607 = arith.addf %add3A_2583, %get3A_2606 : vector<16xf32>
        %get3A_2608 = arith.constant 15 : i32
        %get3A_2609 = arith.index_cast %get3A_2608 : i32 to index
        %get3A_2610 = arith.constant 48 : index
        %get3A_2611 = tpu.vector_load %arg21[%get3A_2609, %get3A_2610] {strides = array<i32>} : memref<16x64xf32, #tpu.memory_space<vmem>>, vector<1x16xf32>,
        %get3A_2612 = vector.shape_cast %get3A_2611 : vector<1x16xf32> to vector<16xf32>
        %add3A_2613 = arith.addf %add3A_2589, %get3A_2612 : vector<16xf32>
        scf.yield %add3A_2595, %add3A_2601, %add3A_2607, %add3A_2613 : vector<16xf32>, vector<16xf32>, vector<16xf32>, vector<16xf32>
      }
      %while3A_2106 = arith.constant 1 : i32
      %while3A_2107:4 = scf.for %while3A_2177 = %while3A_2103 to %while3A_2099 step %while3A_2106 iter_args(%while3A_2178 = %while3A_2105#0, %while3A_2179 = %while3A_2105#1, %while3A_2180 = %while3A_2105#2, %while3A_2181 = %while3A_2105#3) -> (vector<16xf32>, vector<16xf32>, vector<16xf32>, vector<16xf32>)  : i32 {
        %mul3A_2182 = arith.constant 16 : i32
        %mul3A_2183 = arith.muli %while3A_2177, %mul3A_2182 : i32
        %add3A_2184 = arith.addi %squeeze3A, %mul3A_2183 : i32
        %jit3A_2185 = arith.constant 8 : i32
        %div3A_2186 = arith.divsi %add3A_2184, %jit3A_2185 : i32
        %sign3A_2187 = arith.constant 0 : i32
        %sign3A_2188 = arith.cmpi sgt, %add3A_2184, %sign3A_2187 : i32
        %sign3A_2189 = arith.extui %sign3A_2188 : i1 to i32
        %sign3A_2190 = arith.constant 0 : i32
        %sign3A_2191 = arith.cmpi slt, %add3A_2184, %sign3A_2190 : i32
        %sign3A_2192 = arith.extui %sign3A_2191 : i1 to i32
        %sign3A_2193 = arith.subi %sign3A_2189, %sign3A_2192 : i32
        %sign3A_2194 = arith.constant 0 : i32
        %sign3A_2195 = arith.cmpi sgt, %jit3A_2185, %sign3A_2194 : i32
        %sign3A_2196 = arith.extui %sign3A_2195 : i1 to i32
        %sign3A_2197 = arith.constant 0 : i32
        %sign3A_2198 = arith.cmpi slt, %jit3A_2185, %sign3A_2197 : i32
        %sign3A_2199 = arith.extui %sign3A_2198 : i1 to i32
        %sign3A_2200 = arith.subi %sign3A_2196, %sign3A_2199 : i32
        %ne3A_2201 = arith.cmpi ne, %sign3A_2193, %sign3A_2200 : i32
        %rem3A_2202 = arith.remsi %add3A_2184, %jit3A_2185 : i32
        %ne3A_2203 = arith.constant 0 : i32
        %ne3A_2204 = arith.cmpi ne, %rem3A_2202, %ne3A_2203 : i32
        %and3A_2205 = arith.andi %ne3A_2201, %ne3A_2204 : i1
        %sub3A_2206 = arith.constant 1 : i32
        %sub3A_2207 = arith.subi %div3A_2186, %sub3A_2206 : i32
        %select_n3A_2208 = arith.select %and3A_2205, %sub3A_2207, %div3A_2186 : i32
        %mul3A_2209 = arith.constant 8 : i32
        %mul3A_2210 = arith.muli %select_n3A_2208, %mul3A_2209 : i32
        %min3A_2211 = arith.constant 499960 : i32
        %min3A_2212 = arith.minsi %mul3A_2210, %min3A_2211 : i32
        %sub3A_2213 = arith.subi %add3A_2184, %min3A_2212 : i32
        "tpu.region"() ({
          %run_scoped3A_2614 = tpu.sem_alloc : memref<!tpu.dma_semaphore, #tpu.memory_space<semaphore_mem>>
          %dma_start3A = arith.constant 0 : i32
          %dma_start3A_2615 = tpu.memref_slice %arg19[%dma_start3A] : memref<56xi32, #tpu.memory_space<vmem>> -> memref<40xi32, #tpu.memory_space<vmem>>
          %dma_start3A_2616 = tpu.memref_slice %arg5[%min3A_2212] : memref<500000xi32, #tpu.memory_space<hbm>> -> memref<40xi32, #tpu.memory_space<hbm>>
          %dma_start3A_2617 = arith.constant 0 : i32
          %dma_start3A_2618 = tpu.memref_slice %arg19[%dma_start3A_2617] : memref<56xi32, #tpu.memory_space<vmem>> -> memref<40xi32, #tpu.memory_space<vmem>>
          %dma_start3A_2619 = tpu.memref_slice %arg5[%min3A_2212] : memref<500000xi32, #tpu.memory_space<hbm>> -> memref<40xi32, #tpu.memory_space<hbm>>
          tpu.enqueue_dma source(%dma_start3A_2619 : memref<40xi32, #tpu.memory_space<hbm>>) target(%dma_start3A_2618 : memref<40xi32, #tpu.memory_space<vmem>>) target_semaphore(%run_scoped3A_2614 : memref<!tpu.dma_semaphore, #tpu.memory_space<semaphore_mem>>)
          %dma_wait3A = arith.constant 0 : i32
          %dma_wait3A_2620 = tpu.memref_slice %arg19[%dma_wait3A] : memref<56xi32, #tpu.memory_space<vmem>> -> memref<40xi32, #tpu.memory_space<vmem>>
          %dma_wait3A_2621 = tpu.memref_slice %arg5[%min3A_2212] : memref<500000xi32, #tpu.memory_space<hbm>> -> memref<40xi32, #tpu.memory_space<hbm>>
          %dma_wait3A_2622 = arith.constant 0 : i32
          %dma_wait3A_2623 = tpu.memref_slice %arg19[%dma_wait3A_2622] : memref<56xi32, #tpu.memory_space<vmem>> -> memref<40xi32, #tpu.memory_space<vmem>>
          %dma_wait3A_2624 = tpu.memref_slice %arg5[%min3A_2212] : memref<500000xi32, #tpu.memory_space<hbm>> -> memref<40xi32, #tpu.memory_space<hbm>>
          tpu.wait_dma2 semaphore(%run_scoped3A_2614 : memref<!tpu.dma_semaphore, #tpu.memory_space<semaphore_mem>>) src(%dma_wait3A_2624 : memref<40xi32, #tpu.memory_space<hbm>>) dst(%dma_wait3A_2623 : memref<40xi32, #tpu.memory_space<vmem>>)
          tpu.yield
        }) : () -> ()
        %get3A_2214 = arith.index_cast %sub3A_2213 : i32 to index
        %get3A_2215 = tpu.vector_load %arg19[%get3A_2214] {strides = array<i32>} : memref<56xi32, #tpu.memory_space<vmem>>, vector<16xi32>,
        %get3A_2216 = vector.shape_cast %get3A_2215 : vector<16xi32> to vector<16xi32>
        %mul3A_2217 = arith.constant 16 : i32
        %mul3A_2218 = arith.muli %while3A_2177, %mul3A_2217 : i32
        %sub3A_2219 = arith.subi %sub3A, %mul3A_2218 : i32
        %min3A_2220 = arith.constant 16 : i32
        %min3A_2221 = arith.minsi %sub3A_2219, %min3A_2220 : i32
        %lt3A = vector.broadcast %min3A_2221 : i32 to vector<16xi32>
        %lt3A_2222 = arith.cmpi slt, %iota3A, %lt3A : vector<16xi32>
        %jit3A_2223 = arith.constant 0 : i32
        %broadcast_in_dim3A_2224 = vector.broadcast %jit3A_2223 : i32 to vector<16xi32>
        %select_n3A_2225 = arith.select %lt3A_2222, %get3A_2216, %broadcast_in_dim3A_2224 : vector<16xi1>, vector<16xi32>
        %swap3A_2226 = arith.constant 0 : index
        %swap3A_2227 = tpu.vector_load %arg20[%swap3A_2226] {strides = array<i32>} : memref<16xi32, #tpu.memory_space<vmem>>, vector<16xi32>,
        %swap3A_2228 = vector.shape_cast %swap3A_2227 : vector<16xi32> to vector<16xi32>
        %swap3A_2229 = vector.shape_cast %select_n3A_2225 : vector<16xi32> to vector<16xi32>
        tpu.vector_store %arg20[%swap3A_2226], %swap3A_2229 {strides = array<i32>} : memref<16xi32, #tpu.memory_space<vmem>>, vector<16xi32>,
        "tpu.region"() ({
          %run_scoped3A_2614 = tpu.sem_alloc : memref<!tpu.dma_semaphore, #tpu.memory_space<semaphore_mem>>
          %dma_start3A = arith.constant 0 : i32
          %dma_start3A_2615 = arith.constant 0 : i32
          %dma_start3A_2616 = tpu.memref_slice %arg9[%dma_start3A, %dma_start3A_2615] : memref<100001x64xf32, #tpu.memory_space<hbm>> -> memref<100001x64xf32, #tpu.memory_space<hbm>>
          tpu.enqueue_indirect_dma source(%dma_start3A_2616 : memref<100001x64xf32, #tpu.memory_space<hbm>>) target(%arg21 : memref<16x64xf32, #tpu.memory_space<vmem>>) offsets(%arg20 : memref<16xi32, #tpu.memory_space<vmem>>) semaphore(%run_scoped3A_2614 : memref<!tpu.dma_semaphore, #tpu.memory_space<semaphore_mem>>)
          %dma_wait3A = arith.constant 0 : i32
          %dma_wait3A_2617 = arith.constant 0 : i32
          %dma_wait3A_2618 = tpu.memref_slice %arg9[%dma_wait3A, %dma_wait3A_2617] : memref<100001x64xf32, #tpu.memory_space<hbm>> -> memref<100001x64xf32, #tpu.memory_space<hbm>>
          tpu.wait_indirect_dma semaphore(%run_scoped3A_2614 : memref<!tpu.dma_semaphore, #tpu.memory_space<semaphore_mem>>) src(%dma_wait3A_2618 : memref<100001x64xf32, #tpu.memory_space<hbm>>) dst(%arg21 : memref<16x64xf32, #tpu.memory_space<vmem>>)
          tpu.yield
        }) : () -> ()
        %get3A_2230 = arith.constant 0 : i32
        %get3A_2231 = arith.index_cast %get3A_2230 : i32 to index
        %get3A_2232 = arith.constant 0 : index
        %get3A_2233 = tpu.vector_load %arg21[%get3A_2231, %get3A_2232] {strides = array<i32>} : memref<16x64xf32, #tpu.memory_space<vmem>>, vector<1x16xf32>,
        %get3A_2234 = vector.shape_cast %get3A_2233 : vector<1x16xf32> to vector<16xf32>
        %add3A_2235 = arith.addf %while3A_2178, %get3A_2234 : vector<16xf32>
        %get3A_2236 = arith.constant 0 : i32
        %get3A_2237 = arith.index_cast %get3A_2236 : i32 to index
        %get3A_2238 = arith.constant 16 : index
        %get3A_2239 = tpu.vector_load %arg21[%get3A_2237, %get3A_2238] {strides = array<i32>} : memref<16x64xf32, #tpu.memory_space<vmem>>, vector<1x16xf32>,
        %get3A_2240 = vector.shape_cast %get3A_2239 : vector<1x16xf32> to vector<16xf32>
        %add3A_2241 = arith.addf %while3A_2179, %get3A_2240 : vector<16xf32>
        %get3A_2242 = arith.constant 0 : i32
        %get3A_2243 = arith.index_cast %get3A_2242 : i32 to index
        %get3A_2244 = arith.constant 32 : index
        %get3A_2245 = tpu.vector_load %arg21[%get3A_2243, %get3A_2244] {strides = array<i32>} : memref<16x64xf32, #tpu.memory_space<vmem>>, vector<1x16xf32>,
        %get3A_2246 = vector.shape_cast %get3A_2245 : vector<1x16xf32> to vector<16xf32>
        %add3A_2247 = arith.addf %while3A_2180, %get3A_2246 : vector<16xf32>
        %get3A_2248 = arith.constant 0 : i32
        %get3A_2249 = arith.index_cast %get3A_2248 : i32 to index
        %get3A_2250 = arith.constant 48 : index
        %get3A_2251 = tpu.vector_load %arg21[%get3A_2249, %get3A_2250] {strides = array<i32>} : memref<16x64xf32, #tpu.memory_space<vmem>>, vector<1x16xf32>,
        %get3A_2252 = vector.shape_cast %get3A_2251 : vector<1x16xf32> to vector<16xf32>
        %add3A_2253 = arith.addf %while3A_2181, %get3A_2252 : vector<16xf32>
        %get3A_2254 = arith.constant 1 : i32
        %get3A_2255 = arith.index_cast %get3A_2254 : i32 to index
        %get3A_2256 = arith.constant 0 : index
        %get3A_2257 = tpu.vector_load %arg21[%get3A_2255, %get3A_2256] {strides = array<i32>} : memref<16x64xf32, #tpu.memory_space<vmem>>, vector<1x16xf32>,
        %get3A_2258 = vector.shape_cast %get3A_2257 : vector<1x16xf32> to vector<16xf32>
        %add3A_2259 = arith.addf %add3A_2235, %get3A_2258 : vector<16xf32>
        %get3A_2260 = arith.constant 1 : i32
        %get3A_2261 = arith.index_cast %get3A_2260 : i32 to index
        %get3A_2262 = arith.constant 16 : index
        %get3A_2263 = tpu.vector_load %arg21[%get3A_2261, %get3A_2262] {strides = array<i32>} : memref<16x64xf32, #tpu.memory_space<vmem>>, vector<1x16xf32>,
        %get3A_2264 = vector.shape_cast %get3A_2263 : vector<1x16xf32> to vector<16xf32>
        %add3A_2265 = arith.addf %add3A_2241, %get3A_2264 : vector<16xf32>
        %get3A_2266 = arith.constant 1 : i32
        %get3A_2267 = arith.index_cast %get3A_2266 : i32 to index
        %get3A_2268 = arith.constant 32 : index
        %get3A_2269 = tpu.vector_load %arg21[%get3A_2267, %get3A_2268] {strides = array<i32>} : memref<16x64xf32, #tpu.memory_space<vmem>>, vector<1x16xf32>,
        %get3A_2270 = vector.shape_cast %get3A_2269 : vector<1x16xf32> to vector<16xf32>
        %add3A_2271 = arith.addf %add3A_2247, %get3A_2270 : vector<16xf32>
        %get3A_2272 = arith.constant 1 : i32
        %get3A_2273 = arith.index_cast %get3A_2272 : i32 to index
        %get3A_2274 = arith.constant 48 : index
        %get3A_2275 = tpu.vector_load %arg21[%get3A_2273, %get3A_2274] {strides = array<i32>} : memref<16x64xf32, #tpu.memory_space<vmem>>, vector<1x16xf32>,
        %get3A_2276 = vector.shape_cast %get3A_2275 : vector<1x16xf32> to vector<16xf32>
        %add3A_2277 = arith.addf %add3A_2253, %get3A_2276 : vector<16xf32>
        %get3A_2278 = arith.constant 2 : i32
        %get3A_2279 = arith.index_cast %get3A_2278 : i32 to index
        %get3A_2280 = arith.constant 0 : index
        %get3A_2281 = tpu.vector_load %arg21[%get3A_2279, %get3A_2280] {strides = array<i32>} : memref<16x64xf32, #tpu.memory_space<vmem>>, vector<1x16xf32>,
        %get3A_2282 = vector.shape_cast %get3A_2281 : vector<1x16xf32> to vector<16xf32>
        %add3A_2283 = arith.addf %add3A_2259, %get3A_2282 : vector<16xf32>
        %get3A_2284 = arith.constant 2 : i32
        %get3A_2285 = arith.index_cast %get3A_2284 : i32 to index
        %get3A_2286 = arith.constant 16 : index
        %get3A_2287 = tpu.vector_load %arg21[%get3A_2285, %get3A_2286] {strides = array<i32>} : memref<16x64xf32, #tpu.memory_space<vmem>>, vector<1x16xf32>,
        %get3A_2288 = vector.shape_cast %get3A_2287 : vector<1x16xf32> to vector<16xf32>
        %add3A_2289 = arith.addf %add3A_2265, %get3A_2288 : vector<16xf32>
        %get3A_2290 = arith.constant 2 : i32
        %get3A_2291 = arith.index_cast %get3A_2290 : i32 to index
        %get3A_2292 = arith.constant 32 : index
        %get3A_2293 = tpu.vector_load %arg21[%get3A_2291, %get3A_2292] {strides = array<i32>} : memref<16x64xf32, #tpu.memory_space<vmem>>, vector<1x16xf32>,
        %get3A_2294 = vector.shape_cast %get3A_2293 : vector<1x16xf32> to vector<16xf32>
        %add3A_2295 = arith.addf %add3A_2271, %get3A_2294 : vector<16xf32>
        %get3A_2296 = arith.constant 2 : i32
        %get3A_2297 = arith.index_cast %get3A_2296 : i32 to index
        %get3A_2298 = arith.constant 48 : index
        %get3A_2299 = tpu.vector_load %arg21[%get3A_2297, %get3A_2298] {strides = array<i32>} : memref<16x64xf32, #tpu.memory_space<vmem>>, vector<1x16xf32>,
        %get3A_2300 = vector.shape_cast %get3A_2299 : vector<1x16xf32> to vector<16xf32>
        %add3A_2301 = arith.addf %add3A_2277, %get3A_2300 : vector<16xf32>
        %get3A_2302 = arith.constant 3 : i32
        %get3A_2303 = arith.index_cast %get3A_2302 : i32 to index
        %get3A_2304 = arith.constant 0 : index
        %get3A_2305 = tpu.vector_load %arg21[%get3A_2303, %get3A_2304] {strides = array<i32>} : memref<16x64xf32, #tpu.memory_space<vmem>>, vector<1x16xf32>,
        %get3A_2306 = vector.shape_cast %get3A_2305 : vector<1x16xf32> to vector<16xf32>
        %add3A_2307 = arith.addf %add3A_2283, %get3A_2306 : vector<16xf32>
        %get3A_2308 = arith.constant 3 : i32
        %get3A_2309 = arith.index_cast %get3A_2308 : i32 to index
        %get3A_2310 = arith.constant 16 : index
        %get3A_2311 = tpu.vector_load %arg21[%get3A_2309, %get3A_2310] {strides = array<i32>} : memref<16x64xf32, #tpu.memory_space<vmem>>, vector<1x16xf32>,
        %get3A_2312 = vector.shape_cast %get3A_2311 : vector<1x16xf32> to vector<16xf32>
        %add3A_2313 = arith.addf %add3A_2289, %get3A_2312 : vector<16xf32>
        %get3A_2314 = arith.constant 3 : i32
        %get3A_2315 = arith.index_cast %get3A_2314 : i32 to index
        %get3A_2316 = arith.constant 32 : index
        %get3A_2317 = tpu.vector_load %arg21[%get3A_2315, %get3A_2316] {strides = array<i32>} : memref<16x64xf32, #tpu.memory_space<vmem>>, vector<1x16xf32>,
        %get3A_2318 = vector.shape_cast %get3A_2317 : vector<1x16xf32> to vector<16xf32>
        %add3A_2319 = arith.addf %add3A_2295, %get3A_2318 : vector<16xf32>
        %get3A_2320 = arith.constant 3 : i32
        %get3A_2321 = arith.index_cast %get3A_2320 : i32 to index
        %get3A_2322 = arith.constant 48 : index
        %get3A_2323 = tpu.vector_load %arg21[%get3A_2321, %get3A_2322] {strides = array<i32>} : memref<16x64xf32, #tpu.memory_space<vmem>>, vector<1x16xf32>,
        %get3A_2324 = vector.shape_cast %get3A_2323 : vector<1x16xf32> to vector<16xf32>
        %add3A_2325 = arith.addf %add3A_2301, %get3A_2324 : vector<16xf32>
        %get3A_2326 = arith.constant 4 : i32
        %get3A_2327 = arith.index_cast %get3A_2326 : i32 to index
        %get3A_2328 = arith.constant 0 : index
        %get3A_2329 = tpu.vector_load %arg21[%get3A_2327, %get3A_2328] {strides = array<i32>} : memref<16x64xf32, #tpu.memory_space<vmem>>, vector<1x16xf32>,
        %get3A_2330 = vector.shape_cast %get3A_2329 : vector<1x16xf32> to vector<16xf32>
        %add3A_2331 = arith.addf %add3A_2307, %get3A_2330 : vector<16xf32>
        %get3A_2332 = arith.constant 4 : i32
        %get3A_2333 = arith.index_cast %get3A_2332 : i32 to index
        %get3A_2334 = arith.constant 16 : index
        %get3A_2335 = tpu.vector_load %arg21[%get3A_2333, %get3A_2334] {strides = array<i32>} : memref<16x64xf32, #tpu.memory_space<vmem>>, vector<1x16xf32>,
        %get3A_2336 = vector.shape_cast %get3A_2335 : vector<1x16xf32> to vector<16xf32>
        %add3A_2337 = arith.addf %add3A_2313, %get3A_2336 : vector<16xf32>
        %get3A_2338 = arith.constant 4 : i32
        %get3A_2339 = arith.index_cast %get3A_2338 : i32 to index
        %get3A_2340 = arith.constant 32 : index
        %get3A_2341 = tpu.vector_load %arg21[%get3A_2339, %get3A_2340] {strides = array<i32>} : memref<16x64xf32, #tpu.memory_space<vmem>>, vector<1x16xf32>,
        %get3A_2342 = vector.shape_cast %get3A_2341 : vector<1x16xf32> to vector<16xf32>
        %add3A_2343 = arith.addf %add3A_2319, %get3A_2342 : vector<16xf32>
        %get3A_2344 = arith.constant 4 : i32
        %get3A_2345 = arith.index_cast %get3A_2344 : i32 to index
        %get3A_2346 = arith.constant 48 : index
        %get3A_2347 = tpu.vector_load %arg21[%get3A_2345, %get3A_2346] {strides = array<i32>} : memref<16x64xf32, #tpu.memory_space<vmem>>, vector<1x16xf32>,
        %get3A_2348 = vector.shape_cast %get3A_2347 : vector<1x16xf32> to vector<16xf32>
        %add3A_2349 = arith.addf %add3A_2325, %get3A_2348 : vector<16xf32>
        %get3A_2350 = arith.constant 5 : i32
        %get3A_2351 = arith.index_cast %get3A_2350 : i32 to index
        %get3A_2352 = arith.constant 0 : index
        %get3A_2353 = tpu.vector_load %arg21[%get3A_2351, %get3A_2352] {strides = array<i32>} : memref<16x64xf32, #tpu.memory_space<vmem>>, vector<1x16xf32>,
        %get3A_2354 = vector.shape_cast %get3A_2353 : vector<1x16xf32> to vector<16xf32>
        %add3A_2355 = arith.addf %add3A_2331, %get3A_2354 : vector<16xf32>
        %get3A_2356 = arith.constant 5 : i32
        %get3A_2357 = arith.index_cast %get3A_2356 : i32 to index
        %get3A_2358 = arith.constant 16 : index
        %get3A_2359 = tpu.vector_load %arg21[%get3A_2357, %get3A_2358] {strides = array<i32>} : memref<16x64xf32, #tpu.memory_space<vmem>>, vector<1x16xf32>,
        %get3A_2360 = vector.shape_cast %get3A_2359 : vector<1x16xf32> to vector<16xf32>
        %add3A_2361 = arith.addf %add3A_2337, %get3A_2360 : vector<16xf32>
        %get3A_2362 = arith.constant 5 : i32
        %get3A_2363 = arith.index_cast %get3A_2362 : i32 to index
        %get3A_2364 = arith.constant 32 : index
        %get3A_2365 = tpu.vector_load %arg21[%get3A_2363, %get3A_2364] {strides = array<i32>} : memref<16x64xf32, #tpu.memory_space<vmem>>, vector<1x16xf32>,
        %get3A_2366 = vector.shape_cast %get3A_2365 : vector<1x16xf32> to vector<16xf32>
        %add3A_2367 = arith.addf %add3A_2343, %get3A_2366 : vector<16xf32>
        %get3A_2368 = arith.constant 5 : i32
        %get3A_2369 = arith.index_cast %get3A_2368 : i32 to index
        %get3A_2370 = arith.constant 48 : index
        %get3A_2371 = tpu.vector_load %arg21[%get3A_2369, %get3A_2370] {strides = array<i32>} : memref<16x64xf32, #tpu.memory_space<vmem>>, vector<1x16xf32>,
        %get3A_2372 = vector.shape_cast %get3A_2371 : vector<1x16xf32> to vector<16xf32>
        %add3A_2373 = arith.addf %add3A_2349, %get3A_2372 : vector<16xf32>
        %get3A_2374 = arith.constant 6 : i32
        %get3A_2375 = arith.index_cast %get3A_2374 : i32 to index
        %get3A_2376 = arith.constant 0 : index
        %get3A_2377 = tpu.vector_load %arg21[%get3A_2375, %get3A_2376] {strides = array<i32>} : memref<16x64xf32, #tpu.memory_space<vmem>>, vector<1x16xf32>,
        %get3A_2378 = vector.shape_cast %get3A_2377 : vector<1x16xf32> to vector<16xf32>
        %add3A_2379 = arith.addf %add3A_2355, %get3A_2378 : vector<16xf32>
        %get3A_2380 = arith.constant 6 : i32
        %get3A_2381 = arith.index_cast %get3A_2380 : i32 to index
        %get3A_2382 = arith.constant 16 : index
        %get3A_2383 = tpu.vector_load %arg21[%get3A_2381, %get3A_2382] {strides = array<i32>} : memref<16x64xf32, #tpu.memory_space<vmem>>, vector<1x16xf32>,
        %get3A_2384 = vector.shape_cast %get3A_2383 : vector<1x16xf32> to vector<16xf32>
        %add3A_2385 = arith.addf %add3A_2361, %get3A_2384 : vector<16xf32>
        %get3A_2386 = arith.constant 6 : i32
        %get3A_2387 = arith.index_cast %get3A_2386 : i32 to index
        %get3A_2388 = arith.constant 32 : index
        %get3A_2389 = tpu.vector_load %arg21[%get3A_2387, %get3A_2388] {strides = array<i32>} : memref<16x64xf32, #tpu.memory_space<vmem>>, vector<1x16xf32>,
        %get3A_2390 = vector.shape_cast %get3A_2389 : vector<1x16xf32> to vector<16xf32>
        %add3A_2391 = arith.addf %add3A_2367, %get3A_2390 : vector<16xf32>
        %get3A_2392 = arith.constant 6 : i32
        %get3A_2393 = arith.index_cast %get3A_2392 : i32 to index
        %get3A_2394 = arith.constant 48 : index
        %get3A_2395 = tpu.vector_load %arg21[%get3A_2393, %get3A_2394] {strides = array<i32>} : memref<16x64xf32, #tpu.memory_space<vmem>>, vector<1x16xf32>,
        %get3A_2396 = vector.shape_cast %get3A_2395 : vector<1x16xf32> to vector<16xf32>
        %add3A_2397 = arith.addf %add3A_2373, %get3A_2396 : vector<16xf32>
        %get3A_2398 = arith.constant 7 : i32
        %get3A_2399 = arith.index_cast %get3A_2398 : i32 to index
        %get3A_2400 = arith.constant 0 : index
        %get3A_2401 = tpu.vector_load %arg21[%get3A_2399, %get3A_2400] {strides = array<i32>} : memref<16x64xf32, #tpu.memory_space<vmem>>, vector<1x16xf32>,
        %get3A_2402 = vector.shape_cast %get3A_2401 : vector<1x16xf32> to vector<16xf32>
        %add3A_2403 = arith.addf %add3A_2379, %get3A_2402 : vector<16xf32>
        %get3A_2404 = arith.constant 7 : i32
        %get3A_2405 = arith.index_cast %get3A_2404 : i32 to index
        %get3A_2406 = arith.constant 16 : index
        %get3A_2407 = tpu.vector_load %arg21[%get3A_2405, %get3A_2406] {strides = array<i32>} : memref<16x64xf32, #tpu.memory_space<vmem>>, vector<1x16xf32>,
        %get3A_2408 = vector.shape_cast %get3A_2407 : vector<1x16xf32> to vector<16xf32>
        %add3A_2409 = arith.addf %add3A_2385, %get3A_2408 : vector<16xf32>
        %get3A_2410 = arith.constant 7 : i32
        %get3A_2411 = arith.index_cast %get3A_2410 : i32 to index
        %get3A_2412 = arith.constant 32 : index
        %get3A_2413 = tpu.vector_load %arg21[%get3A_2411, %get3A_2412] {strides = array<i32>} : memref<16x64xf32, #tpu.memory_space<vmem>>, vector<1x16xf32>,
        %get3A_2414 = vector.shape_cast %get3A_2413 : vector<1x16xf32> to vector<16xf32>
        %add3A_2415 = arith.addf %add3A_2391, %get3A_2414 : vector<16xf32>
        %get3A_2416 = arith.constant 7 : i32
        %get3A_2417 = arith.index_cast %get3A_2416 : i32 to index
        %get3A_2418 = arith.constant 48 : index
        %get3A_2419 = tpu.vector_load %arg21[%get3A_2417, %get3A_2418] {strides = array<i32>} : memref<16x64xf32, #tpu.memory_space<vmem>>, vector<1x16xf32>,
        %get3A_2420 = vector.shape_cast %get3A_2419 : vector<1x16xf32> to vector<16xf32>
        %add3A_2421 = arith.addf %add3A_2397, %get3A_2420 : vector<16xf32>
        %get3A_2422 = arith.constant 8 : i32
        %get3A_2423 = arith.index_cast %get3A_2422 : i32 to index
        %get3A_2424 = arith.constant 0 : index
        %get3A_2425 = tpu.vector_load %arg21[%get3A_2423, %get3A_2424] {strides = array<i32>} : memref<16x64xf32, #tpu.memory_space<vmem>>, vector<1x16xf32>,
        %get3A_2426 = vector.shape_cast %get3A_2425 : vector<1x16xf32> to vector<16xf32>
        %add3A_2427 = arith.addf %add3A_2403, %get3A_2426 : vector<16xf32>
        %get3A_2428 = arith.constant 8 : i32
        %get3A_2429 = arith.index_cast %get3A_2428 : i32 to index
        %get3A_2430 = arith.constant 16 : index
        %get3A_2431 = tpu.vector_load %arg21[%get3A_2429, %get3A_2430] {strides = array<i32>} : memref<16x64xf32, #tpu.memory_space<vmem>>, vector<1x16xf32>,
        %get3A_2432 = vector.shape_cast %get3A_2431 : vector<1x16xf32> to vector<16xf32>
        %add3A_2433 = arith.addf %add3A_2409, %get3A_2432 : vector<16xf32>
        %get3A_2434 = arith.constant 8 : i32
        %get3A_2435 = arith.index_cast %get3A_2434 : i32 to index
        %get3A_2436 = arith.constant 32 : index
        %get3A_2437 = tpu.vector_load %arg21[%get3A_2435, %get3A_2436] {strides = array<i32>} : memref<16x64xf32, #tpu.memory_space<vmem>>, vector<1x16xf32>,
        %get3A_2438 = vector.shape_cast %get3A_2437 : vector<1x16xf32> to vector<16xf32>
        %add3A_2439 = arith.addf %add3A_2415, %get3A_2438 : vector<16xf32>
        %get3A_2440 = arith.constant 8 : i32
        %get3A_2441 = arith.index_cast %get3A_2440 : i32 to index
        %get3A_2442 = arith.constant 48 : index
        %get3A_2443 = tpu.vector_load %arg21[%get3A_2441, %get3A_2442] {strides = array<i32>} : memref<16x64xf32, #tpu.memory_space<vmem>>, vector<1x16xf32>,
        %get3A_2444 = vector.shape_cast %get3A_2443 : vector<1x16xf32> to vector<16xf32>
        %add3A_2445 = arith.addf %add3A_2421, %get3A_2444 : vector<16xf32>
        %get3A_2446 = arith.constant 9 : i32
        %get3A_2447 = arith.index_cast %get3A_2446 : i32 to index
        %get3A_2448 = arith.constant 0 : index
        %get3A_2449 = tpu.vector_load %arg21[%get3A_2447, %get3A_2448] {strides = array<i32>} : memref<16x64xf32, #tpu.memory_space<vmem>>, vector<1x16xf32>,
        %get3A_2450 = vector.shape_cast %get3A_2449 : vector<1x16xf32> to vector<16xf32>
        %add3A_2451 = arith.addf %add3A_2427, %get3A_2450 : vector<16xf32>
        %get3A_2452 = arith.constant 9 : i32
        %get3A_2453 = arith.index_cast %get3A_2452 : i32 to index
        %get3A_2454 = arith.constant 16 : index
        %get3A_2455 = tpu.vector_load %arg21[%get3A_2453, %get3A_2454] {strides = array<i32>} : memref<16x64xf32, #tpu.memory_space<vmem>>, vector<1x16xf32>,
        %get3A_2456 = vector.shape_cast %get3A_2455 : vector<1x16xf32> to vector<16xf32>
        %add3A_2457 = arith.addf %add3A_2433, %get3A_2456 : vector<16xf32>
        %get3A_2458 = arith.constant 9 : i32
        %get3A_2459 = arith.index_cast %get3A_2458 : i32 to index
        %get3A_2460 = arith.constant 32 : index
        %get3A_2461 = tpu.vector_load %arg21[%get3A_2459, %get3A_2460] {strides = array<i32>} : memref<16x64xf32, #tpu.memory_space<vmem>>, vector<1x16xf32>,
        %get3A_2462 = vector.shape_cast %get3A_2461 : vector<1x16xf32> to vector<16xf32>
        %add3A_2463 = arith.addf %add3A_2439, %get3A_2462 : vector<16xf32>
        %get3A_2464 = arith.constant 9 : i32
        %get3A_2465 = arith.index_cast %get3A_2464 : i32 to index
        %get3A_2466 = arith.constant 48 : index
        %get3A_2467 = tpu.vector_load %arg21[%get3A_2465, %get3A_2466] {strides = array<i32>} : memref<16x64xf32, #tpu.memory_space<vmem>>, vector<1x16xf32>,
        %get3A_2468 = vector.shape_cast %get3A_2467 : vector<1x16xf32> to vector<16xf32>
        %add3A_2469 = arith.addf %add3A_2445, %get3A_2468 : vector<16xf32>
        %get3A_2470 = arith.constant 10 : i32
        %get3A_2471 = arith.index_cast %get3A_2470 : i32 to index
        %get3A_2472 = arith.constant 0 : index
        %get3A_2473 = tpu.vector_load %arg21[%get3A_2471, %get3A_2472] {strides = array<i32>} : memref<16x64xf32, #tpu.memory_space<vmem>>, vector<1x16xf32>,
        %get3A_2474 = vector.shape_cast %get3A_2473 : vector<1x16xf32> to vector<16xf32>
        %add3A_2475 = arith.addf %add3A_2451, %get3A_2474 : vector<16xf32>
        %get3A_2476 = arith.constant 10 : i32
        %get3A_2477 = arith.index_cast %get3A_2476 : i32 to index
        %get3A_2478 = arith.constant 16 : index
        %get3A_2479 = tpu.vector_load %arg21[%get3A_2477, %get3A_2478] {strides = array<i32>} : memref<16x64xf32, #tpu.memory_space<vmem>>, vector<1x16xf32>,
        %get3A_2480 = vector.shape_cast %get3A_2479 : vector<1x16xf32> to vector<16xf32>
        %add3A_2481 = arith.addf %add3A_2457, %get3A_2480 : vector<16xf32>
        %get3A_2482 = arith.constant 10 : i32
        %get3A_2483 = arith.index_cast %get3A_2482 : i32 to index
        %get3A_2484 = arith.constant 32 : index
        %get3A_2485 = tpu.vector_load %arg21[%get3A_2483, %get3A_2484] {strides = array<i32>} : memref<16x64xf32, #tpu.memory_space<vmem>>, vector<1x16xf32>,
        %get3A_2486 = vector.shape_cast %get3A_2485 : vector<1x16xf32> to vector<16xf32>
        %add3A_2487 = arith.addf %add3A_2463, %get3A_2486 : vector<16xf32>
        %get3A_2488 = arith.constant 10 : i32
        %get3A_2489 = arith.index_cast %get3A_2488 : i32 to index
        %get3A_2490 = arith.constant 48 : index
        %get3A_2491 = tpu.vector_load %arg21[%get3A_2489, %get3A_2490] {strides = array<i32>} : memref<16x64xf32, #tpu.memory_space<vmem>>, vector<1x16xf32>,
        %get3A_2492 = vector.shape_cast %get3A_2491 : vector<1x16xf32> to vector<16xf32>
        %add3A_2493 = arith.addf %add3A_2469, %get3A_2492 : vector<16xf32>
        %get3A_2494 = arith.constant 11 : i32
        %get3A_2495 = arith.index_cast %get3A_2494 : i32 to index
        %get3A_2496 = arith.constant 0 : index
        %get3A_2497 = tpu.vector_load %arg21[%get3A_2495, %get3A_2496] {strides = array<i32>} : memref<16x64xf32, #tpu.memory_space<vmem>>, vector<1x16xf32>,
        %get3A_2498 = vector.shape_cast %get3A_2497 : vector<1x16xf32> to vector<16xf32>
        %add3A_2499 = arith.addf %add3A_2475, %get3A_2498 : vector<16xf32>
        %get3A_2500 = arith.constant 11 : i32
        %get3A_2501 = arith.index_cast %get3A_2500 : i32 to index
        %get3A_2502 = arith.constant 16 : index
        %get3A_2503 = tpu.vector_load %arg21[%get3A_2501, %get3A_2502] {strides = array<i32>} : memref<16x64xf32, #tpu.memory_space<vmem>>, vector<1x16xf32>,
        %get3A_2504 = vector.shape_cast %get3A_2503 : vector<1x16xf32> to vector<16xf32>
        %add3A_2505 = arith.addf %add3A_2481, %get3A_2504 : vector<16xf32>
        %get3A_2506 = arith.constant 11 : i32
        %get3A_2507 = arith.index_cast %get3A_2506 : i32 to index
        %get3A_2508 = arith.constant 32 : index
        %get3A_2509 = tpu.vector_load %arg21[%get3A_2507, %get3A_2508] {strides = array<i32>} : memref<16x64xf32, #tpu.memory_space<vmem>>, vector<1x16xf32>,
        %get3A_2510 = vector.shape_cast %get3A_2509 : vector<1x16xf32> to vector<16xf32>
        %add3A_2511 = arith.addf %add3A_2487, %get3A_2510 : vector<16xf32>
        %get3A_2512 = arith.constant 11 : i32
        %get3A_2513 = arith.index_cast %get3A_2512 : i32 to index
        %get3A_2514 = arith.constant 48 : index
        %get3A_2515 = tpu.vector_load %arg21[%get3A_2513, %get3A_2514] {strides = array<i32>} : memref<16x64xf32, #tpu.memory_space<vmem>>, vector<1x16xf32>,
        %get3A_2516 = vector.shape_cast %get3A_2515 : vector<1x16xf32> to vector<16xf32>
        %add3A_2517 = arith.addf %add3A_2493, %get3A_2516 : vector<16xf32>
        %get3A_2518 = arith.constant 12 : i32
        %get3A_2519 = arith.index_cast %get3A_2518 : i32 to index
        %get3A_2520 = arith.constant 0 : index
        %get3A_2521 = tpu.vector_load %arg21[%get3A_2519, %get3A_2520] {strides = array<i32>} : memref<16x64xf32, #tpu.memory_space<vmem>>, vector<1x16xf32>,
        %get3A_2522 = vector.shape_cast %get3A_2521 : vector<1x16xf32> to vector<16xf32>
        %add3A_2523 = arith.addf %add3A_2499, %get3A_2522 : vector<16xf32>
        %get3A_2524 = arith.constant 12 : i32
        %get3A_2525 = arith.index_cast %get3A_2524 : i32 to index
        %get3A_2526 = arith.constant 16 : index
        %get3A_2527 = tpu.vector_load %arg21[%get3A_2525, %get3A_2526] {strides = array<i32>} : memref<16x64xf32, #tpu.memory_space<vmem>>, vector<1x16xf32>,
        %get3A_2528 = vector.shape_cast %get3A_2527 : vector<1x16xf32> to vector<16xf32>
        %add3A_2529 = arith.addf %add3A_2505, %get3A_2528 : vector<16xf32>
        %get3A_2530 = arith.constant 12 : i32
        %get3A_2531 = arith.index_cast %get3A_2530 : i32 to index
        %get3A_2532 = arith.constant 32 : index
        %get3A_2533 = tpu.vector_load %arg21[%get3A_2531, %get3A_2532] {strides = array<i32>} : memref<16x64xf32, #tpu.memory_space<vmem>>, vector<1x16xf32>,
        %get3A_2534 = vector.shape_cast %get3A_2533 : vector<1x16xf32> to vector<16xf32>
        %add3A_2535 = arith.addf %add3A_2511, %get3A_2534 : vector<16xf32>
        %get3A_2536 = arith.constant 12 : i32
        %get3A_2537 = arith.index_cast %get3A_2536 : i32 to index
        %get3A_2538 = arith.constant 48 : index
        %get3A_2539 = tpu.vector_load %arg21[%get3A_2537, %get3A_2538] {strides = array<i32>} : memref<16x64xf32, #tpu.memory_space<vmem>>, vector<1x16xf32>,
        %get3A_2540 = vector.shape_cast %get3A_2539 : vector<1x16xf32> to vector<16xf32>
        %add3A_2541 = arith.addf %add3A_2517, %get3A_2540 : vector<16xf32>
        %get3A_2542 = arith.constant 13 : i32
        %get3A_2543 = arith.index_cast %get3A_2542 : i32 to index
        %get3A_2544 = arith.constant 0 : index
        %get3A_2545 = tpu.vector_load %arg21[%get3A_2543, %get3A_2544] {strides = array<i32>} : memref<16x64xf32, #tpu.memory_space<vmem>>, vector<1x16xf32>,
        %get3A_2546 = vector.shape_cast %get3A_2545 : vector<1x16xf32> to vector<16xf32>
        %add3A_2547 = arith.addf %add3A_2523, %get3A_2546 : vector<16xf32>
        %get3A_2548 = arith.constant 13 : i32
        %get3A_2549 = arith.index_cast %get3A_2548 : i32 to index
        %get3A_2550 = arith.constant 16 : index
        %get3A_2551 = tpu.vector_load %arg21[%get3A_2549, %get3A_2550] {strides = array<i32>} : memref<16x64xf32, #tpu.memory_space<vmem>>, vector<1x16xf32>,
        %get3A_2552 = vector.shape_cast %get3A_2551 : vector<1x16xf32> to vector<16xf32>
        %add3A_2553 = arith.addf %add3A_2529, %get3A_2552 : vector<16xf32>
        %get3A_2554 = arith.constant 13 : i32
        %get3A_2555 = arith.index_cast %get3A_2554 : i32 to index
        %get3A_2556 = arith.constant 32 : index
        %get3A_2557 = tpu.vector_load %arg21[%get3A_2555, %get3A_2556] {strides = array<i32>} : memref<16x64xf32, #tpu.memory_space<vmem>>, vector<1x16xf32>,
        %get3A_2558 = vector.shape_cast %get3A_2557 : vector<1x16xf32> to vector<16xf32>
        %add3A_2559 = arith.addf %add3A_2535, %get3A_2558 : vector<16xf32>
        %get3A_2560 = arith.constant 13 : i32
        %get3A_2561 = arith.index_cast %get3A_2560 : i32 to index
        %get3A_2562 = arith.constant 48 : index
        %get3A_2563 = tpu.vector_load %arg21[%get3A_2561, %get3A_2562] {strides = array<i32>} : memref<16x64xf32, #tpu.memory_space<vmem>>, vector<1x16xf32>,
        %get3A_2564 = vector.shape_cast %get3A_2563 : vector<1x16xf32> to vector<16xf32>
        %add3A_2565 = arith.addf %add3A_2541, %get3A_2564 : vector<16xf32>
        %get3A_2566 = arith.constant 14 : i32
        %get3A_2567 = arith.index_cast %get3A_2566 : i32 to index
        %get3A_2568 = arith.constant 0 : index
        %get3A_2569 = tpu.vector_load %arg21[%get3A_2567, %get3A_2568] {strides = array<i32>} : memref<16x64xf32, #tpu.memory_space<vmem>>, vector<1x16xf32>,
        %get3A_2570 = vector.shape_cast %get3A_2569 : vector<1x16xf32> to vector<16xf32>
        %add3A_2571 = arith.addf %add3A_2547, %get3A_2570 : vector<16xf32>
        %get3A_2572 = arith.constant 14 : i32
        %get3A_2573 = arith.index_cast %get3A_2572 : i32 to index
        %get3A_2574 = arith.constant 16 : index
        %get3A_2575 = tpu.vector_load %arg21[%get3A_2573, %get3A_2574] {strides = array<i32>} : memref<16x64xf32, #tpu.memory_space<vmem>>, vector<1x16xf32>,
        %get3A_2576 = vector.shape_cast %get3A_2575 : vector<1x16xf32> to vector<16xf32>
        %add3A_2577 = arith.addf %add3A_2553, %get3A_2576 : vector<16xf32>
        %get3A_2578 = arith.constant 14 : i32
        %get3A_2579 = arith.index_cast %get3A_2578 : i32 to index
        %get3A_2580 = arith.constant 32 : index
        %get3A_2581 = tpu.vector_load %arg21[%get3A_2579, %get3A_2580] {strides = array<i32>} : memref<16x64xf32, #tpu.memory_space<vmem>>, vector<1x16xf32>,
        %get3A_2582 = vector.shape_cast %get3A_2581 : vector<1x16xf32> to vector<16xf32>
        %add3A_2583 = arith.addf %add3A_2559, %get3A_2582 : vector<16xf32>
        %get3A_2584 = arith.constant 14 : i32
        %get3A_2585 = arith.index_cast %get3A_2584 : i32 to index
        %get3A_2586 = arith.constant 48 : index
        %get3A_2587 = tpu.vector_load %arg21[%get3A_2585, %get3A_2586] {strides = array<i32>} : memref<16x64xf32, #tpu.memory_space<vmem>>, vector<1x16xf32>,
        %get3A_2588 = vector.shape_cast %get3A_2587 : vector<1x16xf32> to vector<16xf32>
        %add3A_2589 = arith.addf %add3A_2565, %get3A_2588 : vector<16xf32>
        %get3A_2590 = arith.constant 15 : i32
        %get3A_2591 = arith.index_cast %get3A_2590 : i32 to index
        %get3A_2592 = arith.constant 0 : index
        %get3A_2593 = tpu.vector_load %arg21[%get3A_2591, %get3A_2592] {strides = array<i32>} : memref<16x64xf32, #tpu.memory_space<vmem>>, vector<1x16xf32>,
        %get3A_2594 = vector.shape_cast %get3A_2593 : vector<1x16xf32> to vector<16xf32>
        %add3A_2595 = arith.addf %add3A_2571, %get3A_2594 : vector<16xf32>
        %get3A_2596 = arith.constant 15 : i32
        %get3A_2597 = arith.index_cast %get3A_2596 : i32 to index
        %get3A_2598 = arith.constant 16 : index
        %get3A_2599 = tpu.vector_load %arg21[%get3A_2597, %get3A_2598] {strides = array<i32>} : memref<16x64xf32, #tpu.memory_space<vmem>>, vector<1x16xf32>,
        %get3A_2600 = vector.shape_cast %get3A_2599 : vector<1x16xf32> to vector<16xf32>
        %add3A_2601 = arith.addf %add3A_2577, %get3A_2600 : vector<16xf32>
        %get3A_2602 = arith.constant 15 : i32
        %get3A_2603 = arith.index_cast %get3A_2602 : i32 to index
        %get3A_2604 = arith.constant 32 : index
        %get3A_2605 = tpu.vector_load %arg21[%get3A_2603, %get3A_2604] {strides = array<i32>} : memref<16x64xf32, #tpu.memory_space<vmem>>, vector<1x16xf32>,
        %get3A_2606 = vector.shape_cast %get3A_2605 : vector<1x16xf32> to vector<16xf32>
        %add3A_2607 = arith.addf %add3A_2583, %get3A_2606 : vector<16xf32>
        %get3A_2608 = arith.constant 15 : i32
        %get3A_2609 = arith.index_cast %get3A_2608 : i32 to index
        %get3A_2610 = arith.constant 48 : index
        %get3A_2611 = tpu.vector_load %arg21[%get3A_2609, %get3A_2610] {strides = array<i32>} : memref<16x64xf32, #tpu.memory_space<vmem>>, vector<1x16xf32>,
        %get3A_2612 = vector.shape_cast %get3A_2611 : vector<1x16xf32> to vector<16xf32>
        %add3A_2613 = arith.addf %add3A_2589, %get3A_2612 : vector<16xf32>
        scf.yield %add3A_2595, %add3A_2601, %add3A_2607, %add3A_2613 : vector<16xf32>, vector<16xf32>, vector<16xf32>, vector<16xf32>
      }
      %mul3A_2108 = arith.constant 16 : i32
      %mul3A_2109 = arith.muli %select_n3A_2095, %mul3A_2108 : i32
      %sub3A_2110 = arith.subi %mul3A_2109, %sub3A : i32
      %convert_element_type3A = arith.sitofp %sub3A_2110 : i32 to f32
      %broadcast_in_dim3A_2111 = arith.constant 0 : i32
      %broadcast_in_dim3A_2112 = vector.broadcast %broadcast_in_dim3A_2111 : i32 to vector<16xi32>
      %max3A = arith.constant 1 : i32
      %max3A_2113 = arith.maxsi %sub3A, %max3A : i32
      %add3A_2114 = vector.broadcast %max3A_2113 : i32 to vector<16xi32>
      %add3A_2115 = arith.addi %broadcast_in_dim3A_2112, %add3A_2114 : vector<16xi32>
      %convert_element_type3A_2116 = arith.sitofp %add3A_2115 : vector<16xi32> to vector<16xf32>
      %div3A_2117 = arith.constant 1.000000e+00 : f32
      %div3A_2118 = vector.broadcast %div3A_2117 : f32 to vector<16xf32>
      %div3A_2119 = arith.divf %div3A_2118, %convert_element_type3A_2116 : vector<16xf32>
      %get3A_2120 = arith.constant 0 : i32
      %get3A_2121 = arith.index_cast %get3A_2120 : i32 to index
      %get3A_2122 = arith.constant 0 : index
      %get3A_2123 = tpu.vector_load %arg22[%get3A_2121, %get3A_2122] {strides = array<i32>} : memref<1x64xf32, #tpu.memory_space<vmem>>, vector<1x16xf32>,
      %get3A_2124 = vector.shape_cast %get3A_2123 : vector<1x16xf32> to vector<16xf32>
      %mul3A_2125 = vector.broadcast %convert_element_type3A : f32 to vector<16xf32>
      %mul3A_2126 = arith.mulf %mul3A_2125, %get3A_2124 : vector<16xf32>
      %sub3A_2127 = arith.subf %while3A_2107#0, %mul3A_2126 : vector<16xf32>
      %mul3A_2128 = arith.mulf %sub3A_2127, %div3A_2119 : vector<16xf32>
      %swap3A_2129 = arith.index_cast %scan3A_2065 : i32 to index
      %swap3A_2130 = arith.constant 0 : index
      %swap3A_2131 = tpu.vector_load %arg18[%swap3A_2129, %swap3A_2130] {strides = array<i32>} : memref<512x64xf32, #tpu.memory_space<vmem>>, vector<1x16xf32>,
      %swap3A_2132 = vector.shape_cast %swap3A_2131 : vector<1x16xf32> to vector<16xf32>
      %swap3A_2133 = vector.shape_cast %mul3A_2128 : vector<16xf32> to vector<1x16xf32>
      tpu.vector_store %arg18[%swap3A_2129, %swap3A_2130], %swap3A_2133 {strides = array<i32>} : memref<512x64xf32, #tpu.memory_space<vmem>>, vector<1x16xf32>,
      %get3A_2134 = arith.constant 0 : i32
      %get3A_2135 = arith.index_cast %get3A_2134 : i32 to index
      %get3A_2136 = arith.constant 16 : index
      %get3A_2137 = tpu.vector_load %arg22[%get3A_2135, %get3A_2136] {strides = array<i32>} : memref<1x64xf32, #tpu.memory_space<vmem>>, vector<1x16xf32>,
      %get3A_2138 = vector.shape_cast %get3A_2137 : vector<1x16xf32> to vector<16xf32>
      %mul3A_2139 = vector.broadcast %convert_element_type3A : f32 to vector<16xf32>
      %mul3A_2140 = arith.mulf %mul3A_2139, %get3A_2138 : vector<16xf32>
      %sub3A_2141 = arith.subf %while3A_2107#1, %mul3A_2140 : vector<16xf32>
      %mul3A_2142 = arith.mulf %sub3A_2141, %div3A_2119 : vector<16xf32>
      %swap3A_2143 = arith.index_cast %scan3A_2065 : i32 to index
      %swap3A_2144 = arith.constant 16 : index
      %swap3A_2145 = tpu.vector_load %arg18[%swap3A_2143, %swap3A_2144] {strides = array<i32>} : memref<512x64xf32, #tpu.memory_space<vmem>>, vector<1x16xf32>,
      %swap3A_2146 = vector.shape_cast %swap3A_2145 : vector<1x16xf32> to vector<16xf32>
      %swap3A_2147 = vector.shape_cast %mul3A_2142 : vector<16xf32> to vector<1x16xf32>
      tpu.vector_store %arg18[%swap3A_2143, %swap3A_2144], %swap3A_2147 {strides = array<i32>} : memref<512x64xf32, #tpu.memory_space<vmem>>, vector<1x16xf32>,
      %get3A_2148 = arith.constant 0 : i32
      %get3A_2149 = arith.index_cast %get3A_2148 : i32 to index
      %get3A_2150 = arith.constant 32 : index
      %get3A_2151 = tpu.vector_load %arg22[%get3A_2149, %get3A_2150] {strides = array<i32>} : memref<1x64xf32, #tpu.memory_space<vmem>>, vector<1x16xf32>,
      %get3A_2152 = vector.shape_cast %get3A_2151 : vector<1x16xf32> to vector<16xf32>
      %mul3A_2153 = vector.broadcast %convert_element_type3A : f32 to vector<16xf32>
      %mul3A_2154 = arith.mulf %mul3A_2153, %get3A_2152 : vector<16xf32>
      %sub3A_2155 = arith.subf %while3A_2107#2, %mul3A_2154 : vector<16xf32>
      %mul3A_2156 = arith.mulf %sub3A_2155, %div3A_2119 : vector<16xf32>
      %swap3A_2157 = arith.index_cast %scan3A_2065 : i32 to index
      %swap3A_2158 = arith.constant 32 : index
      %swap3A_2159 = tpu.vector_load %arg18[%swap3A_2157, %swap3A_2158] {strides = array<i32>} : memref<512x64xf32, #tpu.memory_space<vmem>>, vector<1x16xf32>,
      %swap3A_2160 = vector.shape_cast %swap3A_2159 : vector<1x16xf32> to vector<16xf32>
      %swap3A_2161 = vector.shape_cast %mul3A_2156 : vector<16xf32> to vector<1x16xf32>
      tpu.vector_store %arg18[%swap3A_2157, %swap3A_2158], %swap3A_2161 {strides = array<i32>} : memref<512x64xf32, #tpu.memory_space<vmem>>, vector<1x16xf32>,
      %get3A_2162 = arith.constant 0 : i32
      %get3A_2163 = arith.index_cast %get3A_2162 : i32 to index
      %get3A_2164 = arith.constant 48 : index
      %get3A_2165 = tpu.vector_load %arg22[%get3A_2163, %get3A_2164] {strides = array<i32>} : memref<1x64xf32, #tpu.memory_space<vmem>>, vector<1x16xf32>,
      %get3A_2166 = vector.shape_cast %get3A_2165 : vector<1x16xf32> to vector<16xf32>
      %mul3A_2167 = vector.broadcast %convert_element_type3A : f32 to vector<16xf32>
      %mul3A_2168 = arith.mulf %mul3A_2167, %get3A_2166 : vector<16xf32>
      %sub3A_2169 = arith.subf %while3A_2107#3, %mul3A_2168 : vector<16xf32>
      %mul3A_2170 = arith.mulf %sub3A_2169, %div3A_2119 : vector<16xf32>
      %swap3A_2171 = arith.index_cast %scan3A_2065 : i32 to index
      %swap3A_2172 = arith.constant 48 : index
      %swap3A_2173 = tpu.vector_load %arg18[%swap3A_2171, %swap3A_2172] {strides = array<i32>} : memref<512x64xf32, #tpu.memory_space<vmem>>, vector<1x16xf32>,
      %swap3A_2174 = vector.shape_cast %swap3A_2173 : vector<1x16xf32> to vector<16xf32>
      %swap3A_2175 = vector.shape_cast %mul3A_2170 : vector<16xf32> to vector<1x16xf32>
      tpu.vector_store %arg18[%swap3A_2171, %swap3A_2172], %swap3A_2175 {strides = array<i32>} : memref<512x64xf32, #tpu.memory_space<vmem>>, vector<1x16xf32>,
      %scan3A_2176 = arith.constant 0 : i32
      scf.yield %scan3A_2176 : i32
    }
    %scan3A_2064 = arith.constant 512 : i32
    "tpu.region"() ({
      %run_scoped3A_2065 = tpu.sem_alloc : memref<!tpu.dma_semaphore, #tpu.memory_space<semaphore_mem>>
      %dma_start3A = arith.constant 0 : i32
      %dma_start3A_2066 = tpu.memref_slice %arg11[%mul3A_2, %dma_start3A] : memref<16384x64xf32, #tpu.memory_space<hbm>> -> memref<512x64xf32, #tpu.memory_space<hbm>>
      %dma_start3A_2067 = arith.constant 0 : i32
      %dma_start3A_2068 = tpu.memref_slice %arg11[%mul3A_2, %dma_start3A_2067] : memref<16384x64xf32, #tpu.memory_space<hbm>> -> memref<512x64xf32, #tpu.memory_space<hbm>>
      tpu.enqueue_dma source(%arg18 : memref<512x64xf32, #tpu.memory_space<vmem>>) target(%dma_start3A_2068 : memref<512x64xf32, #tpu.memory_space<hbm>>) target_semaphore(%run_scoped3A_2065 : memref<!tpu.dma_semaphore, #tpu.memory_space<semaphore_mem>>)
      %dma_wait3A = arith.constant 0 : i32
      %dma_wait3A_2069 = tpu.memref_slice %arg11[%mul3A_2, %dma_wait3A] : memref<16384x64xf32, #tpu.memory_space<hbm>> -> memref<512x64xf32, #tpu.memory_space<hbm>>
      %dma_wait3A_2070 = arith.constant 0 : i32
      %dma_wait3A_2071 = tpu.memref_slice %arg11[%mul3A_2, %dma_wait3A_2070] : memref<16384x64xf32, #tpu.memory_space<hbm>> -> memref<512x64xf32, #tpu.memory_space<hbm>>
      tpu.wait_dma2 semaphore(%run_scoped3A_2065 : memref<!tpu.dma_semaphore, #tpu.memory_space<semaphore_mem>>) src(%arg18 : memref<512x64xf32, #tpu.memory_space<vmem>>) dst(%dma_wait3A_2071 : memref<512x64xf32, #tpu.memory_space<hbm>>)
      tpu.yield
    }) : () -> ()
    return
  }
}

</mosaic_0001>

<sc_bundles>
// kernel: kernel.3.cloned.1.call-start
scs
__scs_entry_jumppad:
0x0: {  	(pc) =	sbr.rel $0x88, $3  }
0x1: {  	(tag) =	ssettag $0x0;
	lr =	simm.s32 $0x1  }
0x2: {  	[smem:$0x3F99] =	sst lr;
	_ =	strace $0xD0000000  }
0x3: {  	_ = 	snop  }
0x4: {  	_ = 	snop  }
0x5: {  	_ = 	snop  }
0x6: {  	_ = 	snop  }
0x7: {  	_ = 	snop  }
__scs_overlays_trampoline_lowered:
0x8: {  	[smem:$0x3FA8] =	sst s0  }
0x9: {  	[smem:$0x3FA9] =	sst s1  }
0xa: {  	[smem:$0x3FAA] =	sst s2  }
0xb: {  	[smem:$0x3FAB] =	sst s3  }
0xc: {  	[smem:$0x3FAC] =	sst s4  }
0xd: {  	[smem:$0x3FAD] =	sst s5  }
0xe: {  	[smem:$0x3FAE] =	sst s6  }
0xf: {  	[smem:$0x3FAF] =	sst s7  }
0x10: {  	[smem:$0x3FB0] =	sst s8  }
0x11: {  	[smem:$0x3FB1] =	sst s9;
	s0 =	simm.s32 @!p0 $0x0  }
0x12: {  	s1 =	sld [smem:$0x3F97];
	s0 =	simm.s32 @p0 $0x1  }
0x13: {  	[smem:$0x3FB2] =	sst s0;
	s0 =	simm.s32 @!p1 $0x0  }
0x14: {  	s2 =	sld [smem:$0x3F96];
	s0 =	simm.s32 @p1 $0x1  }
0x15: {  	[smem:$0x3FB3] =	sst s0;
	s0 =	simm.s32 @!p2 $0x0  }
0x16: {  	s3 =	sld [smem:$0x3FDB];
	s0 =	simm.s32 @p2 $0x1  }
0x17: {  	s4 =	simm.s32 $0x1BF5;
	[smem:$0x3FB5] =	sst s0  }
0x18: {  	s0 =	sld [smem:$0x3F98];
	_ =	swait.ge [sflag:s4], $0x0  }
0x19: {  	s7 =	sld [smem:$0x3F99]  }
0x1a: {  	s8 =	sadd.s32 $0xFFFFE003, lr  }
0x1b: {  	s9 =	sadd.s32 $0xFFFFFEF7, lr;
	s5 =	simm.s32 $0xFFFFFFFF;
	p2 =	slt.u32 s8, $0xFFFFF086  }
0x1c: {  	p1 =	slt.u32 s9, $0xF7A;
	s5 =	simm.s32 @!p2 $0x0  }
0x1d: {  	s5 =	simm.s32 @p1 $0x1;
	p0 =	seq.s32 s7, s2  }
0x1e: {  	s7 =	smul.u32 @!p0 $0xF7A, s2;
	p2 =	seq.s32 @!p0 s5, $0x0  }
0x1f: {  	s9 =	smul.u32 $0xF7A, s1;
	s8 =	simm.s32 @!p0 $0x1BF5;
	p2 =	por !p2, p0  }
0x20: {  	[sflag:s8] =	ssyncset.s32 @!p0 $0xFFFFF086;
	s6 =	sadd.s32 @!p0 s3, s7;
	s7 =	simm.s32 @!p0 $0x108  }
0x21: {  	s3 =	sadd.s32 s3, s9;
	s6 =	sadd.s32 @!p0 $0x88, s6;
	s7 =	simm.s32 @p2 $0x1082  }
0x22: {  	[simem:s7], [sflag:s8] =	dma.local @!p0 [hbm:s6], $0xF7A  }
0x23: {  	s9 =	sor.u32 $0xD0000000, s2;
	s6 =	simm.s32 $0x108;
	_ =	swait.ge @!p0 [sflag:s8], $0x0  }
0x24: {  	s3 =	sadd.s32 $0x88, s3;
	s6 =	simm.s32 @!p1 $0x1082;
	[sflag:s4] =	ssyncset.s32 $0xFFFFF086  }
0x25: {  	[simem:s6], [sflag:s4] =	dma.local [hbm:s3], $0xF7A  }
0x26: {  	[smem:$0x3F99] =	sst s1;
	(tag) =	ssettag s2;
	_ =	strace s9  }
0x27: {  	s1 =	sld [smem:$0x3FA9]  }
0x28: {  	s2 =	sld [smem:$0x3FAA]  }
0x29: {  	s4 =	sld [smem:$0x3FAC]  }
0x2a: {  	p0 =	seq.s32 s5, $0x0;
	s5 =	sld [smem:$0x3FAD]  }
0x2b: {  	s6 =	sld [smem:$0x3FAE]  }
0x2c: {  	s7 =	sld [smem:$0x3FAF]  }
0x2d: {  	s3 =	simm.s32 $0x108;
	s8 =	sld [smem:$0x3FB0]  }
0x2e: {  	s3 =	simm.s32 @!p0 $0x1082;
	s9 =	sld [smem:$0x3FB1]  }
0x2f: {  	lr =	sadd.s32 s0, s3;
	s0 =	sld [smem:$0x3FA8]  }
0x30: {  	s3 =	sld [smem:$0x3FAB]  }
0x31: {  	[smem:$0x3FB4] =	sst s10  }
0x32: {  	s10 =	sld [smem:$0x3FB2];
	_ =	sdelay $0x3  }
0x33: {  	p0 =	seq.s32 s10, $0x1;
	s10 =	sld [smem:$0x3FB4];
	_ =	sdelay $0x3  }
0x34: {  	[smem:$0x3FB4] =	sst s10  }
0x35: {  	s10 =	sld [smem:$0x3FB3];
	_ =	sdelay $0x3  }
0x36: {  	p1 =	seq.s32 s10, $0x1;
	s10 =	sld [smem:$0x3FB4];
	_ =	sdelay $0x3  }
0x37: {  	[smem:$0x3FB4] =	sst s10  }
0x38: {  	s10 =	sld [smem:$0x3FB5]  }
0x39: {  	_ = 	snop;
	(pc) =	sbr.ind lr, $3  }
0x3a: {  	_ = 	snop  }
0x3b: {  	_ = 	snop  }
0x3c: {  	p2 =	seq.s32 s10, $0x1;
	s10 =	sld [smem:$0x3FB4]  }
0x3d: {  	_ =	shalt  }
0x3e: {  	_ =	shalt  }
0x3f: {  	_ =	shalt  }
0x40: {  	_ =	shalt  }
0x41: {  	_ =	shalt  }
0x42: {  	_ =	shalt  }
0x43: {  	_ =	shalt  }
0x44: {  	_ =	shalt  }
0x45: {  	_ =	shalt  }
0x46: {  	_ =	shalt  }
0x47: {  	_ =	shalt  }
0x48: {  	_ =	shalt  }
0x49: {  	_ =	shalt  }
0x4a: {  	_ =	shalt  }
0x4b: {  	_ =	shalt  }
0x4c: {  	_ =	shalt  }
0x4d: {  	_ =	shalt  }
0x4e: {  	_ =	shalt  }
0x4f: {  	_ =	shalt  }
0x50: {  	_ =	shalt  }
0x51: {  	_ =	shalt  }
0x52: {  	_ =	shalt  }
0x53: {  	_ =	shalt  }
0x54: {  	_ =	shalt  }
0x55: {  	_ =	shalt  }
0x56: {  	_ =	shalt  }
0x57: {  	_ =	shalt  }
0x58: {  	_ =	shalt  }
0x59: {  	_ =	shalt  }
0x5a: {  	_ =	shalt  }
0x5b: {  	_ =	shalt  }
0x5c: {  	_ =	shalt  }
0x5d: {  	_ =	shalt  }
0x5e: {  	_ =	shalt  }
0x5f: {  	_ =	shalt  }
0x60: {  	_ =	shalt  }
0x61: {  	_ =	shalt  }
0x62: {  	_ =	shalt  }
0x63: {  	_ =	shalt  }
0x64: {  	_ =	shalt  }
0x65: {  	_ =	shalt  }
0x66: {  	_ =	shalt  }
0x67: {  	_ =	shalt  }
0x68: {  	_ =	shalt  }
0x69: {  	_ =	shalt  }
0x6a: {  	_ =	shalt  }
0x6b: {  	_ =	shalt  }
0x6c: {  	_ =	shalt  }
0x6d: {  	_ =	shalt  }
0x6e: {  	_ =	shalt  }
0x6f: {  	_ =	shalt  }
0x70: {  	_ =	shalt  }
0x71: {  	_ =	shalt  }
0x72: {  	_ =	shalt  }
0x73: {  	_ =	shalt  }
0x74: {  	_ =	shalt  }
0x75: {  	_ =	shalt  }
0x76: {  	_ =	shalt  }
0x77: {  	_ =	shalt  }
0x78: {  	_ =	shalt  }
0x79: {  	_ =	shalt  }
0x7a: {  	_ =	shalt  }
0x7b: {  	_ =	shalt  }
0x7c: {  	_ =	shalt  }
0x7d: {  	_ =	shalt  }
0x7e: {  	_ =	shalt  }
0x7f: {  	_ =	shalt  }
0x80: {  	_ =	shalt  }
0x81: {  	_ =	shalt  }
0x82: {  	_ =	shalt  }
0x83: {  	_ =	shalt  }
0x84: {  	_ =	shalt  }
0x85: {  	_ =	shalt  }
0x86: {  	_ =	shalt  }
0x87: {  	_ =	shalt  }
.Lfunc_end0:
.L_simem_size_0:
called_computation_lowered:
.L_overlay_start_0:
0x88: {  	s2 =	sld [smem:$0x3FD9]  }
0x89: {  	s3 =	sld [smem:$0x3FFE];
	_ =	sdelay $0x1  }
0x8a: {  	s1 =	srdreg.scid  }
0x8b: {  	s0 =	sand.u32 $0x1, s1  }
0x8c: {  	s14 =	sshll.u32 s0, $0xA;
	s2 =	sadd.s32 s3, s2  }
0x8d: {  	s2 =	sadd.s32 s2, s14  }
0x8e: {  	[smem:$0x3FC0] =	sst s2  }
0x8f: {  	_ = 	snop  }
0x90: {  	s2 =	sld [smem:$0x3FC9]  }
0x91: {  	s15 =	sld [smem:$0x3FC8]  }
0x92: {  	s4 =	sld [smem:$0x3FD0]  }
0x93: {  	s5 =	sld [smem:$0x3FC7]  }
0x94: {  	s6 =	sld [smem:$0x3FC6]  }
0x95: {  	s8 =	simm.s32 $0xA;
	s9 =	simm.s32 $0x10;
	s7 =	sld [smem:$0x3FC5]  }
0x96: {  	[smem:s9], [sflag:s8] =	dma.local [hbm:s4], $0x1  }
0x97: {  	_ =	swait.eq [sflag:s8], $0x1  }
0x98: {  	[sflag:s8] =	ssyncset.done $0x0  }
0x99: {  	s16 =	sld [smem:$0x11];
	[sflag:s8] =	ssyncadd.s32 $0xFFFFFFFF  }
0x9a: {  	s17 =	sld [smem:$0x12];
	(tm) =	ssettm $0x1  }
0x9b: {  	s18 =	sld [smem:$0x3FFB];
	_ =	sdelay $0x3  }
0x9c: {  	_ =	strace s18  }
0x9d: {  	s9 =	sld [smem:$0x3FFC];
	_ =	sdelay $0x3  }
0x9e: {  	_ =	strace s9  }
0x9f: {  	s9 =	sld [smem:$0x3FFD];
	_ =	sdelay $0x3  }
0xa0: {  	_ =	strace s9  }
0xa1: {  	_ =	strace $0x8FFFFFFF  }
0xa2: {  	s19 =	sld [smem:$0x3FDB];
	_ =	sdelay $0x1  }
0xa3: {  	s10 =	simm.s32 $_scs_section_size  }
0xa4: {  	s11 =	simm.s32 $_size__tile_overlayer_lowered;
	s12 =	simm.s32 $_tile_overlayer_lowered  }
0xa5: {  	s22 =	simm.s32 $0x1BFF;
	s21 =	sshll.u32 s12, $0x1;
	s9 =	sadd.s32 s10, s19  }
0xa6: {  	s13 =	simm.s32 $0x0;
	s20 =	sshll.u32 s11, $0x1;
	s11 =	sadd.s32 s21, s9  }
0xa7: {  	[timem:s13], [sflag:s22] =	dma.local [hbm:s11], s20  }
0xa8: {  	_ =	swait.ge [sflag:s22], s20  }
0xa9: {  	s10 =	ssub.s32 $0x0, s20;
	[sflag:s22] =	ssyncset.done $0x0  }
0xaa: {  	[sflag:s22] =	ssyncadd.s32 s10;
	_ =	sdelay $0x1  }
0xab: {  	s23 =	simm.s32 $0x1B8B  }
0xac: {  	_ =	swait.ge [sflag:s23], $0x1  }
0xad: {  	[sflag:s23] =	ssyncset.done $0x0  }
0xae: {  	s25 =	simm.s32 $0x1B8E;
	s24 =	sld [smem:$0x3FFE];
	[sflag:s23] =	ssyncadd.s32 $0xFFFFFFFF  }
0xaf: {  	s26 =	simm.s32 $execute0_lowered;
	[smem:$0x3FD2] =	sst s25  }
0xb0: {  	s11 =	sshll.u32 s26, $0x1;
	_ =	strace $0x80000046;
	[dreg:$0x1] =	wrdreg $0xFFFFFFFF  }
0xb1: {  	s28 =	simm.s32 $_size_execute0_lowered;
	s9 =	sadd.s32 s9, s11;
	[dreg:$0x0] =	wrdreg $0x0  }
0xb2: {  	s11 =	sshll.u32 s28, $0x1;
	[dreg:$0x2] =	wrdreg s9  }
0xb3: {  	[dreg:$0x3] =	wrdreg s11  }
0xb4: {  	[dreg:$0x4] =	wrdreg $0xC0  }
0xb5: {  	_ =	task [dreg:s13], $0x5FFFF  }
0xb6: {  	[dreg:$0x1] =	wrdreg $0xFFFFFFFF  }
0xb7: {  	[dreg:$0x0] =	wrdreg $0x60  }
0xb8: {  	[dreg:$0x2] =	wrdreg s2  }
0xb9: {  	[dreg:$0x3] =	wrdreg s15  }
0xba: {  	[dreg:$0x4] =	wrdreg s5  }
0xbb: {  	[dreg:$0x5] =	wrdreg s6  }
0xbc: {  	[dreg:$0x6] =	wrdreg s7  }
0xbd: {  	[dreg:$0x7] =	wrdreg s24  }
0xbe: {  	[dreg:$0x8] =	wrdreg s17  }
0xbf: {  	[dreg:$0x9] =	wrdreg s16  }
0xc0: {  	[dreg:$0xa] =	wrdreg $0x9  }
0xc1: {  	_ =	task.clear_ibuf [dreg:s13], $0xBFFFF;
	_ =	strace $0x90000046  }
0xc2: {  	s29 =	simm.s32 $0x9;
	_ =	strace $0x80000048  }
0xc3: {  	_ =	swait.ge [sflag:s29], $0x1  }
0xc4: {  	[sflag:s29] =	ssyncadd.s32 $0xFFFFFFFF  }
0xc5: {  	_ =	strace $0x90000048  }
0xc6: {  	_ =	sfence  }
0xc7: {  	s30 =	sld [smem:$0x0];
	_ =	sdelay $0x2  }
0xc8: {  	s31 =	sshll.u32 s1, $0xD;
	s1 =	sshrl.u32 s1, $0x2  }
0xc9: {  	s3 =	sand.u32 $0x4000, s31;
	s1 =	sadd.s32 s1, s30  }
0xca: {  	s0 =	sor.u32 s3, s0;
	s1 =	sshll.u32 s1, $0x11  }
0xcb: {  	s0 =	sor.u32 s1, s0  }
0xcc: {  	s0 =	sadd.s32 $0x8F2B, s0  }
0xcd: {  	[sflag:s0] =	ssyncadd.remote.s32 $0x1  }
0xce: {  	_ =	sfence.sel $0xFFFF  }
0xcf: {  	[dreg:$0x0] =	wrdreg $0xFFFFFFFF;
	(pc) =	sbr.abs _section_cstart, $3  }
0xd0: {  	[dreg:$0x1] =	wrdreg $0xFFFFFFFF  }
0xd1: {  	_ =	task.clear_ibuf [dreg:s13], $0x2FFFF;
	_ =	strace $0x9FFFFFFF  }
0xd2: {  	(tm) =	ssettm $0x7FFFFFFF  }
0xd3: {  	_ =	shalt  }
tec
execute0_lowered:
.L_overlay_start_1:
0x0: {  	(tag) =	ssettag $0x1  }
0x1: {  	s0 =	rddreg [dreg:$0x0]  }
0x2: {  	s3 =	rddreg [dreg:$0x1]  }
0x3: {  	s10 =	rddreg [dreg:$0x2]  }
0x4: {  	s1 =	rddreg [dreg:$0x3]  }
0x5: {  	s2 =	rddreg [dreg:$0x4]  }
0x6: {  	s8 =	rddreg [dreg:$0x5]  }
0x7: {  	s9 =	rddreg [dreg:$0x6]  }
0x8: {  	s13 =	rddreg [dreg:$0x7];
	s4 =	simm.s32 $0x0  }
0x9: {  	s5 =	srdreg.scid;
	s6 =	stileid.u32;
	s17 =	simm.s32 $0x620  }
0xa: {  	s18 =	simm.s32 $0x820;
	s19 =	simm.s32 $0x6A0;
	s21 =	simm.s32 $0x720  }
0xb: {  	s23 =	simm.s32 $0x7A0;
	s28 =	simm.s32 $0x10;
	s29 =	simm.s32 $0x10858  }
0xc: {  	s30 =	simm.s32 $0x10868;
	[smem:$0x7FF] =	sst s4;
	s7 =	sshll.u32 s6, $0xA  }
0xd: {  	s11 =	sand.u32 $0x1, s5;
	s5 =	sadd.s32 $0x189400, s8;
	s6 =	sadd.s32 $0x24CA00, s8  }
0xe: {  	_ =	strace $0x80000047;
	s12 =	sshll.u32 s11, $0x9;
	s11 =	ssub.s32 $0x2, s11  }
0xf: {  	s12 =	sor.u32 s12, s7;
	s7 =	sadd.s32 $0x310000, s8;
	s26 =	sshrl.u32 s11, $0x1  }
0x10: {  	s14 =	sshll.u32 s12, $0x3;
	s12 =	sshrl.u32 s12, $0x3;
	s16 =	ssub.s32 s11, s26  }
.Ltmp0:
0x11: {  	s26 =	simm.s32 $0x10820;
	s15 =	sadd.s32 s14, s8;
	(pc) =	sbr.rel .LBB2_1-.Ltmp0, $4  }
0x12: {  	s0 =	sadd.s32 s0, s12;
	s31 =	sadd.s32 s9, s14;
	s10 =	sadd.s32 s10, s12  }
0x13: {  	s12 =	sadd.s32 s3, s12;
	s13 =	sadd.s32 s13, s14;
	[dreg:$0x9] =	wrdreg s0  }
0x14: {  	s14 =	smax.u32 s16, $0x1;
	s16 =	simm.s32 $0x80;
	[dreg:$0xa] =	wrdreg s31  }
0x15: {  	v0 =	vlaneseq.u32;
	s11 =	sadd.s32 $0x2800, s15;
	s15 =	simm.s32 $0x1;
	s0 =	simm.s32 $0x0  }
.LBB2_8:
0x16: {  	s0 =	sadd.s32 $0x1, s0  }
0x17: {  	p0 =	sne.s32 s0, s14  }
.Ltmp1:
0x18: {  	s3 =	simm.s32 $0x8820;
	(pc) =	sbr.rel @!p0 .LBB2_9-.Ltmp1, $4  }
0x19: {  	[hbm4b:s13+s4] =	stream.linear.scatter [tilespmem:s3], [sflag:$0x1], $0x8000, $0x38;
	[tilespmem:$0x10CA8] =	vst v63  }
0x1a: {  	_ =	swait.ge [sflag:s15], $0x8000  }
0x1b: {  	[sflag:s15] =	ssyncset.done $0x0  }
0x1c: {  	[sflag:s15] =	ssyncadd.s32 $0xFFFF8000  }
.LBB2_1:
0x1d: {  	s3 =	rddreg [dreg:$0x9]  }
0x1e: {  	[tilespmem:s4], [sflag:$0x1] =	stream.linear.gather [hbm4b:s3+s4], $0x200, $0x38;
	[tilespmem:$0x10CA8] =	vst v63  }
0x1f: {  	_ =	swait.ge [sflag:s15], $0x200  }
0x20: {  	[sflag:s15] =	ssyncset.done $0x0  }
0x21: {  	[sflag:s15] =	ssyncadd.s32 $0xFFFFFE00  }
0x22: {  	v1 =	vld [tilespmem:$0x0]  }
0x23: {  	v2 =	vld [tilespmem:$0x10]  }
0x24: {  	v3 =	vld [tilespmem:$0x20]  }
0x25: {  	v4 =	vld [tilespmem:$0x30]  }
0x26: {  	v5 =	vld [tilespmem:$0x40]  }
0x27: {  	v6 =	vld [tilespmem:$0x50];
	v1 =	vadd.s32 $0x1, v1  }
0x28: {  	[tilespmem:$0x620] =	vst v1;
	v1 =	vadd.s32 $0x1, v2;
	v2 =	vld [tilespmem:$0x60]  }
0x29: {  	[tilespmem:$0x630] =	vst v1;
	v1 =	vadd.s32 $0x1, v3;
	v3 =	vld [tilespmem:$0x70]  }
0x2a: {  	v43 =	vld [tilespmem:$0x80];
	[tilespmem:$0x640] =	vst v1;
	v1 =	vadd.s32 $0x1, v4  }
0x2b: {  	v44 =	vld [tilespmem:$0x90];
	[tilespmem:$0x650] =	vst v1;
	v1 =	vadd.s32 $0x1, v5  }
0x2c: {  	v45 =	vld [tilespmem:$0xA0];
	[tilespmem:$0x660] =	vst v1;
	v1 =	vadd.s32 $0x1, v6  }
0x2d: {  	[tilespmem:$0x670] =	vst v1;
	v1 =	vadd.s32 $0x1, v2;
	v2 =	vld [tilespmem:$0xB0]  }
0x2e: {  	[tilespmem:$0x680] =	vst v1;
	v1 =	vadd.s32 $0x1, v3;
	v3 =	vld [tilespmem:$0xC0]  }
0x2f: {  	v46 =	vld [tilespmem:$0xD0];
	[tilespmem:$0x690] =	vst v1;
	v1 =	vadd.s32 $0x1, v43  }
0x30: {  	v47 =	vld [tilespmem:$0xE0];
	[tilespmem:$0x6A0] =	vst v1;
	v1 =	vadd.s32 $0x1, v44  }
0x31: {  	v48 =	vld [tilespmem:$0xF0];
	[tilespmem:$0x6B0] =	vst v1;
	v1 =	vadd.s32 $0x1, v45  }
0x32: {  	[tilespmem:$0x6C0] =	vst v1;
	v1 =	vadd.s32 $0x1, v2;
	v2 =	vld [tilespmem:$0x100]  }
0x33: {  	[tilespmem:$0x6D0] =	vst v1;
	v1 =	vadd.s32 $0x1, v3;
	v3 =	vld [tilespmem:$0x110]  }
0x34: {  	v49 =	vld [tilespmem:$0x120];
	[tilespmem:$0x6E0] =	vst v1;
	v1 =	vadd.s32 $0x1, v46  }
0x35: {  	v50 =	vld [tilespmem:$0x130];
	[tilespmem:$0x6F0] =	vst v1;
	v1 =	vadd.s32 $0x1, v47  }
0x36: {  	v51 =	vld [tilespmem:$0x140];
	[tilespmem:$0x700] =	vst v1;
	v1 =	vadd.s32 $0x1, v48  }
0x37: {  	[tilespmem:$0x710] =	vst v1;
	v1 =	vadd.s32 $0x1, v2;
	v2 =	vld [tilespmem:$0x150]  }
0x38: {  	[tilespmem:$0x720] =	vst v1;
	v1 =	vadd.s32 $0x1, v3;
	v3 =	vld [tilespmem:$0x160]  }
0x39: {  	v52 =	vld [tilespmem:$0x170];
	[tilespmem:$0x730] =	vst v1;
	v1 =	vadd.s32 $0x1, v49  }
0x3a: {  	v53 =	vld [tilespmem:$0x180];
	[tilespmem:$0x740] =	vst v1;
	v1 =	vadd.s32 $0x1, v50  }
0x3b: {  	v54 =	vld [tilespmem:$0x190];
	[tilespmem:$0x750] =	vst v1;
	v1 =	vadd.s32 $0x1, v51  }
0x3c: {  	[tilespmem:$0x760] =	vst v1;
	v1 =	vadd.s32 $0x1, v2;
	v2 =	vld [tilespmem:$0x1A0]  }
0x3d: {  	[tilespmem:$0x770] =	vst v1;
	v1 =	vadd.s32 $0x1, v3;
	v3 =	vld [tilespmem:$0x1B0]  }
0x3e: {  	v55 =	vld [tilespmem:$0x1C0];
	[tilespmem:$0x780] =	vst v1;
	v1 =	vadd.s32 $0x1, v52  }
0x3f: {  	v56 =	vld [tilespmem:$0x1D0];
	[tilespmem:$0x790] =	vst v1;
	v1 =	vadd.s32 $0x1, v53  }
0x40: {  	v57 =	vld [tilespmem:$0x1E0];
	[tilespmem:$0x7A0] =	vst v1;
	v1 =	vadd.s32 $0x1, v54  }
0x41: {  	[tilespmem:$0x7B0] =	vst v1;
	v1 =	vadd.s32 $0x1, v2;
	v2 =	vld [tilespmem:$0x1F0]  }
0x42: {  	[tilespmem:$0x7C0] =	vst v1;
	v1 =	vadd.s32 $0x1, v3  }
0x43: {  	[tilespmem:$0x7D0] =	vst v1;
	v1 =	vadd.s32 $0x1, v55  }
0x44: {  	[tilespmem:$0x7E0] =	vst v1;
	v1 =	vadd.s32 $0x1, v56  }
0x45: {  	[tilespmem:$0x7F0] =	vst v1;
	v1 =	vadd.s32 $0x1, v57  }
0x46: {  	[tilespmem:$0x800] =	vst v1;
	v1 =	vadd.s32 $0x1, v2  }
0x47: {  	[tilespmem:$0x810] =	vst v1  }
0x48: {  	[tilespmem:s18], [sflag:$0x1] =	stream.indirect.gather [hbm4b:s5+s16], $0x40, s17, s16, $0xb8;
	[tilespmem:$0x10CA8] =	vst v63  }
0x49: {  	_ =	swait.ge [sflag:s15], $0x2000  }
0x4a: {  	[sflag:s15] =	ssyncset.done $0x0  }
0x4b: {  	s8 =	simm.s32 $0x2820;
	[sflag:s15] =	ssyncadd.s32 $0xFFFFE000  }
0x4c: {  	[tilespmem:s8], [sflag:$0x1] =	stream.indirect.gather [hbm4b:s5+s16], $0x40, s19, s16, $0xb8;
	[tilespmem:$0x10CA8] =	vst v63  }
0x4d: {  	_ =	swait.ge [sflag:s15], $0x2000  }
0x4e: {  	[sflag:s15] =	ssyncset.done $0x0  }
0x4f: {  	s9 =	simm.s32 $0x4820;
	[sflag:s15] =	ssyncadd.s32 $0xFFFFE000  }
0x50: {  	[tilespmem:s9], [sflag:$0x1] =	stream.indirect.gather [hbm4b:s5+s16], $0x40, s21, s16, $0xb8;
	[tilespmem:$0x10CA8] =	vst v63  }
0x51: {  	_ =	swait.ge [sflag:s15], $0x2000  }
0x52: {  	[sflag:s15] =	ssyncset.done $0x0  }
0x53: {  	s20 =	simm.s32 $0x6820;
	[sflag:s15] =	ssyncadd.s32 $0xFFFFE000  }
0x54: {  	[tilespmem:s20], [sflag:$0x1] =	stream.indirect.gather [hbm4b:s5+s16], $0x40, s23, s16, $0xb8;
	[tilespmem:$0x10CA8] =	vst v63  }
0x55: {  	_ =	swait.ge [sflag:s15], $0x2000  }
0x56: {  	[sflag:s15] =	ssyncset.done $0x0  }
0x57: {  	s24 =	rddreg [dreg:$0xa];
	[sflag:s15] =	ssyncadd.s32 $0xFFFFE000  }
0x58: {  	[hbm4b:s24+s4] =	stream.linear.scatter [tilespmem:s18], [sflag:$0x1], $0x8000, $0x38;
	[tilespmem:$0x10CA8] =	vst v63  }
0x59: {  	_ =	swait.ge [sflag:s15], $0x8000  }
0x5a: {  	[sflag:s15] =	ssyncset.done $0x0  }
0x5b: {  	[sflag:s15] =	ssyncadd.s32 $0xFFFF8000  }
0x5c: {  	[tilespmem:s4], [sflag:$0x1] =	stream.linear.gather [hbm4b:s10+s4], $0x200, $0x38;
	[tilespmem:$0x10CA8] =	vst v63  }
0x5d: {  	_ =	swait.ge [sflag:s15], $0x200  }
0x5e: {  	[sflag:s15] =	ssyncset.done $0x0  }
0x5f: {  	[sflag:s15] =	ssyncadd.s32 $0xFFFFFE00  }
0x60: {  	v1 =	vld [tilespmem:$0x0]  }
0x61: {  	v2 =	vld [tilespmem:$0x10]  }
0x62: {  	v3 =	vld [tilespmem:$0x20]  }
0x63: {  	v58 =	vld [tilespmem:$0x30]  }
0x64: {  	v59 =	vld [tilespmem:$0x40]  }
0x65: {  	v60 =	vld [tilespmem:$0x50];
	v1 =	vadd.s32 $0x1, v1  }
0x66: {  	[tilespmem:$0x620] =	vst v1;
	v1 =	vadd.s32 $0x1, v2;
	v2 =	vld [tilespmem:$0x60]  }
0x67: {  	[tilespmem:$0x630] =	vst v1;
	v1 =	vadd.s32 $0x1, v3;
	v3 =	vld [tilespmem:$0x70]  }
0x68: {  	v61 =	vld [tilespmem:$0x80];
	[tilespmem:$0x640] =	vst v1;
	v1 =	vadd.s32 $0x1, v58  }
0x69: {  	v62 =	vld [tilespmem:$0x90];
	[tilespmem:$0x650] =	vst v1;
	v1 =	vadd.s32 $0x1, v59  }
0x6a: {  	v63 =	vld [tilespmem:$0xA0];
	[tilespmem:$0x660] =	vst v1;
	v1 =	vadd.s32 $0x1, v60  }
0x6b: {  	[tilespmem:$0x670] =	vst v1;
	v1 =	vadd.s32 $0x1, v2;
	v2 =	vld [tilespmem:$0xB0]  }
0x6c: {  	[tilespmem:$0x680] =	vst v1;
	v1 =	vadd.s32 $0x1, v3;
	v3 =	vld [tilespmem:$0xC0]  }
0x6d: {  	v9 =	vld [tilespmem:$0xD0];
	[tilespmem:$0x690] =	vst v1;
	v1 =	vadd.s32 $0x1, v61  }
0x6e: {  	v10 =	vld [tilespmem:$0xE0];
	[tilespmem:$0x6A0] =	vst v1;
	v1 =	vadd.s32 $0x1, v62  }
0x6f: {  	v11 =	vld [tilespmem:$0xF0];
	[tilespmem:$0x6B0] =	vst v1;
	v1 =	vadd.s32 $0x1, v63  }
0x70: {  	[tilespmem:$0x6C0] =	vst v1;
	v1 =	vadd.s32 $0x1, v2;
	v2 =	vld [tilespmem:$0x100]  }
0x71: {  	[tilespmem:$0x6D0] =	vst v1;
	v1 =	vadd.s32 $0x1, v3;
	v3 =	vld [tilespmem:$0x110]  }
0x72: {  	v12 =	vld [tilespmem:$0x120];
	[tilespmem:$0x6E0] =	vst v1;
	v1 =	vadd.s32 $0x1, v9  }
0x73: {  	v13 =	vld [tilespmem:$0x130];
	[tilespmem:$0x6F0] =	vst v1;
	v1 =	vadd.s32 $0x1, v10  }
0x74: {  	v14 =	vld [tilespmem:$0x140];
	[tilespmem:$0x700] =	vst v1;
	v1 =	vadd.s32 $0x1, v11  }
0x75: {  	[tilespmem:$0x710] =	vst v1;
	v1 =	vadd.s32 $0x1, v2;
	v2 =	vld [tilespmem:$0x150]  }
0x76: {  	[tilespmem:$0x720] =	vst v1;
	v1 =	vadd.s32 $0x1, v3;
	v3 =	vld [tilespmem:$0x160]  }
0x77: {  	v15 =	vld [tilespmem:$0x170];
	[tilespmem:$0x730] =	vst v1;
	v1 =	vadd.s32 $0x1, v12  }
0x78: {  	v16 =	vld [tilespmem:$0x180];
	[tilespmem:$0x740] =	vst v1;
	v1 =	vadd.s32 $0x1, v13  }
0x79: {  	v17 =	vld [tilespmem:$0x190];
	[tilespmem:$0x750] =	vst v1;
	v1 =	vadd.s32 $0x1, v14  }
0x7a: {  	[tilespmem:$0x760] =	vst v1;
	v1 =	vadd.s32 $0x1, v2;
	v2 =	vld [tilespmem:$0x1A0]  }
0x7b: {  	[tilespmem:$0x770] =	vst v1;
	v1 =	vadd.s32 $0x1, v3;
	v3 =	vld [tilespmem:$0x1B0]  }
0x7c: {  	v18 =	vld [tilespmem:$0x1C0];
	[tilespmem:$0x780] =	vst v1;
	v1 =	vadd.s32 $0x1, v15  }
0x7d: {  	v19 =	vld [tilespmem:$0x1D0];
	[tilespmem:$0x790] =	vst v1;
	v1 =	vadd.s32 $0x1, v16  }
0x7e: {  	v20 =	vld [tilespmem:$0x1E0];
	[tilespmem:$0x7A0] =	vst v1;
	v1 =	vadd.s32 $0x1, v17  }
0x7f: {  	[tilespmem:$0x7B0] =	vst v1;
	v1 =	vadd.s32 $0x1, v2;
	v2 =	vld [tilespmem:$0x1F0]  }
0x80: {  	[tilespmem:$0x7C0] =	vst v1;
	v1 =	vadd.s32 $0x1, v3  }
0x81: {  	[tilespmem:$0x7D0] =	vst v1;
	v1 =	vadd.s32 $0x1, v18  }
0x82: {  	[tilespmem:$0x7E0] =	vst v1;
	v1 =	vadd.s32 $0x1, v19  }
0x83: {  	[tilespmem:$0x7F0] =	vst v1;
	v1 =	vadd.s32 $0x1, v20  }
0x84: {  	[tilespmem:$0x800] =	vst v1;
	v1 =	vadd.s32 $0x1, v2  }
0x85: {  	[tilespmem:$0x810] =	vst v1  }
0x86: {  	[tilespmem:s18], [sflag:$0x1] =	stream.indirect.gather [hbm4b:s6+s16], $0x40, s17, s16, $0xb8;
	[tilespmem:$0x10CA8] =	vst v63  }
0x87: {  	_ =	swait.ge [sflag:s15], $0x2000  }
0x88: {  	[sflag:s15] =	ssyncset.done $0x0  }
0x89: {  	[sflag:s15] =	ssyncadd.s32 $0xFFFFE000  }
0x8a: {  	[tilespmem:s8], [sflag:$0x1] =	stream.indirect.gather [hbm4b:s6+s16], $0x40, s19, s16, $0xb8;
	[tilespmem:$0x10CA8] =	vst v63  }
0x8b: {  	_ =	swait.ge [sflag:s15], $0x2000  }
0x8c: {  	[sflag:s15] =	ssyncset.done $0x0  }
0x8d: {  	[sflag:s15] =	ssyncadd.s32 $0xFFFFE000  }
0x8e: {  	[tilespmem:s9], [sflag:$0x1] =	stream.indirect.gather [hbm4b:s6+s16], $0x40, s21, s16, $0xb8;
	[tilespmem:$0x10CA8] =	vst v63  }
0x8f: {  	_ =	swait.ge [sflag:s15], $0x2000  }
0x90: {  	[sflag:s15] =	ssyncset.done $0x0  }
0x91: {  	[sflag:s15] =	ssyncadd.s32 $0xFFFFE000  }
0x92: {  	[tilespmem:s20], [sflag:$0x1] =	stream.indirect.gather [hbm4b:s6+s16], $0x40, s23, s16, $0xb8;
	[tilespmem:$0x10CA8] =	vst v63  }
0x93: {  	_ =	swait.ge [sflag:s15], $0x2000  }
0x94: {  	[sflag:s15] =	ssyncset.done $0x0  }
0x95: {  	[sflag:s15] =	ssyncadd.s32 $0xFFFFE000  }
0x96: {  	[hbm4b:s11+s4] =	stream.linear.scatter [tilespmem:s18], [sflag:$0x1], $0x8000, $0x38;
	[tilespmem:$0x10CA8] =	vst v63  }
0x97: {  	_ =	swait.ge [sflag:s15], $0x8000  }
0x98: {  	[sflag:s15] =	ssyncset.done $0x0  }
0x99: {  	[sflag:s15] =	ssyncadd.s32 $0xFFFF8000  }
0x9a: {  	[tilespmem:s4], [sflag:$0x1] =	stream.linear.gather [hbm4b:s12+s4], $0x200, $0x38;
	[tilespmem:$0x10CA8] =	vst v63  }
0x9b: {  	_ =	swait.ge [sflag:s15], $0x200  }
0x9c: {  	[sflag:s15] =	ssyncset.done $0x0  }
0x9d: {  	[sflag:s15] =	ssyncadd.s32 $0xFFFFFE00  }
0x9e: {  	v1 =	vld [tilespmem:$0x0]  }
0x9f: {  	v2 =	vld [tilespmem:$0x10]  }
0xa0: {  	v3 =	vld [tilespmem:$0x20]  }
0xa1: {  	v21 =	vld [tilespmem:$0x30]  }
0xa2: {  	v22 =	vld [tilespmem:$0x40]  }
0xa3: {  	[tilespmem:$0x620] =	vst v1;
	v1 =	vld [tilespmem:$0x50]  }
0xa4: {  	[tilespmem:$0x630] =	vst v2;
	v2 =	vld [tilespmem:$0x60]  }
0xa5: {  	v23 =	vld [tilespmem:$0x80];
	[tilespmem:$0x640] =	vst v3  }
0xa6: {  	v24 =	vld [tilespmem:$0x90];
	[tilespmem:$0x650] =	vst v21  }
0xa7: {  	v3 =	vld [tilespmem:$0x70];
	[tilespmem:$0x660] =	vst v22  }
0xa8: {  	[tilespmem:$0x670] =	vst v1;
	v1 =	vld [tilespmem:$0xA0]  }
0xa9: {  	[tilespmem:$0x680] =	vst v2;
	v2 =	vld [tilespmem:$0xB0]  }
0xaa: {  	v25 =	vld [tilespmem:$0xD0];
	[tilespmem:$0x6A0] =	vst v23  }
0xab: {  	v26 =	vld [tilespmem:$0xE0];
	[tilespmem:$0x6B0] =	vst v24  }
0xac: {  	[tilespmem:$0x690] =	vst v3;
	v3 =	vld [tilespmem:$0xC0]  }
0xad: {  	[tilespmem:$0x6C0] =	vst v1;
	v1 =	vld [tilespmem:$0xF0]  }
0xae: {  	[tilespmem:$0x6D0] =	vst v2;
	v2 =	vld [tilespmem:$0x100]  }
0xaf: {  	v27 =	vld [tilespmem:$0x120];
	[tilespmem:$0x6F0] =	vst v25  }
0xb0: {  	v28 =	vld [tilespmem:$0x130];
	[tilespmem:$0x700] =	vst v26  }
0xb1: {  	[tilespmem:$0x6E0] =	vst v3;
	v3 =	vld [tilespmem:$0x110]  }
0xb2: {  	[tilespmem:$0x710] =	vst v1;
	v1 =	vld [tilespmem:$0x140]  }
0xb3: {  	[tilespmem:$0x720] =	vst v2;
	v2 =	vld [tilespmem:$0x150]  }
0xb4: {  	v29 =	vld [tilespmem:$0x170];
	[tilespmem:$0x740] =	vst v27  }
0xb5: {  	v30 =	vld [tilespmem:$0x180];
	[tilespmem:$0x750] =	vst v28  }
0xb6: {  	[tilespmem:$0x730] =	vst v3;
	v3 =	vld [tilespmem:$0x160]  }
0xb7: {  	[tilespmem:$0x760] =	vst v1;
	v1 =	vld [tilespmem:$0x190]  }
0xb8: {  	[tilespmem:$0x770] =	vst v2;
	v2 =	vld [tilespmem:$0x1A0]  }
0xb9: {  	v31 =	vld [tilespmem:$0x1C0];
	[tilespmem:$0x790] =	vst v29  }
0xba: {  	v32 =	vld [tilespmem:$0x1D0];
	[tilespmem:$0x7A0] =	vst v30  }
0xbb: {  	[tilespmem:$0x780] =	vst v3;
	v3 =	vld [tilespmem:$0x1B0]  }
0xbc: {  	[tilespmem:$0x7B0] =	vst v1;
	v1 =	vld [tilespmem:$0x1E0]  }
0xbd: {  	[tilespmem:$0x7C0] =	vst v2;
	v2 =	vld [tilespmem:$0x1F0]  }
0xbe: {  	[tilespmem:$0x7E0] =	vst v31  }
0xbf: {  	[tilespmem:$0x7F0] =	vst v32  }
0xc0: {  	[tilespmem:$0x7D0] =	vst v3  }
0xc1: {  	[tilespmem:$0x800] =	vst v1  }
0xc2: {  	s25 =	simm.s32 $0x200;
	[tilespmem:$0x810] =	vst v2  }
0xc3: {  	[tilespmem:s25], [sflag:$0x1] =	stream.indirect.gather [hbm4b:s2+s16], $0x1, s17, s16, $0xb8;
	[tilespmem:$0x10CA8] =	vst v63  }
0xc4: {  	_ =	swait.ge [sflag:s15], $0x80  }
0xc5: {  	[sflag:s15] =	ssyncset.done $0x0  }
0xc6: {  	s31 =	simm.s32 $0x280;
	[sflag:s15] =	ssyncadd.s32 $0xFFFFFF80  }
0xc7: {  	[tilespmem:s31], [sflag:$0x1] =	stream.indirect.gather [hbm4b:s2+s16], $0x1, s19, s16, $0xb8;
	[tilespmem:$0x10CA8] =	vst v63  }
0xc8: {  	_ =	swait.ge [sflag:s15], $0x80  }
0xc9: {  	[sflag:s15] =	ssyncset.done $0x0  }
0xca: {  	s8 =	simm.s32 $0x300;
	[sflag:s15] =	ssyncadd.s32 $0xFFFFFF80  }
0xcb: {  	[tilespmem:s8], [sflag:$0x1] =	stream.indirect.gather [hbm4b:s2+s16], $0x1, s21, s16, $0xb8;
	[tilespmem:$0x10CA8] =	vst v63  }
0xcc: {  	_ =	swait.ge [sflag:s15], $0x80  }
0xcd: {  	[sflag:s15] =	ssyncset.done $0x0  }
0xce: {  	s9 =	simm.s32 $0x380;
	[sflag:s15] =	ssyncadd.s32 $0xFFFFFF80  }
0xcf: {  	[tilespmem:s9], [sflag:$0x1] =	stream.indirect.gather [hbm4b:s2+s16], $0x1, s23, s16, $0xb8;
	[tilespmem:$0x10CA8] =	vst v63  }
0xd0: {  	_ =	swait.ge [sflag:s15], $0x80  }
0xd1: {  	[sflag:s15] =	ssyncset.done $0x0  }
0xd2: {  	[sflag:s15] =	ssyncadd.s32 $0xFFFFFF80  }
0xd3: {  	v1 =	vld [tilespmem:$0x0]  }
0xd4: {  	v2 =	vld [tilespmem:$0x10]  }
0xd5: {  	v3 =	vld [tilespmem:$0x20]  }
0xd6: {  	v33 =	vld [tilespmem:$0x30]  }
0xd7: {  	v34 =	vld [tilespmem:$0x40]  }
0xd8: {  	v35 =	vld [tilespmem:$0x50];
	v1 =	vadd.s32 $0x1, v1  }
0xd9: {  	v7 =	vld [tilespmem:$0x60];
	v2 =	vadd.s32 $0x1, v2;
	vm0 =	vlt.s32 v1, $0x1869F  }
0xda: {  	v8 =	vld [tilespmem:$0x70];
	v3 =	vadd.s32 $0x1, v3;
	vm13 =	vlt.s32 v2, $0x1869F;
	v1 =	vnsel vm0, $0x1869F, v1  }
0xdb: {  	v36 =	vld [tilespmem:$0x80];
	vm14 =	vlt.s32 v3, $0x1869F;
	[tilespmem:$0x620] =	vst v1;
	v1 =	vnsel vm13, $0x1869F, v2;
	v2 =	vadd.s32 $0x1, v33  }
0xdc: {  	v37 =	vld [tilespmem:$0x90];
	[tilespmem:$0x630] =	vst v1;
	v1 =	vnsel vm14, $0x1869F, v3;
	vm15 =	vlt.s32 v2, $0x1869F;
	v3 =	vadd.s32 $0x1, v34  }
0xdd: {  	v38 =	vld [tilespmem:$0xA0];
	[tilespmem:$0x640] =	vst v1;
	v1 =	vnsel vm15, $0x1869F, v2;
	vm4 =	vlt.s32 v3, $0x1869F;
	v2 =	vadd.s32 $0x1, v35  }
0xde: {  	v39 =	vld [tilespmem:$0xB0];
	[tilespmem:$0x650] =	vst v1;
	v1 =	vnsel vm4, $0x1869F, v3;
	vm5 =	vlt.s32 v2, $0x1869F;
	v3 =	vadd.s32 $0x1, v7  }
0xdf: {  	v40 =	vld [tilespmem:$0xC0];
	[tilespmem:$0x660] =	vst v1;
	v1 =	vnsel vm5, $0x1869F, v2;
	vm6 =	vlt.s32 v3, $0x1869F;
	v2 =	vadd.s32 $0x1, v8  }
0xe0: {  	v41 =	vld [tilespmem:$0xD0];
	[tilespmem:$0x670] =	vst v1;
	v1 =	vnsel vm6, $0x1869F, v3;
	vm7 =	vlt.s32 v2, $0x1869F;
	v3 =	vadd.s32 $0x1, v36  }
0xe1: {  	v42 =	vld [tilespmem:$0xE0];
	[tilespmem:$0x680] =	vst v1;
	v1 =	vnsel vm7, $0x1869F, v2;
	vm8 =	vlt.s32 v3, $0x1869F;
	v2 =	vadd.s32 $0x1, v37  }
0xe2: {  	v43 =	vld [tilespmem:$0xF0];
	[tilespmem:$0x690] =	vst v1;
	v1 =	vnsel vm8, $0x1869F, v3;
	vm9 =	vlt.s32 v2, $0x1869F;
	v3 =	vadd.s32 $0x1, v38  }
0xe3: {  	v44 =	vld [tilespmem:$0x100];
	[tilespmem:$0x6A0] =	vst v1;
	v1 =	vnsel vm9, $0x1869F, v2;
	vm10 =	vlt.s32 v3, $0x1869F;
	v2 =	vadd.s32 $0x1, v39  }
0xe4: {  	v45 =	vld [tilespmem:$0x110];
	[tilespmem:$0x6B0] =	vst v1;
	v1 =	vnsel vm10, $0x1869F, v3;
	vm11 =	vlt.s32 v2, $0x1869F;
	v3 =	vadd.s32 $0x1, v40  }
0xe5: {  	v46 =	vld [tilespmem:$0x120];
	[tilespmem:$0x6C0] =	vst v1;
	v1 =	vnsel vm11, $0x1869F, v2;
	vm12 =	vlt.s32 v3, $0x1869F;
	v2 =	vadd.s32 $0x1, v41  }
0xe6: {  	v47 =	vld [tilespmem:$0x130];
	[tilespmem:$0x6D0] =	vst v1;
	v1 =	vnsel vm12, $0x1869F, v3;
	vm13 =	vlt.s32 v2, $0x1869F;
	v3 =	vadd.s32 $0x1, v42  }
0xe7: {  	v48 =	vld [tilespmem:$0x140];
	[tilespmem:$0x6E0] =	vst v1;
	v1 =	vnsel vm13, $0x1869F, v2;
	vm14 =	vlt.s32 v3, $0x1869F;
	v2 =	vadd.s32 $0x1, v43  }
0xe8: {  	v49 =	vld [tilespmem:$0x150];
	[tilespmem:$0x6F0] =	vst v1;
	v1 =	vnsel vm14, $0x1869F, v3;
	vm15 =	vlt.s32 v2, $0x1869F;
	v3 =	vadd.s32 $0x1, v44  }
0xe9: {  	v50 =	vld [tilespmem:$0x160];
	[tilespmem:$0x700] =	vst v1;
	v1 =	vnsel vm15, $0x1869F, v2;
	vm4 =	vlt.s32 v3, $0x1869F;
	v2 =	vadd.s32 $0x1, v45  }
0xea: {  	v51 =	vld [tilespmem:$0x170];
	[tilespmem:$0x710] =	vst v1;
	v1 =	vnsel vm4, $0x1869F, v3;
	vm5 =	vlt.s32 v2, $0x1869F;
	v3 =	vadd.s32 $0x1, v46  }
0xeb: {  	v52 =	vld [tilespmem:$0x180];
	[tilespmem:$0x720] =	vst v1;
	v1 =	vnsel vm5, $0x1869F, v2;
	vm6 =	vlt.s32 v3, $0x1869F;
	v2 =	vadd.s32 $0x1, v47  }
0xec: {  	v53 =	vld [tilespmem:$0x190];
	[tilespmem:$0x730] =	vst v1;
	v1 =	vnsel vm6, $0x1869F, v3;
	vm7 =	vlt.s32 v2, $0x1869F;
	v3 =	vadd.s32 $0x1, v48  }
0xed: {  	v54 =	vld [tilespmem:$0x1A0];
	[tilespmem:$0x740] =	vst v1;
	v1 =	vnsel vm7, $0x1869F, v2;
	vm8 =	vlt.s32 v3, $0x1869F;
	v2 =	vadd.s32 $0x1, v49  }
0xee: {  	v55 =	vld [tilespmem:$0x1B0];
	[tilespmem:$0x750] =	vst v1;
	v1 =	vnsel vm8, $0x1869F, v3;
	vm9 =	vlt.s32 v2, $0x1869F;
	v3 =	vadd.s32 $0x1, v50  }
0xef: {  	v56 =	vld [tilespmem:$0x1C0];
	[tilespmem:$0x760] =	vst v1;
	v1 =	vnsel vm9, $0x1869F, v2;
	vm10 =	vlt.s32 v3, $0x1869F;
	v2 =	vadd.s32 $0x1, v51  }
0xf0: {  	v57 =	vld [tilespmem:$0x1D0];
	[tilespmem:$0x770] =	vst v1;
	v1 =	vnsel vm10, $0x1869F, v3;
	vm11 =	vlt.s32 v2, $0x1869F;
	v3 =	vadd.s32 $0x1, v52  }
0xf1: {  	v58 =	vld [tilespmem:$0x1E0];
	[tilespmem:$0x780] =	vst v1;
	v1 =	vnsel vm11, $0x1869F, v2;
	vm12 =	vlt.s32 v3, $0x1869F;
	v2 =	vadd.s32 $0x1, v53  }
0xf2: {  	v59 =	vld [tilespmem:$0x1F0];
	[tilespmem:$0x790] =	vst v1;
	v1 =	vnsel vm12, $0x1869F, v3;
	vm13 =	vlt.s32 v2, $0x1869F;
	v3 =	vadd.s32 $0x1, v54  }
0xf3: {  	[tilespmem:$0x7A0] =	vst v1;
	v1 =	vnsel vm13, $0x1869F, v2;
	vm14 =	vlt.s32 v3, $0x1869F;
	v2 =	vadd.s32 $0x1, v55  }
0xf4: {  	[tilespmem:$0x7B0] =	vst v1;
	v1 =	vnsel vm14, $0x1869F, v3;
	vm15 =	vlt.s32 v2, $0x1869F;
	v3 =	vadd.s32 $0x1, v56  }
0xf5: {  	[tilespmem:$0x7C0] =	vst v1;
	v1 =	vnsel vm15, $0x1869F, v2;
	vm4 =	vlt.s32 v3, $0x1869F;
	v2 =	vadd.s32 $0x1, v57  }
0xf6: {  	[tilespmem:$0x7D0] =	vst v1;
	v1 =	vnsel vm4, $0x1869F, v3;
	vm5 =	vlt.s32 v2, $0x1869F;
	v3 =	vadd.s32 $0x1, v58  }
0xf7: {  	[tilespmem:$0x7E0] =	vst v1;
	v1 =	vnsel vm5, $0x1869F, v2;
	vm6 =	vlt.s32 v3, $0x1869F;
	v2 =	vadd.s32 $0x1, v59  }
0xf8: {  	[tilespmem:$0x7F0] =	vst v1;
	v1 =	vnsel vm6, $0x1869F, v3;
	vm7 =	vlt.s32 v2, $0x1869F  }
0xf9: {  	[tilespmem:$0x800] =	vst v1;
	v1 =	vnsel vm7, $0x1869F, v2  }
0xfa: {  	s20 =	simm.s32 $0x410;
	[tilespmem:$0x810] =	vst v1  }
0xfb: {  	[tilespmem:s20], [sflag:$0x1] =	stream.indirect.gather [hbm4b:s2+s16], $0x1, s17, s16, $0xb8;
	[tilespmem:$0x10CA8] =	vst v63  }
0xfc: {  	_ =	swait.ge [sflag:s15], $0x80  }
0xfd: {  	[sflag:s15] =	ssyncset.done $0x0  }
0xfe: {  	s22 =	simm.s32 $0x490;
	[sflag:s15] =	ssyncadd.s32 $0xFFFFFF80  }
0xff: {  	[tilespmem:s22], [sflag:$0x1] =	stream.indirect.gather [hbm4b:s2+s16], $0x1, s19, s16, $0xb8;
	[tilespmem:$0x10CA8] =	vst v63  }
0x100: {  	_ =	swait.ge [sflag:s15], $0x80  }
0x101: {  	[sflag:s15] =	ssyncset.done $0x0  }
0x102: {  	s24 =	simm.s32 $0x510;
	[sflag:s15] =	ssyncadd.s32 $0xFFFFFF80  }
0x103: {  	[tilespmem:s24], [sflag:$0x1] =	stream.indirect.gather [hbm4b:s2+s16], $0x1, s21, s16, $0xb8;
	[tilespmem:$0x10CA8] =	vst v63  }
0x104: {  	_ =	swait.ge [sflag:s15], $0x80  }
0x105: {  	[sflag:s15] =	ssyncset.done $0x0  }
0x106: {  	s25 =	simm.s32 $0x590;
	[sflag:s15] =	ssyncadd.s32 $0xFFFFFF80  }
0x107: {  	[tilespmem:s25], [sflag:$0x1] =	stream.indirect.gather [hbm4b:s2+s16], $0x1, s23, s16, $0xb8;
	[tilespmem:$0x10CA8] =	vst v63  }
0x108: {  	_ =	swait.ge [sflag:s15], $0x80  }
0x109: {  	[sflag:s15] =	ssyncset.done $0x0  }
0x10a: {  	[sflag:s15] =	ssyncadd.s32 $0xFFFFFF80  }
0x10b: {  	v1 =	vld [tilespmem:$0x0]  }
0x10c: {  	v2 =	vld [tilespmem:$0x410]  }
0x10d: {  	v3 =	vld [tilespmem:$0x10]  }
0x10e: {  	v60 =	vld [tilespmem:$0x420]  }
0x10f: {  	v61 =	vld [tilespmem:$0x20]  }
0x110: {  	v62 =	vld [tilespmem:$0x430]  }
0x111: {  	v63 =	vld [tilespmem:$0x30]  }
0x112: {  	v40 =	vld [tilespmem:$0x440]  }
0x113: {  	v9 =	vld [tilespmem:$0x40]  }
0x114: {  	v10 =	vld [tilespmem:$0x450]  }
0x115: {  	v11 =	vld [tilespmem:$0x50]  }
0x116: {  	v12 =	vld [tilespmem:$0x460]  }
0x117: {  	v13 =	vld [tilespmem:$0x60]  }
0x118: {  	v14 =	vld [tilespmem:$0x470]  }
0x119: {  	v15 =	vld [tilespmem:$0x70]  }
0x11a: {  	v16 =	vld [tilespmem:$0x480]  }
0x11b: {  	v17 =	vld [tilespmem:$0x80]  }
0x11c: {  	v18 =	vld [tilespmem:$0x490]  }
0x11d: {  	v19 =	vld [tilespmem:$0x90]  }
0x11e: {  	v20 =	vld [tilespmem:$0x4A0]  }
0x11f: {  	v21 =	vld [tilespmem:$0xA0]  }
0x120: {  	v22 =	vld [tilespmem:$0x4B0]  }
0x121: {  	v23 =	vld [tilespmem:$0xB0]  }
0x122: {  	v24 =	vld [tilespmem:$0x4C0]  }
0x123: {  	v25 =	vld [tilespmem:$0xC0]  }
0x124: {  	v26 =	vld [tilespmem:$0x4D0]  }
0x125: {  	v27 =	vld [tilespmem:$0xD0]  }
0x126: {  	v28 =	vld [tilespmem:$0x4E0]  }
0x127: {  	v29 =	vld [tilespmem:$0xE0]  }
0x128: {  	v30 =	vld [tilespmem:$0x4F0]  }
0x129: {  	v31 =	vld [tilespmem:$0xF0]  }
0x12a: {  	v32 =	vld [tilespmem:$0x500]  }
0x12b: {  	v33 =	vld [tilespmem:$0x100]  }
0x12c: {  	v34 =	vld [tilespmem:$0x510]  }
0x12d: {  	v35 =	vld [tilespmem:$0x110]  }
0x12e: {  	v36 =	vld [tilespmem:$0x520]  }
0x12f: {  	v41 =	vld [tilespmem:$0x130];
	vm8 =	veq.s32 v1, $0x1869F  }
0x130: {  	v42 =	vld [tilespmem:$0x540];
	vm9 =	veq.s32 v3, $0x1869F;
	v2 =	vsel vm8, $0x7A120, v2  }
0x131: {  	v43 =	vld [tilespmem:$0x140];
	vm10 =	veq.s32 v61, $0x1869F;
	[tilespmem:$0x410] =	vst v2;
	v2 =	vsel vm9, $0x7A120, v60  }
0x132: {  	v44 =	vld [tilespmem:$0x550];
	vm11 =	veq.s32 v63, $0x1869F;
	[tilespmem:$0x420] =	vst v2;
	v2 =	vsel vm10, $0x7A120, v62  }
0x133: {  	v45 =	vld [tilespmem:$0x150];
	vm12 =	veq.s32 v9, $0x1869F;
	[tilespmem:$0x430] =	vst v2;
	v2 =	vsel vm11, $0x7A120, v40  }
0x134: {  	v46 =	vld [tilespmem:$0x560];
	vm13 =	veq.s32 v11, $0x1869F;
	[tilespmem:$0x440] =	vst v2;
	v2 =	vsel vm12, $0x7A120, v10  }
0x135: {  	v47 =	vld [tilespmem:$0x160];
	vm14 =	veq.s32 v13, $0x1869F;
	[tilespmem:$0x450] =	vst v2;
	v2 =	vsel vm13, $0x7A120, v12  }
0x136: {  	v1 =	vld [tilespmem:$0x120];
	vm15 =	veq.s32 v15, $0x1869F;
	[tilespmem:$0x460] =	vst v2;
	v2 =	vsel vm14, $0x7A120, v14  }
0x137: {  	v48 =	vld [tilespmem:$0x570];
	vm4 =	veq.s32 v17, $0x1869F;
	[tilespmem:$0x470] =	vst v2;
	v2 =	vsel vm15, $0x7A120, v16  }
0x138: {  	v49 =	vld [tilespmem:$0x170];
	vm5 =	veq.s32 v19, $0x1869F;
	[tilespmem:$0x480] =	vst v2;
	v2 =	vsel vm4, $0x7A120, v18  }
0x139: {  	v50 =	vld [tilespmem:$0x580];
	vm6 =	veq.s32 v21, $0x1869F;
	[tilespmem:$0x490] =	vst v2;
	v2 =	vsel vm5, $0x7A120, v20  }
0x13a: {  	v51 =	vld [tilespmem:$0x180];
	vm7 =	veq.s32 v23, $0x1869F;
	[tilespmem:$0x4A0] =	vst v2;
	v2 =	vsel vm6, $0x7A120, v22  }
0x13b: {  	vm8 =	veq.s32 v25, $0x1869F;
	vm14 =	veq.s32 v1, $0x1869F;
	v1 =	vld [tilespmem:$0x1B0];
	[tilespmem:$0x4B0] =	vst v2;
	v2 =	vsel vm7, $0x7A120, v24  }
0x13c: {  	v52 =	vld [tilespmem:$0x590];
	vm9 =	veq.s32 v27, $0x1869F;
	[tilespmem:$0x4C0] =	vst v2;
	v2 =	vsel vm8, $0x7A120, v26  }
0x13d: {  	v3 =	vld [tilespmem:$0x530];
	vm10 =	veq.s32 v29, $0x1869F;
	[tilespmem:$0x4D0] =	vst v2;
	v2 =	vsel vm9, $0x7A120, v28  }
0x13e: {  	v53 =	vld [tilespmem:$0x190];
	vm11 =	veq.s32 v31, $0x1869F;
	[tilespmem:$0x4E0] =	vst v2;
	v2 =	vsel vm10, $0x7A120, v30  }
0x13f: {  	v63 =	vld [tilespmem:$0x1F0];
	vm12 =	veq.s32 v33, $0x1869F;
	[tilespmem:$0x4F0] =	vst v2;
	v2 =	vsel vm11, $0x7A120, v32  }
0x140: {  	vm13 =	veq.s32 v35, $0x1869F;
	vm11 =	veq.s32 v1, $0x1869F;
	v1 =	vld [tilespmem:$0x600];
	[tilespmem:$0x500] =	vst v2;
	v2 =	vsel vm12, $0x7A120, v34  }
0x141: {  	v54 =	vld [tilespmem:$0x5A0];
	[tilespmem:$0x510] =	vst v2;
	v2 =	vsel vm13, $0x7A120, v36  }
0x142: {  	v55 =	vld [tilespmem:$0x1A0];
	vm15 =	veq.s32 v41, $0x1869F;
	[tilespmem:$0x520] =	vst v2;
	v2 =	vsel vm14, $0x7A120, v3  }
0x143: {  	v56 =	vld [tilespmem:$0x5B0];
	vm4 =	veq.s32 v43, $0x1869F;
	[tilespmem:$0x530] =	vst v2;
	v2 =	vsel vm15, $0x7A120, v42  }
0x144: {  	v57 =	vld [tilespmem:$0x1C0];
	vm15 =	veq.s32 v63, $0x1869F;
	[tilespmem:$0x540] =	vst v2;
	v2 =	vsel vm4, $0x7A120, v44  }
0x145: {  	v58 =	vld [tilespmem:$0x5D0];
	vm5 =	veq.s32 v45, $0x1869F;
	v1 =	vsel vm15, $0x7A120, v1;
	[tilespmem:$0x550] =	vst v2  }
0x146: {  	v59 =	vld [tilespmem:$0x1D0];
	vm6 =	veq.s32 v47, $0x1869F;
	v2 =	vsel vm5, $0x7A120, v46;
	[tilespmem:$0x600] =	vst v1  }
0x147: {  	vm7 =	veq.s32 v49, $0x1869F;
	v3 =	vld [tilespmem:$0x5C0];
	[tilespmem:$0x560] =	vst v2;
	v2 =	vsel vm6, $0x7A120, v48  }
0x148: {  	v61 =	vld [tilespmem:$0x1E0];
	vm8 =	veq.s32 v51, $0x1869F;
	[tilespmem:$0x570] =	vst v2;
	v2 =	vsel vm7, $0x7A120, v50  }
0x149: {  	v60 =	vld [tilespmem:$0x5E0];
	vm9 =	veq.s32 v53, $0x1869F;
	[tilespmem:$0x580] =	vst v2;
	v2 =	vsel vm8, $0x7A120, v52  }
0x14a: {  	v62 =	vld [tilespmem:$0x5F0];
	vm10 =	veq.s32 v55, $0x1869F;
	[tilespmem:$0x590] =	vst v2;
	v2 =	vsel vm9, $0x7A120, v54  }
0x14b: {  	[tilespmem:$0x5A0] =	vst v2;
	v2 =	vsel vm10, $0x7A120, v56  }
0x14c: {  	vm12 =	veq.s32 v57, $0x1869F;
	[tilespmem:$0x5B0] =	vst v2;
	v2 =	vsel vm11, $0x7A120, v3  }
0x14d: {  	vm13 =	veq.s32 v59, $0x1869F;
	[tilespmem:$0x5C0] =	vst v2;
	v2 =	vsel vm12, $0x7A120, v58  }
0x14e: {  	vm14 =	veq.s32 v61, $0x1869F;
	[tilespmem:$0x5D0] =	vst v2;
	v2 =	vsel vm13, $0x7A120, v60  }
0x14f: {  	[tilespmem:$0x5E0] =	vst v2;
	v2 =	vsel vm14, $0x7A120, v62  }
.Ltmp2:
0x150: {  	s31 =	simm.s32 $0x10C68;
	[tilespmem:$0x5F0] =	vst v2;
	(pc) =	sbr.rel .LBB2_2-.Ltmp2, $4  }
0x151: {  	[tilespmem:s31], [sflag:$0x1] =	stream.linear.gather [hbm4b:s7+s4], $0x40, $0x38;
	[tilespmem:$0x10CA8] =	vst v63  }
0x152: {  	_ =	swait.ge [sflag:s15], $0x40  }
0x153: {  	[sflag:s15] =	ssyncset.done $0x0  }
0x154: {  	s3 =	simm.s32 $0x0;
	[sflag:s15] =	ssyncadd.s32 $0xFFFFFFC0  }
.LBB2_3:
0x155: {  	v4 =	vimm.f32 $0.0e+00  }
0x156: {  	v3 =	vimm.f32 $0.0e+00;
	v2 =	vimm.f32 $0.0e+00;
	v1 =	vimm.f32 $0.0e+00  }
.LBB2_7:
0x157: {  	s8 =	sshll.u32 s31, $0x4;
	p0 =	sgt.s32 s24, $0x1  }
0x158: {  	s8 =	ssub.s32 s8, s24;
	s24 =	simm.s32 @!p0 $0x1  }
0x159: {  	v5 =	vmov s24  }
0x15a: {  	v5 =	vcvt.s32.f32 v5;
	_ =	sdelay $0x1  }
0x15b: {  	v5 =	vbroadcast v5, $0x0;
	_ =	sdelay $0x1  }
0x15c: {  	(erf) = vrcp.f32 v5  }
0x15d: {  	v62 =	vld [tilespmem:$0x10C68];
	_ =	sdelay $0x2  }
0x15e: {  	s8 =	scvt.s32.f32 s8;
	_ =	sdelay $0x1  }
0x15f: {  	v5 =	vmul.f32 s8, v62;
	_ =	sdelay $0x1  }
0x160: {  	v4 =	vsub.f32 v4, v5  }
0x161: {  	v63 =	vpop (erf)  }
0x162: {  	s9 =	sshll.u32 s3, $0x6;
	v4 =	vmul.f32 v4, v63  }
0x163: {  	s9 =	sand.u32 $0x3FFFFFC0, s9  }
0x164: {  	[tilespmem:s9+$0x8820] =	vst v4  }
0x165: {  	v4 =	vld [tilespmem:$0x10C78];
	_ =	sdelay $0x4  }
0x166: {  	v4 =	vmul.f32 s8, v4;
	_ =	sdelay $0x1  }
0x167: {  	v3 =	vsub.f32 v3, v4;
	_ =	sdelay $0x1  }
0x168: {  	v3 =	vmul.f32 v3, v63;
	_ =	sdelay $0x1  }
0x169: {  	[tilespmem:s9+$0x8830] =	vst v3  }
0x16a: {  	v3 =	vld [tilespmem:$0x10C88];
	_ =	sdelay $0x4  }
0x16b: {  	v3 =	vmul.f32 s8, v3;
	_ =	sdelay $0x1  }
0x16c: {  	v2 =	vsub.f32 v2, v3;
	_ =	sdelay $0x1  }
0x16d: {  	v2 =	vmul.f32 v2, v63;
	_ =	sdelay $0x1  }
0x16e: {  	[tilespmem:s9+$0x8840] =	vst v2  }
0x16f: {  	v2 =	vld [tilespmem:$0x10C98];
	_ =	sdelay $0x4  }
0x170: {  	s3 =	sadd.s32 $0x1, s3;
	v2 =	vmul.f32 s8, v2  }
0x171: {  	p0 =	sne.s32 s3, $0x200  }
.Ltmp3:
0x172: {  	v1 =	vsub.f32 v1, v2;
	(pc) =	sbr.rel @!p0 .LBB2_8-.Ltmp3, $3  }
0x173: {  	_ = 	snop  }
0x174: {  	v1 =	vmul.f32 v1, v63;
	_ =	sdelay $0x1  }
0x175: {  	[tilespmem:s9+$0x8850] =	vst v1  }
.LBB2_2:
0x176: {  	v1 =	vld [tilespmem:s3+$0x200]  }
0x177: {  	v2 =	vld [tilespmem:s3+$0x410];
	_ =	sdelay $0x3  }
0x178: {  	(v2sf) =	vpush v1, $0x0  }
0x179: {  	(v2sf) =	vpush v2, $0x0;
	_ =	sdelay $0xd  }
0x17a: {  	s20 =	spop (v2sf)  }
0x17b: {  	s22 =	spop (v2sf)  }
0x17c: {  	s24 =	ssub.s32 s22, s20  }
0x17d: {  	s22 =	sadd.s32 $0xF, s24  }
0x17e: {  	s25 =	sand.u32 $0xF, s22  }
0x17f: {  	s9 =	sshra.s32 s22, $0x1F;
	p1 =	slt.s32 s22, $0x1;
	p0 =	sne.s32 s25, $0x0  }
0x180: {  	s25 =	sshrl.u32 s9, $0x1C;
	p0 =	por !p1, !p0  }
0x181: {  	s22 =	sadd.s32 s25, s22;
	s25 =	simm.s32 $0x1;
	p0 =	por !p0, !p0  }
0x182: {  	s22 =	sshra.s32 s22, $0x4;
	s25 =	simm.s32 @!p0 $0x0  }
0x183: {  	s31 =	ssub.s32 s22, s25  }
0x184: {  	p0 =	slt.s32 s31, $0x1  }
.Ltmp4:
0x185: {  	_ = 	snop;
	(pc) =	sbr.rel @p0 .LBB2_3-.Ltmp4, $1  }
0x186: {  	_ =	sdelay $0x3  }
0x187: {  	s22 =	sand.u32 $0x7, s20  }
0x188: {  	s25 =	sshra.s32 s20, $0x1F;
	p1 =	slt.s32 s20, $0x1;
	p0 =	sne.s32 s22, $0x0  }
0x189: {  	s25 =	sshrl.u32 s25, $0x1D;
	p1 =	por !p0, !p1  }
0x18a: {  	s8 =	simm.s32 $0x1;
	s25 =	sadd.s32 s25, s20;
	p1 =	por !p1, !p1  }
0x18b: {  	s25 =	sshrl.u32 s25, $0x3;
	s8 =	simm.s32 @!p1 $0x0  }
0x18c: {  	s8 =	ssub.s32 s25, s8  }
0x18d: {  	s8 =	sshll.u32 s8, $0x3  }
0x18e: {  	p1 =	slt.s32 s8, $0x7A0F8  }
0x18f: {  	s8 =	simm.s32 @!p1 $0x7A0F8  }
0x190: {  	s22 =	sor.u32 $0x10820, s22;
	s9 =	sshrl.u32 s8, $0x3  }
0x191: {  	v1 =	vmov s22;
	s25 =	sadd.s32 s1, s9  }
0x192: {  	[tilespmem:s26], [sflag:$0x1] =	stream.linear.gather [hbm4b:s25+s4], $0x28, $0x38;
	[tilespmem:$0x10CA8] =	vst v63  }
0x193: {  	_ =	swait.ge [sflag:s15], $0x28  }
0x194: {  	s8 =	ssub.s32 s20, s8;
	[sflag:s15] =	ssyncset.done $0x0  }
0x195: {  	s8 =	sand.u32 $0xFFFFFFF8, s8;
	[sflag:s15] =	ssyncadd.s32 $0xFFFFFFD8  }
0x196: {  	v2 =	vld.idx.msk [tilespmem:v1+s8+$0x0 ss:$0x1], $0xffff  }
0x197: {  	p1 =	slt.s32 s24, $0x10;
	s8 =	smov.u32 s24  }
0x198: {  	s8 =	simm.s32 @!p1 $0x10  }
0x199: {  	v3 =	vmov s8  }
0x19a: {  	vm0 =	vgt.s32 v3, v0  }
0x19b: {  	v2 =	vnsel vm0, $0x0, v2  }
0x19c: {  	[tilespmem:$0x10858] =	vst v2  }
0x19d: {  	[tilespmem:s30], [sflag:$0x1] =	stream.indirect.gather [hbm4b:s7+s28], $0x40, s29, s28, $0xb8;
	[tilespmem:$0x10CA8] =	vst v63  }
0x19e: {  	_ =	swait.ge [sflag:s15], $0x400  }
0x19f: {  	[sflag:s15] =	ssyncset.done $0x0  }
0x1a0: {  	[sflag:s15] =	ssyncadd.s32 $0xFFFFFC00  }
0x1a1: {  	v2 =	vld [tilespmem:$0x10A88]  }
0x1a2: {  	v3 =	vld [tilespmem:$0x10A28]  }
0x1a3: {  	v4 =	vld [tilespmem:$0x10A38]  }
0x1a4: {  	v5 =	vld [tilespmem:$0x10A48]  }
0x1a5: {  	v6 =	vld [tilespmem:$0x10A58]  }
0x1a6: {  	v7 =	vld [tilespmem:$0x109E8]  }
0x1a7: {  	v8 =	vld [tilespmem:$0x109F8]  }
0x1a8: {  	v9 =	vld [tilespmem:$0x10A08]  }
0x1a9: {  	v10 =	vld [tilespmem:$0x109A8]  }
0x1aa: {  	v11 =	vld [tilespmem:$0x10A18]  }
0x1ab: {  	v12 =	vld [tilespmem:$0x109B8]  }
0x1ac: {  	v14 =	vld [tilespmem:$0x109D8]  }
0x1ad: {  	v13 =	vld [tilespmem:$0x109C8]  }
0x1ae: {  	v15 =	vld [tilespmem:$0x10968]  }
0x1af: {  	v16 =	vld [tilespmem:$0x10978]  }
0x1b0: {  	v18 =	vld [tilespmem:$0x10988]  }
0x1b1: {  	v19 =	vld [tilespmem:$0x10998]  }
0x1b2: {  	v20 =	vld [tilespmem:$0x10928]  }
0x1b3: {  	v24 =	vld [tilespmem:$0x10938]  }
0x1b4: {  	v26 =	vld [tilespmem:$0x10948]  }
0x1b5: {  	v27 =	vld [tilespmem:$0x10958]  }
0x1b6: {  	v28 =	vld [tilespmem:$0x108E8]  }
0x1b7: {  	v30 =	vld [tilespmem:$0x10918]  }
0x1b8: {  	v29 =	vld [tilespmem:$0x108F8]  }
0x1b9: {  	v32 =	vld [tilespmem:$0x108A8]  }
0x1ba: {  	v31 =	vld [tilespmem:$0x10908]  }
0x1bb: {  	v34 =	vld [tilespmem:$0x108C8]  }
0x1bc: {  	v33 =	vld [tilespmem:$0x108B8]  }
0x1bd: {  	v35 =	vld [tilespmem:$0x108D8]  }
0x1be: {  	p1 =	sne.s32 s31, $0x1;
	v21 =	vld [tilespmem:$0x10898]  }
.Ltmp5:
0x1bf: {  	v38 =	vld [tilespmem:$0x10888];
	(pc) =	sbr.rel @!p1 .LBB2_6-.Ltmp5, $4  }
0x1c0: {  	v37 =	vld [tilespmem:$0x10878]  }
0x1c1: {  	v36 =	vld [tilespmem:$0x10868]  }
0x1c2: {  	v22 =	vimm.f32 $0.0e+00;
	v17 =	vld [tilespmem:$0x10A78]  }
0x1c3: {  	v25 =	vimm.f32 $0.0e+00;
	v23 =	vimm.f32 $0.0e+00;
	s22 =	sadd.s32 $0xFFFFFFFF, s31;
	s25 =	smov.u32 s24;
	v39 =	vadd.f32 v21, v22;
	v21 =	vld [tilespmem:$0x10A98]  }
.LBB2_5:
0x1c4: {  	p1 =	sne.s32 s22, $0x1;
	v40 =	vld [tilespmem:$0x10A68];
	s20 =	sadd.s32 $0x10, s20;
	s25 =	sadd.s32 $0xFFFFFFF0, s25  }
0x1c5: {  	s22 =	sadd.s32 $0xFFFFFFFF, s22;
	v22 =	vadd.f32 v38, v22;
	v38 =	vld [tilespmem:$0x10AD8]  }
0x1c6: {  	v25 =	vadd.f32 v37, v25;
	v35 =	vadd.f32 v35, v39;
	v37 =	vld [tilespmem:$0x10AB8]  }
0x1c7: {  	v23 =	vadd.f32 v36, v23;
	v22 =	vadd.f32 v34, v22;
	v34 =	vld [tilespmem:$0x10AC8]  }
0x1c8: {  	v25 =	vadd.f32 v33, v25;
	v30 =	vadd.f32 v30, v35;
	v33 =	vld [tilespmem:$0x10AA8]  }
0x1c9: {  	v23 =	vadd.f32 v32, v23;
	v22 =	vadd.f32 v31, v22;
	v31 =	vld [tilespmem:$0x10B08]  }
0x1ca: {  	v25 =	vadd.f32 v29, v25;
	v27 =	vadd.f32 v27, v30;
	v29 =	vld [tilespmem:$0x10AE8]  }
0x1cb: {  	v23 =	vadd.f32 v28, v23;
	v22 =	vadd.f32 v26, v22;
	v26 =	vld [tilespmem:$0x10B18]  }
0x1cc: {  	v24 =	vadd.f32 v24, v25;
	v19 =	vadd.f32 v19, v27;
	v25 =	vld [tilespmem:$0x10AF8]  }
0x1cd: {  	v20 =	vadd.f32 v20, v23;
	v18 =	vadd.f32 v18, v22;
	v22 =	vld [tilespmem:$0x10B48]  }
0x1ce: {  	v16 =	vadd.f32 v16, v24;
	v14 =	vadd.f32 v14, v19;
	v19 =	vld [tilespmem:$0x10B58]  }
0x1cf: {  	v15 =	vadd.f32 v15, v20;
	v13 =	vadd.f32 v13, v18;
	v18 =	vld [tilespmem:$0x10B28]  }
0x1d0: {  	v12 =	vadd.f32 v12, v16;
	v11 =	vadd.f32 v11, v14;
	v14 =	vld [tilespmem:$0x10B38]  }
0x1d1: {  	v10 =	vadd.f32 v10, v15;
	v9 =	vadd.f32 v9, v13;
	v13 =	vld [tilespmem:$0x10B88]  }
0x1d2: {  	v8 =	vadd.f32 v8, v12;
	v6 =	vadd.f32 v6, v11;
	v11 =	vld [tilespmem:$0x10B78]  }
0x1d3: {  	v7 =	vadd.f32 v7, v10;
	v5 =	vadd.f32 v5, v9;
	v9 =	vld [tilespmem:$0x10B98]  }
0x1d4: {  	v4 =	vadd.f32 v4, v8;
	v6 =	vadd.f32 v21, v6;
	v8 =	vld [tilespmem:$0x10B68]  }
0x1d5: {  	v3 =	vadd.f32 v3, v7;
	v2 =	vadd.f32 v2, v5;
	v5 =	vld [tilespmem:$0x10BC8]  }
0x1d6: {  	v4 =	vadd.f32 v17, v4;
	v6 =	vadd.f32 v38, v6;
	v7 =	vld [tilespmem:$0x10BD8]  }
0x1d7: {  	s8 =	sshra.s32 s20, $0x1F;
	p2 =	slt.s32 s20, $0x1;
	v3 =	vadd.f32 v40, v3;
	v2 =	vadd.f32 v34, v2;
	v10 =	vld [tilespmem:$0x10BA8]  }
0x1d8: {  	s8 =	sshrl.u32 s8, $0x1D;
	p2 =	por !p0, !p2;
	v4 =	vadd.f32 v37, v4;
	v6 =	vadd.f32 v26, v6;
	v12 =	vld [tilespmem:$0x10BB8]  }
0x1d9: {  	s9 =	simm.s32 $0x1;
	s8 =	sadd.s32 s8, s20;
	p2 =	por !p2, !p2;
	v3 =	vadd.f32 v33, v3;
	v2 =	vadd.f32 v31, v2;
	v15 =	vld [tilespmem:$0x10C08]  }
0x1da: {  	s8 =	sshrl.u32 s8, $0x3;
	s9 =	simm.s32 @!p2 $0x0;
	v4 =	vadd.f32 v25, v4;
	v6 =	vadd.f32 v19, v6;
	v16 =	vld [tilespmem:$0x10BE8]  }
0x1db: {  	s8 =	ssub.s32 s8, s9;
	v3 =	vadd.f32 v29, v3;
	v2 =	vadd.f32 v22, v2;
	v17 =	vld [tilespmem:$0x10BF8]  }
0x1dc: {  	s8 =	sshll.u32 s8, $0x3;
	v4 =	vadd.f32 v14, v4;
	v6 =	vadd.f32 v9, v6;
	v9 =	vld [tilespmem:$0x10C18]  }
0x1dd: {  	p2 =	slt.s32 s8, $0x7A0F8;
	v3 =	vadd.f32 v18, v3;
	v2 =	vadd.f32 v13, v2;
	v13 =	vld [tilespmem:$0x10C48]  }
0x1de: {  	s8 =	simm.s32 @!p2 $0x7A0F8;
	v4 =	vadd.f32 v11, v4;
	v6 =	vadd.f32 v7, v6;
	v7 =	vld [tilespmem:$0x10C58]  }
0x1df: {  	s9 =	ssub.s32 s20, s8;
	s8 =	sshrl.u32 s8, $0x3;
	v3 =	vadd.f32 v8, v3;
	v8 =	vld [tilespmem:$0x10C28]  }
0x1e0: {  	s8 =	sadd.s32 s1, s8;
	v2 =	vadd.f32 v5, v2;
	v4 =	vadd.f32 v12, v4;
	v5 =	vld [tilespmem:$0x10C38]  }
0x1e1: {  	v3 =	vadd.f32 v10, v3;
	[tilespmem:s26], [sflag:$0x1] =	stream.linear.gather [hbm4b:s8+s4], $0x28, $0x38;
	[tilespmem:$0x10CA8] =	vst v63  }
0x1e2: {  	v2 =	vadd.f32 v15, v2;
	v6 =	vadd.f32 v9, v6;
	_ =	swait.ge [sflag:s15], $0x28  }
0x1e3: {  	v4 =	vadd.f32 v17, v4;
	v3 =	vadd.f32 v16, v3;
	[sflag:s15] =	ssyncset.done $0x0  }
0x1e4: {  	s8 =	sand.u32 $0xFFFFFFF8, s9;
	v22 =	vadd.f32 v13, v2;
	v21 =	vadd.f32 v7, v6;
	[sflag:s15] =	ssyncadd.s32 $0xFFFFFFD8  }
0x1e5: {  	v23 =	vadd.f32 v8, v3;
	v2 =	vld.idx.msk [tilespmem:v1+s8+$0x0 ss:$0x1], $0xffff;
	v25 =	vadd.f32 v5, v4;
	_ =	sdelay $0x1  }
0x1e6: {  	p2 =	slt.s32 s25, $0x10;
	s8 =	smov.u32 s25  }
0x1e7: {  	s8 =	simm.s32 @!p2 $0x10  }
0x1e8: {  	v3 =	vmov s8  }
0x1e9: {  	vm0 =	vgt.s32 v3, v0  }
0x1ea: {  	v2 =	vnsel vm0, $0x0, v2  }
0x1eb: {  	[tilespmem:$0x10858] =	vst v2  }
0x1ec: {  	[tilespmem:s30], [sflag:$0x1] =	stream.indirect.gather [hbm4b:s7+s28], $0x40, s29, s28, $0xb8;
	[tilespmem:$0x10CA8] =	vst v63  }
0x1ed: {  	_ =	swait.ge [sflag:s15], $0x400  }
0x1ee: {  	[sflag:s15] =	ssyncset.done $0x0  }
0x1ef: {  	[sflag:s15] =	ssyncadd.s32 $0xFFFFFC00  }
0x1f0: {  	v2 =	vld [tilespmem:$0x10A88]  }
0x1f1: {  	v3 =	vld [tilespmem:$0x10A28]  }
0x1f2: {  	v4 =	vld [tilespmem:$0x10A38]  }
0x1f3: {  	v5 =	vld [tilespmem:$0x10A48]  }
0x1f4: {  	v6 =	vld [tilespmem:$0x10A58]  }
0x1f5: {  	v7 =	vld [tilespmem:$0x109E8]  }
0x1f6: {  	v8 =	vld [tilespmem:$0x109F8]  }
0x1f7: {  	v9 =	vld [tilespmem:$0x10A08]  }
0x1f8: {  	v10 =	vld [tilespmem:$0x109A8]  }
0x1f9: {  	v11 =	vld [tilespmem:$0x10A18]  }
0x1fa: {  	v12 =	vld [tilespmem:$0x109B8]  }
0x1fb: {  	v14 =	vld [tilespmem:$0x109D8]  }
0x1fc: {  	v13 =	vld [tilespmem:$0x109C8]  }
0x1fd: {  	v15 =	vld [tilespmem:$0x10968]  }
0x1fe: {  	v16 =	vld [tilespmem:$0x10978]  }
0x1ff: {  	v18 =	vld [tilespmem:$0x10988]  }
0x200: {  	v19 =	vld [tilespmem:$0x10998]  }
0x201: {  	v20 =	vld [tilespmem:$0x10928]  }
0x202: {  	v24 =	vld [tilespmem:$0x10938]  }
0x203: {  	v26 =	vld [tilespmem:$0x10948]  }
0x204: {  	v27 =	vld [tilespmem:$0x10958]  }
0x205: {  	v28 =	vld [tilespmem:$0x108E8]  }
0x206: {  	v30 =	vld [tilespmem:$0x10918]  }
0x207: {  	v29 =	vld [tilespmem:$0x108F8]  }
0x208: {  	v32 =	vld [tilespmem:$0x108A8]  }
0x209: {  	v31 =	vld [tilespmem:$0x10908]  }
0x20a: {  	v34 =	vld [tilespmem:$0x108C8]  }
0x20b: {  	v33 =	vld [tilespmem:$0x108B8]  }
0x20c: {  	v35 =	vld [tilespmem:$0x108D8]  }
0x20d: {  	v39 =	vld [tilespmem:$0x10898]  }
.Ltmp6:
0x20e: {  	v38 =	vld [tilespmem:$0x10888];
	(pc) =	sbr.rel @p1 .LBB2_5-.Ltmp6, $4  }
0x20f: {  	v37 =	vld [tilespmem:$0x10878]  }
0x210: {  	v36 =	vld [tilespmem:$0x10868]  }
0x211: {  	v17 =	vld [tilespmem:$0x10A78]  }
0x212: {  	v39 =	vadd.f32 v39, v21;
	v21 =	vld [tilespmem:$0x10A98]  }
.LBB2_6:
0x213: {  	v1 =	vld [tilespmem:$0x10A68]  }
0x214: {  	v40 =	vld [tilespmem:$0x10AD8]  }
0x215: {  	v22 =	vadd.f32 v38, v22;
	v41 =	vld [tilespmem:$0x10AB8]  }
0x216: {  	v42 =	vld [tilespmem:$0x10AC8];
	v25 =	vadd.f32 v37, v25;
	v23 =	vadd.f32 v36, v23  }
0x217: {  	v43 =	vld [tilespmem:$0x10AA8];
	v35 =	vadd.f32 v35, v39;
	v22 =	vadd.f32 v34, v22  }
0x218: {  	v44 =	vld [tilespmem:$0x10B08];
	v25 =	vadd.f32 v33, v25;
	v23 =	vadd.f32 v32, v23  }
0x219: {  	v45 =	vld [tilespmem:$0x10AE8];
	v30 =	vadd.f32 v30, v35;
	v22 =	vadd.f32 v31, v22  }
0x21a: {  	v46 =	vld [tilespmem:$0x10B18];
	v25 =	vadd.f32 v29, v25;
	v23 =	vadd.f32 v28, v23  }
0x21b: {  	v47 =	vld [tilespmem:$0x10AF8];
	v27 =	vadd.f32 v27, v30;
	v22 =	vadd.f32 v26, v22  }
0x21c: {  	v48 =	vld [tilespmem:$0x10B48];
	v24 =	vadd.f32 v24, v25;
	v20 =	vadd.f32 v20, v23  }
0x21d: {  	v49 =	vld [tilespmem:$0x10B58];
	v19 =	vadd.f32 v19, v27;
	v18 =	vadd.f32 v18, v22  }
0x21e: {  	v50 =	vld [tilespmem:$0x10B28];
	v16 =	vadd.f32 v16, v24;
	v15 =	vadd.f32 v15, v20  }
0x21f: {  	v51 =	vld [tilespmem:$0x10B38];
	v14 =	vadd.f32 v14, v19;
	v13 =	vadd.f32 v13, v18  }
0x220: {  	v52 =	vld [tilespmem:$0x10B88];
	v12 =	vadd.f32 v12, v16;
	v10 =	vadd.f32 v10, v15  }
0x221: {  	v53 =	vld [tilespmem:$0x10B78];
	v11 =	vadd.f32 v11, v14;
	v9 =	vadd.f32 v9, v13  }
0x222: {  	v54 =	vld [tilespmem:$0x10B98];
	v8 =	vadd.f32 v8, v12;
	v7 =	vadd.f32 v7, v10  }
0x223: {  	v55 =	vld [tilespmem:$0x10B68];
	v6 =	vadd.f32 v6, v11;
	v5 =	vadd.f32 v5, v9  }
0x224: {  	v56 =	vld [tilespmem:$0x10BB8];
	v4 =	vadd.f32 v4, v8;
	v3 =	vadd.f32 v3, v7  }
0x225: {  	v57 =	vld [tilespmem:$0x10C08];
	v6 =	vadd.f32 v21, v6;
	v2 =	vadd.f32 v2, v5  }
0x226: {  	v58 =	vld [tilespmem:$0x10BE8];
	v4 =	vadd.f32 v17, v4;
	v1 =	vadd.f32 v1, v3  }
0x227: {  	v59 =	vld [tilespmem:$0x10BF8];
	v6 =	vadd.f32 v40, v6;
	v2 =	vadd.f32 v42, v2  }
0x228: {  	v60 =	vld [tilespmem:$0x10C18];
	v4 =	vadd.f32 v41, v4;
	v1 =	vadd.f32 v43, v1  }
0x229: {  	v7 =	vld [tilespmem:$0x10BC8];
	v6 =	vadd.f32 v46, v6;
	v2 =	vadd.f32 v44, v2  }
0x22a: {  	v5 =	vld [tilespmem:$0x10BD8];
	v4 =	vadd.f32 v47, v4;
	v1 =	vadd.f32 v45, v1  }
0x22b: {  	v3 =	vld [tilespmem:$0x10BA8];
	v6 =	vadd.f32 v49, v6;
	v2 =	vadd.f32 v48, v2  }
0x22c: {  	v61 =	vld [tilespmem:$0x10C48];
	v4 =	vadd.f32 v51, v4;
	v1 =	vadd.f32 v50, v1  }
0x22d: {  	v62 =	vld [tilespmem:$0x10C58];
	v6 =	vadd.f32 v54, v6;
	v2 =	vadd.f32 v52, v2  }
0x22e: {  	v63 =	vld [tilespmem:$0x10C28];
	v4 =	vadd.f32 v53, v4;
	v1 =	vadd.f32 v55, v1  }
0x22f: {  	v5 =	vadd.f32 v5, v6;
	v6 =	vld [tilespmem:$0x10C38];
	v2 =	vadd.f32 v7, v2  }
.Ltmp7:
0x230: {  	v4 =	vadd.f32 v56, v4;
	v1 =	vadd.f32 v3, v1;
	(pc) =	sbr.rel .LBB2_7-.Ltmp7, $4  }
0x231: {  	v2 =	vadd.f32 v57, v2;
	v3 =	vadd.f32 v60, v5  }
0x232: {  	v7 =	vadd.f32 v59, v4;
	v5 =	vadd.f32 v58, v1  }
0x233: {  	v2 =	vadd.f32 v61, v2;
	v1 =	vadd.f32 v62, v3  }
0x234: {  	v3 =	vadd.f32 v6, v7;
	v4 =	vadd.f32 v63, v5  }
.LBB2_9:
0x235: {  	_ =	sfence.sel $0x180000  }
0x236: {  	[bflag:$0x0] =	sbarrier.arrive $0xFFFF  }
0x237: {  	_ =	strace $0x90000047  }
0x238: {  	s0 =	stileid.u32;
	[bflag:$0x2] =	sbarrier.arrive $0xFFFF  }
0x239: {  	p0 =	sne.s32 s0, $0x0;
	s0 =	rddreg [dreg:$0x8]  }
0x23a: {  	s0 =	sadd.s32 @!p0 $0x100000, s0  }
0x23b: {  	[sflag:s0] =	ssyncadd.tile.s32 @!p0 $0x1;
	_ =	shalt  }
.Lfunc_end2:
_tile_overlayer_lowered:
.L_overlay_start_2:
0x23c: {  	(tag) =	ssettag $0x2  }
0x23d: {  	s0 =	rddreg [dreg:$0x0];
	s2 =	stileid.u32  }
0x23e: {  	s1 =	rddreg [dreg:$0x1];
	p0 =	sne.s32 s2, $0x0  }
0x23f: {  	s3 =	rddreg [dreg:$0x2];
	[bflag:$0x3] =	sbarrier.arrive $0xFFFF;
	s2 =	simm.s32 @!p0 $0x1C01  }
0x240: {  	[timem:s3], [sflag:s2] =	dma.local @!p0 [hbm:s0], s1  }
0x241: {  	s0 =	simm.s32 @!p0 $0x1  }
0x242: {  	_ =	swait.ge @!p0 [sflag:s0], s1  }
0x243: {  	s1 =	ssub.s32 @!p0 $0x0, s1;
	[sflag:s0] =	ssyncset.done @!p0 $0x0  }
0x244: {  	[sflag:s0] =	ssyncadd.s32 @!p0 s1  }
0x245: {  	[bflag:$0x3] =	sbarrier.arrive $0xFFFF  }
0x246: {  	_ =	shalt  }

</sc_bundles>
